<compile_context>
chip_gen: v7x
topology: tpu7x:2x2x1
jax: 0.10.2.dev20260603
libtpu: 0.0.44.dev20260713+nightly
codegen_flags: <defaults>
</compile_context>

<pallas_src>
import functools

import jax
import jax.numpy as jnp
from jax import lax
from jax.experimental import pallas as pl
from jax.experimental.pallas import tpu as pltpu
from jax.experimental.pallas import tpu_sc as plsc

N = 10000
E = 320000
F = 128
G = 16
MAXD = 10
KST = MAXD + 2
KW = 208
NPAD = 10240
NC, NS = 2, 16
NW = NC * NS
CH = 128
TR = -(-E // CH)
KF = 96
KS = -(-(TR - NS * KF) // NS)
KMAX = KF
RPS = NPAD // NS
ZR = 320
BN = 1024
GRID = NPAD // BN


def _mesh():
    return plsc.VectorSubcoreMesh(core_axis_name="c", subcore_axis_name="s",
                                  num_cores=NC, num_subcores=NS)



def _sc_deg_body(dst_hbm, one_hbm, out_hbm, didx, hist, blk, ones_v, hist_sh):
    c = lax.axis_index("c")
    s = lax.axis_index("s")
    wid = c * NS + s
    pltpu.sync_copy(dst_hbm.at[wid], didx)
    pltpu.sync_copy(one_hbm, ones_v)

    ones16 = ones_v[...]
    zeros16 = ones16 - ones16

    def z(i, carry):
        hist[pl.ds(i * 16, 16)] = zeros16
        return carry
    lax.fori_loop(0, NPAD // 16, z, 0)

    kc = jnp.where(c == 0, KF, KS)

    def chunk(j, carry):
        for t_ in range(CH // 16):
            dv = didx[j, pl.ds(t_ * 16, 16)]
            plsc.addupdate_scatter(hist, [dv], ones16)
        return carry
    lax.fori_loop(0, kc, chunk, 0)

    pltpu.sync_copy(hist, hist_sh.at[s])
    plsc.subcore_barrier()
    for t_ in range(NS):
        pltpu.sync_copy(hist_sh.at[t_].at[pl.ds(s * RPS, RPS)], blk.at[t_])

    def red(pp, carry):
        acc = blk[0, pl.ds(pp * 16, 16)]
        for t_ in range(1, NS):
            acc = acc + blk[t_, pl.ds(pp * 16, 16)]
        hist[pl.ds(pp * 16, 16)] = acc
        return carry
    lax.fori_loop(0, RPS // 16, red, 0)
    pltpu.sync_copy(hist.at[pl.ds(0, RPS)],
                    out_hbm.at[c].at[pl.ds(s * RPS, RPS)])


def _sc_deg(dstu):
    f = pl.kernel(
        _sc_deg_body,
        out_type=jax.ShapeDtypeStruct((NC, NPAD), jnp.float32),
        mesh=_mesh(),
        scratch_types=[
            pltpu.VMEM((KMAX, CH), jnp.int32),
            pltpu.VMEM((NPAD,), jnp.float32),
            pltpu.VMEM((NS, RPS), jnp.float32),
            pltpu.VMEM((16,), jnp.float32),
            pltpu.VMEM_SHARED((NS, NPAD), jnp.float32),
        ],
        compiler_params=pltpu.CompilerParams(needs_layout_passes=False),
    )
    return f(dstu, jnp.ones((16,), jnp.float32))


def _sc_pass_body(src_hbm, dst_hbm, feat_hbm, zero_hbm, out_hbm,
                  sidx, didx, rows, acc_sh, sem):
    c = lax.axis_index("c")
    s = lax.axis_index("s")
    wid = c * NS + s
    kc = jnp.where(c == 0, KF, KS)
    pltpu.sync_copy(src_hbm.at[wid], sidx)
    pltpu.sync_copy(dst_hbm.at[wid], didx)

    def zr(t_, carry):
        pltpu.sync_copy(zero_hbm, acc_sh.at[pl.ds(s * RPS + t_ * ZR, ZR)])
        return carry
    lax.fori_loop(0, RPS // ZR, zr, 0)
    plsc.subcore_barrier()

    def chunk(j, carry):
        pltpu.async_copy(feat_hbm.at[sidx.at[j]], rows, sem).wait()
        pltpu.sync_copy(rows, acc_sh.at[didx.at[j]], add=True)
        return carry

    lax.fori_loop(0, kc, chunk, 0)
    plsc.subcore_barrier()
    pltpu.sync_copy(acc_sh.at[pl.ds(s * RPS, RPS)],
                    out_hbm.at[c].at[pl.ds(s * RPS, RPS)])


def _sc_pass(srcp, dstp, feat, zero640):
    f = pl.kernel(
        _sc_pass_body,
        out_type=jax.ShapeDtypeStruct((NC, NPAD, F), jnp.float32),
        mesh=_mesh(),
        scratch_types=[
            pltpu.VMEM((KMAX, CH), jnp.int32),
            pltpu.VMEM((KMAX, CH), jnp.int32),
            pltpu.VMEM((CH, F), jnp.float32),
            pltpu.VMEM_SHARED((NPAD, F), jnp.float32),
            pltpu.SemaphoreType.DMA,
        ],
    )
    return f(srcp, dstp, feat, zero640)



def _tcA_body(d0, d1, x, bt, xs1, dinv, key):
    deg = d0[...] + d1[...]
    din = lax.rsqrt(deg + 1.0)
    dinv[...] = din
    xs1[...] = x[...] * din
    dc = jnp.minimum(deg.astype(jnp.int32), MAXD)
    key[...] = bt[...] * KST + dc


def _tcA(degp, xp, btp):
    row1 = pl.BlockSpec((BN, 1), lambda i: (i, 0))
    rowF = pl.BlockSpec((BN, F), lambda i: (i, 0))
    return pl.pallas_call(
        _tcA_body,
        grid=(GRID,),
        in_specs=[row1, row1, rowF, row1],
        out_specs=[rowF, row1, row1],
        out_shape=[jax.ShapeDtypeStruct((NPAD, F), jnp.float32),
                   jax.ShapeDtypeStruct((NPAD, 1), jnp.float32),
                   jax.ShapeDtypeStruct((NPAD, 1), jnp.int32)],
    )(degp[0].reshape(NPAD, 1), degp[1].reshape(NPAD, 1), xp, btp)


def _tcBC_body(a0, a1, xs, dinv, W, brow, h, xsn):
    p = dinv[...] * (a0[0] + a1[0] + xs[...])
    hv = jnp.dot(p, W[...], preferred_element_type=jnp.float32) + brow[0:1, :]
    h[...] = hv
    xsn[...] = dinv[...] * hv


def _tcBC(acc, xs, dinv, W, b):
    brow = jnp.zeros((8, F), jnp.float32).at[0].set(b)
    row1 = pl.BlockSpec((BN, 1), lambda i: (i, 0))
    rowF = pl.BlockSpec((BN, F), lambda i: (i, 0))
    p0 = pl.BlockSpec((1, BN, F), lambda i: (0, i, 0))
    p1 = pl.BlockSpec((1, BN, F), lambda i: (1, i, 0))
    full = lambda shape: pl.BlockSpec(shape, lambda i: tuple(0 for _ in shape))
    return pl.pallas_call(
        _tcBC_body,
        grid=(GRID,),
        in_specs=[p0, p1, rowF, row1, full((F, F)), full((8, F))],
        out_specs=[rowF, rowF],
        out_shape=[jax.ShapeDtypeStruct((NPAD, F), jnp.float32),
                   jax.ShapeDtypeStruct((NPAD, F), jnp.float32)],
    )(acc, acc, xs, dinv, W, brow)


def _tcD1_body(a0, a1, xs3, ah0, ah1, h2, dinv, bt, ky, P, T, S, cnt):
    i = pl.program_id(0)

    @pl.when(i == 0)
    def _():
        P[...] = jnp.zeros_like(P)
        T[...] = jnp.zeros_like(T)
        S[...] = jnp.zeros_like(S)
        cnt[...] = jnp.zeros_like(cnt)

    polnode = dinv[...] * (a0[0] + a1[0] + xs3[...])
    acch = ah0[0] + ah1[0]
    ob = (bt[...] == lax.broadcasted_iota(jnp.int32, (BN, G), 1)
          ).astype(jnp.float32)
    ok = (ky[...] == lax.broadcasted_iota(jnp.int32, (BN, KW), 1)
          ).astype(jnp.float32)
    dn = (((0,), (0,)), ((), ()))
    P[...] += lax.dot_general(ob, polnode, dn,
                              preferred_element_type=jnp.float32)
    T[...] += lax.dot_general(ok, h2[...], dn,
                              preferred_element_type=jnp.float32)
    S[...] += lax.dot_general(ok, acch, dn,
                              preferred_element_type=jnp.float32)
    cnt[...] += lax.dot_general(ok, jnp.ones((BN, 1), jnp.float32), dn,
                                preferred_element_type=jnp.float32)


def _tcD1(acc3, xs3, acch, h2, dinv, btp, key):
    row1 = pl.BlockSpec((BN, 1), lambda i: (i, 0))
    rowF = pl.BlockSpec((BN, F), lambda i: (i, 0))
    p0 = pl.BlockSpec((1, BN, F), lambda i: (0, i, 0))
    p1 = pl.BlockSpec((1, BN, F), lambda i: (1, i, 0))
    full = lambda shape: pl.BlockSpec(shape, lambda i: tuple(0 for _ in shape))
    return pl.pallas_call(
        _tcD1_body,
        grid=(GRID,),
        in_specs=[p0, p1, rowF, p0, p1, rowF, row1, row1, row1],
        out_specs=[full((G, F)), full((KW, F)), full((KW, F)), full((KW, 1))],
        out_shape=[jax.ShapeDtypeStruct((G, F), jnp.float32),
                   jax.ShapeDtypeStruct((KW, F), jnp.float32),
                   jax.ShapeDtypeStruct((KW, F), jnp.float32),
                   jax.ShapeDtypeStruct((KW, 1), jnp.float32)],
    )(acc3, acc3, xs3, acch, acch, h2, dinv, btp, key)


def _tcD2_body(P, T, S, c, wl, wr, bl, Gm, Wp, bp, pol, val):
    rv = jnp.sum(S[...] * wl[...] + T[...] * wr[...], axis=1, keepdims=True)
    rv = rv + c[...] * bl[...]
    val[...] = jnp.dot(Gm[...], rv, preferred_element_type=jnp.float32)
    counts = jnp.dot(Gm[...], c[...], preferred_element_type=jnp.float32)
    pv = jnp.dot(P[...], Wp[...], preferred_element_type=jnp.float32)
    pol[...] = pv / jnp.maximum(counts, 1.0) + bp[0:1, :]


def _tcD2(P, T, S, c, wlrep, wrrep, blrep, Gmat, W_pol, bp):
    full = lambda shape: pl.BlockSpec(shape, lambda: tuple(0 for _ in shape))
    return pl.pallas_call(
        _tcD2_body,
        in_specs=[full((G, F)), full((KW, F)), full((KW, F)), full((KW, 1)),
                  full((KW, F)), full((KW, F)), full((KW, 1)), full((G, KW)),
                  full((F, G)), full((8, G))],
        out_specs=[full((G, G)), full((G, 1))],
        out_shape=[jax.ShapeDtypeStruct((G, G), jnp.float32),
                   jax.ShapeDtypeStruct((G, 1), jnp.float32)],
    )(P, T, S, c, wlrep, wrrep, blrep, Gmat, W_pol, bp)



def kernel(x, edge_index, batch, W_in, b_in, W_1, b_1,
           Wl_val, bl_val, Wr_val, W_pol, b_pol):
    f32 = jnp.float32
    src = edge_index[0]
    dst = edge_index[1]
    def chunk_rows(ix):
        r = jnp.concatenate([ix, jnp.full((TR * CH - E,), N, jnp.int32)]
                            ).reshape(TR, CH)
        return r

    def skewed(ix):
        r = chunk_rows(ix)
        padrow = jnp.full((NS * (KF + KS) - TR, CH), N, jnp.int32)
        r = jnp.concatenate([r, padrow])
        p0 = r[:NS * KF].reshape(NS, KF, CH)
        p1 = r[NS * KF:].reshape(NS, KS, CH)
        p1 = jnp.concatenate(
            [p1, jnp.full((NS, KMAX - KS, CH), N, jnp.int32)], axis=1)
        return jnp.concatenate([p0, p1])

    srcp = skewed(src)
    dstp = skewed(dst)
    xp = jnp.zeros((NPAD, F), f32).at[:N].set(x)
    btp = jnp.concatenate([batch.astype(jnp.int32),
                           jnp.full((NPAD - N,), G, jnp.int32)]
                          ).reshape(NPAD, 1)
    zero640 = jnp.zeros((ZR, F), f32)

    degp = _sc_deg(dstp)
    xs1, dinv, key = _tcA(degp, xp, btp)
    acc1 = _sc_pass(srcp, dstp, xs1, zero640)
    _h1, xs2 = _tcBC(acc1, xs1, dinv, W_in, b_in)
    acc2 = _sc_pass(srcp, dstp, xs2, zero640)
    h2, xs3 = _tcBC(acc2, xs2, dinv, W_1, b_1)
    acc3 = _sc_pass(srcp, dstp, xs3, zero640)
    acch = _sc_pass(srcp, dstp, h2, zero640)
    P, T, S, c = _tcD1(acc3, xs3, acch, h2, dinv, btp, key)

    wl = Wl_val[:, :, 0]
    wr = Wr_val[:, :, 0]
    bl = bl_val[:, 0]
    wl12 = jnp.zeros((KST, F), f32).at[:MAXD + 1].set(wl)
    wr12 = jnp.zeros((KST, F), f32).at[:MAXD + 1].set(wr)
    bl12 = jnp.zeros((KST,), f32).at[:MAXD + 1].set(bl)
    wlrep = jnp.zeros((KW, F), f32).at[:G * KST].set(jnp.tile(wl12, (G, 1)))
    wrrep = jnp.zeros((KW, F), f32).at[:G * KST].set(jnp.tile(wr12, (G, 1)))
    blrep = jnp.zeros((KW, 1), f32).at[:G * KST, 0].set(jnp.tile(bl12, G))
    col = jnp.arange(KW, dtype=jnp.int32)
    Gmat = (((col[None, :] // KST) == jnp.arange(G, dtype=jnp.int32)[:, None])
            & (col[None, :] < G * KST)).astype(f32)
    bp = jnp.zeros((8, G), f32).at[0].set(b_pol)

    pol, val = _tcD2(P, T, S, c, wlrep, wrrep, blrep, Gmat, W_pol, bp)
    return (pol, val)

# --- scband reference (transcript-rebuilt; emitter-appended) ---
"""Pipeline reference for scband-net-63917703299746 (READ-ONLY COPY).

The authoritative reference and input builder live on the scoring server;
editing this copy changes nothing except your own understanding.
"""

import jax, jax.numpy as jnp
import numpy as np

N = 10000
E = 320000
F_IN = 128
NUM_FILTERS = 128
NUM_PHYS = 16
NUM_GRAPHS = 16
MAX_DEG = 10


def _glorot(key, shape):
    fan_in, fan_out = shape[-2], shape[-1]
    limit = np.sqrt(6.0 / (fan_in + fan_out))
    return jax.random.uniform(key, shape, minval=-limit, maxval=limit, dtype=jnp.float32)


def setup_inputs(seed: int = 0):
    key = jax.random.key(seed)
    ks = jax.random.split(key, 12)
    x = jax.random.normal(ks[0], (N, F_IN), dtype=jnp.float32)
    edge_index = jax.random.randint(ks[1], (2, E), 0, N, dtype=jnp.int32)
    batch = jnp.sort(jax.random.randint(ks[2], (N,), 0, NUM_GRAPHS, dtype=jnp.int32))
    W_in = _glorot(ks[3], (F_IN, NUM_FILTERS))
    b_in = jnp.zeros((NUM_FILTERS,), jnp.float32)
    W_1 = _glorot(ks[4], (NUM_FILTERS, NUM_FILTERS))
    b_1 = jnp.zeros((NUM_FILTERS,), jnp.float32)
    Wl_val = _glorot(ks[5], (MAX_DEG + 1, NUM_FILTERS, 1))
    bl_val = jnp.zeros((MAX_DEG + 1, 1), jnp.float32)
    Wr_val = _glorot(ks[6], (MAX_DEG + 1, NUM_FILTERS, 1))
    W_pol = _glorot(ks[7], (NUM_FILTERS, NUM_PHYS))
    b_pol = jnp.zeros((NUM_PHYS,), jnp.float32)
    return {"x": x, "edge_index": edge_index, "batch": batch,
            "W_in": W_in, "b_in": b_in, "W_1": W_1, "b_1": b_1,
            "Wl_val": Wl_val, "bl_val": bl_val, "Wr_val": Wr_val,
            "W_pol": W_pol, "b_pol": b_pol}


def _gcn_conv(x, edge_index, W, b):
    # PyG GCNConv: add self-loops, symmetric deg^{-1/2} normalization, sum-aggregate
    n = x.shape[0]
    loop = jnp.arange(n, dtype=edge_index.dtype)
    src = jnp.concatenate([edge_index[0], loop])
    dst = jnp.concatenate([edge_index[1], loop])
    deg = jnp.zeros((n,), x.dtype).at[dst].add(1.0)
    dinv = jnp.where(deg > 0, jax.lax.rsqrt(deg), 0.0)
    norm = dinv[src] * dinv[dst]
    xw = x @ W
    msg = xw[src] * norm[:, None]
    out = jnp.zeros((n, W.shape[1]), x.dtype).at[dst].add(msg)
    return out + b


def _mf_conv(x, edge_index, Wl, bl, Wr):
    # PyG MFConv: per-degree linear layers (degree clamped to MAX_DEG),
    # out_i = lin_l[deg_i](sum_{j in N(i)} x_j) + lin_r[deg_i](x_i)
    n = x.shape[0]
    src, dst = edge_index[0], edge_index[1]
    deg = jnp.clip(jnp.zeros((n,), jnp.int32).at[dst].add(1), 0, MAX_DEG)
    h = jnp.zeros((n, x.shape[1]), x.dtype).at[dst].add(x[src])
    out = jnp.einsum('nf,nfo->no', h, Wl[deg]) + jnp.einsum('nf,nfo->no', x, Wr[deg]) + bl[deg]
    return out


def reference(x, edge_index, batch, W_in, b_in, W_1, b_1, Wl_val, bl_val, Wr_val, W_pol, b_pol):
    h = _gcn_conv(x, edge_index, W_in, b_in)
    h = _gcn_conv(h, edge_index, W_1, b_1)
    val = _mf_conv(h, edge_index, Wl_val, bl_val, Wr_val)
    val = jax.ops.segment_sum(val, batch, num_segments=NUM_GRAPHS)
    pol = _gcn_conv(h, edge_index, W_pol, b_pol)
    counts = jax.ops.segment_sum(jnp.ones((x.shape[0], 1), x.dtype), batch, num_segments=NUM_GRAPHS)
    pol = jax.ops.segment_sum(pol, batch, num_segments=NUM_GRAPHS) / jnp.maximum(counts, 1.0)
    return (pol, val)

if __name__ == "__main__":
    import jax
    _d = setup_inputs()
    print(jax.jit(kernel)(*tuple(_d.values())))

</pallas_src>

<mosaic_0001>
#map = affine_map<(d0, d1) -> (0, 0, 0)>
#map1 = affine_map<(d0, d1) -> (0, 0)>
module attributes {stable_mosaic.version = 14 : i64} {
  func.func @_sc_pass_body(%arg0: i32, %arg1: i32, %arg2: memref<32x96x128xi32, #tpu.memory_space<hbm>>, %arg3: memref<32x96x128xi32, #tpu.memory_space<hbm>>, %arg4: memref<10240x128xf32, #tpu.memory_space<hbm>>, %arg5: memref<320x128xf32, #tpu.memory_space<hbm>>, %arg6: memref<2x10240x128xf32, #tpu.memory_space<hbm>>, %arg7: memref<96x128xi32, #tpu.memory_space<vmem>>, %arg8: memref<96x128xi32, #tpu.memory_space<vmem>>, %arg9: memref<128x128xf32, #tpu.memory_space<vmem>>, %arg10: memref<10240x128xf32, #tpu.memory_space<vmem_shared>>, %arg11: memref<!tpu.dma_semaphore, #tpu.memory_space<semaphore_mem>>) attributes {dimension_semantics = [#tpu.dimension_semantics<core_parallel>, #tpu.dimension_semantics<subcore_parallel>], iteration_bounds = array<i64: 2, 16>, scalar_prefetch = 0 : i64, scratch_operands = 5 : i64, tpu.core_type = #tpu.core_type<sc_vector_subcore>, window_params = [{transform_indices = #map}, {transform_indices = #map}, {transform_indices = #map1}, {transform_indices = #map1}, {transform_indices = #map}]} {
    %mul3A = arith.constant 16 : i32
    %mul3A_0 = arith.muli %arg0, %mul3A : i32
    %add3A = arith.addi %mul3A_0, %arg1 : i32
    %eq3A = arith.constant 0 : i32
    %eq3A_1 = arith.cmpi eq, %arg0, %eq3A : i32
    %jit3A = arith.constant 96 : i32
    %jit3A_2 = arith.constant 61 : i32
    %select_n3A = arith.select %eq3A_1, %jit3A, %jit3A_2 : i32
    "tpu.region"() ({
      %run_scoped3A = tpu.sem_alloc : memref<!tpu.dma_semaphore, #tpu.memory_space<semaphore_mem>>
      %dma_start3A = arith.constant 0 : i32
      %dma_start3A_22 = arith.constant 0 : i32
      %dma_start3A_23 = tpu.memref_slice %arg2[%add3A, %dma_start3A, %dma_start3A_22] : memref<32x96x128xi32, #tpu.memory_space<hbm>> -> memref<1x96x128xi32, #tpu.memory_space<hbm>>
      %dma_start3A_24 = tpu.memref_squeeze %dma_start3A_23 : memref<1x96x128xi32, #tpu.memory_space<hbm>> -> memref<96x128xi32, #tpu.memory_space<hbm>>
      %dma_start3A_25 = arith.constant 0 : i32
      %dma_start3A_26 = arith.constant 0 : i32
      %dma_start3A_27 = tpu.memref_slice %arg2[%add3A, %dma_start3A_25, %dma_start3A_26] : memref<32x96x128xi32, #tpu.memory_space<hbm>> -> memref<1x96x128xi32, #tpu.memory_space<hbm>>
      %dma_start3A_28 = tpu.memref_squeeze %dma_start3A_27 : memref<1x96x128xi32, #tpu.memory_space<hbm>> -> memref<96x128xi32, #tpu.memory_space<hbm>>
      tpu.enqueue_dma source(%dma_start3A_28 : memref<96x128xi32, #tpu.memory_space<hbm>>) target(%arg7 : memref<96x128xi32, #tpu.memory_space<vmem>>) target_semaphore(%run_scoped3A : memref<!tpu.dma_semaphore, #tpu.memory_space<semaphore_mem>>)
      %dma_wait3A = arith.constant 0 : i32
      %dma_wait3A_29 = arith.constant 0 : i32
      %dma_wait3A_30 = tpu.memref_slice %arg2[%add3A, %dma_wait3A, %dma_wait3A_29] : memref<32x96x128xi32, #tpu.memory_space<hbm>> -> memref<1x96x128xi32, #tpu.memory_space<hbm>>
      %dma_wait3A_31 = tpu.memref_squeeze %dma_wait3A_30 : memref<1x96x128xi32, #tpu.memory_space<hbm>> -> memref<96x128xi32, #tpu.memory_space<hbm>>
      %dma_wait3A_32 = arith.constant 0 : i32
      %dma_wait3A_33 = arith.constant 0 : i32
      %dma_wait3A_34 = tpu.memref_slice %arg2[%add3A, %dma_wait3A_32, %dma_wait3A_33] : memref<32x96x128xi32, #tpu.memory_space<hbm>> -> memref<1x96x128xi32, #tpu.memory_space<hbm>>
      %dma_wait3A_35 = tpu.memref_squeeze %dma_wait3A_34 : memref<1x96x128xi32, #tpu.memory_space<hbm>> -> memref<96x128xi32, #tpu.memory_space<hbm>>
      tpu.wait_dma2 semaphore(%run_scoped3A : memref<!tpu.dma_semaphore, #tpu.memory_space<semaphore_mem>>) src(%dma_wait3A_35 : memref<96x128xi32, #tpu.memory_space<hbm>>) dst(%arg7 : memref<96x128xi32, #tpu.memory_space<vmem>>)
      tpu.yield
    }) : () -> ()
    "tpu.region"() ({
      %run_scoped3A = tpu.sem_alloc : memref<!tpu.dma_semaphore, #tpu.memory_space<semaphore_mem>>
      %dma_start3A = arith.constant 0 : i32
      %dma_start3A_22 = arith.constant 0 : i32
      %dma_start3A_23 = tpu.memref_slice %arg3[%add3A, %dma_start3A, %dma_start3A_22] : memref<32x96x128xi32, #tpu.memory_space<hbm>> -> memref<1x96x128xi32, #tpu.memory_space<hbm>>
      %dma_start3A_24 = tpu.memref_squeeze %dma_start3A_23 : memref<1x96x128xi32, #tpu.memory_space<hbm>> -> memref<96x128xi32, #tpu.memory_space<hbm>>
      %dma_start3A_25 = arith.constant 0 : i32
      %dma_start3A_26 = arith.constant 0 : i32
      %dma_start3A_27 = tpu.memref_slice %arg3[%add3A, %dma_start3A_25, %dma_start3A_26] : memref<32x96x128xi32, #tpu.memory_space<hbm>> -> memref<1x96x128xi32, #tpu.memory_space<hbm>>
      %dma_start3A_28 = tpu.memref_squeeze %dma_start3A_27 : memref<1x96x128xi32, #tpu.memory_space<hbm>> -> memref<96x128xi32, #tpu.memory_space<hbm>>
      tpu.enqueue_dma source(%dma_start3A_28 : memref<96x128xi32, #tpu.memory_space<hbm>>) target(%arg8 : memref<96x128xi32, #tpu.memory_space<vmem>>) target_semaphore(%run_scoped3A : memref<!tpu.dma_semaphore, #tpu.memory_space<semaphore_mem>>)
      %dma_wait3A = arith.constant 0 : i32
      %dma_wait3A_29 = arith.constant 0 : i32
      %dma_wait3A_30 = tpu.memref_slice %arg3[%add3A, %dma_wait3A, %dma_wait3A_29] : memref<32x96x128xi32, #tpu.memory_space<hbm>> -> memref<1x96x128xi32, #tpu.memory_space<hbm>>
      %dma_wait3A_31 = tpu.memref_squeeze %dma_wait3A_30 : memref<1x96x128xi32, #tpu.memory_space<hbm>> -> memref<96x128xi32, #tpu.memory_space<hbm>>
      %dma_wait3A_32 = arith.constant 0 : i32
      %dma_wait3A_33 = arith.constant 0 : i32
      %dma_wait3A_34 = tpu.memref_slice %arg3[%add3A, %dma_wait3A_32, %dma_wait3A_33] : memref<32x96x128xi32, #tpu.memory_space<hbm>> -> memref<1x96x128xi32, #tpu.memory_space<hbm>>
      %dma_wait3A_35 = tpu.memref_squeeze %dma_wait3A_34 : memref<1x96x128xi32, #tpu.memory_space<hbm>> -> memref<96x128xi32, #tpu.memory_space<hbm>>
      tpu.wait_dma2 semaphore(%run_scoped3A : memref<!tpu.dma_semaphore, #tpu.memory_space<semaphore_mem>>) src(%dma_wait3A_35 : memref<96x128xi32, #tpu.memory_space<hbm>>) dst(%arg8 : memref<96x128xi32, #tpu.memory_space<vmem>>)
      tpu.yield
    }) : () -> ()
    %scan3A = arith.constant 0 : i32
    %scan3A_3 = arith.constant 0 : i32
    %scan3A_4 = arith.constant 2 : i32
    %scan3A_5 = arith.addi %scan3A_3, %scan3A_4 : i32
    %scan3A_6 = arith.constant 1 : i32
    scf.for %scan3A_22 = %scan3A_3 to %scan3A_5 step %scan3A_6  : i32 {
      %mul3A_23 = arith.constant 640 : i32
      %mul3A_24 = arith.muli %arg1, %mul3A_23 : i32
      %mul3A_25 = arith.constant 320 : i32
      %mul3A_26 = arith.muli %scan3A_22, %mul3A_25 : i32
      %add3A_27 = arith.addi %mul3A_24, %mul3A_26 : i32
      "tpu.region"() ({
        %run_scoped3A = tpu.sem_alloc : memref<!tpu.dma_semaphore, #tpu.memory_space<semaphore_mem>>
        %dma_start3A = arith.constant 0 : i32
        %dma_start3A_28 = tpu.memref_slice %arg10[%add3A_27, %dma_start3A] : memref<10240x128xf32, #tpu.memory_space<vmem_shared>> -> memref<320x128xf32, #tpu.memory_space<vmem_shared>>
        tpu.enqueue_dma source(%arg5 : memref<320x128xf32, #tpu.memory_space<hbm>>) target(%dma_start3A_28 : memref<320x128xf32, #tpu.memory_space<vmem_shared>>) target_semaphore(%run_scoped3A : memref<!tpu.dma_semaphore, #tpu.memory_space<semaphore_mem>>)
        %dma_wait3A = arith.constant 0 : i32
        %dma_wait3A_29 = tpu.memref_slice %arg10[%add3A_27, %dma_wait3A] : memref<10240x128xf32, #tpu.memory_space<vmem_shared>> -> memref<320x128xf32, #tpu.memory_space<vmem_shared>>
        tpu.wait_dma2 semaphore(%run_scoped3A : memref<!tpu.dma_semaphore, #tpu.memory_space<semaphore_mem>>) src(%arg5 : memref<320x128xf32, #tpu.memory_space<hbm>>) dst(%dma_wait3A_29 : memref<320x128xf32, #tpu.memory_space<vmem_shared>>)
        tpu.yield
      }) : () -> ()
    }
    %scan3A_7 = arith.constant 2 : i32
    %barrier3A = arith.constant 0 : index
    tpu.barrier barrier_id(%barrier3A)
    %while3A = arith.constant 0 : i32
    %while3A_8 = arith.constant 0 : i32
    %while3A_9 = arith.subi %select_n3A, %while3A_8 : i32
    %while3A_10 = arith.addi %while3A_8, %while3A_9 : i32
    %while3A_11 = arith.constant 1 : i32
    %while3A_12 = arith.divsi %while3A_9, %while3A_11 : i32
    %while3A_13 = arith.muli %while3A_12, %while3A_11 : i32
    %while3A_14 = arith.addi %while3A_8, %while3A_13 : i32
    %while3A_15 = arith.constant 1 : i32
    scf.for %while3A_22 = %while3A_8 to %while3A_14 step %while3A_15  : i32 {
      %dma_start3A = arith.constant 0 : i32
      %dma_start3A_23 = tpu.memref_slice %arg7[%while3A_22, %dma_start3A] : memref<96x128xi32, #tpu.memory_space<vmem>> -> memref<1x128xi32, #tpu.memory_space<vmem>>
      %dma_start3A_24 = tpu.memref_squeeze %dma_start3A_23 : memref<1x128xi32, #tpu.memory_space<vmem>> -> memref<128xi32, #tpu.memory_space<vmem>>
      %dma_start3A_25 = arith.constant 0 : i32
      %dma_start3A_26 = arith.constant 0 : i32
      %dma_start3A_27 = tpu.memref_slice %arg4[%dma_start3A_25, %dma_start3A_26] : memref<10240x128xf32, #tpu.memory_space<hbm>> -> memref<10240x128xf32, #tpu.memory_space<hbm>>
      tpu.enqueue_indirect_dma source(%dma_start3A_27 : memref<10240x128xf32, #tpu.memory_space<hbm>>) target(%arg9 : memref<128x128xf32, #tpu.memory_space<vmem>>) offsets(%dma_start3A_24 : memref<128xi32, #tpu.memory_space<vmem>>) semaphore(%arg11 : memref<!tpu.dma_semaphore, #tpu.memory_space<semaphore_mem>>)
      %dma_wait3A = arith.constant 0 : i32
      %dma_wait3A_28 = tpu.memref_slice %arg7[%while3A_22, %dma_wait3A] : memref<96x128xi32, #tpu.memory_space<vmem>> -> memref<1x128xi32, #tpu.memory_space<vmem>>
      %dma_wait3A_29 = tpu.memref_squeeze %dma_wait3A_28 : memref<1x128xi32, #tpu.memory_space<vmem>> -> memref<128xi32, #tpu.memory_space<vmem>>
      %dma_wait3A_30 = arith.constant 0 : i32
      %dma_wait3A_31 = arith.constant 0 : i32
      %dma_wait3A_32 = tpu.memref_slice %arg4[%dma_wait3A_30, %dma_wait3A_31] : memref<10240x128xf32, #tpu.memory_space<hbm>> -> memref<10240x128xf32, #tpu.memory_space<hbm>>
      tpu.wait_indirect_dma semaphore(%arg11 : memref<!tpu.dma_semaphore, #tpu.memory_space<semaphore_mem>>) src(%dma_wait3A_32 : memref<10240x128xf32, #tpu.memory_space<hbm>>) dst(%arg9 : memref<128x128xf32, #tpu.memory_space<vmem>>)
      "tpu.region"() ({
        %run_scoped3A = tpu.sem_alloc : memref<!tpu.dma_semaphore, #tpu.memory_space<semaphore_mem>>
        %dma_start3A_33 = arith.constant 0 : i32
        %dma_start3A_34 = tpu.memref_slice %arg8[%while3A_22, %dma_start3A_33] : memref<96x128xi32, #tpu.memory_space<vmem>> -> memref<1x128xi32, #tpu.memory_space<vmem>>
        %dma_start3A_35 = tpu.memref_squeeze %dma_start3A_34 : memref<1x128xi32, #tpu.memory_space<vmem>> -> memref<128xi32, #tpu.memory_space<vmem>>
        %dma_start3A_36 = arith.constant 0 : i32
        %dma_start3A_37 = arith.constant 0 : i32
        %dma_start3A_38 = tpu.memref_slice %arg10[%dma_start3A_36, %dma_start3A_37] : memref<10240x128xf32, #tpu.memory_space<vmem_shared>> -> memref<10240x128xf32, #tpu.memory_space<vmem_shared>>
        tpu.enqueue_indirect_dma source(%arg9 : memref<128x128xf32, #tpu.memory_space<vmem>>) target(%dma_start3A_38 : memref<10240x128xf32, #tpu.memory_space<vmem_shared>>) offsets(%dma_start3A_35 : memref<128xi32, #tpu.memory_space<vmem>>) semaphore(%run_scoped3A : memref<!tpu.dma_semaphore, #tpu.memory_space<semaphore_mem>>) {add = true}
        %dma_wait3A_39 = arith.constant 0 : i32
        %dma_wait3A_40 = tpu.memref_slice %arg8[%while3A_22, %dma_wait3A_39] : memref<96x128xi32, #tpu.memory_space<vmem>> -> memref<1x128xi32, #tpu.memory_space<vmem>>
        %dma_wait3A_41 = tpu.memref_squeeze %dma_wait3A_40 : memref<1x128xi32, #tpu.memory_space<vmem>> -> memref<128xi32, #tpu.memory_space<vmem>>
        %dma_wait3A_42 = arith.constant 0 : i32
        %dma_wait3A_43 = arith.constant 0 : i32
        %dma_wait3A_44 = tpu.memref_slice %arg10[%dma_wait3A_42, %dma_wait3A_43] : memref<10240x128xf32, #tpu.memory_space<vmem_shared>> -> memref<10240x128xf32, #tpu.memory_space<vmem_shared>>
        tpu.wait_indirect_dma semaphore(%run_scoped3A : memref<!tpu.dma_semaphore, #tpu.memory_space<semaphore_mem>>) src(%arg9 : memref<128x128xf32, #tpu.memory_space<vmem>>) dst(%dma_wait3A_44 : memref<10240x128xf32, #tpu.memory_space<vmem_shared>>)
        tpu.yield
      }) : () -> ()
    }
    %while3A_16 = arith.constant 1 : i32
    scf.for %while3A_22 = %while3A_14 to %while3A_10 step %while3A_16  : i32 {
      %dma_start3A = arith.constant 0 : i32
      %dma_start3A_23 = tpu.memref_slice %arg7[%while3A_22, %dma_start3A] : memref<96x128xi32, #tpu.memory_space<vmem>> -> memref<1x128xi32, #tpu.memory_space<vmem>>
      %dma_start3A_24 = tpu.memref_squeeze %dma_start3A_23 : memref<1x128xi32, #tpu.memory_space<vmem>> -> memref<128xi32, #tpu.memory_space<vmem>>
      %dma_start3A_25 = arith.constant 0 : i32
      %dma_start3A_26 = arith.constant 0 : i32
      %dma_start3A_27 = tpu.memref_slice %arg4[%dma_start3A_25, %dma_start3A_26] : memref<10240x128xf32, #tpu.memory_space<hbm>> -> memref<10240x128xf32, #tpu.memory_space<hbm>>
      tpu.enqueue_indirect_dma source(%dma_start3A_27 : memref<10240x128xf32, #tpu.memory_space<hbm>>) target(%arg9 : memref<128x128xf32, #tpu.memory_space<vmem>>) offsets(%dma_start3A_24 : memref<128xi32, #tpu.memory_space<vmem>>) semaphore(%arg11 : memref<!tpu.dma_semaphore, #tpu.memory_space<semaphore_mem>>)
      %dma_wait3A = arith.constant 0 : i32
      %dma_wait3A_28 = tpu.memref_slice %arg7[%while3A_22, %dma_wait3A] : memref<96x128xi32, #tpu.memory_space<vmem>> -> memref<1x128xi32, #tpu.memory_space<vmem>>
      %dma_wait3A_29 = tpu.memref_squeeze %dma_wait3A_28 : memref<1x128xi32, #tpu.memory_space<vmem>> -> memref<128xi32, #tpu.memory_space<vmem>>
      %dma_wait3A_30 = arith.constant 0 : i32
      %dma_wait3A_31 = arith.constant 0 : i32
      %dma_wait3A_32 = tpu.memref_slice %arg4[%dma_wait3A_30, %dma_wait3A_31] : memref<10240x128xf32, #tpu.memory_space<hbm>> -> memref<10240x128xf32, #tpu.memory_space<hbm>>
      tpu.wait_indirect_dma semaphore(%arg11 : memref<!tpu.dma_semaphore, #tpu.memory_space<semaphore_mem>>) src(%dma_wait3A_32 : memref<10240x128xf32, #tpu.memory_space<hbm>>) dst(%arg9 : memref<128x128xf32, #tpu.memory_space<vmem>>)
      "tpu.region"() ({
        %run_scoped3A = tpu.sem_alloc : memref<!tpu.dma_semaphore, #tpu.memory_space<semaphore_mem>>
        %dma_start3A_33 = arith.constant 0 : i32
        %dma_start3A_34 = tpu.memref_slice %arg8[%while3A_22, %dma_start3A_33] : memref<96x128xi32, #tpu.memory_space<vmem>> -> memref<1x128xi32, #tpu.memory_space<vmem>>
        %dma_start3A_35 = tpu.memref_squeeze %dma_start3A_34 : memref<1x128xi32, #tpu.memory_space<vmem>> -> memref<128xi32, #tpu.memory_space<vmem>>
        %dma_start3A_36 = arith.constant 0 : i32
        %dma_start3A_37 = arith.constant 0 : i32
        %dma_start3A_38 = tpu.memref_slice %arg10[%dma_start3A_36, %dma_start3A_37] : memref<10240x128xf32, #tpu.memory_space<vmem_shared>> -> memref<10240x128xf32, #tpu.memory_space<vmem_shared>>
        tpu.enqueue_indirect_dma source(%arg9 : memref<128x128xf32, #tpu.memory_space<vmem>>) target(%dma_start3A_38 : memref<10240x128xf32, #tpu.memory_space<vmem_shared>>) offsets(%dma_start3A_35 : memref<128xi32, #tpu.memory_space<vmem>>) semaphore(%run_scoped3A : memref<!tpu.dma_semaphore, #tpu.memory_space<semaphore_mem>>) {add = true}
        %dma_wait3A_39 = arith.constant 0 : i32
        %dma_wait3A_40 = tpu.memref_slice %arg8[%while3A_22, %dma_wait3A_39] : memref<96x128xi32, #tpu.memory_space<vmem>> -> memref<1x128xi32, #tpu.memory_space<vmem>>
        %dma_wait3A_41 = tpu.memref_squeeze %dma_wait3A_40 : memref<1x128xi32, #tpu.memory_space<vmem>> -> memref<128xi32, #tpu.memory_space<vmem>>
        %dma_wait3A_42 = arith.constant 0 : i32
        %dma_wait3A_43 = arith.constant 0 : i32
        %dma_wait3A_44 = tpu.memref_slice %arg10[%dma_wait3A_42, %dma_wait3A_43] : memref<10240x128xf32, #tpu.memory_space<vmem_shared>> -> memref<10240x128xf32, #tpu.memory_space<vmem_shared>>
        tpu.wait_indirect_dma semaphore(%run_scoped3A : memref<!tpu.dma_semaphore, #tpu.memory_space<semaphore_mem>>) src(%arg9 : memref<128x128xf32, #tpu.memory_space<vmem>>) dst(%dma_wait3A_44 : memref<10240x128xf32, #tpu.memory_space<vmem_shared>>)
        tpu.yield
      }) : () -> ()
    }
    %barrier3A_17 = arith.constant 0 : index
    tpu.barrier barrier_id(%barrier3A_17)
    %mul3A_18 = arith.constant 640 : i32
    %mul3A_19 = arith.muli %arg1, %mul3A_18 : i32
    %mul3A_20 = arith.constant 640 : i32
    %mul3A_21 = arith.muli %arg1, %mul3A_20 : i32
    "tpu.region"() ({
      %run_scoped3A = tpu.sem_alloc : memref<!tpu.dma_semaphore, #tpu.memory_space<semaphore_mem>>
      %dma_start3A = arith.constant 0 : i32
      %dma_start3A_22 = arith.constant 0 : i32
      %dma_start3A_23 = tpu.memref_slice %arg6[%arg0, %dma_start3A, %dma_start3A_22] : memref<2x10240x128xf32, #tpu.memory_space<hbm>> -> memref<1x10240x128xf32, #tpu.memory_space<hbm>>
      %dma_start3A_24 = tpu.memref_squeeze %dma_start3A_23 : memref<1x10240x128xf32, #tpu.memory_space<hbm>> -> memref<10240x128xf32, #tpu.memory_space<hbm>>
      %dma_start3A_25 = arith.constant 0 : i32
      %dma_start3A_26 = tpu.memref_slice %dma_start3A_24[%mul3A_21, %dma_start3A_25] : memref<10240x128xf32, #tpu.memory_space<hbm>> -> memref<640x128xf32, #tpu.memory_space<hbm>>
      %dma_start3A_27 = arith.constant 0 : i32
      %dma_start3A_28 = tpu.memref_slice %arg10[%mul3A_19, %dma_start3A_27] : memref<10240x128xf32, #tpu.memory_space<vmem_shared>> -> memref<640x128xf32, #tpu.memory_space<vmem_shared>>
      tpu.enqueue_dma source(%dma_start3A_28 : memref<640x128xf32, #tpu.memory_space<vmem_shared>>) target(%dma_start3A_26 : memref<640x128xf32, #tpu.memory_space<hbm>>) target_semaphore(%run_scoped3A : memref<!tpu.dma_semaphore, #tpu.memory_space<semaphore_mem>>)
      %dma_wait3A = arith.constant 0 : i32
      %dma_wait3A_29 = arith.constant 0 : i32
      %dma_wait3A_30 = tpu.memref_slice %arg6[%arg0, %dma_wait3A, %dma_wait3A_29] : memref<2x10240x128xf32, #tpu.memory_space<hbm>> -> memref<1x10240x128xf32, #tpu.memory_space<hbm>>
      %dma_wait3A_31 = tpu.memref_squeeze %dma_wait3A_30 : memref<1x10240x128xf32, #tpu.memory_space<hbm>> -> memref<10240x128xf32, #tpu.memory_space<hbm>>
      %dma_wait3A_32 = arith.constant 0 : i32
      %dma_wait3A_33 = tpu.memref_slice %dma_wait3A_31[%mul3A_21, %dma_wait3A_32] : memref<10240x128xf32, #tpu.memory_space<hbm>> -> memref<640x128xf32, #tpu.memory_space<hbm>>
      %dma_wait3A_34 = arith.constant 0 : i32
      %dma_wait3A_35 = tpu.memref_slice %arg10[%mul3A_19, %dma_wait3A_34] : memref<10240x128xf32, #tpu.memory_space<vmem_shared>> -> memref<640x128xf32, #tpu.memory_space<vmem_shared>>
      tpu.wait_dma2 semaphore(%run_scoped3A : memref<!tpu.dma_semaphore, #tpu.memory_space<semaphore_mem>>) src(%dma_wait3A_35 : memref<640x128xf32, #tpu.memory_space<vmem_shared>>) dst(%dma_wait3A_33 : memref<640x128xf32, #tpu.memory_space<hbm>>)
      tpu.yield
    }) : () -> ()
    return
  }
}

#map = affine_map<(d0, d1) -> (0, 0, 0)>
#map1 = affine_map<(d0, d1) -> (0, 0)>
module attributes {stable_mosaic.version = 14 : i64} {
  func.func @_sc_pass_body(%arg0: i32, %arg1: i32, %arg2: memref<32x96x128xi32, #tpu.memory_space<hbm>>, %arg3: memref<32x96x128xi32, #tpu.memory_space<hbm>>, %arg4: memref<10240x128xf32, #tpu.memory_space<hbm>>, %arg5: memref<320x128xf32, #tpu.memory_space<hbm>>, %arg6: memref<2x10240x128xf32, #tpu.memory_space<hbm>>, %arg7: memref<96x128xi32, #tpu.memory_space<vmem>>, %arg8: memref<96x128xi32, #tpu.memory_space<vmem>>, %arg9: memref<128x128xf32, #tpu.memory_space<vmem>>, %arg10: memref<10240x128xf32, #tpu.memory_space<vmem_shared>>, %arg11: memref<!tpu.dma_semaphore, #tpu.memory_space<semaphore_mem>>) attributes {dimension_semantics = [#tpu.dimension_semantics<core_parallel>, #tpu.dimension_semantics<subcore_parallel>], iteration_bounds = array<i64: 2, 16>, scalar_prefetch = 0 : i64, scratch_operands = 5 : i64, tpu.core_type = #tpu.core_type<sc_vector_subcore>, window_params = [{transform_indices = #map}, {transform_indices = #map}, {transform_indices = #map1}, {transform_indices = #map1}, {transform_indices = #map}]} {
    %mul3A = arith.constant 16 : i32
    %mul3A_0 = arith.muli %arg0, %mul3A : i32
    %add3A = arith.addi %mul3A_0, %arg1 : i32
    %eq3A = arith.constant 0 : i32
    %eq3A_1 = arith.cmpi eq, %arg0, %eq3A : i32
    %jit3A = arith.constant 96 : i32
    %jit3A_2 = arith.constant 61 : i32
    %select_n3A = arith.select %eq3A_1, %jit3A, %jit3A_2 : i32
    "tpu.region"() ({
      %run_scoped3A = tpu.sem_alloc : memref<!tpu.dma_semaphore, #tpu.memory_space<semaphore_mem>>
      %dma_start3A = arith.constant 0 : i32
      %dma_start3A_22 = arith.constant 0 : i32
      %dma_start3A_23 = tpu.memref_slice %arg2[%add3A, %dma_start3A, %dma_start3A_22] : memref<32x96x128xi32, #tpu.memory_space<hbm>> -> memref<1x96x128xi32, #tpu.memory_space<hbm>>
      %dma_start3A_24 = tpu.memref_squeeze %dma_start3A_23 : memref<1x96x128xi32, #tpu.memory_space<hbm>> -> memref<96x128xi32, #tpu.memory_space<hbm>>
      %dma_start3A_25 = arith.constant 0 : i32
      %dma_start3A_26 = arith.constant 0 : i32
      %dma_start3A_27 = tpu.memref_slice %arg2[%add3A, %dma_start3A_25, %dma_start3A_26] : memref<32x96x128xi32, #tpu.memory_space<hbm>> -> memref<1x96x128xi32, #tpu.memory_space<hbm>>
      %dma_start3A_28 = tpu.memref_squeeze %dma_start3A_27 : memref<1x96x128xi32, #tpu.memory_space<hbm>> -> memref<96x128xi32, #tpu.memory_space<hbm>>
      tpu.enqueue_dma source(%dma_start3A_28 : memref<96x128xi32, #tpu.memory_space<hbm>>) target(%arg7 : memref<96x128xi32, #tpu.memory_space<vmem>>) target_semaphore(%run_scoped3A : memref<!tpu.dma_semaphore, #tpu.memory_space<semaphore_mem>>)
      %dma_wait3A = arith.constant 0 : i32
      %dma_wait3A_29 = arith.constant 0 : i32
      %dma_wait3A_30 = tpu.memref_slice %arg2[%add3A, %dma_wait3A, %dma_wait3A_29] : memref<32x96x128xi32, #tpu.memory_space<hbm>> -> memref<1x96x128xi32, #tpu.memory_space<hbm>>
      %dma_wait3A_31 = tpu.memref_squeeze %dma_wait3A_30 : memref<1x96x128xi32, #tpu.memory_space<hbm>> -> memref<96x128xi32, #tpu.memory_space<hbm>>
      %dma_wait3A_32 = arith.constant 0 : i32
      %dma_wait3A_33 = arith.constant 0 : i32
      %dma_wait3A_34 = tpu.memref_slice %arg2[%add3A, %dma_wait3A_32, %dma_wait3A_33] : memref<32x96x128xi32, #tpu.memory_space<hbm>> -> memref<1x96x128xi32, #tpu.memory_space<hbm>>
      %dma_wait3A_35 = tpu.memref_squeeze %dma_wait3A_34 : memref<1x96x128xi32, #tpu.memory_space<hbm>> -> memref<96x128xi32, #tpu.memory_space<hbm>>
      tpu.wait_dma2 semaphore(%run_scoped3A : memref<!tpu.dma_semaphore, #tpu.memory_space<semaphore_mem>>) src(%dma_wait3A_35 : memref<96x128xi32, #tpu.memory_space<hbm>>) dst(%arg7 : memref<96x128xi32, #tpu.memory_space<vmem>>)
      tpu.yield
    }) : () -> ()
    "tpu.region"() ({
      %run_scoped3A = tpu.sem_alloc : memref<!tpu.dma_semaphore, #tpu.memory_space<semaphore_mem>>
      %dma_start3A = arith.constant 0 : i32
      %dma_start3A_22 = arith.constant 0 : i32
      %dma_start3A_23 = tpu.memref_slice %arg3[%add3A, %dma_start3A, %dma_start3A_22] : memref<32x96x128xi32, #tpu.memory_space<hbm>> -> memref<1x96x128xi32, #tpu.memory_space<hbm>>
      %dma_start3A_24 = tpu.memref_squeeze %dma_start3A_23 : memref<1x96x128xi32, #tpu.memory_space<hbm>> -> memref<96x128xi32, #tpu.memory_space<hbm>>
      %dma_start3A_25 = arith.constant 0 : i32
      %dma_start3A_26 = arith.constant 0 : i32
      %dma_start3A_27 = tpu.memref_slice %arg3[%add3A, %dma_start3A_25, %dma_start3A_26] : memref<32x96x128xi32, #tpu.memory_space<hbm>> -> memref<1x96x128xi32, #tpu.memory_space<hbm>>
      %dma_start3A_28 = tpu.memref_squeeze %dma_start3A_27 : memref<1x96x128xi32, #tpu.memory_space<hbm>> -> memref<96x128xi32, #tpu.memory_space<hbm>>
      tpu.enqueue_dma source(%dma_start3A_28 : memref<96x128xi32, #tpu.memory_space<hbm>>) target(%arg8 : memref<96x128xi32, #tpu.memory_space<vmem>>) target_semaphore(%run_scoped3A : memref<!tpu.dma_semaphore, #tpu.memory_space<semaphore_mem>>)
      %dma_wait3A = arith.constant 0 : i32
      %dma_wait3A_29 = arith.constant 0 : i32
      %dma_wait3A_30 = tpu.memref_slice %arg3[%add3A, %dma_wait3A, %dma_wait3A_29] : memref<32x96x128xi32, #tpu.memory_space<hbm>> -> memref<1x96x128xi32, #tpu.memory_space<hbm>>
      %dma_wait3A_31 = tpu.memref_squeeze %dma_wait3A_30 : memref<1x96x128xi32, #tpu.memory_space<hbm>> -> memref<96x128xi32, #tpu.memory_space<hbm>>
      %dma_wait3A_32 = arith.constant 0 : i32
      %dma_wait3A_33 = arith.constant 0 : i32
      %dma_wait3A_34 = tpu.memref_slice %arg3[%add3A, %dma_wait3A_32, %dma_wait3A_33] : memref<32x96x128xi32, #tpu.memory_space<hbm>> -> memref<1x96x128xi32, #tpu.memory_space<hbm>>
      %dma_wait3A_35 = tpu.memref_squeeze %dma_wait3A_34 : memref<1x96x128xi32, #tpu.memory_space<hbm>> -> memref<96x128xi32, #tpu.memory_space<hbm>>
      tpu.wait_dma2 semaphore(%run_scoped3A : memref<!tpu.dma_semaphore, #tpu.memory_space<semaphore_mem>>) src(%dma_wait3A_35 : memref<96x128xi32, #tpu.memory_space<hbm>>) dst(%arg8 : memref<96x128xi32, #tpu.memory_space<vmem>>)
      tpu.yield
    }) : () -> ()
    %scan3A = arith.constant 0 : i32
    %scan3A_3 = arith.constant 0 : i32
    %scan3A_4 = arith.constant 2 : i32
    %scan3A_5 = arith.addi %scan3A_3, %scan3A_4 : i32
    %scan3A_6 = arith.constant 1 : i32
    scf.for %scan3A_22 = %scan3A_3 to %scan3A_5 step %scan3A_6  : i32 {
      %mul3A_23 = arith.constant 640 : i32
      %mul3A_24 = arith.muli %arg1, %mul3A_23 : i32
      %mul3A_25 = arith.constant 320 : i32
      %mul3A_26 = arith.muli %scan3A_22, %mul3A_25 : i32
      %add3A_27 = arith.addi %mul3A_24, %mul3A_26 : i32
      "tpu.region"() ({
        %run_scoped3A = tpu.sem_alloc : memref<!tpu.dma_semaphore, #tpu.memory_space<semaphore_mem>>
        %dma_start3A = arith.constant 0 : i32
        %dma_start3A_28 = tpu.memref_slice %arg10[%add3A_27, %dma_start3A] : memref<10240x128xf32, #tpu.memory_space<vmem_shared>> -> memref<320x128xf32, #tpu.memory_space<vmem_shared>>
        tpu.enqueue_dma source(%arg5 : memref<320x128xf32, #tpu.memory_space<hbm>>) target(%dma_start3A_28 : memref<320x128xf32, #tpu.memory_space<vmem_shared>>) target_semaphore(%run_scoped3A : memref<!tpu.dma_semaphore, #tpu.memory_space<semaphore_mem>>)
        %dma_wait3A = arith.constant 0 : i32
        %dma_wait3A_29 = tpu.memref_slice %arg10[%add3A_27, %dma_wait3A] : memref<10240x128xf32, #tpu.memory_space<vmem_shared>> -> memref<320x128xf32, #tpu.memory_space<vmem_shared>>
        tpu.wait_dma2 semaphore(%run_scoped3A : memref<!tpu.dma_semaphore, #tpu.memory_space<semaphore_mem>>) src(%arg5 : memref<320x128xf32, #tpu.memory_space<hbm>>) dst(%dma_wait3A_29 : memref<320x128xf32, #tpu.memory_space<vmem_shared>>)
        tpu.yield
      }) : () -> ()
    }
    %scan3A_7 = arith.constant 2 : i32
    %barrier3A = arith.constant 0 : index
    tpu.barrier barrier_id(%barrier3A)
    %while3A = arith.constant 0 : i32
    %while3A_8 = arith.constant 0 : i32
    %while3A_9 = arith.subi %select_n3A, %while3A_8 : i32
    %while3A_10 = arith.addi %while3A_8, %while3A_9 : i32
    %while3A_11 = arith.constant 1 : i32
    %while3A_12 = arith.divsi %while3A_9, %while3A_11 : i32
    %while3A_13 = arith.muli %while3A_12, %while3A_11 : i32
    %while3A_14 = arith.addi %while3A_8, %while3A_13 : i32
    %while3A_15 = arith.constant 1 : i32
    scf.for %while3A_22 = %while3A_8 to %while3A_14 step %while3A_15  : i32 {
      %dma_start3A = arith.constant 0 : i32
      %dma_start3A_23 = tpu.memref_slice %arg7[%while3A_22, %dma_start3A] : memref<96x128xi32, #tpu.memory_space<vmem>> -> memref<1x128xi32, #tpu.memory_space<vmem>>
      %dma_start3A_24 = tpu.memref_squeeze %dma_start3A_23 : memref<1x128xi32, #tpu.memory_space<vmem>> -> memref<128xi32, #tpu.memory_space<vmem>>
      %dma_start3A_25 = arith.constant 0 : i32
      %dma_start3A_26 = arith.constant 0 : i32
      %dma_start3A_27 = tpu.memref_slice %arg4[%dma_start3A_25, %dma_start3A_26] : memref<10240x128xf32, #tpu.memory_space<hbm>> -> memref<10240x128xf32, #tpu.memory_space<hbm>>
      tpu.enqueue_indirect_dma source(%dma_start3A_27 : memref<10240x128xf32, #tpu.memory_space<hbm>>) target(%arg9 : memref<128x128xf32, #tpu.memory_space<vmem>>) offsets(%dma_start3A_24 : memref<128xi32, #tpu.memory_space<vmem>>) semaphore(%arg11 : memref<!tpu.dma_semaphore, #tpu.memory_space<semaphore_mem>>)
      %dma_wait3A = arith.constant 0 : i32
      %dma_wait3A_28 = tpu.memref_slice %arg7[%while3A_22, %dma_wait3A] : memref<96x128xi32, #tpu.memory_space<vmem>> -> memref<1x128xi32, #tpu.memory_space<vmem>>
      %dma_wait3A_29 = tpu.memref_squeeze %dma_wait3A_28 : memref<1x128xi32, #tpu.memory_space<vmem>> -> memref<128xi32, #tpu.memory_space<vmem>>
      %dma_wait3A_30 = arith.constant 0 : i32
      %dma_wait3A_31 = arith.constant 0 : i32
      %dma_wait3A_32 = tpu.memref_slice %arg4[%dma_wait3A_30, %dma_wait3A_31] : memref<10240x128xf32, #tpu.memory_space<hbm>> -> memref<10240x128xf32, #tpu.memory_space<hbm>>
      tpu.wait_indirect_dma semaphore(%arg11 : memref<!tpu.dma_semaphore, #tpu.memory_space<semaphore_mem>>) src(%dma_wait3A_32 : memref<10240x128xf32, #tpu.memory_space<hbm>>) dst(%arg9 : memref<128x128xf32, #tpu.memory_space<vmem>>)
      "tpu.region"() ({
        %run_scoped3A = tpu.sem_alloc : memref<!tpu.dma_semaphore, #tpu.memory_space<semaphore_mem>>
        %dma_start3A_33 = arith.constant 0 : i32
        %dma_start3A_34 = tpu.memref_slice %arg8[%while3A_22, %dma_start3A_33] : memref<96x128xi32, #tpu.memory_space<vmem>> -> memref<1x128xi32, #tpu.memory_space<vmem>>
        %dma_start3A_35 = tpu.memref_squeeze %dma_start3A_34 : memref<1x128xi32, #tpu.memory_space<vmem>> -> memref<128xi32, #tpu.memory_space<vmem>>
        %dma_start3A_36 = arith.constant 0 : i32
        %dma_start3A_37 = arith.constant 0 : i32
        %dma_start3A_38 = tpu.memref_slice %arg10[%dma_start3A_36, %dma_start3A_37] : memref<10240x128xf32, #tpu.memory_space<vmem_shared>> -> memref<10240x128xf32, #tpu.memory_space<vmem_shared>>
        tpu.enqueue_indirect_dma source(%arg9 : memref<128x128xf32, #tpu.memory_space<vmem>>) target(%dma_start3A_38 : memref<10240x128xf32, #tpu.memory_space<vmem_shared>>) offsets(%dma_start3A_35 : memref<128xi32, #tpu.memory_space<vmem>>) semaphore(%run_scoped3A : memref<!tpu.dma_semaphore, #tpu.memory_space<semaphore_mem>>) {add = true}
        %dma_wait3A_39 = arith.constant 0 : i32
        %dma_wait3A_40 = tpu.memref_slice %arg8[%while3A_22, %dma_wait3A_39] : memref<96x128xi32, #tpu.memory_space<vmem>> -> memref<1x128xi32, #tpu.memory_space<vmem>>
        %dma_wait3A_41 = tpu.memref_squeeze %dma_wait3A_40 : memref<1x128xi32, #tpu.memory_space<vmem>> -> memref<128xi32, #tpu.memory_space<vmem>>
        %dma_wait3A_42 = arith.constant 0 : i32
        %dma_wait3A_43 = arith.constant 0 : i32
        %dma_wait3A_44 = tpu.memref_slice %arg10[%dma_wait3A_42, %dma_wait3A_43] : memref<10240x128xf32, #tpu.memory_space<vmem_shared>> -> memref<10240x128xf32, #tpu.memory_space<vmem_shared>>
        tpu.wait_indirect_dma semaphore(%run_scoped3A : memref<!tpu.dma_semaphore, #tpu.memory_space<semaphore_mem>>) src(%arg9 : memref<128x128xf32, #tpu.memory_space<vmem>>) dst(%dma_wait3A_44 : memref<10240x128xf32, #tpu.memory_space<vmem_shared>>)
        tpu.yield
      }) : () -> ()
    }
    %while3A_16 = arith.constant 1 : i32
    scf.for %while3A_22 = %while3A_14 to %while3A_10 step %while3A_16  : i32 {
      %dma_start3A = arith.constant 0 : i32
      %dma_start3A_23 = tpu.memref_slice %arg7[%while3A_22, %dma_start3A] : memref<96x128xi32, #tpu.memory_space<vmem>> -> memref<1x128xi32, #tpu.memory_space<vmem>>
      %dma_start3A_24 = tpu.memref_squeeze %dma_start3A_23 : memref<1x128xi32, #tpu.memory_space<vmem>> -> memref<128xi32, #tpu.memory_space<vmem>>
      %dma_start3A_25 = arith.constant 0 : i32
      %dma_start3A_26 = arith.constant 0 : i32
      %dma_start3A_27 = tpu.memref_slice %arg4[%dma_start3A_25, %dma_start3A_26] : memref<10240x128xf32, #tpu.memory_space<hbm>> -> memref<10240x128xf32, #tpu.memory_space<hbm>>
      tpu.enqueue_indirect_dma source(%dma_start3A_27 : memref<10240x128xf32, #tpu.memory_space<hbm>>) target(%arg9 : memref<128x128xf32, #tpu.memory_space<vmem>>) offsets(%dma_start3A_24 : memref<128xi32, #tpu.memory_space<vmem>>) semaphore(%arg11 : memref<!tpu.dma_semaphore, #tpu.memory_space<semaphore_mem>>)
      %dma_wait3A = arith.constant 0 : i32
      %dma_wait3A_28 = tpu.memref_slice %arg7[%while3A_22, %dma_wait3A] : memref<96x128xi32, #tpu.memory_space<vmem>> -> memref<1x128xi32, #tpu.memory_space<vmem>>
      %dma_wait3A_29 = tpu.memref_squeeze %dma_wait3A_28 : memref<1x128xi32, #tpu.memory_space<vmem>> -> memref<128xi32, #tpu.memory_space<vmem>>
      %dma_wait3A_30 = arith.constant 0 : i32
      %dma_wait3A_31 = arith.constant 0 : i32
      %dma_wait3A_32 = tpu.memref_slice %arg4[%dma_wait3A_30, %dma_wait3A_31] : memref<10240x128xf32, #tpu.memory_space<hbm>> -> memref<10240x128xf32, #tpu.memory_space<hbm>>
      tpu.wait_indirect_dma semaphore(%arg11 : memref<!tpu.dma_semaphore, #tpu.memory_space<semaphore_mem>>) src(%dma_wait3A_32 : memref<10240x128xf32, #tpu.memory_space<hbm>>) dst(%arg9 : memref<128x128xf32, #tpu.memory_space<vmem>>)
      "tpu.region"() ({
        %run_scoped3A = tpu.sem_alloc : memref<!tpu.dma_semaphore, #tpu.memory_space<semaphore_mem>>
        %dma_start3A_33 = arith.constant 0 : i32
        %dma_start3A_34 = tpu.memref_slice %arg8[%while3A_22, %dma_start3A_33] : memref<96x128xi32, #tpu.memory_space<vmem>> -> memref<1x128xi32, #tpu.memory_space<vmem>>
        %dma_start3A_35 = tpu.memref_squeeze %dma_start3A_34 : memref<1x128xi32, #tpu.memory_space<vmem>> -> memref<128xi32, #tpu.memory_space<vmem>>
        %dma_start3A_36 = arith.constant 0 : i32
        %dma_start3A_37 = arith.constant 0 : i32
        %dma_start3A_38 = tpu.memref_slice %arg10[%dma_start3A_36, %dma_start3A_37] : memref<10240x128xf32, #tpu.memory_space<vmem_shared>> -> memref<10240x128xf32, #tpu.memory_space<vmem_shared>>
        tpu.enqueue_indirect_dma source(%arg9 : memref<128x128xf32, #tpu.memory_space<vmem>>) target(%dma_start3A_38 : memref<10240x128xf32, #tpu.memory_space<vmem_shared>>) offsets(%dma_start3A_35 : memref<128xi32, #tpu.memory_space<vmem>>) semaphore(%run_scoped3A : memref<!tpu.dma_semaphore, #tpu.memory_space<semaphore_mem>>) {add = true}
        %dma_wait3A_39 = arith.constant 0 : i32
        %dma_wait3A_40 = tpu.memref_slice %arg8[%while3A_22, %dma_wait3A_39] : memref<96x128xi32, #tpu.memory_space<vmem>> -> memref<1x128xi32, #tpu.memory_space<vmem>>
        %dma_wait3A_41 = tpu.memref_squeeze %dma_wait3A_40 : memref<1x128xi32, #tpu.memory_space<vmem>> -> memref<128xi32, #tpu.memory_space<vmem>>
        %dma_wait3A_42 = arith.constant 0 : i32
        %dma_wait3A_43 = arith.constant 0 : i32
        %dma_wait3A_44 = tpu.memref_slice %arg10[%dma_wait3A_42, %dma_wait3A_43] : memref<10240x128xf32, #tpu.memory_space<vmem_shared>> -> memref<10240x128xf32, #tpu.memory_space<vmem_shared>>
        tpu.wait_indirect_dma semaphore(%run_scoped3A : memref<!tpu.dma_semaphore, #tpu.memory_space<semaphore_mem>>) src(%arg9 : memref<128x128xf32, #tpu.memory_space<vmem>>) dst(%dma_wait3A_44 : memref<10240x128xf32, #tpu.memory_space<vmem_shared>>)
        tpu.yield
      }) : () -> ()
    }
    %barrier3A_17 = arith.constant 0 : index
    tpu.barrier barrier_id(%barrier3A_17)
    %mul3A_18 = arith.constant 640 : i32
    %mul3A_19 = arith.muli %arg1, %mul3A_18 : i32
    %mul3A_20 = arith.constant 640 : i32
    %mul3A_21 = arith.muli %arg1, %mul3A_20 : i32
    "tpu.region"() ({
      %run_scoped3A = tpu.sem_alloc : memref<!tpu.dma_semaphore, #tpu.memory_space<semaphore_mem>>
      %dma_start3A = arith.constant 0 : i32
      %dma_start3A_22 = arith.constant 0 : i32
      %dma_start3A_23 = tpu.memref_slice %arg6[%arg0, %dma_start3A, %dma_start3A_22] : memref<2x10240x128xf32, #tpu.memory_space<hbm>> -> memref<1x10240x128xf32, #tpu.memory_space<hbm>>
      %dma_start3A_24 = tpu.memref_squeeze %dma_start3A_23 : memref<1x10240x128xf32, #tpu.memory_space<hbm>> -> memref<10240x128xf32, #tpu.memory_space<hbm>>
      %dma_start3A_25 = arith.constant 0 : i32
      %dma_start3A_26 = tpu.memref_slice %dma_start3A_24[%mul3A_21, %dma_start3A_25] : memref<10240x128xf32, #tpu.memory_space<hbm>> -> memref<640x128xf32, #tpu.memory_space<hbm>>
      %dma_start3A_27 = arith.constant 0 : i32
      %dma_start3A_28 = tpu.memref_slice %arg10[%mul3A_19, %dma_start3A_27] : memref<10240x128xf32, #tpu.memory_space<vmem_shared>> -> memref<640x128xf32, #tpu.memory_space<vmem_shared>>
      tpu.enqueue_dma source(%dma_start3A_28 : memref<640x128xf32, #tpu.memory_space<vmem_shared>>) target(%dma_start3A_26 : memref<640x128xf32, #tpu.memory_space<hbm>>) target_semaphore(%run_scoped3A : memref<!tpu.dma_semaphore, #tpu.memory_space<semaphore_mem>>)
      %dma_wait3A = arith.constant 0 : i32
      %dma_wait3A_29 = arith.constant 0 : i32
      %dma_wait3A_30 = tpu.memref_slice %arg6[%arg0, %dma_wait3A, %dma_wait3A_29] : memref<2x10240x128xf32, #tpu.memory_space<hbm>> -> memref<1x10240x128xf32, #tpu.memory_space<hbm>>
      %dma_wait3A_31 = tpu.memref_squeeze %dma_wait3A_30 : memref<1x10240x128xf32, #tpu.memory_space<hbm>> -> memref<10240x128xf32, #tpu.memory_space<hbm>>
      %dma_wait3A_32 = arith.constant 0 : i32
      %dma_wait3A_33 = tpu.memref_slice %dma_wait3A_31[%mul3A_21, %dma_wait3A_32] : memref<10240x128xf32, #tpu.memory_space<hbm>> -> memref<640x128xf32, #tpu.memory_space<hbm>>
      %dma_wait3A_34 = arith.constant 0 : i32
      %dma_wait3A_35 = tpu.memref_slice %arg10[%mul3A_19, %dma_wait3A_34] : memref<10240x128xf32, #tpu.memory_space<vmem_shared>> -> memref<640x128xf32, #tpu.memory_space<vmem_shared>>
      tpu.wait_dma2 semaphore(%run_scoped3A : memref<!tpu.dma_semaphore, #tpu.memory_space<semaphore_mem>>) src(%dma_wait3A_35 : memref<640x128xf32, #tpu.memory_space<vmem_shared>>) dst(%dma_wait3A_33 : memref<640x128xf32, #tpu.memory_space<hbm>>)
      tpu.yield
    }) : () -> ()
    return
  }
}

#map = affine_map<(d0, d1) -> (0, 0, 0)>
#map1 = affine_map<(d0, d1) -> (0, 0)>
module attributes {stable_mosaic.version = 14 : i64} {
  func.func @_sc_pass_body(%arg0: i32, %arg1: i32, %arg2: memref<32x96x128xi32, #tpu.memory_space<hbm>>, %arg3: memref<32x96x128xi32, #tpu.memory_space<hbm>>, %arg4: memref<10240x128xf32, #tpu.memory_space<hbm>>, %arg5: memref<320x128xf32, #tpu.memory_space<hbm>>, %arg6: memref<2x10240x128xf32, #tpu.memory_space<hbm>>, %arg7: memref<96x128xi32, #tpu.memory_space<vmem>>, %arg8: memref<96x128xi32, #tpu.memory_space<vmem>>, %arg9: memref<128x128xf32, #tpu.memory_space<vmem>>, %arg10: memref<10240x128xf32, #tpu.memory_space<vmem_shared>>, %arg11: memref<!tpu.dma_semaphore, #tpu.memory_space<semaphore_mem>>) attributes {dimension_semantics = [#tpu.dimension_semantics<core_parallel>, #tpu.dimension_semantics<subcore_parallel>], iteration_bounds = array<i64: 2, 16>, scalar_prefetch = 0 : i64, scratch_operands = 5 : i64, tpu.core_type = #tpu.core_type<sc_vector_subcore>, window_params = [{transform_indices = #map}, {transform_indices = #map}, {transform_indices = #map1}, {transform_indices = #map1}, {transform_indices = #map}]} {
    %mul3A = arith.constant 16 : i32
    %mul3A_0 = arith.muli %arg0, %mul3A : i32
    %add3A = arith.addi %mul3A_0, %arg1 : i32
    %eq3A = arith.constant 0 : i32
    %eq3A_1 = arith.cmpi eq, %arg0, %eq3A : i32
    %jit3A = arith.constant 96 : i32
    %jit3A_2 = arith.constant 61 : i32
    %select_n3A = arith.select %eq3A_1, %jit3A, %jit3A_2 : i32
    "tpu.region"() ({
      %run_scoped3A = tpu.sem_alloc : memref<!tpu.dma_semaphore, #tpu.memory_space<semaphore_mem>>
      %dma_start3A = arith.constant 0 : i32
      %dma_start3A_22 = arith.constant 0 : i32
      %dma_start3A_23 = tpu.memref_slice %arg2[%add3A, %dma_start3A, %dma_start3A_22] : memref<32x96x128xi32, #tpu.memory_space<hbm>> -> memref<1x96x128xi32, #tpu.memory_space<hbm>>
      %dma_start3A_24 = tpu.memref_squeeze %dma_start3A_23 : memref<1x96x128xi32, #tpu.memory_space<hbm>> -> memref<96x128xi32, #tpu.memory_space<hbm>>
      %dma_start3A_25 = arith.constant 0 : i32
      %dma_start3A_26 = arith.constant 0 : i32
      %dma_start3A_27 = tpu.memref_slice %arg2[%add3A, %dma_start3A_25, %dma_start3A_26] : memref<32x96x128xi32, #tpu.memory_space<hbm>> -> memref<1x96x128xi32, #tpu.memory_space<hbm>>
      %dma_start3A_28 = tpu.memref_squeeze %dma_start3A_27 : memref<1x96x128xi32, #tpu.memory_space<hbm>> -> memref<96x128xi32, #tpu.memory_space<hbm>>
      tpu.enqueue_dma source(%dma_start3A_28 : memref<96x128xi32, #tpu.memory_space<hbm>>) target(%arg7 : memref<96x128xi32, #tpu.memory_space<vmem>>) target_semaphore(%run_scoped3A : memref<!tpu.dma_semaphore, #tpu.memory_space<semaphore_mem>>)
      %dma_wait3A = arith.constant 0 : i32
      %dma_wait3A_29 = arith.constant 0 : i32
      %dma_wait3A_30 = tpu.memref_slice %arg2[%add3A, %dma_wait3A, %dma_wait3A_29] : memref<32x96x128xi32, #tpu.memory_space<hbm>> -> memref<1x96x128xi32, #tpu.memory_space<hbm>>
      %dma_wait3A_31 = tpu.memref_squeeze %dma_wait3A_30 : memref<1x96x128xi32, #tpu.memory_space<hbm>> -> memref<96x128xi32, #tpu.memory_space<hbm>>
      %dma_wait3A_32 = arith.constant 0 : i32
      %dma_wait3A_33 = arith.constant 0 : i32
      %dma_wait3A_34 = tpu.memref_slice %arg2[%add3A, %dma_wait3A_32, %dma_wait3A_33] : memref<32x96x128xi32, #tpu.memory_space<hbm>> -> memref<1x96x128xi32, #tpu.memory_space<hbm>>
      %dma_wait3A_35 = tpu.memref_squeeze %dma_wait3A_34 : memref<1x96x128xi32, #tpu.memory_space<hbm>> -> memref<96x128xi32, #tpu.memory_space<hbm>>
      tpu.wait_dma2 semaphore(%run_scoped3A : memref<!tpu.dma_semaphore, #tpu.memory_space<semaphore_mem>>) src(%dma_wait3A_35 : memref<96x128xi32, #tpu.memory_space<hbm>>) dst(%arg7 : memref<96x128xi32, #tpu.memory_space<vmem>>)
      tpu.yield
    }) : () -> ()
    "tpu.region"() ({
      %run_scoped3A = tpu.sem_alloc : memref<!tpu.dma_semaphore, #tpu.memory_space<semaphore_mem>>
      %dma_start3A = arith.constant 0 : i32
      %dma_start3A_22 = arith.constant 0 : i32
      %dma_start3A_23 = tpu.memref_slice %arg3[%add3A, %dma_start3A, %dma_start3A_22] : memref<32x96x128xi32, #tpu.memory_space<hbm>> -> memref<1x96x128xi32, #tpu.memory_space<hbm>>
      %dma_start3A_24 = tpu.memref_squeeze %dma_start3A_23 : memref<1x96x128xi32, #tpu.memory_space<hbm>> -> memref<96x128xi32, #tpu.memory_space<hbm>>
      %dma_start3A_25 = arith.constant 0 : i32
      %dma_start3A_26 = arith.constant 0 : i32
      %dma_start3A_27 = tpu.memref_slice %arg3[%add3A, %dma_start3A_25, %dma_start3A_26] : memref<32x96x128xi32, #tpu.memory_space<hbm>> -> memref<1x96x128xi32, #tpu.memory_space<hbm>>
      %dma_start3A_28 = tpu.memref_squeeze %dma_start3A_27 : memref<1x96x128xi32, #tpu.memory_space<hbm>> -> memref<96x128xi32, #tpu.memory_space<hbm>>
      tpu.enqueue_dma source(%dma_start3A_28 : memref<96x128xi32, #tpu.memory_space<hbm>>) target(%arg8 : memref<96x128xi32, #tpu.memory_space<vmem>>) target_semaphore(%run_scoped3A : memref<!tpu.dma_semaphore, #tpu.memory_space<semaphore_mem>>)
      %dma_wait3A = arith.constant 0 : i32
      %dma_wait3A_29 = arith.constant 0 : i32
      %dma_wait3A_30 = tpu.memref_slice %arg3[%add3A, %dma_wait3A, %dma_wait3A_29] : memref<32x96x128xi32, #tpu.memory_space<hbm>> -> memref<1x96x128xi32, #tpu.memory_space<hbm>>
      %dma_wait3A_31 = tpu.memref_squeeze %dma_wait3A_30 : memref<1x96x128xi32, #tpu.memory_space<hbm>> -> memref<96x128xi32, #tpu.memory_space<hbm>>
      %dma_wait3A_32 = arith.constant 0 : i32
      %dma_wait3A_33 = arith.constant 0 : i32
      %dma_wait3A_34 = tpu.memref_slice %arg3[%add3A, %dma_wait3A_32, %dma_wait3A_33] : memref<32x96x128xi32, #tpu.memory_space<hbm>> -> memref<1x96x128xi32, #tpu.memory_space<hbm>>
      %dma_wait3A_35 = tpu.memref_squeeze %dma_wait3A_34 : memref<1x96x128xi32, #tpu.memory_space<hbm>> -> memref<96x128xi32, #tpu.memory_space<hbm>>
      tpu.wait_dma2 semaphore(%run_scoped3A : memref<!tpu.dma_semaphore, #tpu.memory_space<semaphore_mem>>) src(%dma_wait3A_35 : memref<96x128xi32, #tpu.memory_space<hbm>>) dst(%arg8 : memref<96x128xi32, #tpu.memory_space<vmem>>)
      tpu.yield
    }) : () -> ()
    %scan3A = arith.constant 0 : i32
    %scan3A_3 = arith.constant 0 : i32
    %scan3A_4 = arith.constant 2 : i32
    %scan3A_5 = arith.addi %scan3A_3, %scan3A_4 : i32
    %scan3A_6 = arith.constant 1 : i32
    scf.for %scan3A_22 = %scan3A_3 to %scan3A_5 step %scan3A_6  : i32 {
      %mul3A_23 = arith.constant 640 : i32
      %mul3A_24 = arith.muli %arg1, %mul3A_23 : i32
      %mul3A_25 = arith.constant 320 : i32
      %mul3A_26 = arith.muli %scan3A_22, %mul3A_25 : i32
      %add3A_27 = arith.addi %mul3A_24, %mul3A_26 : i32
      "tpu.region"() ({
        %run_scoped3A = tpu.sem_alloc : memref<!tpu.dma_semaphore, #tpu.memory_space<semaphore_mem>>
        %dma_start3A = arith.constant 0 : i32
        %dma_start3A_28 = tpu.memref_slice %arg10[%add3A_27, %dma_start3A] : memref<10240x128xf32, #tpu.memory_space<vmem_shared>> -> memref<320x128xf32, #tpu.memory_space<vmem_shared>>
        tpu.enqueue_dma source(%arg5 : memref<320x128xf32, #tpu.memory_space<hbm>>) target(%dma_start3A_28 : memref<320x128xf32, #tpu.memory_space<vmem_shared>>) target_semaphore(%run_scoped3A : memref<!tpu.dma_semaphore, #tpu.memory_space<semaphore_mem>>)
        %dma_wait3A = arith.constant 0 : i32
        %dma_wait3A_29 = tpu.memref_slice %arg10[%add3A_27, %dma_wait3A] : memref<10240x128xf32, #tpu.memory_space<vmem_shared>> -> memref<320x128xf32, #tpu.memory_space<vmem_shared>>
        tpu.wait_dma2 semaphore(%run_scoped3A : memref<!tpu.dma_semaphore, #tpu.memory_space<semaphore_mem>>) src(%arg5 : memref<320x128xf32, #tpu.memory_space<hbm>>) dst(%dma_wait3A_29 : memref<320x128xf32, #tpu.memory_space<vmem_shared>>)
        tpu.yield
      }) : () -> ()
    }
    %scan3A_7 = arith.constant 2 : i32
    %barrier3A = arith.constant 0 : index
    tpu.barrier barrier_id(%barrier3A)
    %while3A = arith.constant 0 : i32
    %while3A_8 = arith.constant 0 : i32
    %while3A_9 = arith.subi %select_n3A, %while3A_8 : i32
    %while3A_10 = arith.addi %while3A_8, %while3A_9 : i32
    %while3A_11 = arith.constant 1 : i32
    %while3A_12 = arith.divsi %while3A_9, %while3A_11 : i32
    %while3A_13 = arith.muli %while3A_12, %while3A_11 : i32
    %while3A_14 = arith.addi %while3A_8, %while3A_13 : i32
    %while3A_15 = arith.constant 1 : i32
    scf.for %while3A_22 = %while3A_8 to %while3A_14 step %while3A_15  : i32 {
      %dma_start3A = arith.constant 0 : i32
      %dma_start3A_23 = tpu.memref_slice %arg7[%while3A_22, %dma_start3A] : memref<96x128xi32, #tpu.memory_space<vmem>> -> memref<1x128xi32, #tpu.memory_space<vmem>>
      %dma_start3A_24 = tpu.memref_squeeze %dma_start3A_23 : memref<1x128xi32, #tpu.memory_space<vmem>> -> memref<128xi32, #tpu.memory_space<vmem>>
      %dma_start3A_25 = arith.constant 0 : i32
      %dma_start3A_26 = arith.constant 0 : i32
      %dma_start3A_27 = tpu.memref_slice %arg4[%dma_start3A_25, %dma_start3A_26] : memref<10240x128xf32, #tpu.memory_space<hbm>> -> memref<10240x128xf32, #tpu.memory_space<hbm>>
      tpu.enqueue_indirect_dma source(%dma_start3A_27 : memref<10240x128xf32, #tpu.memory_space<hbm>>) target(%arg9 : memref<128x128xf32, #tpu.memory_space<vmem>>) offsets(%dma_start3A_24 : memref<128xi32, #tpu.memory_space<vmem>>) semaphore(%arg11 : memref<!tpu.dma_semaphore, #tpu.memory_space<semaphore_mem>>)
      %dma_wait3A = arith.constant 0 : i32
      %dma_wait3A_28 = tpu.memref_slice %arg7[%while3A_22, %dma_wait3A] : memref<96x128xi32, #tpu.memory_space<vmem>> -> memref<1x128xi32, #tpu.memory_space<vmem>>
      %dma_wait3A_29 = tpu.memref_squeeze %dma_wait3A_28 : memref<1x128xi32, #tpu.memory_space<vmem>> -> memref<128xi32, #tpu.memory_space<vmem>>
      %dma_wait3A_30 = arith.constant 0 : i32
      %dma_wait3A_31 = arith.constant 0 : i32
      %dma_wait3A_32 = tpu.memref_slice %arg4[%dma_wait3A_30, %dma_wait3A_31] : memref<10240x128xf32, #tpu.memory_space<hbm>> -> memref<10240x128xf32, #tpu.memory_space<hbm>>
      tpu.wait_indirect_dma semaphore(%arg11 : memref<!tpu.dma_semaphore, #tpu.memory_space<semaphore_mem>>) src(%dma_wait3A_32 : memref<10240x128xf32, #tpu.memory_space<hbm>>) dst(%arg9 : memref<128x128xf32, #tpu.memory_space<vmem>>)
      "tpu.region"() ({
        %run_scoped3A = tpu.sem_alloc : memref<!tpu.dma_semaphore, #tpu.memory_space<semaphore_mem>>
        %dma_start3A_33 = arith.constant 0 : i32
        %dma_start3A_34 = tpu.memref_slice %arg8[%while3A_22, %dma_start3A_33] : memref<96x128xi32, #tpu.memory_space<vmem>> -> memref<1x128xi32, #tpu.memory_space<vmem>>
        %dma_start3A_35 = tpu.memref_squeeze %dma_start3A_34 : memref<1x128xi32, #tpu.memory_space<vmem>> -> memref<128xi32, #tpu.memory_space<vmem>>
        %dma_start3A_36 = arith.constant 0 : i32
        %dma_start3A_37 = arith.constant 0 : i32
        %dma_start3A_38 = tpu.memref_slice %arg10[%dma_start3A_36, %dma_start3A_37] : memref<10240x128xf32, #tpu.memory_space<vmem_shared>> -> memref<10240x128xf32, #tpu.memory_space<vmem_shared>>
        tpu.enqueue_indirect_dma source(%arg9 : memref<128x128xf32, #tpu.memory_space<vmem>>) target(%dma_start3A_38 : memref<10240x128xf32, #tpu.memory_space<vmem_shared>>) offsets(%dma_start3A_35 : memref<128xi32, #tpu.memory_space<vmem>>) semaphore(%run_scoped3A : memref<!tpu.dma_semaphore, #tpu.memory_space<semaphore_mem>>) {add = true}
        %dma_wait3A_39 = arith.constant 0 : i32
        %dma_wait3A_40 = tpu.memref_slice %arg8[%while3A_22, %dma_wait3A_39] : memref<96x128xi32, #tpu.memory_space<vmem>> -> memref<1x128xi32, #tpu.memory_space<vmem>>
        %dma_wait3A_41 = tpu.memref_squeeze %dma_wait3A_40 : memref<1x128xi32, #tpu.memory_space<vmem>> -> memref<128xi32, #tpu.memory_space<vmem>>
        %dma_wait3A_42 = arith.constant 0 : i32
        %dma_wait3A_43 = arith.constant 0 : i32
        %dma_wait3A_44 = tpu.memref_slice %arg10[%dma_wait3A_42, %dma_wait3A_43] : memref<10240x128xf32, #tpu.memory_space<vmem_shared>> -> memref<10240x128xf32, #tpu.memory_space<vmem_shared>>
        tpu.wait_indirect_dma semaphore(%run_scoped3A : memref<!tpu.dma_semaphore, #tpu.memory_space<semaphore_mem>>) src(%arg9 : memref<128x128xf32, #tpu.memory_space<vmem>>) dst(%dma_wait3A_44 : memref<10240x128xf32, #tpu.memory_space<vmem_shared>>)
        tpu.yield
      }) : () -> ()
    }
    %while3A_16 = arith.constant 1 : i32
    scf.for %while3A_22 = %while3A_14 to %while3A_10 step %while3A_16  : i32 {
      %dma_start3A = arith.constant 0 : i32
      %dma_start3A_23 = tpu.memref_slice %arg7[%while3A_22, %dma_start3A] : memref<96x128xi32, #tpu.memory_space<vmem>> -> memref<1x128xi32, #tpu.memory_space<vmem>>
      %dma_start3A_24 = tpu.memref_squeeze %dma_start3A_23 : memref<1x128xi32, #tpu.memory_space<vmem>> -> memref<128xi32, #tpu.memory_space<vmem>>
      %dma_start3A_25 = arith.constant 0 : i32
      %dma_start3A_26 = arith.constant 0 : i32
      %dma_start3A_27 = tpu.memref_slice %arg4[%dma_start3A_25, %dma_start3A_26] : memref<10240x128xf32, #tpu.memory_space<hbm>> -> memref<10240x128xf32, #tpu.memory_space<hbm>>
      tpu.enqueue_indirect_dma source(%dma_start3A_27 : memref<10240x128xf32, #tpu.memory_space<hbm>>) target(%arg9 : memref<128x128xf32, #tpu.memory_space<vmem>>) offsets(%dma_start3A_24 : memref<128xi32, #tpu.memory_space<vmem>>) semaphore(%arg11 : memref<!tpu.dma_semaphore, #tpu.memory_space<semaphore_mem>>)
      %dma_wait3A = arith.constant 0 : i32
      %dma_wait3A_28 = tpu.memref_slice %arg7[%while3A_22, %dma_wait3A] : memref<96x128xi32, #tpu.memory_space<vmem>> -> memref<1x128xi32, #tpu.memory_space<vmem>>
      %dma_wait3A_29 = tpu.memref_squeeze %dma_wait3A_28 : memref<1x128xi32, #tpu.memory_space<vmem>> -> memref<128xi32, #tpu.memory_space<vmem>>
      %dma_wait3A_30 = arith.constant 0 : i32
      %dma_wait3A_31 = arith.constant 0 : i32
      %dma_wait3A_32 = tpu.memref_slice %arg4[%dma_wait3A_30, %dma_wait3A_31] : memref<10240x128xf32, #tpu.memory_space<hbm>> -> memref<10240x128xf32, #tpu.memory_space<hbm>>
      tpu.wait_indirect_dma semaphore(%arg11 : memref<!tpu.dma_semaphore, #tpu.memory_space<semaphore_mem>>) src(%dma_wait3A_32 : memref<10240x128xf32, #tpu.memory_space<hbm>>) dst(%arg9 : memref<128x128xf32, #tpu.memory_space<vmem>>)
      "tpu.region"() ({
        %run_scoped3A = tpu.sem_alloc : memref<!tpu.dma_semaphore, #tpu.memory_space<semaphore_mem>>
        %dma_start3A_33 = arith.constant 0 : i32
        %dma_start3A_34 = tpu.memref_slice %arg8[%while3A_22, %dma_start3A_33] : memref<96x128xi32, #tpu.memory_space<vmem>> -> memref<1x128xi32, #tpu.memory_space<vmem>>
        %dma_start3A_35 = tpu.memref_squeeze %dma_start3A_34 : memref<1x128xi32, #tpu.memory_space<vmem>> -> memref<128xi32, #tpu.memory_space<vmem>>
        %dma_start3A_36 = arith.constant 0 : i32
        %dma_start3A_37 = arith.constant 0 : i32
        %dma_start3A_38 = tpu.memref_slice %arg10[%dma_start3A_36, %dma_start3A_37] : memref<10240x128xf32, #tpu.memory_space<vmem_shared>> -> memref<10240x128xf32, #tpu.memory_space<vmem_shared>>
        tpu.enqueue_indirect_dma source(%arg9 : memref<128x128xf32, #tpu.memory_space<vmem>>) target(%dma_start3A_38 : memref<10240x128xf32, #tpu.memory_space<vmem_shared>>) offsets(%dma_start3A_35 : memref<128xi32, #tpu.memory_space<vmem>>) semaphore(%run_scoped3A : memref<!tpu.dma_semaphore, #tpu.memory_space<semaphore_mem>>) {add = true}
        %dma_wait3A_39 = arith.constant 0 : i32
        %dma_wait3A_40 = tpu.memref_slice %arg8[%while3A_22, %dma_wait3A_39] : memref<96x128xi32, #tpu.memory_space<vmem>> -> memref<1x128xi32, #tpu.memory_space<vmem>>
        %dma_wait3A_41 = tpu.memref_squeeze %dma_wait3A_40 : memref<1x128xi32, #tpu.memory_space<vmem>> -> memref<128xi32, #tpu.memory_space<vmem>>
        %dma_wait3A_42 = arith.constant 0 : i32
        %dma_wait3A_43 = arith.constant 0 : i32
        %dma_wait3A_44 = tpu.memref_slice %arg10[%dma_wait3A_42, %dma_wait3A_43] : memref<10240x128xf32, #tpu.memory_space<vmem_shared>> -> memref<10240x128xf32, #tpu.memory_space<vmem_shared>>
        tpu.wait_indirect_dma semaphore(%run_scoped3A : memref<!tpu.dma_semaphore, #tpu.memory_space<semaphore_mem>>) src(%arg9 : memref<128x128xf32, #tpu.memory_space<vmem>>) dst(%dma_wait3A_44 : memref<10240x128xf32, #tpu.memory_space<vmem_shared>>)
        tpu.yield
      }) : () -> ()
    }
    %barrier3A_17 = arith.constant 0 : index
    tpu.barrier barrier_id(%barrier3A_17)
    %mul3A_18 = arith.constant 640 : i32
    %mul3A_19 = arith.muli %arg1, %mul3A_18 : i32
    %mul3A_20 = arith.constant 640 : i32
    %mul3A_21 = arith.muli %arg1, %mul3A_20 : i32
    "tpu.region"() ({
      %run_scoped3A = tpu.sem_alloc : memref<!tpu.dma_semaphore, #tpu.memory_space<semaphore_mem>>
      %dma_start3A = arith.constant 0 : i32
      %dma_start3A_22 = arith.constant 0 : i32
      %dma_start3A_23 = tpu.memref_slice %arg6[%arg0, %dma_start3A, %dma_start3A_22] : memref<2x10240x128xf32, #tpu.memory_space<hbm>> -> memref<1x10240x128xf32, #tpu.memory_space<hbm>>
      %dma_start3A_24 = tpu.memref_squeeze %dma_start3A_23 : memref<1x10240x128xf32, #tpu.memory_space<hbm>> -> memref<10240x128xf32, #tpu.memory_space<hbm>>
      %dma_start3A_25 = arith.constant 0 : i32
      %dma_start3A_26 = tpu.memref_slice %dma_start3A_24[%mul3A_21, %dma_start3A_25] : memref<10240x128xf32, #tpu.memory_space<hbm>> -> memref<640x128xf32, #tpu.memory_space<hbm>>
      %dma_start3A_27 = arith.constant 0 : i32
      %dma_start3A_28 = tpu.memref_slice %arg10[%mul3A_19, %dma_start3A_27] : memref<10240x128xf32, #tpu.memory_space<vmem_shared>> -> memref<640x128xf32, #tpu.memory_space<vmem_shared>>
      tpu.enqueue_dma source(%dma_start3A_28 : memref<640x128xf32, #tpu.memory_space<vmem_shared>>) target(%dma_start3A_26 : memref<640x128xf32, #tpu.memory_space<hbm>>) target_semaphore(%run_scoped3A : memref<!tpu.dma_semaphore, #tpu.memory_space<semaphore_mem>>)
      %dma_wait3A = arith.constant 0 : i32
      %dma_wait3A_29 = arith.constant 0 : i32
      %dma_wait3A_30 = tpu.memref_slice %arg6[%arg0, %dma_wait3A, %dma_wait3A_29] : memref<2x10240x128xf32, #tpu.memory_space<hbm>> -> memref<1x10240x128xf32, #tpu.memory_space<hbm>>
      %dma_wait3A_31 = tpu.memref_squeeze %dma_wait3A_30 : memref<1x10240x128xf32, #tpu.memory_space<hbm>> -> memref<10240x128xf32, #tpu.memory_space<hbm>>
      %dma_wait3A_32 = arith.constant 0 : i32
      %dma_wait3A_33 = tpu.memref_slice %dma_wait3A_31[%mul3A_21, %dma_wait3A_32] : memref<10240x128xf32, #tpu.memory_space<hbm>> -> memref<640x128xf32, #tpu.memory_space<hbm>>
      %dma_wait3A_34 = arith.constant 0 : i32
      %dma_wait3A_35 = tpu.memref_slice %arg10[%mul3A_19, %dma_wait3A_34] : memref<10240x128xf32, #tpu.memory_space<vmem_shared>> -> memref<640x128xf32, #tpu.memory_space<vmem_shared>>
      tpu.wait_dma2 semaphore(%run_scoped3A : memref<!tpu.dma_semaphore, #tpu.memory_space<semaphore_mem>>) src(%dma_wait3A_35 : memref<640x128xf32, #tpu.memory_space<vmem_shared>>) dst(%dma_wait3A_33 : memref<640x128xf32, #tpu.memory_space<hbm>>)
      tpu.yield
    }) : () -> ()
    return
  }
}

#map = affine_map<(d0, d1) -> (0, 0, 0)>
#map1 = affine_map<(d0, d1) -> (0)>
#map2 = affine_map<(d0, d1) -> (0, 0)>
module attributes {stable_mosaic.version = 14 : i64} {
  func.func @_sc_deg_body(%arg0: i32, %arg1: i32, %arg2: memref<32x96x128xi32, #tpu.memory_space<hbm>>, %arg3: memref<16xf32, #tpu.memory_space<hbm>>, %arg4: memref<2x10240xf32, #tpu.memory_space<hbm>>, %arg5: memref<96x128xi32, #tpu.memory_space<vmem>>, %arg6: memref<10240xf32, #tpu.memory_space<vmem>>, %arg7: memref<16x640xf32, #tpu.memory_space<vmem>>, %arg8: memref<16xf32, #tpu.memory_space<vmem>>, %arg9: memref<16x10240xf32, #tpu.memory_space<vmem_shared>>) attributes {dimension_semantics = [#tpu.dimension_semantics<core_parallel>, #tpu.dimension_semantics<subcore_parallel>], iteration_bounds = array<i64: 2, 16>, scalar_prefetch = 0 : i64, scratch_operands = 5 : i64, tpu.core_type = #tpu.core_type<sc_vector_subcore>, window_params = [{transform_indices = #map}, {transform_indices = #map1}, {transform_indices = #map2}]} {
    %mul3A = arith.constant 16 : i32
    %mul3A_0 = arith.muli %arg0, %mul3A : i32
    %add3A = arith.addi %mul3A_0, %arg1 : i32
    "tpu.region"() ({
      %run_scoped3A_89 = tpu.sem_alloc : memref<!tpu.dma_semaphore, #tpu.memory_space<semaphore_mem>>
      %dma_start3A = arith.constant 0 : i32
      %dma_start3A_90 = arith.constant 0 : i32
      %dma_start3A_91 = tpu.memref_slice %arg2[%add3A, %dma_start3A, %dma_start3A_90] : memref<32x96x128xi32, #tpu.memory_space<hbm>> -> memref<1x96x128xi32, #tpu.memory_space<hbm>>
      %dma_start3A_92 = tpu.memref_squeeze %dma_start3A_91 : memref<1x96x128xi32, #tpu.memory_space<hbm>> -> memref<96x128xi32, #tpu.memory_space<hbm>>
      %dma_start3A_93 = arith.constant 0 : i32
      %dma_start3A_94 = arith.constant 0 : i32
      %dma_start3A_95 = tpu.memref_slice %arg2[%add3A, %dma_start3A_93, %dma_start3A_94] : memref<32x96x128xi32, #tpu.memory_space<hbm>> -> memref<1x96x128xi32, #tpu.memory_space<hbm>>
      %dma_start3A_96 = tpu.memref_squeeze %dma_start3A_95 : memref<1x96x128xi32, #tpu.memory_space<hbm>> -> memref<96x128xi32, #tpu.memory_space<hbm>>
      tpu.enqueue_dma source(%dma_start3A_96 : memref<96x128xi32, #tpu.memory_space<hbm>>) target(%arg5 : memref<96x128xi32, #tpu.memory_space<vmem>>) target_semaphore(%run_scoped3A_89 : memref<!tpu.dma_semaphore, #tpu.memory_space<semaphore_mem>>)
      %dma_wait3A = arith.constant 0 : i32
      %dma_wait3A_97 = arith.constant 0 : i32
      %dma_wait3A_98 = tpu.memref_slice %arg2[%add3A, %dma_wait3A, %dma_wait3A_97] : memref<32x96x128xi32, #tpu.memory_space<hbm>> -> memref<1x96x128xi32, #tpu.memory_space<hbm>>
      %dma_wait3A_99 = tpu.memref_squeeze %dma_wait3A_98 : memref<1x96x128xi32, #tpu.memory_space<hbm>> -> memref<96x128xi32, #tpu.memory_space<hbm>>
      %dma_wait3A_100 = arith.constant 0 : i32
      %dma_wait3A_101 = arith.constant 0 : i32
      %dma_wait3A_102 = tpu.memref_slice %arg2[%add3A, %dma_wait3A_100, %dma_wait3A_101] : memref<32x96x128xi32, #tpu.memory_space<hbm>> -> memref<1x96x128xi32, #tpu.memory_space<hbm>>
      %dma_wait3A_103 = tpu.memref_squeeze %dma_wait3A_102 : memref<1x96x128xi32, #tpu.memory_space<hbm>> -> memref<96x128xi32, #tpu.memory_space<hbm>>
      tpu.wait_dma2 semaphore(%run_scoped3A_89 : memref<!tpu.dma_semaphore, #tpu.memory_space<semaphore_mem>>) src(%dma_wait3A_103 : memref<96x128xi32, #tpu.memory_space<hbm>>) dst(%arg5 : memref<96x128xi32, #tpu.memory_space<vmem>>)
      tpu.yield
    }) : () -> ()
    "tpu.region"() ({
      %run_scoped3A_89 = tpu.sem_alloc : memref<!tpu.dma_semaphore, #tpu.memory_space<semaphore_mem>>
      tpu.enqueue_dma source(%arg3 : memref<16xf32, #tpu.memory_space<hbm>>) target(%arg8 : memref<16xf32, #tpu.memory_space<vmem>>) target_semaphore(%run_scoped3A_89 : memref<!tpu.dma_semaphore, #tpu.memory_space<semaphore_mem>>)
      tpu.wait_dma2 semaphore(%run_scoped3A_89 : memref<!tpu.dma_semaphore, #tpu.memory_space<semaphore_mem>>) src(%arg3 : memref<16xf32, #tpu.memory_space<hbm>>) dst(%arg8 : memref<16xf32, #tpu.memory_space<vmem>>)
      tpu.yield
    }) : () -> ()
    %get3A = arith.constant 0 : index
    %get3A_1 = tpu.vector_load %arg8[%get3A] {strides = array<i32>} : memref<16xf32, #tpu.memory_space<vmem>>, vector<16xf32>,
    %sub3A = arith.subf %get3A_1, %get3A_1 : vector<16xf32>
    %scan3A = arith.constant 0 : i32
    %scan3A_2 = arith.constant 0 : i32
    %scan3A_3 = arith.constant 640 : i32
    %scan3A_4 = arith.addi %scan3A_2, %scan3A_3 : i32
    %scan3A_5 = arith.constant 1 : i32
    scf.for %scan3A_89 = %scan3A_2 to %scan3A_4 step %scan3A_5  : i32 {
      %mul3A_90 = arith.constant 16 : i32
      %mul3A_91 = arith.muli %scan3A_89, %mul3A_90 : i32
      %swap3A = arith.index_cast %mul3A_91 : i32 to index
      %swap3A_92 = tpu.vector_load %arg6[%swap3A] {strides = array<i32>} : memref<10240xf32, #tpu.memory_space<vmem>>, vector<16xf32>,
      tpu.vector_store %arg6[%swap3A], %sub3A {strides = array<i32>} : memref<10240xf32, #tpu.memory_space<vmem>>, vector<16xf32>,
    }
    %scan3A_6 = arith.constant 640 : i32
    %eq3A = arith.constant 0 : i32
    %eq3A_7 = arith.cmpi eq, %arg0, %eq3A : i32
    %jit3A = arith.constant 96 : i32
    %jit3A_8 = arith.constant 61 : i32
    %select_n3A = arith.select %eq3A_7, %jit3A, %jit3A_8 : i32
    %while3A = arith.constant 0 : i32
    %while3A_9 = arith.constant 0 : i32
    %while3A_10 = arith.subi %select_n3A, %while3A_9 : i32
    %while3A_11 = arith.addi %while3A_9, %while3A_10 : i32
    %while3A_12 = arith.constant 1 : i32
    %while3A_13 = arith.divsi %while3A_10, %while3A_12 : i32
    %while3A_14 = arith.muli %while3A_13, %while3A_12 : i32
    %while3A_15 = arith.addi %while3A_9, %while3A_14 : i32
    %while3A_16 = arith.constant 1 : i32
    scf.for %while3A_89 = %while3A_9 to %while3A_15 step %while3A_16  : i32 {
      %get3A_90 = arith.index_cast %while3A_89 : i32 to index
      %get3A_91 = arith.constant 0 : index
      %get3A_92 = tpu.vector_load %arg5[%get3A_90, %get3A_91] {strides = array<i32>} : memref<96x128xi32, #tpu.memory_space<vmem>>, vector<16xi32>,
      tpu.vector_store_idx %arg6[%get3A_92], %get3A_1 {add = true} : memref<10240xf32, #tpu.memory_space<vmem>>[vector<16xi32>], vector<16xf32>,
      %get3A_93 = arith.index_cast %while3A_89 : i32 to index
      %get3A_94 = arith.constant 16 : index
      %get3A_95 = tpu.vector_load %arg5[%get3A_93, %get3A_94] {strides = array<i32>} : memref<96x128xi32, #tpu.memory_space<vmem>>, vector<16xi32>,
      tpu.vector_store_idx %arg6[%get3A_95], %get3A_1 {add = true} : memref<10240xf32, #tpu.memory_space<vmem>>[vector<16xi32>], vector<16xf32>,
      %get3A_96 = arith.index_cast %while3A_89 : i32 to index
      %get3A_97 = arith.constant 32 : index
      %get3A_98 = tpu.vector_load %arg5[%get3A_96, %get3A_97] {strides = array<i32>} : memref<96x128xi32, #tpu.memory_space<vmem>>, vector<16xi32>,
      tpu.vector_store_idx %arg6[%get3A_98], %get3A_1 {add = true} : memref<10240xf32, #tpu.memory_space<vmem>>[vector<16xi32>], vector<16xf32>,
      %get3A_99 = arith.index_cast %while3A_89 : i32 to index
      %get3A_100 = arith.constant 48 : index
      %get3A_101 = tpu.vector_load %arg5[%get3A_99, %get3A_100] {strides = array<i32>} : memref<96x128xi32, #tpu.memory_space<vmem>>, vector<16xi32>,
      tpu.vector_store_idx %arg6[%get3A_101], %get3A_1 {add = true} : memref<10240xf32, #tpu.memory_space<vmem>>[vector<16xi32>], vector<16xf32>,
      %get3A_102 = arith.index_cast %while3A_89 : i32 to index
      %get3A_103 = arith.constant 64 : index
      %get3A_104 = tpu.vector_load %arg5[%get3A_102, %get3A_103] {strides = array<i32>} : memref<96x128xi32, #tpu.memory_space<vmem>>, vector<16xi32>,
      tpu.vector_store_idx %arg6[%get3A_104], %get3A_1 {add = true} : memref<10240xf32, #tpu.memory_space<vmem>>[vector<16xi32>], vector<16xf32>,
      %get3A_105 = arith.index_cast %while3A_89 : i32 to index
      %get3A_106 = arith.constant 80 : index
      %get3A_107 = tpu.vector_load %arg5[%get3A_105, %get3A_106] {strides = array<i32>} : memref<96x128xi32, #tpu.memory_space<vmem>>, vector<16xi32>,
      tpu.vector_store_idx %arg6[%get3A_107], %get3A_1 {add = true} : memref<10240xf32, #tpu.memory_space<vmem>>[vector<16xi32>], vector<16xf32>,
      %get3A_108 = arith.index_cast %while3A_89 : i32 to index
      %get3A_109 = arith.constant 96 : index
      %get3A_110 = tpu.vector_load %arg5[%get3A_108, %get3A_109] {strides = array<i32>} : memref<96x128xi32, #tpu.memory_space<vmem>>, vector<16xi32>,
      tpu.vector_store_idx %arg6[%get3A_110], %get3A_1 {add = true} : memref<10240xf32, #tpu.memory_space<vmem>>[vector<16xi32>], vector<16xf32>,
      %get3A_111 = arith.index_cast %while3A_89 : i32 to index
      %get3A_112 = arith.constant 112 : index
      %get3A_113 = tpu.vector_load %arg5[%get3A_111, %get3A_112] {strides = array<i32>} : memref<96x128xi32, #tpu.memory_space<vmem>>, vector<16xi32>,
      tpu.vector_store_idx %arg6[%get3A_113], %get3A_1 {add = true} : memref<10240xf32, #tpu.memory_space<vmem>>[vector<16xi32>], vector<16xf32>,
    }
    %while3A_17 = arith.constant 1 : i32
    scf.for %while3A_89 = %while3A_15 to %while3A_11 step %while3A_17  : i32 {
      %get3A_90 = arith.index_cast %while3A_89 : i32 to index
      %get3A_91 = arith.constant 0 : index
      %get3A_92 = tpu.vector_load %arg5[%get3A_90, %get3A_91] {strides = array<i32>} : memref<96x128xi32, #tpu.memory_space<vmem>>, vector<16xi32>,
      tpu.vector_store_idx %arg6[%get3A_92], %get3A_1 {add = true} : memref<10240xf32, #tpu.memory_space<vmem>>[vector<16xi32>], vector<16xf32>,
      %get3A_93 = arith.index_cast %while3A_89 : i32 to index
      %get3A_94 = arith.constant 16 : index
      %get3A_95 = tpu.vector_load %arg5[%get3A_93, %get3A_94] {strides = array<i32>} : memref<96x128xi32, #tpu.memory_space<vmem>>, vector<16xi32>,
      tpu.vector_store_idx %arg6[%get3A_95], %get3A_1 {add = true} : memref<10240xf32, #tpu.memory_space<vmem>>[vector<16xi32>], vector<16xf32>,
      %get3A_96 = arith.index_cast %while3A_89 : i32 to index
      %get3A_97 = arith.constant 32 : index
      %get3A_98 = tpu.vector_load %arg5[%get3A_96, %get3A_97] {strides = array<i32>} : memref<96x128xi32, #tpu.memory_space<vmem>>, vector<16xi32>,
      tpu.vector_store_idx %arg6[%get3A_98], %get3A_1 {add = true} : memref<10240xf32, #tpu.memory_space<vmem>>[vector<16xi32>], vector<16xf32>,
      %get3A_99 = arith.index_cast %while3A_89 : i32 to index
      %get3A_100 = arith.constant 48 : index
      %get3A_101 = tpu.vector_load %arg5[%get3A_99, %get3A_100] {strides = array<i32>} : memref<96x128xi32, #tpu.memory_space<vmem>>, vector<16xi32>,
      tpu.vector_store_idx %arg6[%get3A_101], %get3A_1 {add = true} : memref<10240xf32, #tpu.memory_space<vmem>>[vector<16xi32>], vector<16xf32>,
      %get3A_102 = arith.index_cast %while3A_89 : i32 to index
      %get3A_103 = arith.constant 64 : index
      %get3A_104 = tpu.vector_load %arg5[%get3A_102, %get3A_103] {strides = array<i32>} : memref<96x128xi32, #tpu.memory_space<vmem>>, vector<16xi32>,
      tpu.vector_store_idx %arg6[%get3A_104], %get3A_1 {add = true} : memref<10240xf32, #tpu.memory_space<vmem>>[vector<16xi32>], vector<16xf32>,
      %get3A_105 = arith.index_cast %while3A_89 : i32 to index
      %get3A_106 = arith.constant 80 : index
      %get3A_107 = tpu.vector_load %arg5[%get3A_105, %get3A_106] {strides = array<i32>} : memref<96x128xi32, #tpu.memory_space<vmem>>, vector<16xi32>,
      tpu.vector_store_idx %arg6[%get3A_107], %get3A_1 {add = true} : memref<10240xf32, #tpu.memory_space<vmem>>[vector<16xi32>], vector<16xf32>,
      %get3A_108 = arith.index_cast %while3A_89 : i32 to index
      %get3A_109 = arith.constant 96 : index
      %get3A_110 = tpu.vector_load %arg5[%get3A_108, %get3A_109] {strides = array<i32>} : memref<96x128xi32, #tpu.memory_space<vmem>>, vector<16xi32>,
      tpu.vector_store_idx %arg6[%get3A_110], %get3A_1 {add = true} : memref<10240xf32, #tpu.memory_space<vmem>>[vector<16xi32>], vector<16xf32>,
      %get3A_111 = arith.index_cast %while3A_89 : i32 to index
      %get3A_112 = arith.constant 112 : index
      %get3A_113 = tpu.vector_load %arg5[%get3A_111, %get3A_112] {strides = array<i32>} : memref<96x128xi32, #tpu.memory_space<vmem>>, vector<16xi32>,
      tpu.vector_store_idx %arg6[%get3A_113], %get3A_1 {add = true} : memref<10240xf32, #tpu.memory_space<vmem>>[vector<16xi32>], vector<16xf32>,
    }
    "tpu.region"() ({
      %run_scoped3A_89 = tpu.sem_alloc : memref<!tpu.dma_semaphore, #tpu.memory_space<semaphore_mem>>
      %dma_start3A = arith.constant 0 : i32
      %dma_start3A_90 = tpu.memref_slice %arg9[%arg1, %dma_start3A] : memref<16x10240xf32, #tpu.memory_space<vmem_shared>> -> memref<1x10240xf32, #tpu.memory_space<vmem_shared>>
      %dma_start3A_91 = tpu.memref_squeeze %dma_start3A_90 : memref<1x10240xf32, #tpu.memory_space<vmem_shared>> -> memref<10240xf32, #tpu.memory_space<vmem_shared>>
      %dma_start3A_92 = arith.constant 0 : i32
      %dma_start3A_93 = tpu.memref_slice %arg9[%arg1, %dma_start3A_92] : memref<16x10240xf32, #tpu.memory_space<vmem_shared>> -> memref<1x10240xf32, #tpu.memory_space<vmem_shared>>
      %dma_start3A_94 = tpu.memref_squeeze %dma_start3A_93 : memref<1x10240xf32, #tpu.memory_space<vmem_shared>> -> memref<10240xf32, #tpu.memory_space<vmem_shared>>
      tpu.enqueue_dma source(%arg6 : memref<10240xf32, #tpu.memory_space<vmem>>) target(%dma_start3A_94 : memref<10240xf32, #tpu.memory_space<vmem_shared>>) target_semaphore(%run_scoped3A_89 : memref<!tpu.dma_semaphore, #tpu.memory_space<semaphore_mem>>)
      %dma_wait3A = arith.constant 0 : i32
      %dma_wait3A_95 = tpu.memref_slice %arg9[%arg1, %dma_wait3A] : memref<16x10240xf32, #tpu.memory_space<vmem_shared>> -> memref<1x10240xf32, #tpu.memory_space<vmem_shared>>
      %dma_wait3A_96 = tpu.memref_squeeze %dma_wait3A_95 : memref<1x10240xf32, #tpu.memory_space<vmem_shared>> -> memref<10240xf32, #tpu.memory_space<vmem_shared>>
      %dma_wait3A_97 = arith.constant 0 : i32
      %dma_wait3A_98 = tpu.memref_slice %arg9[%arg1, %dma_wait3A_97] : memref<16x10240xf32, #tpu.memory_space<vmem_shared>> -> memref<1x10240xf32, #tpu.memory_space<vmem_shared>>
      %dma_wait3A_99 = tpu.memref_squeeze %dma_wait3A_98 : memref<1x10240xf32, #tpu.memory_space<vmem_shared>> -> memref<10240xf32, #tpu.memory_space<vmem_shared>>
      tpu.wait_dma2 semaphore(%run_scoped3A_89 : memref<!tpu.dma_semaphore, #tpu.memory_space<semaphore_mem>>) src(%arg6 : memref<10240xf32, #tpu.memory_space<vmem>>) dst(%dma_wait3A_99 : memref<10240xf32, #tpu.memory_space<vmem_shared>>)
      tpu.yield
    }) : () -> ()
    %barrier3A = arith.constant 0 : index
    tpu.barrier barrier_id(%barrier3A)
    %mul3A_18 = arith.constant 640 : i32
    %mul3A_19 = arith.muli %arg1, %mul3A_18 : i32
    %run_scoped3A = arith.constant 0 : i32
    %run_scoped3A_20 = arith.constant 0 : i32
    "tpu.region"() ({
      %run_scoped3A_89 = tpu.sem_alloc : memref<!tpu.dma_semaphore, #tpu.memory_space<semaphore_mem>>
      %dma_start3A = arith.constant 0 : i32
      %dma_start3A_90 = tpu.memref_slice %arg7[%run_scoped3A_20, %dma_start3A] : memref<16x640xf32, #tpu.memory_space<vmem>> -> memref<1x640xf32, #tpu.memory_space<vmem>>
      %dma_start3A_91 = tpu.memref_squeeze %dma_start3A_90 : memref<1x640xf32, #tpu.memory_space<vmem>> -> memref<640xf32, #tpu.memory_space<vmem>>
      %dma_start3A_92 = arith.constant 0 : i32
      %dma_start3A_93 = tpu.memref_slice %arg9[%run_scoped3A, %dma_start3A_92] : memref<16x10240xf32, #tpu.memory_space<vmem_shared>> -> memref<1x10240xf32, #tpu.memory_space<vmem_shared>>
      %dma_start3A_94 = tpu.memref_squeeze %dma_start3A_93 : memref<1x10240xf32, #tpu.memory_space<vmem_shared>> -> memref<10240xf32, #tpu.memory_space<vmem_shared>>
      %dma_start3A_95 = tpu.memref_slice %dma_start3A_94[%mul3A_19] : memref<10240xf32, #tpu.memory_space<vmem_shared>> -> memref<640xf32, #tpu.memory_space<vmem_shared>>
      %dma_start3A_96 = arith.constant 0 : i32
      %dma_start3A_97 = tpu.memref_slice %arg7[%run_scoped3A_20, %dma_start3A_96] : memref<16x640xf32, #tpu.memory_space<vmem>> -> memref<1x640xf32, #tpu.memory_space<vmem>>
      %dma_start3A_98 = tpu.memref_squeeze %dma_start3A_97 : memref<1x640xf32, #tpu.memory_space<vmem>> -> memref<640xf32, #tpu.memory_space<vmem>>
      %dma_start3A_99 = arith.constant 0 : i32
      %dma_start3A_100 = tpu.memref_slice %arg9[%run_scoped3A, %dma_start3A_99] : memref<16x10240xf32, #tpu.memory_space<vmem_shared>> -> memref<1x10240xf32, #tpu.memory_space<vmem_shared>>
      %dma_start3A_101 = tpu.memref_squeeze %dma_start3A_100 : memref<1x10240xf32, #tpu.memory_space<vmem_shared>> -> memref<10240xf32, #tpu.memory_space<vmem_shared>>
      %dma_start3A_102 = tpu.memref_slice %dma_start3A_101[%mul3A_19] : memref<10240xf32, #tpu.memory_space<vmem_shared>> -> memref<640xf32, #tpu.memory_space<vmem_shared>>
      tpu.enqueue_dma source(%dma_start3A_102 : memref<640xf32, #tpu.memory_space<vmem_shared>>) target(%dma_start3A_98 : memref<640xf32, #tpu.memory_space<vmem>>) target_semaphore(%run_scoped3A_89 : memref<!tpu.dma_semaphore, #tpu.memory_space<semaphore_mem>>)
      %dma_wait3A = arith.constant 0 : i32
      %dma_wait3A_103 = tpu.memref_slice %arg7[%run_scoped3A_20, %dma_wait3A] : memref<16x640xf32, #tpu.memory_space<vmem>> -> memref<1x640xf32, #tpu.memory_space<vmem>>
      %dma_wait3A_104 = tpu.memref_squeeze %dma_wait3A_103 : memref<1x640xf32, #tpu.memory_space<vmem>> -> memref<640xf32, #tpu.memory_space<vmem>>
      %dma_wait3A_105 = arith.constant 0 : i32
      %dma_wait3A_106 = tpu.memref_slice %arg9[%run_scoped3A, %dma_wait3A_105] : memref<16x10240xf32, #tpu.memory_space<vmem_shared>> -> memref<1x10240xf32, #tpu.memory_space<vmem_shared>>
      %dma_wait3A_107 = tpu.memref_squeeze %dma_wait3A_106 : memref<1x10240xf32, #tpu.memory_space<vmem_shared>> -> memref<10240xf32, #tpu.memory_space<vmem_shared>>
      %dma_wait3A_108 = tpu.memref_slice %dma_wait3A_107[%mul3A_19] : memref<10240xf32, #tpu.memory_space<vmem_shared>> -> memref<640xf32, #tpu.memory_space<vmem_shared>>
      %dma_wait3A_109 = arith.constant 0 : i32
      %dma_wait3A_110 = tpu.memref_slice %arg7[%run_scoped3A_20, %dma_wait3A_109] : memref<16x640xf32, #tpu.memory_space<vmem>> -> memref<1x640xf32, #tpu.memory_space<vmem>>
      %dma_wait3A_111 = tpu.memref_squeeze %dma_wait3A_110 : memref<1x640xf32, #tpu.memory_space<vmem>> -> memref<640xf32, #tpu.memory_space<vmem>>
      %dma_wait3A_112 = arith.constant 0 : i32
      %dma_wait3A_113 = tpu.memref_slice %arg9[%run_scoped3A, %dma_wait3A_112] : memref<16x10240xf32, #tpu.memory_space<vmem_shared>> -> memref<1x10240xf32, #tpu.memory_space<vmem_shared>>
      %dma_wait3A_114 = tpu.memref_squeeze %dma_wait3A_113 : memref<1x10240xf32, #tpu.memory_space<vmem_shared>> -> memref<10240xf32, #tpu.memory_space<vmem_shared>>
      %dma_wait3A_115 = tpu.memref_slice %dma_wait3A_114[%mul3A_19] : memref<10240xf32, #tpu.memory_space<vmem_shared>> -> memref<640xf32, #tpu.memory_space<vmem_shared>>
      tpu.wait_dma2 semaphore(%run_scoped3A_89 : memref<!tpu.dma_semaphore, #tpu.memory_space<semaphore_mem>>) src(%dma_wait3A_115 : memref<640xf32, #tpu.memory_space<vmem_shared>>) dst(%dma_wait3A_111 : memref<640xf32, #tpu.memory_space<vmem>>)
      tpu.yield
    }) : () -> ()
    %mul3A_21 = arith.constant 640 : i32
    %mul3A_22 = arith.muli %arg1, %mul3A_21 : i32
    %run_scoped3A_23 = arith.constant 1 : i32
    %run_scoped3A_24 = arith.constant 1 : i32
    "tpu.region"() ({
      %run_scoped3A_89 = tpu.sem_alloc : memref<!tpu.dma_semaphore, #tpu.memory_space<semaphore_mem>>
      %dma_start3A = arith.constant 0 : i32
      %dma_start3A_90 = tpu.memref_slice %arg7[%run_scoped3A_24, %dma_start3A] : memref<16x640xf32, #tpu.memory_space<vmem>> -> memref<1x640xf32, #tpu.memory_space<vmem>>
      %dma_start3A_91 = tpu.memref_squeeze %dma_start3A_90 : memref<1x640xf32, #tpu.memory_space<vmem>> -> memref<640xf32, #tpu.memory_space<vmem>>
      %dma_start3A_92 = arith.constant 0 : i32
      %dma_start3A_93 = tpu.memref_slice %arg9[%run_scoped3A_23, %dma_start3A_92] : memref<16x10240xf32, #tpu.memory_space<vmem_shared>> -> memref<1x10240xf32, #tpu.memory_space<vmem_shared>>
      %dma_start3A_94 = tpu.memref_squeeze %dma_start3A_93 : memref<1x10240xf32, #tpu.memory_space<vmem_shared>> -> memref<10240xf32, #tpu.memory_space<vmem_shared>>
      %dma_start3A_95 = tpu.memref_slice %dma_start3A_94[%mul3A_22] : memref<10240xf32, #tpu.memory_space<vmem_shared>> -> memref<640xf32, #tpu.memory_space<vmem_shared>>
      %dma_start3A_96 = arith.constant 0 : i32
      %dma_start3A_97 = tpu.memref_slice %arg7[%run_scoped3A_24, %dma_start3A_96] : memref<16x640xf32, #tpu.memory_space<vmem>> -> memref<1x640xf32, #tpu.memory_space<vmem>>
      %dma_start3A_98 = tpu.memref_squeeze %dma_start3A_97 : memref<1x640xf32, #tpu.memory_space<vmem>> -> memref<640xf32, #tpu.memory_space<vmem>>
      %dma_start3A_99 = arith.constant 0 : i32
      %dma_start3A_100 = tpu.memref_slice %arg9[%run_scoped3A_23, %dma_start3A_99] : memref<16x10240xf32, #tpu.memory_space<vmem_shared>> -> memref<1x10240xf32, #tpu.memory_space<vmem_shared>>
      %dma_start3A_101 = tpu.memref_squeeze %dma_start3A_100 : memref<1x10240xf32, #tpu.memory_space<vmem_shared>> -> memref<10240xf32, #tpu.memory_space<vmem_shared>>
      %dma_start3A_102 = tpu.memref_slice %dma_start3A_101[%mul3A_22] : memref<10240xf32, #tpu.memory_space<vmem_shared>> -> memref<640xf32, #tpu.memory_space<vmem_shared>>
      tpu.enqueue_dma source(%dma_start3A_102 : memref<640xf32, #tpu.memory_space<vmem_shared>>) target(%dma_start3A_98 : memref<640xf32, #tpu.memory_space<vmem>>) target_semaphore(%run_scoped3A_89 : memref<!tpu.dma_semaphore, #tpu.memory_space<semaphore_mem>>)
      %dma_wait3A = arith.constant 0 : i32
      %dma_wait3A_103 = tpu.memref_slice %arg7[%run_scoped3A_24, %dma_wait3A] : memref<16x640xf32, #tpu.memory_space<vmem>> -> memref<1x640xf32, #tpu.memory_space<vmem>>
      %dma_wait3A_104 = tpu.memref_squeeze %dma_wait3A_103 : memref<1x640xf32, #tpu.memory_space<vmem>> -> memref<640xf32, #tpu.memory_space<vmem>>
      %dma_wait3A_105 = arith.constant 0 : i32
      %dma_wait3A_106 = tpu.memref_slice %arg9[%run_scoped3A_23, %dma_wait3A_105] : memref<16x10240xf32, #tpu.memory_space<vmem_shared>> -> memref<1x10240xf32, #tpu.memory_space<vmem_shared>>
      %dma_wait3A_107 = tpu.memref_squeeze %dma_wait3A_106 : memref<1x10240xf32, #tpu.memory_space<vmem_shared>> -> memref<10240xf32, #tpu.memory_space<vmem_shared>>
      %dma_wait3A_108 = tpu.memref_slice %dma_wait3A_107[%mul3A_22] : memref<10240xf32, #tpu.memory_space<vmem_shared>> -> memref<640xf32, #tpu.memory_space<vmem_shared>>
      %dma_wait3A_109 = arith.constant 0 : i32
      %dma_wait3A_110 = tpu.memref_slice %arg7[%run_scoped3A_24, %dma_wait3A_109] : memref<16x640xf32, #tpu.memory_space<vmem>> -> memref<1x640xf32, #tpu.memory_space<vmem>>
      %dma_wait3A_111 = tpu.memref_squeeze %dma_wait3A_110 : memref<1x640xf32, #tpu.memory_space<vmem>> -> memref<640xf32, #tpu.memory_space<vmem>>
      %dma_wait3A_112 = arith.constant 0 : i32
      %dma_wait3A_113 = tpu.memref_slice %arg9[%run_scoped3A_23, %dma_wait3A_112] : memref<16x10240xf32, #tpu.memory_space<vmem_shared>> -> memref<1x10240xf32, #tpu.memory_space<vmem_shared>>
      %dma_wait3A_114 = tpu.memref_squeeze %dma_wait3A_113 : memref<1x10240xf32, #tpu.memory_space<vmem_shared>> -> memref<10240xf32, #tpu.memory_space<vmem_shared>>
      %dma_wait3A_115 = tpu.memref_slice %dma_wait3A_114[%mul3A_22] : memref<10240xf32, #tpu.memory_space<vmem_shared>> -> memref<640xf32, #tpu.memory_space<vmem_shared>>
      tpu.wait_dma2 semaphore(%run_scoped3A_89 : memref<!tpu.dma_semaphore, #tpu.memory_space<semaphore_mem>>) src(%dma_wait3A_115 : memref<640xf32, #tpu.memory_space<vmem_shared>>) dst(%dma_wait3A_111 : memref<640xf32, #tpu.memory_space<vmem>>)
      tpu.yield
    }) : () -> ()
    %mul3A_25 = arith.constant 640 : i32
    %mul3A_26 = arith.muli %arg1, %mul3A_25 : i32
    %run_scoped3A_27 = arith.constant 2 : i32
    %run_scoped3A_28 = arith.constant 2 : i32
    "tpu.region"() ({
      %run_scoped3A_89 = tpu.sem_alloc : memref<!tpu.dma_semaphore, #tpu.memory_space<semaphore_mem>>
      %dma_start3A = arith.constant 0 : i32
      %dma_start3A_90 = tpu.memref_slice %arg7[%run_scoped3A_28, %dma_start3A] : memref<16x640xf32, #tpu.memory_space<vmem>> -> memref<1x640xf32, #tpu.memory_space<vmem>>
      %dma_start3A_91 = tpu.memref_squeeze %dma_start3A_90 : memref<1x640xf32, #tpu.memory_space<vmem>> -> memref<640xf32, #tpu.memory_space<vmem>>
      %dma_start3A_92 = arith.constant 0 : i32
      %dma_start3A_93 = tpu.memref_slice %arg9[%run_scoped3A_27, %dma_start3A_92] : memref<16x10240xf32, #tpu.memory_space<vmem_shared>> -> memref<1x10240xf32, #tpu.memory_space<vmem_shared>>
      %dma_start3A_94 = tpu.memref_squeeze %dma_start3A_93 : memref<1x10240xf32, #tpu.memory_space<vmem_shared>> -> memref<10240xf32, #tpu.memory_space<vmem_shared>>
      %dma_start3A_95 = tpu.memref_slice %dma_start3A_94[%mul3A_26] : memref<10240xf32, #tpu.memory_space<vmem_shared>> -> memref<640xf32, #tpu.memory_space<vmem_shared>>
      %dma_start3A_96 = arith.constant 0 : i32
      %dma_start3A_97 = tpu.memref_slice %arg7[%run_scoped3A_28, %dma_start3A_96] : memref<16x640xf32, #tpu.memory_space<vmem>> -> memref<1x640xf32, #tpu.memory_space<vmem>>
      %dma_start3A_98 = tpu.memref_squeeze %dma_start3A_97 : memref<1x640xf32, #tpu.memory_space<vmem>> -> memref<640xf32, #tpu.memory_space<vmem>>
      %dma_start3A_99 = arith.constant 0 : i32
      %dma_start3A_100 = tpu.memref_slice %arg9[%run_scoped3A_27, %dma_start3A_99] : memref<16x10240xf32, #tpu.memory_space<vmem_shared>> -> memref<1x10240xf32, #tpu.memory_space<vmem_shared>>
      %dma_start3A_101 = tpu.memref_squeeze %dma_start3A_100 : memref<1x10240xf32, #tpu.memory_space<vmem_shared>> -> memref<10240xf32, #tpu.memory_space<vmem_shared>>
      %dma_start3A_102 = tpu.memref_slice %dma_start3A_101[%mul3A_26] : memref<10240xf32, #tpu.memory_space<vmem_shared>> -> memref<640xf32, #tpu.memory_space<vmem_shared>>
      tpu.enqueue_dma source(%dma_start3A_102 : memref<640xf32, #tpu.memory_space<vmem_shared>>) target(%dma_start3A_98 : memref<640xf32, #tpu.memory_space<vmem>>) target_semaphore(%run_scoped3A_89 : memref<!tpu.dma_semaphore, #tpu.memory_space<semaphore_mem>>)
      %dma_wait3A = arith.constant 0 : i32
      %dma_wait3A_103 = tpu.memref_slice %arg7[%run_scoped3A_28, %dma_wait3A] : memref<16x640xf32, #tpu.memory_space<vmem>> -> memref<1x640xf32, #tpu.memory_space<vmem>>
      %dma_wait3A_104 = tpu.memref_squeeze %dma_wait3A_103 : memref<1x640xf32, #tpu.memory_space<vmem>> -> memref<640xf32, #tpu.memory_space<vmem>>
      %dma_wait3A_105 = arith.constant 0 : i32
      %dma_wait3A_106 = tpu.memref_slice %arg9[%run_scoped3A_27, %dma_wait3A_105] : memref<16x10240xf32, #tpu.memory_space<vmem_shared>> -> memref<1x10240xf32, #tpu.memory_space<vmem_shared>>
      %dma_wait3A_107 = tpu.memref_squeeze %dma_wait3A_106 : memref<1x10240xf32, #tpu.memory_space<vmem_shared>> -> memref<10240xf32, #tpu.memory_space<vmem_shared>>
      %dma_wait3A_108 = tpu.memref_slice %dma_wait3A_107[%mul3A_26] : memref<10240xf32, #tpu.memory_space<vmem_shared>> -> memref<640xf32, #tpu.memory_space<vmem_shared>>
      %dma_wait3A_109 = arith.constant 0 : i32
      %dma_wait3A_110 = tpu.memref_slice %arg7[%run_scoped3A_28, %dma_wait3A_109] : memref<16x640xf32, #tpu.memory_space<vmem>> -> memref<1x640xf32, #tpu.memory_space<vmem>>
      %dma_wait3A_111 = tpu.memref_squeeze %dma_wait3A_110 : memref<1x640xf32, #tpu.memory_space<vmem>> -> memref<640xf32, #tpu.memory_space<vmem>>
      %dma_wait3A_112 = arith.constant 0 : i32
      %dma_wait3A_113 = tpu.memref_slice %arg9[%run_scoped3A_27, %dma_wait3A_112] : memref<16x10240xf32, #tpu.memory_space<vmem_shared>> -> memref<1x10240xf32, #tpu.memory_space<vmem_shared>>
      %dma_wait3A_114 = tpu.memref_squeeze %dma_wait3A_113 : memref<1x10240xf32, #tpu.memory_space<vmem_shared>> -> memref<10240xf32, #tpu.memory_space<vmem_shared>>
      %dma_wait3A_115 = tpu.memref_slice %dma_wait3A_114[%mul3A_26] : memref<10240xf32, #tpu.memory_space<vmem_shared>> -> memref<640xf32, #tpu.memory_space<vmem_shared>>
      tpu.wait_dma2 semaphore(%run_scoped3A_89 : memref<!tpu.dma_semaphore, #tpu.memory_space<semaphore_mem>>) src(%dma_wait3A_115 : memref<640xf32, #tpu.memory_space<vmem_shared>>) dst(%dma_wait3A_111 : memref<640xf32, #tpu.memory_space<vmem>>)
      tpu.yield
    }) : () -> ()
    %mul3A_29 = arith.constant 640 : i32
    %mul3A_30 = arith.muli %arg1, %mul3A_29 : i32
    %run_scoped3A_31 = arith.constant 3 : i32
    %run_scoped3A_32 = arith.constant 3 : i32
    "tpu.region"() ({
      %run_scoped3A_89 = tpu.sem_alloc : memref<!tpu.dma_semaphore, #tpu.memory_space<semaphore_mem>>
      %dma_start3A = arith.constant 0 : i32
      %dma_start3A_90 = tpu.memref_slice %arg7[%run_scoped3A_32, %dma_start3A] : memref<16x640xf32, #tpu.memory_space<vmem>> -> memref<1x640xf32, #tpu.memory_space<vmem>>
      %dma_start3A_91 = tpu.memref_squeeze %dma_start3A_90 : memref<1x640xf32, #tpu.memory_space<vmem>> -> memref<640xf32, #tpu.memory_space<vmem>>
      %dma_start3A_92 = arith.constant 0 : i32
      %dma_start3A_93 = tpu.memref_slice %arg9[%run_scoped3A_31, %dma_start3A_92] : memref<16x10240xf32, #tpu.memory_space<vmem_shared>> -> memref<1x10240xf32, #tpu.memory_space<vmem_shared>>
      %dma_start3A_94 = tpu.memref_squeeze %dma_start3A_93 : memref<1x10240xf32, #tpu.memory_space<vmem_shared>> -> memref<10240xf32, #tpu.memory_space<vmem_shared>>
      %dma_start3A_95 = tpu.memref_slice %dma_start3A_94[%mul3A_30] : memref<10240xf32, #tpu.memory_space<vmem_shared>> -> memref<640xf32, #tpu.memory_space<vmem_shared>>
      %dma_start3A_96 = arith.constant 0 : i32
      %dma_start3A_97 = tpu.memref_slice %arg7[%run_scoped3A_32, %dma_start3A_96] : memref<16x640xf32, #tpu.memory_space<vmem>> -> memref<1x640xf32, #tpu.memory_space<vmem>>
      %dma_start3A_98 = tpu.memref_squeeze %dma_start3A_97 : memref<1x640xf32, #tpu.memory_space<vmem>> -> memref<640xf32, #tpu.memory_space<vmem>>
      %dma_start3A_99 = arith.constant 0 : i32
      %dma_start3A_100 = tpu.memref_slice %arg9[%run_scoped3A_31, %dma_start3A_99] : memref<16x10240xf32, #tpu.memory_space<vmem_shared>> -> memref<1x10240xf32, #tpu.memory_space<vmem_shared>>
      %dma_start3A_101 = tpu.memref_squeeze %dma_start3A_100 : memref<1x10240xf32, #tpu.memory_space<vmem_shared>> -> memref<10240xf32, #tpu.memory_space<vmem_shared>>
      %dma_start3A_102 = tpu.memref_slice %dma_start3A_101[%mul3A_30] : memref<10240xf32, #tpu.memory_space<vmem_shared>> -> memref<640xf32, #tpu.memory_space<vmem_shared>>
      tpu.enqueue_dma source(%dma_start3A_102 : memref<640xf32, #tpu.memory_space<vmem_shared>>) target(%dma_start3A_98 : memref<640xf32, #tpu.memory_space<vmem>>) target_semaphore(%run_scoped3A_89 : memref<!tpu.dma_semaphore, #tpu.memory_space<semaphore_mem>>)
      %dma_wait3A = arith.constant 0 : i32
      %dma_wait3A_103 = tpu.memref_slice %arg7[%run_scoped3A_32, %dma_wait3A] : memref<16x640xf32, #tpu.memory_space<vmem>> -> memref<1x640xf32, #tpu.memory_space<vmem>>
      %dma_wait3A_104 = tpu.memref_squeeze %dma_wait3A_103 : memref<1x640xf32, #tpu.memory_space<vmem>> -> memref<640xf32, #tpu.memory_space<vmem>>
      %dma_wait3A_105 = arith.constant 0 : i32
      %dma_wait3A_106 = tpu.memref_slice %arg9[%run_scoped3A_31, %dma_wait3A_105] : memref<16x10240xf32, #tpu.memory_space<vmem_shared>> -> memref<1x10240xf32, #tpu.memory_space<vmem_shared>>
      %dma_wait3A_107 = tpu.memref_squeeze %dma_wait3A_106 : memref<1x10240xf32, #tpu.memory_space<vmem_shared>> -> memref<10240xf32, #tpu.memory_space<vmem_shared>>
      %dma_wait3A_108 = tpu.memref_slice %dma_wait3A_107[%mul3A_30] : memref<10240xf32, #tpu.memory_space<vmem_shared>> -> memref<640xf32, #tpu.memory_space<vmem_shared>>
      %dma_wait3A_109 = arith.constant 0 : i32
      %dma_wait3A_110 = tpu.memref_slice %arg7[%run_scoped3A_32, %dma_wait3A_109] : memref<16x640xf32, #tpu.memory_space<vmem>> -> memref<1x640xf32, #tpu.memory_space<vmem>>
      %dma_wait3A_111 = tpu.memref_squeeze %dma_wait3A_110 : memref<1x640xf32, #tpu.memory_space<vmem>> -> memref<640xf32, #tpu.memory_space<vmem>>
      %dma_wait3A_112 = arith.constant 0 : i32
      %dma_wait3A_113 = tpu.memref_slice %arg9[%run_scoped3A_31, %dma_wait3A_112] : memref<16x10240xf32, #tpu.memory_space<vmem_shared>> -> memref<1x10240xf32, #tpu.memory_space<vmem_shared>>
      %dma_wait3A_114 = tpu.memref_squeeze %dma_wait3A_113 : memref<1x10240xf32, #tpu.memory_space<vmem_shared>> -> memref<10240xf32, #tpu.memory_space<vmem_shared>>
      %dma_wait3A_115 = tpu.memref_slice %dma_wait3A_114[%mul3A_30] : memref<10240xf32, #tpu.memory_space<vmem_shared>> -> memref<640xf32, #tpu.memory_space<vmem_shared>>
      tpu.wait_dma2 semaphore(%run_scoped3A_89 : memref<!tpu.dma_semaphore, #tpu.memory_space<semaphore_mem>>) src(%dma_wait3A_115 : memref<640xf32, #tpu.memory_space<vmem_shared>>) dst(%dma_wait3A_111 : memref<640xf32, #tpu.memory_space<vmem>>)
      tpu.yield
    }) : () -> ()
    %mul3A_33 = arith.constant 640 : i32
    %mul3A_34 = arith.muli %arg1, %mul3A_33 : i32
    %run_scoped3A_35 = arith.constant 4 : i32
    %run_scoped3A_36 = arith.constant 4 : i32
    "tpu.region"() ({
      %run_scoped3A_89 = tpu.sem_alloc : memref<!tpu.dma_semaphore, #tpu.memory_space<semaphore_mem>>
      %dma_start3A = arith.constant 0 : i32
      %dma_start3A_90 = tpu.memref_slice %arg7[%run_scoped3A_36, %dma_start3A] : memref<16x640xf32, #tpu.memory_space<vmem>> -> memref<1x640xf32, #tpu.memory_space<vmem>>
      %dma_start3A_91 = tpu.memref_squeeze %dma_start3A_90 : memref<1x640xf32, #tpu.memory_space<vmem>> -> memref<640xf32, #tpu.memory_space<vmem>>
      %dma_start3A_92 = arith.constant 0 : i32
      %dma_start3A_93 = tpu.memref_slice %arg9[%run_scoped3A_35, %dma_start3A_92] : memref<16x10240xf32, #tpu.memory_space<vmem_shared>> -> memref<1x10240xf32, #tpu.memory_space<vmem_shared>>
      %dma_start3A_94 = tpu.memref_squeeze %dma_start3A_93 : memref<1x10240xf32, #tpu.memory_space<vmem_shared>> -> memref<10240xf32, #tpu.memory_space<vmem_shared>>
      %dma_start3A_95 = tpu.memref_slice %dma_start3A_94[%mul3A_34] : memref<10240xf32, #tpu.memory_space<vmem_shared>> -> memref<640xf32, #tpu.memory_space<vmem_shared>>
      %dma_start3A_96 = arith.constant 0 : i32
      %dma_start3A_97 = tpu.memref_slice %arg7[%run_scoped3A_36, %dma_start3A_96] : memref<16x640xf32, #tpu.memory_space<vmem>> -> memref<1x640xf32, #tpu.memory_space<vmem>>
      %dma_start3A_98 = tpu.memref_squeeze %dma_start3A_97 : memref<1x640xf32, #tpu.memory_space<vmem>> -> memref<640xf32, #tpu.memory_space<vmem>>
      %dma_start3A_99 = arith.constant 0 : i32
      %dma_start3A_100 = tpu.memref_slice %arg9[%run_scoped3A_35, %dma_start3A_99] : memref<16x10240xf32, #tpu.memory_space<vmem_shared>> -> memref<1x10240xf32, #tpu.memory_space<vmem_shared>>
      %dma_start3A_101 = tpu.memref_squeeze %dma_start3A_100 : memref<1x10240xf32, #tpu.memory_space<vmem_shared>> -> memref<10240xf32, #tpu.memory_space<vmem_shared>>
      %dma_start3A_102 = tpu.memref_slice %dma_start3A_101[%mul3A_34] : memref<10240xf32, #tpu.memory_space<vmem_shared>> -> memref<640xf32, #tpu.memory_space<vmem_shared>>
      tpu.enqueue_dma source(%dma_start3A_102 : memref<640xf32, #tpu.memory_space<vmem_shared>>) target(%dma_start3A_98 : memref<640xf32, #tpu.memory_space<vmem>>) target_semaphore(%run_scoped3A_89 : memref<!tpu.dma_semaphore, #tpu.memory_space<semaphore_mem>>)
      %dma_wait3A = arith.constant 0 : i32
      %dma_wait3A_103 = tpu.memref_slice %arg7[%run_scoped3A_36, %dma_wait3A] : memref<16x640xf32, #tpu.memory_space<vmem>> -> memref<1x640xf32, #tpu.memory_space<vmem>>
      %dma_wait3A_104 = tpu.memref_squeeze %dma_wait3A_103 : memref<1x640xf32, #tpu.memory_space<vmem>> -> memref<640xf32, #tpu.memory_space<vmem>>
      %dma_wait3A_105 = arith.constant 0 : i32
      %dma_wait3A_106 = tpu.memref_slice %arg9[%run_scoped3A_35, %dma_wait3A_105] : memref<16x10240xf32, #tpu.memory_space<vmem_shared>> -> memref<1x10240xf32, #tpu.memory_space<vmem_shared>>
      %dma_wait3A_107 = tpu.memref_squeeze %dma_wait3A_106 : memref<1x10240xf32, #tpu.memory_space<vmem_shared>> -> memref<10240xf32, #tpu.memory_space<vmem_shared>>
      %dma_wait3A_108 = tpu.memref_slice %dma_wait3A_107[%mul3A_34] : memref<10240xf32, #tpu.memory_space<vmem_shared>> -> memref<640xf32, #tpu.memory_space<vmem_shared>>
      %dma_wait3A_109 = arith.constant 0 : i32
      %dma_wait3A_110 = tpu.memref_slice %arg7[%run_scoped3A_36, %dma_wait3A_109] : memref<16x640xf32, #tpu.memory_space<vmem>> -> memref<1x640xf32, #tpu.memory_space<vmem>>
      %dma_wait3A_111 = tpu.memref_squeeze %dma_wait3A_110 : memref<1x640xf32, #tpu.memory_space<vmem>> -> memref<640xf32, #tpu.memory_space<vmem>>
      %dma_wait3A_112 = arith.constant 0 : i32
      %dma_wait3A_113 = tpu.memref_slice %arg9[%run_scoped3A_35, %dma_wait3A_112] : memref<16x10240xf32, #tpu.memory_space<vmem_shared>> -> memref<1x10240xf32, #tpu.memory_space<vmem_shared>>
      %dma_wait3A_114 = tpu.memref_squeeze %dma_wait3A_113 : memref<1x10240xf32, #tpu.memory_space<vmem_shared>> -> memref<10240xf32, #tpu.memory_space<vmem_shared>>
      %dma_wait3A_115 = tpu.memref_slice %dma_wait3A_114[%mul3A_34] : memref<10240xf32, #tpu.memory_space<vmem_shared>> -> memref<640xf32, #tpu.memory_space<vmem_shared>>
      tpu.wait_dma2 semaphore(%run_scoped3A_89 : memref<!tpu.dma_semaphore, #tpu.memory_space<semaphore_mem>>) src(%dma_wait3A_115 : memref<640xf32, #tpu.memory_space<vmem_shared>>) dst(%dma_wait3A_111 : memref<640xf32, #tpu.memory_space<vmem>>)
      tpu.yield
    }) : () -> ()
    %mul3A_37 = arith.constant 640 : i32
    %mul3A_38 = arith.muli %arg1, %mul3A_37 : i32
    %run_scoped3A_39 = arith.constant 5 : i32
    %run_scoped3A_40 = arith.constant 5 : i32
    "tpu.region"() ({
      %run_scoped3A_89 = tpu.sem_alloc : memref<!tpu.dma_semaphore, #tpu.memory_space<semaphore_mem>>
      %dma_start3A = arith.constant 0 : i32
      %dma_start3A_90 = tpu.memref_slice %arg7[%run_scoped3A_40, %dma_start3A] : memref<16x640xf32, #tpu.memory_space<vmem>> -> memref<1x640xf32, #tpu.memory_space<vmem>>
      %dma_start3A_91 = tpu.memref_squeeze %dma_start3A_90 : memref<1x640xf32, #tpu.memory_space<vmem>> -> memref<640xf32, #tpu.memory_space<vmem>>
      %dma_start3A_92 = arith.constant 0 : i32
      %dma_start3A_93 = tpu.memref_slice %arg9[%run_scoped3A_39, %dma_start3A_92] : memref<16x10240xf32, #tpu.memory_space<vmem_shared>> -> memref<1x10240xf32, #tpu.memory_space<vmem_shared>>
      %dma_start3A_94 = tpu.memref_squeeze %dma_start3A_93 : memref<1x10240xf32, #tpu.memory_space<vmem_shared>> -> memref<10240xf32, #tpu.memory_space<vmem_shared>>
      %dma_start3A_95 = tpu.memref_slice %dma_start3A_94[%mul3A_38] : memref<10240xf32, #tpu.memory_space<vmem_shared>> -> memref<640xf32, #tpu.memory_space<vmem_shared>>
      %dma_start3A_96 = arith.constant 0 : i32
      %dma_start3A_97 = tpu.memref_slice %arg7[%run_scoped3A_40, %dma_start3A_96] : memref<16x640xf32, #tpu.memory_space<vmem>> -> memref<1x640xf32, #tpu.memory_space<vmem>>
      %dma_start3A_98 = tpu.memref_squeeze %dma_start3A_97 : memref<1x640xf32, #tpu.memory_space<vmem>> -> memref<640xf32, #tpu.memory_space<vmem>>
      %dma_start3A_99 = arith.constant 0 : i32
      %dma_start3A_100 = tpu.memref_slice %arg9[%run_scoped3A_39, %dma_start3A_99] : memref<16x10240xf32, #tpu.memory_space<vmem_shared>> -> memref<1x10240xf32, #tpu.memory_space<vmem_shared>>
      %dma_start3A_101 = tpu.memref_squeeze %dma_start3A_100 : memref<1x10240xf32, #tpu.memory_space<vmem_shared>> -> memref<10240xf32, #tpu.memory_space<vmem_shared>>
      %dma_start3A_102 = tpu.memref_slice %dma_start3A_101[%mul3A_38] : memref<10240xf32, #tpu.memory_space<vmem_shared>> -> memref<640xf32, #tpu.memory_space<vmem_shared>>
      tpu.enqueue_dma source(%dma_start3A_102 : memref<640xf32, #tpu.memory_space<vmem_shared>>) target(%dma_start3A_98 : memref<640xf32, #tpu.memory_space<vmem>>) target_semaphore(%run_scoped3A_89 : memref<!tpu.dma_semaphore, #tpu.memory_space<semaphore_mem>>)
      %dma_wait3A = arith.constant 0 : i32
      %dma_wait3A_103 = tpu.memref_slice %arg7[%run_scoped3A_40, %dma_wait3A] : memref<16x640xf32, #tpu.memory_space<vmem>> -> memref<1x640xf32, #tpu.memory_space<vmem>>
      %dma_wait3A_104 = tpu.memref_squeeze %dma_wait3A_103 : memref<1x640xf32, #tpu.memory_space<vmem>> -> memref<640xf32, #tpu.memory_space<vmem>>
      %dma_wait3A_105 = arith.constant 0 : i32
      %dma_wait3A_106 = tpu.memref_slice %arg9[%run_scoped3A_39, %dma_wait3A_105] : memref<16x10240xf32, #tpu.memory_space<vmem_shared>> -> memref<1x10240xf32, #tpu.memory_space<vmem_shared>>
      %dma_wait3A_107 = tpu.memref_squeeze %dma_wait3A_106 : memref<1x10240xf32, #tpu.memory_space<vmem_shared>> -> memref<10240xf32, #tpu.memory_space<vmem_shared>>
      %dma_wait3A_108 = tpu.memref_slice %dma_wait3A_107[%mul3A_38] : memref<10240xf32, #tpu.memory_space<vmem_shared>> -> memref<640xf32, #tpu.memory_space<vmem_shared>>
      %dma_wait3A_109 = arith.constant 0 : i32
      %dma_wait3A_110 = tpu.memref_slice %arg7[%run_scoped3A_40, %dma_wait3A_109] : memref<16x640xf32, #tpu.memory_space<vmem>> -> memref<1x640xf32, #tpu.memory_space<vmem>>
      %dma_wait3A_111 = tpu.memref_squeeze %dma_wait3A_110 : memref<1x640xf32, #tpu.memory_space<vmem>> -> memref<640xf32, #tpu.memory_space<vmem>>
      %dma_wait3A_112 = arith.constant 0 : i32
      %dma_wait3A_113 = tpu.memref_slice %arg9[%run_scoped3A_39, %dma_wait3A_112] : memref<16x10240xf32, #tpu.memory_space<vmem_shared>> -> memref<1x10240xf32, #tpu.memory_space<vmem_shared>>
      %dma_wait3A_114 = tpu.memref_squeeze %dma_wait3A_113 : memref<1x10240xf32, #tpu.memory_space<vmem_shared>> -> memref<10240xf32, #tpu.memory_space<vmem_shared>>
      %dma_wait3A_115 = tpu.memref_slice %dma_wait3A_114[%mul3A_38] : memref<10240xf32, #tpu.memory_space<vmem_shared>> -> memref<640xf32, #tpu.memory_space<vmem_shared>>
      tpu.wait_dma2 semaphore(%run_scoped3A_89 : memref<!tpu.dma_semaphore, #tpu.memory_space<semaphore_mem>>) src(%dma_wait3A_115 : memref<640xf32, #tpu.memory_space<vmem_shared>>) dst(%dma_wait3A_111 : memref<640xf32, #tpu.memory_space<vmem>>)
      tpu.yield
    }) : () -> ()
    %mul3A_41 = arith.constant 640 : i32
    %mul3A_42 = arith.muli %arg1, %mul3A_41 : i32
    %run_scoped3A_43 = arith.constant 6 : i32
    %run_scoped3A_44 = arith.constant 6 : i32
    "tpu.region"() ({
      %run_scoped3A_89 = tpu.sem_alloc : memref<!tpu.dma_semaphore, #tpu.memory_space<semaphore_mem>>
      %dma_start3A = arith.constant 0 : i32
      %dma_start3A_90 = tpu.memref_slice %arg7[%run_scoped3A_44, %dma_start3A] : memref<16x640xf32, #tpu.memory_space<vmem>> -> memref<1x640xf32, #tpu.memory_space<vmem>>
      %dma_start3A_91 = tpu.memref_squeeze %dma_start3A_90 : memref<1x640xf32, #tpu.memory_space<vmem>> -> memref<640xf32, #tpu.memory_space<vmem>>
      %dma_start3A_92 = arith.constant 0 : i32
      %dma_start3A_93 = tpu.memref_slice %arg9[%run_scoped3A_43, %dma_start3A_92] : memref<16x10240xf32, #tpu.memory_space<vmem_shared>> -> memref<1x10240xf32, #tpu.memory_space<vmem_shared>>
      %dma_start3A_94 = tpu.memref_squeeze %dma_start3A_93 : memref<1x10240xf32, #tpu.memory_space<vmem_shared>> -> memref<10240xf32, #tpu.memory_space<vmem_shared>>
      %dma_start3A_95 = tpu.memref_slice %dma_start3A_94[%mul3A_42] : memref<10240xf32, #tpu.memory_space<vmem_shared>> -> memref<640xf32, #tpu.memory_space<vmem_shared>>
      %dma_start3A_96 = arith.constant 0 : i32
      %dma_start3A_97 = tpu.memref_slice %arg7[%run_scoped3A_44, %dma_start3A_96] : memref<16x640xf32, #tpu.memory_space<vmem>> -> memref<1x640xf32, #tpu.memory_space<vmem>>
      %dma_start3A_98 = tpu.memref_squeeze %dma_start3A_97 : memref<1x640xf32, #tpu.memory_space<vmem>> -> memref<640xf32, #tpu.memory_space<vmem>>
      %dma_start3A_99 = arith.constant 0 : i32
      %dma_start3A_100 = tpu.memref_slice %arg9[%run_scoped3A_43, %dma_start3A_99] : memref<16x10240xf32, #tpu.memory_space<vmem_shared>> -> memref<1x10240xf32, #tpu.memory_space<vmem_shared>>
      %dma_start3A_101 = tpu.memref_squeeze %dma_start3A_100 : memref<1x10240xf32, #tpu.memory_space<vmem_shared>> -> memref<10240xf32, #tpu.memory_space<vmem_shared>>
      %dma_start3A_102 = tpu.memref_slice %dma_start3A_101[%mul3A_42] : memref<10240xf32, #tpu.memory_space<vmem_shared>> -> memref<640xf32, #tpu.memory_space<vmem_shared>>
      tpu.enqueue_dma source(%dma_start3A_102 : memref<640xf32, #tpu.memory_space<vmem_shared>>) target(%dma_start3A_98 : memref<640xf32, #tpu.memory_space<vmem>>) target_semaphore(%run_scoped3A_89 : memref<!tpu.dma_semaphore, #tpu.memory_space<semaphore_mem>>)
      %dma_wait3A = arith.constant 0 : i32
      %dma_wait3A_103 = tpu.memref_slice %arg7[%run_scoped3A_44, %dma_wait3A] : memref<16x640xf32, #tpu.memory_space<vmem>> -> memref<1x640xf32, #tpu.memory_space<vmem>>
      %dma_wait3A_104 = tpu.memref_squeeze %dma_wait3A_103 : memref<1x640xf32, #tpu.memory_space<vmem>> -> memref<640xf32, #tpu.memory_space<vmem>>
      %dma_wait3A_105 = arith.constant 0 : i32
      %dma_wait3A_106 = tpu.memref_slice %arg9[%run_scoped3A_43, %dma_wait3A_105] : memref<16x10240xf32, #tpu.memory_space<vmem_shared>> -> memref<1x10240xf32, #tpu.memory_space<vmem_shared>>
      %dma_wait3A_107 = tpu.memref_squeeze %dma_wait3A_106 : memref<1x10240xf32, #tpu.memory_space<vmem_shared>> -> memref<10240xf32, #tpu.memory_space<vmem_shared>>
      %dma_wait3A_108 = tpu.memref_slice %dma_wait3A_107[%mul3A_42] : memref<10240xf32, #tpu.memory_space<vmem_shared>> -> memref<640xf32, #tpu.memory_space<vmem_shared>>
      %dma_wait3A_109 = arith.constant 0 : i32
      %dma_wait3A_110 = tpu.memref_slice %arg7[%run_scoped3A_44, %dma_wait3A_109] : memref<16x640xf32, #tpu.memory_space<vmem>> -> memref<1x640xf32, #tpu.memory_space<vmem>>
      %dma_wait3A_111 = tpu.memref_squeeze %dma_wait3A_110 : memref<1x640xf32, #tpu.memory_space<vmem>> -> memref<640xf32, #tpu.memory_space<vmem>>
      %dma_wait3A_112 = arith.constant 0 : i32
      %dma_wait3A_113 = tpu.memref_slice %arg9[%run_scoped3A_43, %dma_wait3A_112] : memref<16x10240xf32, #tpu.memory_space<vmem_shared>> -> memref<1x10240xf32, #tpu.memory_space<vmem_shared>>
      %dma_wait3A_114 = tpu.memref_squeeze %dma_wait3A_113 : memref<1x10240xf32, #tpu.memory_space<vmem_shared>> -> memref<10240xf32, #tpu.memory_space<vmem_shared>>
      %dma_wait3A_115 = tpu.memref_slice %dma_wait3A_114[%mul3A_42] : memref<10240xf32, #tpu.memory_space<vmem_shared>> -> memref<640xf32, #tpu.memory_space<vmem_shared>>
      tpu.wait_dma2 semaphore(%run_scoped3A_89 : memref<!tpu.dma_semaphore, #tpu.memory_space<semaphore_mem>>) src(%dma_wait3A_115 : memref<640xf32, #tpu.memory_space<vmem_shared>>) dst(%dma_wait3A_111 : memref<640xf32, #tpu.memory_space<vmem>>)
      tpu.yield
    }) : () -> ()
    %mul3A_45 = arith.constant 640 : i32
    %mul3A_46 = arith.muli %arg1, %mul3A_45 : i32
    %run_scoped3A_47 = arith.constant 7 : i32
    %run_scoped3A_48 = arith.constant 7 : i32
    "tpu.region"() ({
      %run_scoped3A_89 = tpu.sem_alloc : memref<!tpu.dma_semaphore, #tpu.memory_space<semaphore_mem>>
      %dma_start3A = arith.constant 0 : i32
      %dma_start3A_90 = tpu.memref_slice %arg7[%run_scoped3A_48, %dma_start3A] : memref<16x640xf32, #tpu.memory_space<vmem>> -> memref<1x640xf32, #tpu.memory_space<vmem>>
      %dma_start3A_91 = tpu.memref_squeeze %dma_start3A_90 : memref<1x640xf32, #tpu.memory_space<vmem>> -> memref<640xf32, #tpu.memory_space<vmem>>
      %dma_start3A_92 = arith.constant 0 : i32
      %dma_start3A_93 = tpu.memref_slice %arg9[%run_scoped3A_47, %dma_start3A_92] : memref<16x10240xf32, #tpu.memory_space<vmem_shared>> -> memref<1x10240xf32, #tpu.memory_space<vmem_shared>>
      %dma_start3A_94 = tpu.memref_squeeze %dma_start3A_93 : memref<1x10240xf32, #tpu.memory_space<vmem_shared>> -> memref<10240xf32, #tpu.memory_space<vmem_shared>>
      %dma_start3A_95 = tpu.memref_slice %dma_start3A_94[%mul3A_46] : memref<10240xf32, #tpu.memory_space<vmem_shared>> -> memref<640xf32, #tpu.memory_space<vmem_shared>>
      %dma_start3A_96 = arith.constant 0 : i32
      %dma_start3A_97 = tpu.memref_slice %arg7[%run_scoped3A_48, %dma_start3A_96] : memref<16x640xf32, #tpu.memory_space<vmem>> -> memref<1x640xf32, #tpu.memory_space<vmem>>
      %dma_start3A_98 = tpu.memref_squeeze %dma_start3A_97 : memref<1x640xf32, #tpu.memory_space<vmem>> -> memref<640xf32, #tpu.memory_space<vmem>>
      %dma_start3A_99 = arith.constant 0 : i32
      %dma_start3A_100 = tpu.memref_slice %arg9[%run_scoped3A_47, %dma_start3A_99] : memref<16x10240xf32, #tpu.memory_space<vmem_shared>> -> memref<1x10240xf32, #tpu.memory_space<vmem_shared>>
      %dma_start3A_101 = tpu.memref_squeeze %dma_start3A_100 : memref<1x10240xf32, #tpu.memory_space<vmem_shared>> -> memref<10240xf32, #tpu.memory_space<vmem_shared>>
      %dma_start3A_102 = tpu.memref_slice %dma_start3A_101[%mul3A_46] : memref<10240xf32, #tpu.memory_space<vmem_shared>> -> memref<640xf32, #tpu.memory_space<vmem_shared>>
      tpu.enqueue_dma source(%dma_start3A_102 : memref<640xf32, #tpu.memory_space<vmem_shared>>) target(%dma_start3A_98 : memref<640xf32, #tpu.memory_space<vmem>>) target_semaphore(%run_scoped3A_89 : memref<!tpu.dma_semaphore, #tpu.memory_space<semaphore_mem>>)
      %dma_wait3A = arith.constant 0 : i32
      %dma_wait3A_103 = tpu.memref_slice %arg7[%run_scoped3A_48, %dma_wait3A] : memref<16x640xf32, #tpu.memory_space<vmem>> -> memref<1x640xf32, #tpu.memory_space<vmem>>
      %dma_wait3A_104 = tpu.memref_squeeze %dma_wait3A_103 : memref<1x640xf32, #tpu.memory_space<vmem>> -> memref<640xf32, #tpu.memory_space<vmem>>
      %dma_wait3A_105 = arith.constant 0 : i32
      %dma_wait3A_106 = tpu.memref_slice %arg9[%run_scoped3A_47, %dma_wait3A_105] : memref<16x10240xf32, #tpu.memory_space<vmem_shared>> -> memref<1x10240xf32, #tpu.memory_space<vmem_shared>>
      %dma_wait3A_107 = tpu.memref_squeeze %dma_wait3A_106 : memref<1x10240xf32, #tpu.memory_space<vmem_shared>> -> memref<10240xf32, #tpu.memory_space<vmem_shared>>
      %dma_wait3A_108 = tpu.memref_slice %dma_wait3A_107[%mul3A_46] : memref<10240xf32, #tpu.memory_space<vmem_shared>> -> memref<640xf32, #tpu.memory_space<vmem_shared>>
      %dma_wait3A_109 = arith.constant 0 : i32
      %dma_wait3A_110 = tpu.memref_slice %arg7[%run_scoped3A_48, %dma_wait3A_109] : memref<16x640xf32, #tpu.memory_space<vmem>> -> memref<1x640xf32, #tpu.memory_space<vmem>>
      %dma_wait3A_111 = tpu.memref_squeeze %dma_wait3A_110 : memref<1x640xf32, #tpu.memory_space<vmem>> -> memref<640xf32, #tpu.memory_space<vmem>>
      %dma_wait3A_112 = arith.constant 0 : i32
      %dma_wait3A_113 = tpu.memref_slice %arg9[%run_scoped3A_47, %dma_wait3A_112] : memref<16x10240xf32, #tpu.memory_space<vmem_shared>> -> memref<1x10240xf32, #tpu.memory_space<vmem_shared>>
      %dma_wait3A_114 = tpu.memref_squeeze %dma_wait3A_113 : memref<1x10240xf32, #tpu.memory_space<vmem_shared>> -> memref<10240xf32, #tpu.memory_space<vmem_shared>>
      %dma_wait3A_115 = tpu.memref_slice %dma_wait3A_114[%mul3A_46] : memref<10240xf32, #tpu.memory_space<vmem_shared>> -> memref<640xf32, #tpu.memory_space<vmem_shared>>
      tpu.wait_dma2 semaphore(%run_scoped3A_89 : memref<!tpu.dma_semaphore, #tpu.memory_space<semaphore_mem>>) src(%dma_wait3A_115 : memref<640xf32, #tpu.memory_space<vmem_shared>>) dst(%dma_wait3A_111 : memref<640xf32, #tpu.memory_space<vmem>>)
      tpu.yield
    }) : () -> ()
    %mul3A_49 = arith.constant 640 : i32
    %mul3A_50 = arith.muli %arg1, %mul3A_49 : i32
    %run_scoped3A_51 = arith.constant 8 : i32
    %run_scoped3A_52 = arith.constant 8 : i32
    "tpu.region"() ({
      %run_scoped3A_89 = tpu.sem_alloc : memref<!tpu.dma_semaphore, #tpu.memory_space<semaphore_mem>>
      %dma_start3A = arith.constant 0 : i32
      %dma_start3A_90 = tpu.memref_slice %arg7[%run_scoped3A_52, %dma_start3A] : memref<16x640xf32, #tpu.memory_space<vmem>> -> memref<1x640xf32, #tpu.memory_space<vmem>>
      %dma_start3A_91 = tpu.memref_squeeze %dma_start3A_90 : memref<1x640xf32, #tpu.memory_space<vmem>> -> memref<640xf32, #tpu.memory_space<vmem>>
      %dma_start3A_92 = arith.constant 0 : i32
      %dma_start3A_93 = tpu.memref_slice %arg9[%run_scoped3A_51, %dma_start3A_92] : memref<16x10240xf32, #tpu.memory_space<vmem_shared>> -> memref<1x10240xf32, #tpu.memory_space<vmem_shared>>
      %dma_start3A_94 = tpu.memref_squeeze %dma_start3A_93 : memref<1x10240xf32, #tpu.memory_space<vmem_shared>> -> memref<10240xf32, #tpu.memory_space<vmem_shared>>
      %dma_start3A_95 = tpu.memref_slice %dma_start3A_94[%mul3A_50] : memref<10240xf32, #tpu.memory_space<vmem_shared>> -> memref<640xf32, #tpu.memory_space<vmem_shared>>
      %dma_start3A_96 = arith.constant 0 : i32
      %dma_start3A_97 = tpu.memref_slice %arg7[%run_scoped3A_52, %dma_start3A_96] : memref<16x640xf32, #tpu.memory_space<vmem>> -> memref<1x640xf32, #tpu.memory_space<vmem>>
      %dma_start3A_98 = tpu.memref_squeeze %dma_start3A_97 : memref<1x640xf32, #tpu.memory_space<vmem>> -> memref<640xf32, #tpu.memory_space<vmem>>
      %dma_start3A_99 = arith.constant 0 : i32
      %dma_start3A_100 = tpu.memref_slice %arg9[%run_scoped3A_51, %dma_start3A_99] : memref<16x10240xf32, #tpu.memory_space<vmem_shared>> -> memref<1x10240xf32, #tpu.memory_space<vmem_shared>>
      %dma_start3A_101 = tpu.memref_squeeze %dma_start3A_100 : memref<1x10240xf32, #tpu.memory_space<vmem_shared>> -> memref<10240xf32, #tpu.memory_space<vmem_shared>>
      %dma_start3A_102 = tpu.memref_slice %dma_start3A_101[%mul3A_50] : memref<10240xf32, #tpu.memory_space<vmem_shared>> -> memref<640xf32, #tpu.memory_space<vmem_shared>>
      tpu.enqueue_dma source(%dma_start3A_102 : memref<640xf32, #tpu.memory_space<vmem_shared>>) target(%dma_start3A_98 : memref<640xf32, #tpu.memory_space<vmem>>) target_semaphore(%run_scoped3A_89 : memref<!tpu.dma_semaphore, #tpu.memory_space<semaphore_mem>>)
      %dma_wait3A = arith.constant 0 : i32
      %dma_wait3A_103 = tpu.memref_slice %arg7[%run_scoped3A_52, %dma_wait3A] : memref<16x640xf32, #tpu.memory_space<vmem>> -> memref<1x640xf32, #tpu.memory_space<vmem>>
      %dma_wait3A_104 = tpu.memref_squeeze %dma_wait3A_103 : memref<1x640xf32, #tpu.memory_space<vmem>> -> memref<640xf32, #tpu.memory_space<vmem>>
      %dma_wait3A_105 = arith.constant 0 : i32
      %dma_wait3A_106 = tpu.memref_slice %arg9[%run_scoped3A_51, %dma_wait3A_105] : memref<16x10240xf32, #tpu.memory_space<vmem_shared>> -> memref<1x10240xf32, #tpu.memory_space<vmem_shared>>
      %dma_wait3A_107 = tpu.memref_squeeze %dma_wait3A_106 : memref<1x10240xf32, #tpu.memory_space<vmem_shared>> -> memref<10240xf32, #tpu.memory_space<vmem_shared>>
      %dma_wait3A_108 = tpu.memref_slice %dma_wait3A_107[%mul3A_50] : memref<10240xf32, #tpu.memory_space<vmem_shared>> -> memref<640xf32, #tpu.memory_space<vmem_shared>>
      %dma_wait3A_109 = arith.constant 0 : i32
      %dma_wait3A_110 = tpu.memref_slice %arg7[%run_scoped3A_52, %dma_wait3A_109] : memref<16x640xf32, #tpu.memory_space<vmem>> -> memref<1x640xf32, #tpu.memory_space<vmem>>
      %dma_wait3A_111 = tpu.memref_squeeze %dma_wait3A_110 : memref<1x640xf32, #tpu.memory_space<vmem>> -> memref<640xf32, #tpu.memory_space<vmem>>
      %dma_wait3A_112 = arith.constant 0 : i32
      %dma_wait3A_113 = tpu.memref_slice %arg9[%run_scoped3A_51, %dma_wait3A_112] : memref<16x10240xf32, #tpu.memory_space<vmem_shared>> -> memref<1x10240xf32, #tpu.memory_space<vmem_shared>>
      %dma_wait3A_114 = tpu.memref_squeeze %dma_wait3A_113 : memref<1x10240xf32, #tpu.memory_space<vmem_shared>> -> memref<10240xf32, #tpu.memory_space<vmem_shared>>
      %dma_wait3A_115 = tpu.memref_slice %dma_wait3A_114[%mul3A_50] : memref<10240xf32, #tpu.memory_space<vmem_shared>> -> memref<640xf32, #tpu.memory_space<vmem_shared>>
      tpu.wait_dma2 semaphore(%run_scoped3A_89 : memref<!tpu.dma_semaphore, #tpu.memory_space<semaphore_mem>>) src(%dma_wait3A_115 : memref<640xf32, #tpu.memory_space<vmem_shared>>) dst(%dma_wait3A_111 : memref<640xf32, #tpu.memory_space<vmem>>)
      tpu.yield
    }) : () -> ()
    %mul3A_53 = arith.constant 640 : i32
    %mul3A_54 = arith.muli %arg1, %mul3A_53 : i32
    %run_scoped3A_55 = arith.constant 9 : i32
    %run_scoped3A_56 = arith.constant 9 : i32
    "tpu.region"() ({
      %run_scoped3A_89 = tpu.sem_alloc : memref<!tpu.dma_semaphore, #tpu.memory_space<semaphore_mem>>
      %dma_start3A = arith.constant 0 : i32
      %dma_start3A_90 = tpu.memref_slice %arg7[%run_scoped3A_56, %dma_start3A] : memref<16x640xf32, #tpu.memory_space<vmem>> -> memref<1x640xf32, #tpu.memory_space<vmem>>
      %dma_start3A_91 = tpu.memref_squeeze %dma_start3A_90 : memref<1x640xf32, #tpu.memory_space<vmem>> -> memref<640xf32, #tpu.memory_space<vmem>>
      %dma_start3A_92 = arith.constant 0 : i32
      %dma_start3A_93 = tpu.memref_slice %arg9[%run_scoped3A_55, %dma_start3A_92] : memref<16x10240xf32, #tpu.memory_space<vmem_shared>> -> memref<1x10240xf32, #tpu.memory_space<vmem_shared>>
      %dma_start3A_94 = tpu.memref_squeeze %dma_start3A_93 : memref<1x10240xf32, #tpu.memory_space<vmem_shared>> -> memref<10240xf32, #tpu.memory_space<vmem_shared>>
      %dma_start3A_95 = tpu.memref_slice %dma_start3A_94[%mul3A_54] : memref<10240xf32, #tpu.memory_space<vmem_shared>> -> memref<640xf32, #tpu.memory_space<vmem_shared>>
      %dma_start3A_96 = arith.constant 0 : i32
      %dma_start3A_97 = tpu.memref_slice %arg7[%run_scoped3A_56, %dma_start3A_96] : memref<16x640xf32, #tpu.memory_space<vmem>> -> memref<1x640xf32, #tpu.memory_space<vmem>>
      %dma_start3A_98 = tpu.memref_squeeze %dma_start3A_97 : memref<1x640xf32, #tpu.memory_space<vmem>> -> memref<640xf32, #tpu.memory_space<vmem>>
      %dma_start3A_99 = arith.constant 0 : i32
      %dma_start3A_100 = tpu.memref_slice %arg9[%run_scoped3A_55, %dma_start3A_99] : memref<16x10240xf32, #tpu.memory_space<vmem_shared>> -> memref<1x10240xf32, #tpu.memory_space<vmem_shared>>
      %dma_start3A_101 = tpu.memref_squeeze %dma_start3A_100 : memref<1x10240xf32, #tpu.memory_space<vmem_shared>> -> memref<10240xf32, #tpu.memory_space<vmem_shared>>
      %dma_start3A_102 = tpu.memref_slice %dma_start3A_101[%mul3A_54] : memref<10240xf32, #tpu.memory_space<vmem_shared>> -> memref<640xf32, #tpu.memory_space<vmem_shared>>
      tpu.enqueue_dma source(%dma_start3A_102 : memref<640xf32, #tpu.memory_space<vmem_shared>>) target(%dma_start3A_98 : memref<640xf32, #tpu.memory_space<vmem>>) target_semaphore(%run_scoped3A_89 : memref<!tpu.dma_semaphore, #tpu.memory_space<semaphore_mem>>)
      %dma_wait3A = arith.constant 0 : i32
      %dma_wait3A_103 = tpu.memref_slice %arg7[%run_scoped3A_56, %dma_wait3A] : memref<16x640xf32, #tpu.memory_space<vmem>> -> memref<1x640xf32, #tpu.memory_space<vmem>>
      %dma_wait3A_104 = tpu.memref_squeeze %dma_wait3A_103 : memref<1x640xf32, #tpu.memory_space<vmem>> -> memref<640xf32, #tpu.memory_space<vmem>>
      %dma_wait3A_105 = arith.constant 0 : i32
      %dma_wait3A_106 = tpu.memref_slice %arg9[%run_scoped3A_55, %dma_wait3A_105] : memref<16x10240xf32, #tpu.memory_space<vmem_shared>> -> memref<1x10240xf32, #tpu.memory_space<vmem_shared>>
      %dma_wait3A_107 = tpu.memref_squeeze %dma_wait3A_106 : memref<1x10240xf32, #tpu.memory_space<vmem_shared>> -> memref<10240xf32, #tpu.memory_space<vmem_shared>>
      %dma_wait3A_108 = tpu.memref_slice %dma_wait3A_107[%mul3A_54] : memref<10240xf32, #tpu.memory_space<vmem_shared>> -> memref<640xf32, #tpu.memory_space<vmem_shared>>
      %dma_wait3A_109 = arith.constant 0 : i32
      %dma_wait3A_110 = tpu.memref_slice %arg7[%run_scoped3A_56, %dma_wait3A_109] : memref<16x640xf32, #tpu.memory_space<vmem>> -> memref<1x640xf32, #tpu.memory_space<vmem>>
      %dma_wait3A_111 = tpu.memref_squeeze %dma_wait3A_110 : memref<1x640xf32, #tpu.memory_space<vmem>> -> memref<640xf32, #tpu.memory_space<vmem>>
      %dma_wait3A_112 = arith.constant 0 : i32
      %dma_wait3A_113 = tpu.memref_slice %arg9[%run_scoped3A_55, %dma_wait3A_112] : memref<16x10240xf32, #tpu.memory_space<vmem_shared>> -> memref<1x10240xf32, #tpu.memory_space<vmem_shared>>
      %dma_wait3A_114 = tpu.memref_squeeze %dma_wait3A_113 : memref<1x10240xf32, #tpu.memory_space<vmem_shared>> -> memref<10240xf32, #tpu.memory_space<vmem_shared>>
      %dma_wait3A_115 = tpu.memref_slice %dma_wait3A_114[%mul3A_54] : memref<10240xf32, #tpu.memory_space<vmem_shared>> -> memref<640xf32, #tpu.memory_space<vmem_shared>>
      tpu.wait_dma2 semaphore(%run_scoped3A_89 : memref<!tpu.dma_semaphore, #tpu.memory_space<semaphore_mem>>) src(%dma_wait3A_115 : memref<640xf32, #tpu.memory_space<vmem_shared>>) dst(%dma_wait3A_111 : memref<640xf32, #tpu.memory_space<vmem>>)
      tpu.yield
    }) : () -> ()
    %mul3A_57 = arith.constant 640 : i32
    %mul3A_58 = arith.muli %arg1, %mul3A_57 : i32
    %run_scoped3A_59 = arith.constant 10 : i32
    %run_scoped3A_60 = arith.constant 10 : i32
    "tpu.region"() ({
      %run_scoped3A_89 = tpu.sem_alloc : memref<!tpu.dma_semaphore, #tpu.memory_space<semaphore_mem>>
      %dma_start3A = arith.constant 0 : i32
      %dma_start3A_90 = tpu.memref_slice %arg7[%run_scoped3A_60, %dma_start3A] : memref<16x640xf32, #tpu.memory_space<vmem>> -> memref<1x640xf32, #tpu.memory_space<vmem>>
      %dma_start3A_91 = tpu.memref_squeeze %dma_start3A_90 : memref<1x640xf32, #tpu.memory_space<vmem>> -> memref<640xf32, #tpu.memory_space<vmem>>
      %dma_start3A_92 = arith.constant 0 : i32
      %dma_start3A_93 = tpu.memref_slice %arg9[%run_scoped3A_59, %dma_start3A_92] : memref<16x10240xf32, #tpu.memory_space<vmem_shared>> -> memref<1x10240xf32, #tpu.memory_space<vmem_shared>>
      %dma_start3A_94 = tpu.memref_squeeze %dma_start3A_93 : memref<1x10240xf32, #tpu.memory_space<vmem_shared>> -> memref<10240xf32, #tpu.memory_space<vmem_shared>>
      %dma_start3A_95 = tpu.memref_slice %dma_start3A_94[%mul3A_58] : memref<10240xf32, #tpu.memory_space<vmem_shared>> -> memref<640xf32, #tpu.memory_space<vmem_shared>>
      %dma_start3A_96 = arith.constant 0 : i32
      %dma_start3A_97 = tpu.memref_slice %arg7[%run_scoped3A_60, %dma_start3A_96] : memref<16x640xf32, #tpu.memory_space<vmem>> -> memref<1x640xf32, #tpu.memory_space<vmem>>
      %dma_start3A_98 = tpu.memref_squeeze %dma_start3A_97 : memref<1x640xf32, #tpu.memory_space<vmem>> -> memref<640xf32, #tpu.memory_space<vmem>>
      %dma_start3A_99 = arith.constant 0 : i32
      %dma_start3A_100 = tpu.memref_slice %arg9[%run_scoped3A_59, %dma_start3A_99] : memref<16x10240xf32, #tpu.memory_space<vmem_shared>> -> memref<1x10240xf32, #tpu.memory_space<vmem_shared>>
      %dma_start3A_101 = tpu.memref_squeeze %dma_start3A_100 : memref<1x10240xf32, #tpu.memory_space<vmem_shared>> -> memref<10240xf32, #tpu.memory_space<vmem_shared>>
      %dma_start3A_102 = tpu.memref_slice %dma_start3A_101[%mul3A_58] : memref<10240xf32, #tpu.memory_space<vmem_shared>> -> memref<640xf32, #tpu.memory_space<vmem_shared>>
      tpu.enqueue_dma source(%dma_start3A_102 : memref<640xf32, #tpu.memory_space<vmem_shared>>) target(%dma_start3A_98 : memref<640xf32, #tpu.memory_space<vmem>>) target_semaphore(%run_scoped3A_89 : memref<!tpu.dma_semaphore, #tpu.memory_space<semaphore_mem>>)
      %dma_wait3A = arith.constant 0 : i32
      %dma_wait3A_103 = tpu.memref_slice %arg7[%run_scoped3A_60, %dma_wait3A] : memref<16x640xf32, #tpu.memory_space<vmem>> -> memref<1x640xf32, #tpu.memory_space<vmem>>
      %dma_wait3A_104 = tpu.memref_squeeze %dma_wait3A_103 : memref<1x640xf32, #tpu.memory_space<vmem>> -> memref<640xf32, #tpu.memory_space<vmem>>
      %dma_wait3A_105 = arith.constant 0 : i32
      %dma_wait3A_106 = tpu.memref_slice %arg9[%run_scoped3A_59, %dma_wait3A_105] : memref<16x10240xf32, #tpu.memory_space<vmem_shared>> -> memref<1x10240xf32, #tpu.memory_space<vmem_shared>>
      %dma_wait3A_107 = tpu.memref_squeeze %dma_wait3A_106 : memref<1x10240xf32, #tpu.memory_space<vmem_shared>> -> memref<10240xf32, #tpu.memory_space<vmem_shared>>
      %dma_wait3A_108 = tpu.memref_slice %dma_wait3A_107[%mul3A_58] : memref<10240xf32, #tpu.memory_space<vmem_shared>> -> memref<640xf32, #tpu.memory_space<vmem_shared>>
      %dma_wait3A_109 = arith.constant 0 : i32
      %dma_wait3A_110 = tpu.memref_slice %arg7[%run_scoped3A_60, %dma_wait3A_109] : memref<16x640xf32, #tpu.memory_space<vmem>> -> memref<1x640xf32, #tpu.memory_space<vmem>>
      %dma_wait3A_111 = tpu.memref_squeeze %dma_wait3A_110 : memref<1x640xf32, #tpu.memory_space<vmem>> -> memref<640xf32, #tpu.memory_space<vmem>>
      %dma_wait3A_112 = arith.constant 0 : i32
      %dma_wait3A_113 = tpu.memref_slice %arg9[%run_scoped3A_59, %dma_wait3A_112] : memref<16x10240xf32, #tpu.memory_space<vmem_shared>> -> memref<1x10240xf32, #tpu.memory_space<vmem_shared>>
      %dma_wait3A_114 = tpu.memref_squeeze %dma_wait3A_113 : memref<1x10240xf32, #tpu.memory_space<vmem_shared>> -> memref<10240xf32, #tpu.memory_space<vmem_shared>>
      %dma_wait3A_115 = tpu.memref_slice %dma_wait3A_114[%mul3A_58] : memref<10240xf32, #tpu.memory_space<vmem_shared>> -> memref<640xf32, #tpu.memory_space<vmem_shared>>
      tpu.wait_dma2 semaphore(%run_scoped3A_89 : memref<!tpu.dma_semaphore, #tpu.memory_space<semaphore_mem>>) src(%dma_wait3A_115 : memref<640xf32, #tpu.memory_space<vmem_shared>>) dst(%dma_wait3A_111 : memref<640xf32, #tpu.memory_space<vmem>>)
      tpu.yield
    }) : () -> ()
    %mul3A_61 = arith.constant 640 : i32
    %mul3A_62 = arith.muli %arg1, %mul3A_61 : i32
    %run_scoped3A_63 = arith.constant 11 : i32
    %run_scoped3A_64 = arith.constant 11 : i32
    "tpu.region"() ({
      %run_scoped3A_89 = tpu.sem_alloc : memref<!tpu.dma_semaphore, #tpu.memory_space<semaphore_mem>>
      %dma_start3A = arith.constant 0 : i32
      %dma_start3A_90 = tpu.memref_slice %arg7[%run_scoped3A_64, %dma_start3A] : memref<16x640xf32, #tpu.memory_space<vmem>> -> memref<1x640xf32, #tpu.memory_space<vmem>>
      %dma_start3A_91 = tpu.memref_squeeze %dma_start3A_90 : memref<1x640xf32, #tpu.memory_space<vmem>> -> memref<640xf32, #tpu.memory_space<vmem>>
      %dma_start3A_92 = arith.constant 0 : i32
      %dma_start3A_93 = tpu.memref_slice %arg9[%run_scoped3A_63, %dma_start3A_92] : memref<16x10240xf32, #tpu.memory_space<vmem_shared>> -> memref<1x10240xf32, #tpu.memory_space<vmem_shared>>
      %dma_start3A_94 = tpu.memref_squeeze %dma_start3A_93 : memref<1x10240xf32, #tpu.memory_space<vmem_shared>> -> memref<10240xf32, #tpu.memory_space<vmem_shared>>
      %dma_start3A_95 = tpu.memref_slice %dma_start3A_94[%mul3A_62] : memref<10240xf32, #tpu.memory_space<vmem_shared>> -> memref<640xf32, #tpu.memory_space<vmem_shared>>
      %dma_start3A_96 = arith.constant 0 : i32
      %dma_start3A_97 = tpu.memref_slice %arg7[%run_scoped3A_64, %dma_start3A_96] : memref<16x640xf32, #tpu.memory_space<vmem>> -> memref<1x640xf32, #tpu.memory_space<vmem>>
      %dma_start3A_98 = tpu.memref_squeeze %dma_start3A_97 : memref<1x640xf32, #tpu.memory_space<vmem>> -> memref<640xf32, #tpu.memory_space<vmem>>
      %dma_start3A_99 = arith.constant 0 : i32
      %dma_start3A_100 = tpu.memref_slice %arg9[%run_scoped3A_63, %dma_start3A_99] : memref<16x10240xf32, #tpu.memory_space<vmem_shared>> -> memref<1x10240xf32, #tpu.memory_space<vmem_shared>>
      %dma_start3A_101 = tpu.memref_squeeze %dma_start3A_100 : memref<1x10240xf32, #tpu.memory_space<vmem_shared>> -> memref<10240xf32, #tpu.memory_space<vmem_shared>>
      %dma_start3A_102 = tpu.memref_slice %dma_start3A_101[%mul3A_62] : memref<10240xf32, #tpu.memory_space<vmem_shared>> -> memref<640xf32, #tpu.memory_space<vmem_shared>>
      tpu.enqueue_dma source(%dma_start3A_102 : memref<640xf32, #tpu.memory_space<vmem_shared>>) target(%dma_start3A_98 : memref<640xf32, #tpu.memory_space<vmem>>) target_semaphore(%run_scoped3A_89 : memref<!tpu.dma_semaphore, #tpu.memory_space<semaphore_mem>>)
      %dma_wait3A = arith.constant 0 : i32
      %dma_wait3A_103 = tpu.memref_slice %arg7[%run_scoped3A_64, %dma_wait3A] : memref<16x640xf32, #tpu.memory_space<vmem>> -> memref<1x640xf32, #tpu.memory_space<vmem>>
      %dma_wait3A_104 = tpu.memref_squeeze %dma_wait3A_103 : memref<1x640xf32, #tpu.memory_space<vmem>> -> memref<640xf32, #tpu.memory_space<vmem>>
      %dma_wait3A_105 = arith.constant 0 : i32
      %dma_wait3A_106 = tpu.memref_slice %arg9[%run_scoped3A_63, %dma_wait3A_105] : memref<16x10240xf32, #tpu.memory_space<vmem_shared>> -> memref<1x10240xf32, #tpu.memory_space<vmem_shared>>
      %dma_wait3A_107 = tpu.memref_squeeze %dma_wait3A_106 : memref<1x10240xf32, #tpu.memory_space<vmem_shared>> -> memref<10240xf32, #tpu.memory_space<vmem_shared>>
      %dma_wait3A_108 = tpu.memref_slice %dma_wait3A_107[%mul3A_62] : memref<10240xf32, #tpu.memory_space<vmem_shared>> -> memref<640xf32, #tpu.memory_space<vmem_shared>>
      %dma_wait3A_109 = arith.constant 0 : i32
      %dma_wait3A_110 = tpu.memref_slice %arg7[%run_scoped3A_64, %dma_wait3A_109] : memref<16x640xf32, #tpu.memory_space<vmem>> -> memref<1x640xf32, #tpu.memory_space<vmem>>
      %dma_wait3A_111 = tpu.memref_squeeze %dma_wait3A_110 : memref<1x640xf32, #tpu.memory_space<vmem>> -> memref<640xf32, #tpu.memory_space<vmem>>
      %dma_wait3A_112 = arith.constant 0 : i32
      %dma_wait3A_113 = tpu.memref_slice %arg9[%run_scoped3A_63, %dma_wait3A_112] : memref<16x10240xf32, #tpu.memory_space<vmem_shared>> -> memref<1x10240xf32, #tpu.memory_space<vmem_shared>>
      %dma_wait3A_114 = tpu.memref_squeeze %dma_wait3A_113 : memref<1x10240xf32, #tpu.memory_space<vmem_shared>> -> memref<10240xf32, #tpu.memory_space<vmem_shared>>
      %dma_wait3A_115 = tpu.memref_slice %dma_wait3A_114[%mul3A_62] : memref<10240xf32, #tpu.memory_space<vmem_shared>> -> memref<640xf32, #tpu.memory_space<vmem_shared>>
      tpu.wait_dma2 semaphore(%run_scoped3A_89 : memref<!tpu.dma_semaphore, #tpu.memory_space<semaphore_mem>>) src(%dma_wait3A_115 : memref<640xf32, #tpu.memory_space<vmem_shared>>) dst(%dma_wait3A_111 : memref<640xf32, #tpu.memory_space<vmem>>)
      tpu.yield
    }) : () -> ()
    %mul3A_65 = arith.constant 640 : i32
    %mul3A_66 = arith.muli %arg1, %mul3A_65 : i32
    %run_scoped3A_67 = arith.constant 12 : i32
    %run_scoped3A_68 = arith.constant 12 : i32
    "tpu.region"() ({
      %run_scoped3A_89 = tpu.sem_alloc : memref<!tpu.dma_semaphore, #tpu.memory_space<semaphore_mem>>
      %dma_start3A = arith.constant 0 : i32
      %dma_start3A_90 = tpu.memref_slice %arg7[%run_scoped3A_68, %dma_start3A] : memref<16x640xf32, #tpu.memory_space<vmem>> -> memref<1x640xf32, #tpu.memory_space<vmem>>
      %dma_start3A_91 = tpu.memref_squeeze %dma_start3A_90 : memref<1x640xf32, #tpu.memory_space<vmem>> -> memref<640xf32, #tpu.memory_space<vmem>>
      %dma_start3A_92 = arith.constant 0 : i32
      %dma_start3A_93 = tpu.memref_slice %arg9[%run_scoped3A_67, %dma_start3A_92] : memref<16x10240xf32, #tpu.memory_space<vmem_shared>> -> memref<1x10240xf32, #tpu.memory_space<vmem_shared>>
      %dma_start3A_94 = tpu.memref_squeeze %dma_start3A_93 : memref<1x10240xf32, #tpu.memory_space<vmem_shared>> -> memref<10240xf32, #tpu.memory_space<vmem_shared>>
      %dma_start3A_95 = tpu.memref_slice %dma_start3A_94[%mul3A_66] : memref<10240xf32, #tpu.memory_space<vmem_shared>> -> memref<640xf32, #tpu.memory_space<vmem_shared>>
      %dma_start3A_96 = arith.constant 0 : i32
      %dma_start3A_97 = tpu.memref_slice %arg7[%run_scoped3A_68, %dma_start3A_96] : memref<16x640xf32, #tpu.memory_space<vmem>> -> memref<1x640xf32, #tpu.memory_space<vmem>>
      %dma_start3A_98 = tpu.memref_squeeze %dma_start3A_97 : memref<1x640xf32, #tpu.memory_space<vmem>> -> memref<640xf32, #tpu.memory_space<vmem>>
      %dma_start3A_99 = arith.constant 0 : i32
      %dma_start3A_100 = tpu.memref_slice %arg9[%run_scoped3A_67, %dma_start3A_99] : memref<16x10240xf32, #tpu.memory_space<vmem_shared>> -> memref<1x10240xf32, #tpu.memory_space<vmem_shared>>
      %dma_start3A_101 = tpu.memref_squeeze %dma_start3A_100 : memref<1x10240xf32, #tpu.memory_space<vmem_shared>> -> memref<10240xf32, #tpu.memory_space<vmem_shared>>
      %dma_start3A_102 = tpu.memref_slice %dma_start3A_101[%mul3A_66] : memref<10240xf32, #tpu.memory_space<vmem_shared>> -> memref<640xf32, #tpu.memory_space<vmem_shared>>
      tpu.enqueue_dma source(%dma_start3A_102 : memref<640xf32, #tpu.memory_space<vmem_shared>>) target(%dma_start3A_98 : memref<640xf32, #tpu.memory_space<vmem>>) target_semaphore(%run_scoped3A_89 : memref<!tpu.dma_semaphore, #tpu.memory_space<semaphore_mem>>)
      %dma_wait3A = arith.constant 0 : i32
      %dma_wait3A_103 = tpu.memref_slice %arg7[%run_scoped3A_68, %dma_wait3A] : memref<16x640xf32, #tpu.memory_space<vmem>> -> memref<1x640xf32, #tpu.memory_space<vmem>>
      %dma_wait3A_104 = tpu.memref_squeeze %dma_wait3A_103 : memref<1x640xf32, #tpu.memory_space<vmem>> -> memref<640xf32, #tpu.memory_space<vmem>>
      %dma_wait3A_105 = arith.constant 0 : i32
      %dma_wait3A_106 = tpu.memref_slice %arg9[%run_scoped3A_67, %dma_wait3A_105] : memref<16x10240xf32, #tpu.memory_space<vmem_shared>> -> memref<1x10240xf32, #tpu.memory_space<vmem_shared>>
      %dma_wait3A_107 = tpu.memref_squeeze %dma_wait3A_106 : memref<1x10240xf32, #tpu.memory_space<vmem_shared>> -> memref<10240xf32, #tpu.memory_space<vmem_shared>>
      %dma_wait3A_108 = tpu.memref_slice %dma_wait3A_107[%mul3A_66] : memref<10240xf32, #tpu.memory_space<vmem_shared>> -> memref<640xf32, #tpu.memory_space<vmem_shared>>
      %dma_wait3A_109 = arith.constant 0 : i32
      %dma_wait3A_110 = tpu.memref_slice %arg7[%run_scoped3A_68, %dma_wait3A_109] : memref<16x640xf32, #tpu.memory_space<vmem>> -> memref<1x640xf32, #tpu.memory_space<vmem>>
      %dma_wait3A_111 = tpu.memref_squeeze %dma_wait3A_110 : memref<1x640xf32, #tpu.memory_space<vmem>> -> memref<640xf32, #tpu.memory_space<vmem>>
      %dma_wait3A_112 = arith.constant 0 : i32
      %dma_wait3A_113 = tpu.memref_slice %arg9[%run_scoped3A_67, %dma_wait3A_112] : memref<16x10240xf32, #tpu.memory_space<vmem_shared>> -> memref<1x10240xf32, #tpu.memory_space<vmem_shared>>
      %dma_wait3A_114 = tpu.memref_squeeze %dma_wait3A_113 : memref<1x10240xf32, #tpu.memory_space<vmem_shared>> -> memref<10240xf32, #tpu.memory_space<vmem_shared>>
      %dma_wait3A_115 = tpu.memref_slice %dma_wait3A_114[%mul3A_66] : memref<10240xf32, #tpu.memory_space<vmem_shared>> -> memref<640xf32, #tpu.memory_space<vmem_shared>>
      tpu.wait_dma2 semaphore(%run_scoped3A_89 : memref<!tpu.dma_semaphore, #tpu.memory_space<semaphore_mem>>) src(%dma_wait3A_115 : memref<640xf32, #tpu.memory_space<vmem_shared>>) dst(%dma_wait3A_111 : memref<640xf32, #tpu.memory_space<vmem>>)
      tpu.yield
    }) : () -> ()
    %mul3A_69 = arith.constant 640 : i32
    %mul3A_70 = arith.muli %arg1, %mul3A_69 : i32
    %run_scoped3A_71 = arith.constant 13 : i32
    %run_scoped3A_72 = arith.constant 13 : i32
    "tpu.region"() ({
      %run_scoped3A_89 = tpu.sem_alloc : memref<!tpu.dma_semaphore, #tpu.memory_space<semaphore_mem>>
      %dma_start3A = arith.constant 0 : i32
      %dma_start3A_90 = tpu.memref_slice %arg7[%run_scoped3A_72, %dma_start3A] : memref<16x640xf32, #tpu.memory_space<vmem>> -> memref<1x640xf32, #tpu.memory_space<vmem>>
      %dma_start3A_91 = tpu.memref_squeeze %dma_start3A_90 : memref<1x640xf32, #tpu.memory_space<vmem>> -> memref<640xf32, #tpu.memory_space<vmem>>
      %dma_start3A_92 = arith.constant 0 : i32
      %dma_start3A_93 = tpu.memref_slice %arg9[%run_scoped3A_71, %dma_start3A_92] : memref<16x10240xf32, #tpu.memory_space<vmem_shared>> -> memref<1x10240xf32, #tpu.memory_space<vmem_shared>>
      %dma_start3A_94 = tpu.memref_squeeze %dma_start3A_93 : memref<1x10240xf32, #tpu.memory_space<vmem_shared>> -> memref<10240xf32, #tpu.memory_space<vmem_shared>>
      %dma_start3A_95 = tpu.memref_slice %dma_start3A_94[%mul3A_70] : memref<10240xf32, #tpu.memory_space<vmem_shared>> -> memref<640xf32, #tpu.memory_space<vmem_shared>>
      %dma_start3A_96 = arith.constant 0 : i32
      %dma_start3A_97 = tpu.memref_slice %arg7[%run_scoped3A_72, %dma_start3A_96] : memref<16x640xf32, #tpu.memory_space<vmem>> -> memref<1x640xf32, #tpu.memory_space<vmem>>
      %dma_start3A_98 = tpu.memref_squeeze %dma_start3A_97 : memref<1x640xf32, #tpu.memory_space<vmem>> -> memref<640xf32, #tpu.memory_space<vmem>>
      %dma_start3A_99 = arith.constant 0 : i32
      %dma_start3A_100 = tpu.memref_slice %arg9[%run_scoped3A_71, %dma_start3A_99] : memref<16x10240xf32, #tpu.memory_space<vmem_shared>> -> memref<1x10240xf32, #tpu.memory_space<vmem_shared>>
      %dma_start3A_101 = tpu.memref_squeeze %dma_start3A_100 : memref<1x10240xf32, #tpu.memory_space<vmem_shared>> -> memref<10240xf32, #tpu.memory_space<vmem_shared>>
      %dma_start3A_102 = tpu.memref_slice %dma_start3A_101[%mul3A_70] : memref<10240xf32, #tpu.memory_space<vmem_shared>> -> memref<640xf32, #tpu.memory_space<vmem_shared>>
      tpu.enqueue_dma source(%dma_start3A_102 : memref<640xf32, #tpu.memory_space<vmem_shared>>) target(%dma_start3A_98 : memref<640xf32, #tpu.memory_space<vmem>>) target_semaphore(%run_scoped3A_89 : memref<!tpu.dma_semaphore, #tpu.memory_space<semaphore_mem>>)
      %dma_wait3A = arith.constant 0 : i32
      %dma_wait3A_103 = tpu.memref_slice %arg7[%run_scoped3A_72, %dma_wait3A] : memref<16x640xf32, #tpu.memory_space<vmem>> -> memref<1x640xf32, #tpu.memory_space<vmem>>
      %dma_wait3A_104 = tpu.memref_squeeze %dma_wait3A_103 : memref<1x640xf32, #tpu.memory_space<vmem>> -> memref<640xf32, #tpu.memory_space<vmem>>
      %dma_wait3A_105 = arith.constant 0 : i32
      %dma_wait3A_106 = tpu.memref_slice %arg9[%run_scoped3A_71, %dma_wait3A_105] : memref<16x10240xf32, #tpu.memory_space<vmem_shared>> -> memref<1x10240xf32, #tpu.memory_space<vmem_shared>>
      %dma_wait3A_107 = tpu.memref_squeeze %dma_wait3A_106 : memref<1x10240xf32, #tpu.memory_space<vmem_shared>> -> memref<10240xf32, #tpu.memory_space<vmem_shared>>
      %dma_wait3A_108 = tpu.memref_slice %dma_wait3A_107[%mul3A_70] : memref<10240xf32, #tpu.memory_space<vmem_shared>> -> memref<640xf32, #tpu.memory_space<vmem_shared>>
      %dma_wait3A_109 = arith.constant 0 : i32
      %dma_wait3A_110 = tpu.memref_slice %arg7[%run_scoped3A_72, %dma_wait3A_109] : memref<16x640xf32, #tpu.memory_space<vmem>> -> memref<1x640xf32, #tpu.memory_space<vmem>>
      %dma_wait3A_111 = tpu.memref_squeeze %dma_wait3A_110 : memref<1x640xf32, #tpu.memory_space<vmem>> -> memref<640xf32, #tpu.memory_space<vmem>>
      %dma_wait3A_112 = arith.constant 0 : i32
      %dma_wait3A_113 = tpu.memref_slice %arg9[%run_scoped3A_71, %dma_wait3A_112] : memref<16x10240xf32, #tpu.memory_space<vmem_shared>> -> memref<1x10240xf32, #tpu.memory_space<vmem_shared>>
      %dma_wait3A_114 = tpu.memref_squeeze %dma_wait3A_113 : memref<1x10240xf32, #tpu.memory_space<vmem_shared>> -> memref<10240xf32, #tpu.memory_space<vmem_shared>>
      %dma_wait3A_115 = tpu.memref_slice %dma_wait3A_114[%mul3A_70] : memref<10240xf32, #tpu.memory_space<vmem_shared>> -> memref<640xf32, #tpu.memory_space<vmem_shared>>
      tpu.wait_dma2 semaphore(%run_scoped3A_89 : memref<!tpu.dma_semaphore, #tpu.memory_space<semaphore_mem>>) src(%dma_wait3A_115 : memref<640xf32, #tpu.memory_space<vmem_shared>>) dst(%dma_wait3A_111 : memref<640xf32, #tpu.memory_space<vmem>>)
      tpu.yield
    }) : () -> ()
    %mul3A_73 = arith.constant 640 : i32
    %mul3A_74 = arith.muli %arg1, %mul3A_73 : i32
    %run_scoped3A_75 = arith.constant 14 : i32
    %run_scoped3A_76 = arith.constant 14 : i32
    "tpu.region"() ({
      %run_scoped3A_89 = tpu.sem_alloc : memref<!tpu.dma_semaphore, #tpu.memory_space<semaphore_mem>>
      %dma_start3A = arith.constant 0 : i32
      %dma_start3A_90 = tpu.memref_slice %arg7[%run_scoped3A_76, %dma_start3A] : memref<16x640xf32, #tpu.memory_space<vmem>> -> memref<1x640xf32, #tpu.memory_space<vmem>>
      %dma_start3A_91 = tpu.memref_squeeze %dma_start3A_90 : memref<1x640xf32, #tpu.memory_space<vmem>> -> memref<640xf32, #tpu.memory_space<vmem>>
      %dma_start3A_92 = arith.constant 0 : i32
      %dma_start3A_93 = tpu.memref_slice %arg9[%run_scoped3A_75, %dma_start3A_92] : memref<16x10240xf32, #tpu.memory_space<vmem_shared>> -> memref<1x10240xf32, #tpu.memory_space<vmem_shared>>
      %dma_start3A_94 = tpu.memref_squeeze %dma_start3A_93 : memref<1x10240xf32, #tpu.memory_space<vmem_shared>> -> memref<10240xf32, #tpu.memory_space<vmem_shared>>
      %dma_start3A_95 = tpu.memref_slice %dma_start3A_94[%mul3A_74] : memref<10240xf32, #tpu.memory_space<vmem_shared>> -> memref<640xf32, #tpu.memory_space<vmem_shared>>
      %dma_start3A_96 = arith.constant 0 : i32
      %dma_start3A_97 = tpu.memref_slice %arg7[%run_scoped3A_76, %dma_start3A_96] : memref<16x640xf32, #tpu.memory_space<vmem>> -> memref<1x640xf32, #tpu.memory_space<vmem>>
      %dma_start3A_98 = tpu.memref_squeeze %dma_start3A_97 : memref<1x640xf32, #tpu.memory_space<vmem>> -> memref<640xf32, #tpu.memory_space<vmem>>
      %dma_start3A_99 = arith.constant 0 : i32
      %dma_start3A_100 = tpu.memref_slice %arg9[%run_scoped3A_75, %dma_start3A_99] : memref<16x10240xf32, #tpu.memory_space<vmem_shared>> -> memref<1x10240xf32, #tpu.memory_space<vmem_shared>>
      %dma_start3A_101 = tpu.memref_squeeze %dma_start3A_100 : memref<1x10240xf32, #tpu.memory_space<vmem_shared>> -> memref<10240xf32, #tpu.memory_space<vmem_shared>>
      %dma_start3A_102 = tpu.memref_slice %dma_start3A_101[%mul3A_74] : memref<10240xf32, #tpu.memory_space<vmem_shared>> -> memref<640xf32, #tpu.memory_space<vmem_shared>>
      tpu.enqueue_dma source(%dma_start3A_102 : memref<640xf32, #tpu.memory_space<vmem_shared>>) target(%dma_start3A_98 : memref<640xf32, #tpu.memory_space<vmem>>) target_semaphore(%run_scoped3A_89 : memref<!tpu.dma_semaphore, #tpu.memory_space<semaphore_mem>>)
      %dma_wait3A = arith.constant 0 : i32
      %dma_wait3A_103 = tpu.memref_slice %arg7[%run_scoped3A_76, %dma_wait3A] : memref<16x640xf32, #tpu.memory_space<vmem>> -> memref<1x640xf32, #tpu.memory_space<vmem>>
      %dma_wait3A_104 = tpu.memref_squeeze %dma_wait3A_103 : memref<1x640xf32, #tpu.memory_space<vmem>> -> memref<640xf32, #tpu.memory_space<vmem>>
      %dma_wait3A_105 = arith.constant 0 : i32
      %dma_wait3A_106 = tpu.memref_slice %arg9[%run_scoped3A_75, %dma_wait3A_105] : memref<16x10240xf32, #tpu.memory_space<vmem_shared>> -> memref<1x10240xf32, #tpu.memory_space<vmem_shared>>
      %dma_wait3A_107 = tpu.memref_squeeze %dma_wait3A_106 : memref<1x10240xf32, #tpu.memory_space<vmem_shared>> -> memref<10240xf32, #tpu.memory_space<vmem_shared>>
      %dma_wait3A_108 = tpu.memref_slice %dma_wait3A_107[%mul3A_74] : memref<10240xf32, #tpu.memory_space<vmem_shared>> -> memref<640xf32, #tpu.memory_space<vmem_shared>>
      %dma_wait3A_109 = arith.constant 0 : i32
      %dma_wait3A_110 = tpu.memref_slice %arg7[%run_scoped3A_76, %dma_wait3A_109] : memref<16x640xf32, #tpu.memory_space<vmem>> -> memref<1x640xf32, #tpu.memory_space<vmem>>
      %dma_wait3A_111 = tpu.memref_squeeze %dma_wait3A_110 : memref<1x640xf32, #tpu.memory_space<vmem>> -> memref<640xf32, #tpu.memory_space<vmem>>
      %dma_wait3A_112 = arith.constant 0 : i32
      %dma_wait3A_113 = tpu.memref_slice %arg9[%run_scoped3A_75, %dma_wait3A_112] : memref<16x10240xf32, #tpu.memory_space<vmem_shared>> -> memref<1x10240xf32, #tpu.memory_space<vmem_shared>>
      %dma_wait3A_114 = tpu.memref_squeeze %dma_wait3A_113 : memref<1x10240xf32, #tpu.memory_space<vmem_shared>> -> memref<10240xf32, #tpu.memory_space<vmem_shared>>
      %dma_wait3A_115 = tpu.memref_slice %dma_wait3A_114[%mul3A_74] : memref<10240xf32, #tpu.memory_space<vmem_shared>> -> memref<640xf32, #tpu.memory_space<vmem_shared>>
      tpu.wait_dma2 semaphore(%run_scoped3A_89 : memref<!tpu.dma_semaphore, #tpu.memory_space<semaphore_mem>>) src(%dma_wait3A_115 : memref<640xf32, #tpu.memory_space<vmem_shared>>) dst(%dma_wait3A_111 : memref<640xf32, #tpu.memory_space<vmem>>)
      tpu.yield
    }) : () -> ()
    %mul3A_77 = arith.constant 640 : i32
    %mul3A_78 = arith.muli %arg1, %mul3A_77 : i32
    %run_scoped3A_79 = arith.constant 15 : i32
    %run_scoped3A_80 = arith.constant 15 : i32
    "tpu.region"() ({
      %run_scoped3A_89 = tpu.sem_alloc : memref<!tpu.dma_semaphore, #tpu.memory_space<semaphore_mem>>
      %dma_start3A = arith.constant 0 : i32
      %dma_start3A_90 = tpu.memref_slice %arg7[%run_scoped3A_80, %dma_start3A] : memref<16x640xf32, #tpu.memory_space<vmem>> -> memref<1x640xf32, #tpu.memory_space<vmem>>
      %dma_start3A_91 = tpu.memref_squeeze %dma_start3A_90 : memref<1x640xf32, #tpu.memory_space<vmem>> -> memref<640xf32, #tpu.memory_space<vmem>>
      %dma_start3A_92 = arith.constant 0 : i32
      %dma_start3A_93 = tpu.memref_slice %arg9[%run_scoped3A_79, %dma_start3A_92] : memref<16x10240xf32, #tpu.memory_space<vmem_shared>> -> memref<1x10240xf32, #tpu.memory_space<vmem_shared>>
      %dma_start3A_94 = tpu.memref_squeeze %dma_start3A_93 : memref<1x10240xf32, #tpu.memory_space<vmem_shared>> -> memref<10240xf32, #tpu.memory_space<vmem_shared>>
      %dma_start3A_95 = tpu.memref_slice %dma_start3A_94[%mul3A_78] : memref<10240xf32, #tpu.memory_space<vmem_shared>> -> memref<640xf32, #tpu.memory_space<vmem_shared>>
      %dma_start3A_96 = arith.constant 0 : i32
      %dma_start3A_97 = tpu.memref_slice %arg7[%run_scoped3A_80, %dma_start3A_96] : memref<16x640xf32, #tpu.memory_space<vmem>> -> memref<1x640xf32, #tpu.memory_space<vmem>>
      %dma_start3A_98 = tpu.memref_squeeze %dma_start3A_97 : memref<1x640xf32, #tpu.memory_space<vmem>> -> memref<640xf32, #tpu.memory_space<vmem>>
      %dma_start3A_99 = arith.constant 0 : i32
      %dma_start3A_100 = tpu.memref_slice %arg9[%run_scoped3A_79, %dma_start3A_99] : memref<16x10240xf32, #tpu.memory_space<vmem_shared>> -> memref<1x10240xf32, #tpu.memory_space<vmem_shared>>
      %dma_start3A_101 = tpu.memref_squeeze %dma_start3A_100 : memref<1x10240xf32, #tpu.memory_space<vmem_shared>> -> memref<10240xf32, #tpu.memory_space<vmem_shared>>
      %dma_start3A_102 = tpu.memref_slice %dma_start3A_101[%mul3A_78] : memref<10240xf32, #tpu.memory_space<vmem_shared>> -> memref<640xf32, #tpu.memory_space<vmem_shared>>
      tpu.enqueue_dma source(%dma_start3A_102 : memref<640xf32, #tpu.memory_space<vmem_shared>>) target(%dma_start3A_98 : memref<640xf32, #tpu.memory_space<vmem>>) target_semaphore(%run_scoped3A_89 : memref<!tpu.dma_semaphore, #tpu.memory_space<semaphore_mem>>)
      %dma_wait3A = arith.constant 0 : i32
      %dma_wait3A_103 = tpu.memref_slice %arg7[%run_scoped3A_80, %dma_wait3A] : memref<16x640xf32, #tpu.memory_space<vmem>> -> memref<1x640xf32, #tpu.memory_space<vmem>>
      %dma_wait3A_104 = tpu.memref_squeeze %dma_wait3A_103 : memref<1x640xf32, #tpu.memory_space<vmem>> -> memref<640xf32, #tpu.memory_space<vmem>>
      %dma_wait3A_105 = arith.constant 0 : i32
      %dma_wait3A_106 = tpu.memref_slice %arg9[%run_scoped3A_79, %dma_wait3A_105] : memref<16x10240xf32, #tpu.memory_space<vmem_shared>> -> memref<1x10240xf32, #tpu.memory_space<vmem_shared>>
      %dma_wait3A_107 = tpu.memref_squeeze %dma_wait3A_106 : memref<1x10240xf32, #tpu.memory_space<vmem_shared>> -> memref<10240xf32, #tpu.memory_space<vmem_shared>>
      %dma_wait3A_108 = tpu.memref_slice %dma_wait3A_107[%mul3A_78] : memref<10240xf32, #tpu.memory_space<vmem_shared>> -> memref<640xf32, #tpu.memory_space<vmem_shared>>
      %dma_wait3A_109 = arith.constant 0 : i32
      %dma_wait3A_110 = tpu.memref_slice %arg7[%run_scoped3A_80, %dma_wait3A_109] : memref<16x640xf32, #tpu.memory_space<vmem>> -> memref<1x640xf32, #tpu.memory_space<vmem>>
      %dma_wait3A_111 = tpu.memref_squeeze %dma_wait3A_110 : memref<1x640xf32, #tpu.memory_space<vmem>> -> memref<640xf32, #tpu.memory_space<vmem>>
      %dma_wait3A_112 = arith.constant 0 : i32
      %dma_wait3A_113 = tpu.memref_slice %arg9[%run_scoped3A_79, %dma_wait3A_112] : memref<16x10240xf32, #tpu.memory_space<vmem_shared>> -> memref<1x10240xf32, #tpu.memory_space<vmem_shared>>
      %dma_wait3A_114 = tpu.memref_squeeze %dma_wait3A_113 : memref<1x10240xf32, #tpu.memory_space<vmem_shared>> -> memref<10240xf32, #tpu.memory_space<vmem_shared>>
      %dma_wait3A_115 = tpu.memref_slice %dma_wait3A_114[%mul3A_78] : memref<10240xf32, #tpu.memory_space<vmem_shared>> -> memref<640xf32, #tpu.memory_space<vmem_shared>>
      tpu.wait_dma2 semaphore(%run_scoped3A_89 : memref<!tpu.dma_semaphore, #tpu.memory_space<semaphore_mem>>) src(%dma_wait3A_115 : memref<640xf32, #tpu.memory_space<vmem_shared>>) dst(%dma_wait3A_111 : memref<640xf32, #tpu.memory_space<vmem>>)
      tpu.yield
    }) : () -> ()
    %scan3A_81 = arith.constant 0 : i32
    %scan3A_82 = arith.constant 0 : i32
    %scan3A_83 = arith.constant 40 : i32
    %scan3A_84 = arith.addi %scan3A_82, %scan3A_83 : i32
    %scan3A_85 = arith.constant 1 : i32
    scf.for %scan3A_89 = %scan3A_82 to %scan3A_84 step %scan3A_85  : i32 {
      %mul3A_90 = arith.constant 16 : i32
      %mul3A_91 = arith.muli %scan3A_89, %mul3A_90 : i32
      %get3A_92 = arith.constant 0 : i32
      %get3A_93 = arith.index_cast %get3A_92 : i32 to index
      %get3A_94 = arith.index_cast %mul3A_91 : i32 to index
      %get3A_95 = tpu.vector_load %arg7[%get3A_93, %get3A_94] {strides = array<i32>} : memref<16x640xf32, #tpu.memory_space<vmem>>, vector<16xf32>,
      %mul3A_96 = arith.constant 16 : i32
      %mul3A_97 = arith.muli %scan3A_89, %mul3A_96 : i32
      %get3A_98 = arith.constant 1 : i32
      %get3A_99 = arith.index_cast %get3A_98 : i32 to index
      %get3A_100 = arith.index_cast %mul3A_97 : i32 to index
      %get3A_101 = tpu.vector_load %arg7[%get3A_99, %get3A_100] {strides = array<i32>} : memref<16x640xf32, #tpu.memory_space<vmem>>, vector<16xf32>,
      %add3A_102 = arith.addf %get3A_95, %get3A_101 : vector<16xf32>
      %mul3A_103 = arith.constant 16 : i32
      %mul3A_104 = arith.muli %scan3A_89, %mul3A_103 : i32
      %get3A_105 = arith.constant 2 : i32
      %get3A_106 = arith.index_cast %get3A_105 : i32 to index
      %get3A_107 = arith.index_cast %mul3A_104 : i32 to index
      %get3A_108 = tpu.vector_load %arg7[%get3A_106, %get3A_107] {strides = array<i32>} : memref<16x640xf32, #tpu.memory_space<vmem>>, vector<16xf32>,
      %add3A_109 = arith.addf %add3A_102, %get3A_108 : vector<16xf32>
      %mul3A_110 = arith.constant 16 : i32
      %mul3A_111 = arith.muli %scan3A_89, %mul3A_110 : i32
      %get3A_112 = arith.constant 3 : i32
      %get3A_113 = arith.index_cast %get3A_112 : i32 to index
      %get3A_114 = arith.index_cast %mul3A_111 : i32 to index
      %get3A_115 = tpu.vector_load %arg7[%get3A_113, %get3A_114] {strides = array<i32>} : memref<16x640xf32, #tpu.memory_space<vmem>>, vector<16xf32>,
      %add3A_116 = arith.addf %add3A_109, %get3A_115 : vector<16xf32>
      %mul3A_117 = arith.constant 16 : i32
      %mul3A_118 = arith.muli %scan3A_89, %mul3A_117 : i32
      %get3A_119 = arith.constant 4 : i32
      %get3A_120 = arith.index_cast %get3A_119 : i32 to index
      %get3A_121 = arith.index_cast %mul3A_118 : i32 to index
      %get3A_122 = tpu.vector_load %arg7[%get3A_120, %get3A_121] {strides = array<i32>} : memref<16x640xf32, #tpu.memory_space<vmem>>, vector<16xf32>,
      %add3A_123 = arith.addf %add3A_116, %get3A_122 : vector<16xf32>
      %mul3A_124 = arith.constant 16 : i32
      %mul3A_125 = arith.muli %scan3A_89, %mul3A_124 : i32
      %get3A_126 = arith.constant 5 : i32
      %get3A_127 = arith.index_cast %get3A_126 : i32 to index
      %get3A_128 = arith.index_cast %mul3A_125 : i32 to index
      %get3A_129 = tpu.vector_load %arg7[%get3A_127, %get3A_128] {strides = array<i32>} : memref<16x640xf32, #tpu.memory_space<vmem>>, vector<16xf32>,
      %add3A_130 = arith.addf %add3A_123, %get3A_129 : vector<16xf32>
      %mul3A_131 = arith.constant 16 : i32
      %mul3A_132 = arith.muli %scan3A_89, %mul3A_131 : i32
      %get3A_133 = arith.constant 6 : i32
      %get3A_134 = arith.index_cast %get3A_133 : i32 to index
      %get3A_135 = arith.index_cast %mul3A_132 : i32 to index
      %get3A_136 = tpu.vector_load %arg7[%get3A_134, %get3A_135] {strides = array<i32>} : memref<16x640xf32, #tpu.memory_space<vmem>>, vector<16xf32>,
      %add3A_137 = arith.addf %add3A_130, %get3A_136 : vector<16xf32>
      %mul3A_138 = arith.constant 16 : i32
      %mul3A_139 = arith.muli %scan3A_89, %mul3A_138 : i32
      %get3A_140 = arith.constant 7 : i32
      %get3A_141 = arith.index_cast %get3A_140 : i32 to index
      %get3A_142 = arith.index_cast %mul3A_139 : i32 to index
      %get3A_143 = tpu.vector_load %arg7[%get3A_141, %get3A_142] {strides = array<i32>} : memref<16x640xf32, #tpu.memory_space<vmem>>, vector<16xf32>,
      %add3A_144 = arith.addf %add3A_137, %get3A_143 : vector<16xf32>
      %mul3A_145 = arith.constant 16 : i32
      %mul3A_146 = arith.muli %scan3A_89, %mul3A_145 : i32
      %get3A_147 = arith.constant 8 : i32
      %get3A_148 = arith.index_cast %get3A_147 : i32 to index
      %get3A_149 = arith.index_cast %mul3A_146 : i32 to index
      %get3A_150 = tpu.vector_load %arg7[%get3A_148, %get3A_149] {strides = array<i32>} : memref<16x640xf32, #tpu.memory_space<vmem>>, vector<16xf32>,
      %add3A_151 = arith.addf %add3A_144, %get3A_150 : vector<16xf32>
      %mul3A_152 = arith.constant 16 : i32
      %mul3A_153 = arith.muli %scan3A_89, %mul3A_152 : i32
      %get3A_154 = arith.constant 9 : i32
      %get3A_155 = arith.index_cast %get3A_154 : i32 to index
      %get3A_156 = arith.index_cast %mul3A_153 : i32 to index
      %get3A_157 = tpu.vector_load %arg7[%get3A_155, %get3A_156] {strides = array<i32>} : memref<16x640xf32, #tpu.memory_space<vmem>>, vector<16xf32>,
      %add3A_158 = arith.addf %add3A_151, %get3A_157 : vector<16xf32>
      %mul3A_159 = arith.constant 16 : i32
      %mul3A_160 = arith.muli %scan3A_89, %mul3A_159 : i32
      %get3A_161 = arith.constant 10 : i32
      %get3A_162 = arith.index_cast %get3A_161 : i32 to index
      %get3A_163 = arith.index_cast %mul3A_160 : i32 to index
      %get3A_164 = tpu.vector_load %arg7[%get3A_162, %get3A_163] {strides = array<i32>} : memref<16x640xf32, #tpu.memory_space<vmem>>, vector<16xf32>,
      %add3A_165 = arith.addf %add3A_158, %get3A_164 : vector<16xf32>
      %mul3A_166 = arith.constant 16 : i32
      %mul3A_167 = arith.muli %scan3A_89, %mul3A_166 : i32
      %get3A_168 = arith.constant 11 : i32
      %get3A_169 = arith.index_cast %get3A_168 : i32 to index
      %get3A_170 = arith.index_cast %mul3A_167 : i32 to index
      %get3A_171 = tpu.vector_load %arg7[%get3A_169, %get3A_170] {strides = array<i32>} : memref<16x640xf32, #tpu.memory_space<vmem>>, vector<16xf32>,
      %add3A_172 = arith.addf %add3A_165, %get3A_171 : vector<16xf32>
      %mul3A_173 = arith.constant 16 : i32
      %mul3A_174 = arith.muli %scan3A_89, %mul3A_173 : i32
      %get3A_175 = arith.constant 12 : i32
      %get3A_176 = arith.index_cast %get3A_175 : i32 to index
      %get3A_177 = arith.index_cast %mul3A_174 : i32 to index
      %get3A_178 = tpu.vector_load %arg7[%get3A_176, %get3A_177] {strides = array<i32>} : memref<16x640xf32, #tpu.memory_space<vmem>>, vector<16xf32>,
      %add3A_179 = arith.addf %add3A_172, %get3A_178 : vector<16xf32>
      %mul3A_180 = arith.constant 16 : i32
      %mul3A_181 = arith.muli %scan3A_89, %mul3A_180 : i32
      %get3A_182 = arith.constant 13 : i32
      %get3A_183 = arith.index_cast %get3A_182 : i32 to index
      %get3A_184 = arith.index_cast %mul3A_181 : i32 to index
      %get3A_185 = tpu.vector_load %arg7[%get3A_183, %get3A_184] {strides = array<i32>} : memref<16x640xf32, #tpu.memory_space<vmem>>, vector<16xf32>,
      %add3A_186 = arith.addf %add3A_179, %get3A_185 : vector<16xf32>
      %mul3A_187 = arith.constant 16 : i32
      %mul3A_188 = arith.muli %scan3A_89, %mul3A_187 : i32
      %get3A_189 = arith.constant 14 : i32
      %get3A_190 = arith.index_cast %get3A_189 : i32 to index
      %get3A_191 = arith.index_cast %mul3A_188 : i32 to index
      %get3A_192 = tpu.vector_load %arg7[%get3A_190, %get3A_191] {strides = array<i32>} : memref<16x640xf32, #tpu.memory_space<vmem>>, vector<16xf32>,
      %add3A_193 = arith.addf %add3A_186, %get3A_192 : vector<16xf32>
      %mul3A_194 = arith.constant 16 : i32
      %mul3A_195 = arith.muli %scan3A_89, %mul3A_194 : i32
      %get3A_196 = arith.constant 15 : i32
      %get3A_197 = arith.index_cast %get3A_196 : i32 to index
      %get3A_198 = arith.index_cast %mul3A_195 : i32 to index
      %get3A_199 = tpu.vector_load %arg7[%get3A_197, %get3A_198] {strides = array<i32>} : memref<16x640xf32, #tpu.memory_space<vmem>>, vector<16xf32>,
      %add3A_200 = arith.addf %add3A_193, %get3A_199 : vector<16xf32>
      %mul3A_201 = arith.constant 16 : i32
      %mul3A_202 = arith.muli %scan3A_89, %mul3A_201 : i32
      %swap3A = arith.index_cast %mul3A_202 : i32 to index
      %swap3A_203 = tpu.vector_load %arg6[%swap3A] {strides = array<i32>} : memref<10240xf32, #tpu.memory_space<vmem>>, vector<16xf32>,
      tpu.vector_store %arg6[%swap3A], %add3A_200 {strides = array<i32>} : memref<10240xf32, #tpu.memory_space<vmem>>, vector<16xf32>,
    }
    %scan3A_86 = arith.constant 40 : i32
    %mul3A_87 = arith.constant 640 : i32
    %mul3A_88 = arith.muli %arg1, %mul3A_87 : i32
    "tpu.region"() ({
      %run_scoped3A_89 = tpu.sem_alloc : memref<!tpu.dma_semaphore, #tpu.memory_space<semaphore_mem>>
      %dma_start3A = arith.constant 0 : i32
      %dma_start3A_90 = tpu.memref_slice %arg6[%dma_start3A] : memref<10240xf32, #tpu.memory_space<vmem>> -> memref<640xf32, #tpu.memory_space<vmem>>
      %dma_start3A_91 = arith.constant 0 : i32
      %dma_start3A_92 = tpu.memref_slice %arg4[%arg0, %dma_start3A_91] : memref<2x10240xf32, #tpu.memory_space<hbm>> -> memref<1x10240xf32, #tpu.memory_space<hbm>>
      %dma_start3A_93 = tpu.memref_squeeze %dma_start3A_92 : memref<1x10240xf32, #tpu.memory_space<hbm>> -> memref<10240xf32, #tpu.memory_space<hbm>>
      %dma_start3A_94 = tpu.memref_slice %dma_start3A_93[%mul3A_88] : memref<10240xf32, #tpu.memory_space<hbm>> -> memref<640xf32, #tpu.memory_space<hbm>>
      %dma_start3A_95 = arith.constant 0 : i32
      %dma_start3A_96 = tpu.memref_slice %arg4[%arg0, %dma_start3A_95] : memref<2x10240xf32, #tpu.memory_space<hbm>> -> memref<1x10240xf32, #tpu.memory_space<hbm>>
      %dma_start3A_97 = tpu.memref_squeeze %dma_start3A_96 : memref<1x10240xf32, #tpu.memory_space<hbm>> -> memref<10240xf32, #tpu.memory_space<hbm>>
      %dma_start3A_98 = tpu.memref_slice %dma_start3A_97[%mul3A_88] : memref<10240xf32, #tpu.memory_space<hbm>> -> memref<640xf32, #tpu.memory_space<hbm>>
      %dma_start3A_99 = arith.constant 0 : i32
      %dma_start3A_100 = tpu.memref_slice %arg6[%dma_start3A_99] : memref<10240xf32, #tpu.memory_space<vmem>> -> memref<640xf32, #tpu.memory_space<vmem>>
      tpu.enqueue_dma source(%dma_start3A_100 : memref<640xf32, #tpu.memory_space<vmem>>) target(%dma_start3A_98 : memref<640xf32, #tpu.memory_space<hbm>>) target_semaphore(%run_scoped3A_89 : memref<!tpu.dma_semaphore, #tpu.memory_space<semaphore_mem>>)
      %dma_wait3A = arith.constant 0 : i32
      %dma_wait3A_101 = tpu.memref_slice %arg6[%dma_wait3A] : memref<10240xf32, #tpu.memory_space<vmem>> -> memref<640xf32, #tpu.memory_space<vmem>>
      %dma_wait3A_102 = arith.constant 0 : i32
      %dma_wait3A_103 = tpu.memref_slice %arg4[%arg0, %dma_wait3A_102] : memref<2x10240xf32, #tpu.memory_space<hbm>> -> memref<1x10240xf32, #tpu.memory_space<hbm>>
      %dma_wait3A_104 = tpu.memref_squeeze %dma_wait3A_103 : memref<1x10240xf32, #tpu.memory_space<hbm>> -> memref<10240xf32, #tpu.memory_space<hbm>>
      %dma_wait3A_105 = tpu.memref_slice %dma_wait3A_104[%mul3A_88] : memref<10240xf32, #tpu.memory_space<hbm>> -> memref<640xf32, #tpu.memory_space<hbm>>
      %dma_wait3A_106 = arith.constant 0 : i32
      %dma_wait3A_107 = tpu.memref_slice %arg4[%arg0, %dma_wait3A_106] : memref<2x10240xf32, #tpu.memory_space<hbm>> -> memref<1x10240xf32, #tpu.memory_space<hbm>>
      %dma_wait3A_108 = tpu.memref_squeeze %dma_wait3A_107 : memref<1x10240xf32, #tpu.memory_space<hbm>> -> memref<10240xf32, #tpu.memory_space<hbm>>
      %dma_wait3A_109 = tpu.memref_slice %dma_wait3A_108[%mul3A_88] : memref<10240xf32, #tpu.memory_space<hbm>> -> memref<640xf32, #tpu.memory_space<hbm>>
      %dma_wait3A_110 = arith.constant 0 : i32
      %dma_wait3A_111 = tpu.memref_slice %arg6[%dma_wait3A_110] : memref<10240xf32, #tpu.memory_space<vmem>> -> memref<640xf32, #tpu.memory_space<vmem>>
      tpu.wait_dma2 semaphore(%run_scoped3A_89 : memref<!tpu.dma_semaphore, #tpu.memory_space<semaphore_mem>>) src(%dma_wait3A_111 : memref<640xf32, #tpu.memory_space<vmem>>) dst(%dma_wait3A_109 : memref<640xf32, #tpu.memory_space<hbm>>)
      tpu.yield
    }) : () -> ()
    return
  }
}

#map = affine_map<(d0, d1) -> (0, 0, 0)>
#map1 = affine_map<(d0, d1) -> (0, 0)>
module attributes {stable_mosaic.version = 14 : i64} {
  func.func @_sc_pass_body(%arg0: i32, %arg1: i32, %arg2: memref<32x96x128xi32, #tpu.memory_space<hbm>>, %arg3: memref<32x96x128xi32, #tpu.memory_space<hbm>>, %arg4: memref<10240x128xf32, #tpu.memory_space<hbm>>, %arg5: memref<320x128xf32, #tpu.memory_space<hbm>>, %arg6: memref<2x10240x128xf32, #tpu.memory_space<hbm>>, %arg7: memref<96x128xi32, #tpu.memory_space<vmem>>, %arg8: memref<96x128xi32, #tpu.memory_space<vmem>>, %arg9: memref<128x128xf32, #tpu.memory_space<vmem>>, %arg10: memref<10240x128xf32, #tpu.memory_space<vmem_shared>>, %arg11: memref<!tpu.dma_semaphore, #tpu.memory_space<semaphore_mem>>) attributes {dimension_semantics = [#tpu.dimension_semantics<core_parallel>, #tpu.dimension_semantics<subcore_parallel>], iteration_bounds = array<i64: 2, 16>, scalar_prefetch = 0 : i64, scratch_operands = 5 : i64, tpu.core_type = #tpu.core_type<sc_vector_subcore>, window_params = [{transform_indices = #map}, {transform_indices = #map}, {transform_indices = #map1}, {transform_indices = #map1}, {transform_indices = #map}]} {
    %mul3A = arith.constant 16 : i32
    %mul3A_0 = arith.muli %arg0, %mul3A : i32
    %add3A = arith.addi %mul3A_0, %arg1 : i32
    %eq3A = arith.constant 0 : i32
    %eq3A_1 = arith.cmpi eq, %arg0, %eq3A : i32
    %jit3A = arith.constant 96 : i32
    %jit3A_2 = arith.constant 61 : i32
    %select_n3A = arith.select %eq3A_1, %jit3A, %jit3A_2 : i32
    "tpu.region"() ({
      %run_scoped3A = tpu.sem_alloc : memref<!tpu.dma_semaphore, #tpu.memory_space<semaphore_mem>>
      %dma_start3A = arith.constant 0 : i32
      %dma_start3A_22 = arith.constant 0 : i32
      %dma_start3A_23 = tpu.memref_slice %arg2[%add3A, %dma_start3A, %dma_start3A_22] : memref<32x96x128xi32, #tpu.memory_space<hbm>> -> memref<1x96x128xi32, #tpu.memory_space<hbm>>
      %dma_start3A_24 = tpu.memref_squeeze %dma_start3A_23 : memref<1x96x128xi32, #tpu.memory_space<hbm>> -> memref<96x128xi32, #tpu.memory_space<hbm>>
      %dma_start3A_25 = arith.constant 0 : i32
      %dma_start3A_26 = arith.constant 0 : i32
      %dma_start3A_27 = tpu.memref_slice %arg2[%add3A, %dma_start3A_25, %dma_start3A_26] : memref<32x96x128xi32, #tpu.memory_space<hbm>> -> memref<1x96x128xi32, #tpu.memory_space<hbm>>
      %dma_start3A_28 = tpu.memref_squeeze %dma_start3A_27 : memref<1x96x128xi32, #tpu.memory_space<hbm>> -> memref<96x128xi32, #tpu.memory_space<hbm>>
      tpu.enqueue_dma source(%dma_start3A_28 : memref<96x128xi32, #tpu.memory_space<hbm>>) target(%arg7 : memref<96x128xi32, #tpu.memory_space<vmem>>) target_semaphore(%run_scoped3A : memref<!tpu.dma_semaphore, #tpu.memory_space<semaphore_mem>>)
      %dma_wait3A = arith.constant 0 : i32
      %dma_wait3A_29 = arith.constant 0 : i32
      %dma_wait3A_30 = tpu.memref_slice %arg2[%add3A, %dma_wait3A, %dma_wait3A_29] : memref<32x96x128xi32, #tpu.memory_space<hbm>> -> memref<1x96x128xi32, #tpu.memory_space<hbm>>
      %dma_wait3A_31 = tpu.memref_squeeze %dma_wait3A_30 : memref<1x96x128xi32, #tpu.memory_space<hbm>> -> memref<96x128xi32, #tpu.memory_space<hbm>>
      %dma_wait3A_32 = arith.constant 0 : i32
      %dma_wait3A_33 = arith.constant 0 : i32
      %dma_wait3A_34 = tpu.memref_slice %arg2[%add3A, %dma_wait3A_32, %dma_wait3A_33] : memref<32x96x128xi32, #tpu.memory_space<hbm>> -> memref<1x96x128xi32, #tpu.memory_space<hbm>>
      %dma_wait3A_35 = tpu.memref_squeeze %dma_wait3A_34 : memref<1x96x128xi32, #tpu.memory_space<hbm>> -> memref<96x128xi32, #tpu.memory_space<hbm>>
      tpu.wait_dma2 semaphore(%run_scoped3A : memref<!tpu.dma_semaphore, #tpu.memory_space<semaphore_mem>>) src(%dma_wait3A_35 : memref<96x128xi32, #tpu.memory_space<hbm>>) dst(%arg7 : memref<96x128xi32, #tpu.memory_space<vmem>>)
      tpu.yield
    }) : () -> ()
    "tpu.region"() ({
      %run_scoped3A = tpu.sem_alloc : memref<!tpu.dma_semaphore, #tpu.memory_space<semaphore_mem>>
      %dma_start3A = arith.constant 0 : i32
      %dma_start3A_22 = arith.constant 0 : i32
      %dma_start3A_23 = tpu.memref_slice %arg3[%add3A, %dma_start3A, %dma_start3A_22] : memref<32x96x128xi32, #tpu.memory_space<hbm>> -> memref<1x96x128xi32, #tpu.memory_space<hbm>>
      %dma_start3A_24 = tpu.memref_squeeze %dma_start3A_23 : memref<1x96x128xi32, #tpu.memory_space<hbm>> -> memref<96x128xi32, #tpu.memory_space<hbm>>
      %dma_start3A_25 = arith.constant 0 : i32
      %dma_start3A_26 = arith.constant 0 : i32
      %dma_start3A_27 = tpu.memref_slice %arg3[%add3A, %dma_start3A_25, %dma_start3A_26] : memref<32x96x128xi32, #tpu.memory_space<hbm>> -> memref<1x96x128xi32, #tpu.memory_space<hbm>>
      %dma_start3A_28 = tpu.memref_squeeze %dma_start3A_27 : memref<1x96x128xi32, #tpu.memory_space<hbm>> -> memref<96x128xi32, #tpu.memory_space<hbm>>
      tpu.enqueue_dma source(%dma_start3A_28 : memref<96x128xi32, #tpu.memory_space<hbm>>) target(%arg8 : memref<96x128xi32, #tpu.memory_space<vmem>>) target_semaphore(%run_scoped3A : memref<!tpu.dma_semaphore, #tpu.memory_space<semaphore_mem>>)
      %dma_wait3A = arith.constant 0 : i32
      %dma_wait3A_29 = arith.constant 0 : i32
      %dma_wait3A_30 = tpu.memref_slice %arg3[%add3A, %dma_wait3A, %dma_wait3A_29] : memref<32x96x128xi32, #tpu.memory_space<hbm>> -> memref<1x96x128xi32, #tpu.memory_space<hbm>>
      %dma_wait3A_31 = tpu.memref_squeeze %dma_wait3A_30 : memref<1x96x128xi32, #tpu.memory_space<hbm>> -> memref<96x128xi32, #tpu.memory_space<hbm>>
      %dma_wait3A_32 = arith.constant 0 : i32
      %dma_wait3A_33 = arith.constant 0 : i32
      %dma_wait3A_34 = tpu.memref_slice %arg3[%add3A, %dma_wait3A_32, %dma_wait3A_33] : memref<32x96x128xi32, #tpu.memory_space<hbm>> -> memref<1x96x128xi32, #tpu.memory_space<hbm>>
      %dma_wait3A_35 = tpu.memref_squeeze %dma_wait3A_34 : memref<1x96x128xi32, #tpu.memory_space<hbm>> -> memref<96x128xi32, #tpu.memory_space<hbm>>
      tpu.wait_dma2 semaphore(%run_scoped3A : memref<!tpu.dma_semaphore, #tpu.memory_space<semaphore_mem>>) src(%dma_wait3A_35 : memref<96x128xi32, #tpu.memory_space<hbm>>) dst(%arg8 : memref<96x128xi32, #tpu.memory_space<vmem>>)
      tpu.yield
    }) : () -> ()
    %scan3A = arith.constant 0 : i32
    %scan3A_3 = arith.constant 0 : i32
    %scan3A_4 = arith.constant 2 : i32
    %scan3A_5 = arith.addi %scan3A_3, %scan3A_4 : i32
    %scan3A_6 = arith.constant 1 : i32
    scf.for %scan3A_22 = %scan3A_3 to %scan3A_5 step %scan3A_6  : i32 {
      %mul3A_23 = arith.constant 640 : i32
      %mul3A_24 = arith.muli %arg1, %mul3A_23 : i32
      %mul3A_25 = arith.constant 320 : i32
      %mul3A_26 = arith.muli %scan3A_22, %mul3A_25 : i32
      %add3A_27 = arith.addi %mul3A_24, %mul3A_26 : i32
      "tpu.region"() ({
        %run_scoped3A = tpu.sem_alloc : memref<!tpu.dma_semaphore, #tpu.memory_space<semaphore_mem>>
        %dma_start3A = arith.constant 0 : i32
        %dma_start3A_28 = tpu.memref_slice %arg10[%add3A_27, %dma_start3A] : memref<10240x128xf32, #tpu.memory_space<vmem_shared>> -> memref<320x128xf32, #tpu.memory_space<vmem_shared>>
        tpu.enqueue_dma source(%arg5 : memref<320x128xf32, #tpu.memory_space<hbm>>) target(%dma_start3A_28 : memref<320x128xf32, #tpu.memory_space<vmem_shared>>) target_semaphore(%run_scoped3A : memref<!tpu.dma_semaphore, #tpu.memory_space<semaphore_mem>>)
        %dma_wait3A = arith.constant 0 : i32
        %dma_wait3A_29 = tpu.memref_slice %arg10[%add3A_27, %dma_wait3A] : memref<10240x128xf32, #tpu.memory_space<vmem_shared>> -> memref<320x128xf32, #tpu.memory_space<vmem_shared>>
        tpu.wait_dma2 semaphore(%run_scoped3A : memref<!tpu.dma_semaphore, #tpu.memory_space<semaphore_mem>>) src(%arg5 : memref<320x128xf32, #tpu.memory_space<hbm>>) dst(%dma_wait3A_29 : memref<320x128xf32, #tpu.memory_space<vmem_shared>>)
        tpu.yield
      }) : () -> ()
    }
    %scan3A_7 = arith.constant 2 : i32
    %barrier3A = arith.constant 0 : index
    tpu.barrier barrier_id(%barrier3A)
    %while3A = arith.constant 0 : i32
    %while3A_8 = arith.constant 0 : i32
    %while3A_9 = arith.subi %select_n3A, %while3A_8 : i32
    %while3A_10 = arith.addi %while3A_8, %while3A_9 : i32
    %while3A_11 = arith.constant 1 : i32
    %while3A_12 = arith.divsi %while3A_9, %while3A_11 : i32
    %while3A_13 = arith.muli %while3A_12, %while3A_11 : i32
    %while3A_14 = arith.addi %while3A_8, %while3A_13 : i32
    %while3A_15 = arith.constant 1 : i32
    scf.for %while3A_22 = %while3A_8 to %while3A_14 step %while3A_15  : i32 {
      %dma_start3A = arith.constant 0 : i32
      %dma_start3A_23 = tpu.memref_slice %arg7[%while3A_22, %dma_start3A] : memref<96x128xi32, #tpu.memory_space<vmem>> -> memref<1x128xi32, #tpu.memory_space<vmem>>
      %dma_start3A_24 = tpu.memref_squeeze %dma_start3A_23 : memref<1x128xi32, #tpu.memory_space<vmem>> -> memref<128xi32, #tpu.memory_space<vmem>>
      %dma_start3A_25 = arith.constant 0 : i32
      %dma_start3A_26 = arith.constant 0 : i32
      %dma_start3A_27 = tpu.memref_slice %arg4[%dma_start3A_25, %dma_start3A_26] : memref<10240x128xf32, #tpu.memory_space<hbm>> -> memref<10240x128xf32, #tpu.memory_space<hbm>>
      tpu.enqueue_indirect_dma source(%dma_start3A_27 : memref<10240x128xf32, #tpu.memory_space<hbm>>) target(%arg9 : memref<128x128xf32, #tpu.memory_space<vmem>>) offsets(%dma_start3A_24 : memref<128xi32, #tpu.memory_space<vmem>>) semaphore(%arg11 : memref<!tpu.dma_semaphore, #tpu.memory_space<semaphore_mem>>)
      %dma_wait3A = arith.constant 0 : i32
      %dma_wait3A_28 = tpu.memref_slice %arg7[%while3A_22, %dma_wait3A] : memref<96x128xi32, #tpu.memory_space<vmem>> -> memref<1x128xi32, #tpu.memory_space<vmem>>
      %dma_wait3A_29 = tpu.memref_squeeze %dma_wait3A_28 : memref<1x128xi32, #tpu.memory_space<vmem>> -> memref<128xi32, #tpu.memory_space<vmem>>
      %dma_wait3A_30 = arith.constant 0 : i32
      %dma_wait3A_31 = arith.constant 0 : i32
      %dma_wait3A_32 = tpu.memref_slice %arg4[%dma_wait3A_30, %dma_wait3A_31] : memref<10240x128xf32, #tpu.memory_space<hbm>> -> memref<10240x128xf32, #tpu.memory_space<hbm>>
      tpu.wait_indirect_dma semaphore(%arg11 : memref<!tpu.dma_semaphore, #tpu.memory_space<semaphore_mem>>) src(%dma_wait3A_32 : memref<10240x128xf32, #tpu.memory_space<hbm>>) dst(%arg9 : memref<128x128xf32, #tpu.memory_space<vmem>>)
      "tpu.region"() ({
        %run_scoped3A = tpu.sem_alloc : memref<!tpu.dma_semaphore, #tpu.memory_space<semaphore_mem>>
        %dma_start3A_33 = arith.constant 0 : i32
        %dma_start3A_34 = tpu.memref_slice %arg8[%while3A_22, %dma_start3A_33] : memref<96x128xi32, #tpu.memory_space<vmem>> -> memref<1x128xi32, #tpu.memory_space<vmem>>
        %dma_start3A_35 = tpu.memref_squeeze %dma_start3A_34 : memref<1x128xi32, #tpu.memory_space<vmem>> -> memref<128xi32, #tpu.memory_space<vmem>>
        %dma_start3A_36 = arith.constant 0 : i32
        %dma_start3A_37 = arith.constant 0 : i32
        %dma_start3A_38 = tpu.memref_slice %arg10[%dma_start3A_36, %dma_start3A_37] : memref<10240x128xf32, #tpu.memory_space<vmem_shared>> -> memref<10240x128xf32, #tpu.memory_space<vmem_shared>>
        tpu.enqueue_indirect_dma source(%arg9 : memref<128x128xf32, #tpu.memory_space<vmem>>) target(%dma_start3A_38 : memref<10240x128xf32, #tpu.memory_space<vmem_shared>>) offsets(%dma_start3A_35 : memref<128xi32, #tpu.memory_space<vmem>>) semaphore(%run_scoped3A : memref<!tpu.dma_semaphore, #tpu.memory_space<semaphore_mem>>) {add = true}
        %dma_wait3A_39 = arith.constant 0 : i32
        %dma_wait3A_40 = tpu.memref_slice %arg8[%while3A_22, %dma_wait3A_39] : memref<96x128xi32, #tpu.memory_space<vmem>> -> memref<1x128xi32, #tpu.memory_space<vmem>>
        %dma_wait3A_41 = tpu.memref_squeeze %dma_wait3A_40 : memref<1x128xi32, #tpu.memory_space<vmem>> -> memref<128xi32, #tpu.memory_space<vmem>>
        %dma_wait3A_42 = arith.constant 0 : i32
        %dma_wait3A_43 = arith.constant 0 : i32
        %dma_wait3A_44 = tpu.memref_slice %arg10[%dma_wait3A_42, %dma_wait3A_43] : memref<10240x128xf32, #tpu.memory_space<vmem_shared>> -> memref<10240x128xf32, #tpu.memory_space<vmem_shared>>
        tpu.wait_indirect_dma semaphore(%run_scoped3A : memref<!tpu.dma_semaphore, #tpu.memory_space<semaphore_mem>>) src(%arg9 : memref<128x128xf32, #tpu.memory_space<vmem>>) dst(%dma_wait3A_44 : memref<10240x128xf32, #tpu.memory_space<vmem_shared>>)
        tpu.yield
      }) : () -> ()
    }
    %while3A_16 = arith.constant 1 : i32
    scf.for %while3A_22 = %while3A_14 to %while3A_10 step %while3A_16  : i32 {
      %dma_start3A = arith.constant 0 : i32
      %dma_start3A_23 = tpu.memref_slice %arg7[%while3A_22, %dma_start3A] : memref<96x128xi32, #tpu.memory_space<vmem>> -> memref<1x128xi32, #tpu.memory_space<vmem>>
      %dma_start3A_24 = tpu.memref_squeeze %dma_start3A_23 : memref<1x128xi32, #tpu.memory_space<vmem>> -> memref<128xi32, #tpu.memory_space<vmem>>
      %dma_start3A_25 = arith.constant 0 : i32
      %dma_start3A_26 = arith.constant 0 : i32
      %dma_start3A_27 = tpu.memref_slice %arg4[%dma_start3A_25, %dma_start3A_26] : memref<10240x128xf32, #tpu.memory_space<hbm>> -> memref<10240x128xf32, #tpu.memory_space<hbm>>
      tpu.enqueue_indirect_dma source(%dma_start3A_27 : memref<10240x128xf32, #tpu.memory_space<hbm>>) target(%arg9 : memref<128x128xf32, #tpu.memory_space<vmem>>) offsets(%dma_start3A_24 : memref<128xi32, #tpu.memory_space<vmem>>) semaphore(%arg11 : memref<!tpu.dma_semaphore, #tpu.memory_space<semaphore_mem>>)
      %dma_wait3A = arith.constant 0 : i32
      %dma_wait3A_28 = tpu.memref_slice %arg7[%while3A_22, %dma_wait3A] : memref<96x128xi32, #tpu.memory_space<vmem>> -> memref<1x128xi32, #tpu.memory_space<vmem>>
      %dma_wait3A_29 = tpu.memref_squeeze %dma_wait3A_28 : memref<1x128xi32, #tpu.memory_space<vmem>> -> memref<128xi32, #tpu.memory_space<vmem>>
      %dma_wait3A_30 = arith.constant 0 : i32
      %dma_wait3A_31 = arith.constant 0 : i32
      %dma_wait3A_32 = tpu.memref_slice %arg4[%dma_wait3A_30, %dma_wait3A_31] : memref<10240x128xf32, #tpu.memory_space<hbm>> -> memref<10240x128xf32, #tpu.memory_space<hbm>>
      tpu.wait_indirect_dma semaphore(%arg11 : memref<!tpu.dma_semaphore, #tpu.memory_space<semaphore_mem>>) src(%dma_wait3A_32 : memref<10240x128xf32, #tpu.memory_space<hbm>>) dst(%arg9 : memref<128x128xf32, #tpu.memory_space<vmem>>)
      "tpu.region"() ({
        %run_scoped3A = tpu.sem_alloc : memref<!tpu.dma_semaphore, #tpu.memory_space<semaphore_mem>>
        %dma_start3A_33 = arith.constant 0 : i32
        %dma_start3A_34 = tpu.memref_slice %arg8[%while3A_22, %dma_start3A_33] : memref<96x128xi32, #tpu.memory_space<vmem>> -> memref<1x128xi32, #tpu.memory_space<vmem>>
        %dma_start3A_35 = tpu.memref_squeeze %dma_start3A_34 : memref<1x128xi32, #tpu.memory_space<vmem>> -> memref<128xi32, #tpu.memory_space<vmem>>
        %dma_start3A_36 = arith.constant 0 : i32
        %dma_start3A_37 = arith.constant 0 : i32
        %dma_start3A_38 = tpu.memref_slice %arg10[%dma_start3A_36, %dma_start3A_37] : memref<10240x128xf32, #tpu.memory_space<vmem_shared>> -> memref<10240x128xf32, #tpu.memory_space<vmem_shared>>
        tpu.enqueue_indirect_dma source(%arg9 : memref<128x128xf32, #tpu.memory_space<vmem>>) target(%dma_start3A_38 : memref<10240x128xf32, #tpu.memory_space<vmem_shared>>) offsets(%dma_start3A_35 : memref<128xi32, #tpu.memory_space<vmem>>) semaphore(%run_scoped3A : memref<!tpu.dma_semaphore, #tpu.memory_space<semaphore_mem>>) {add = true}
        %dma_wait3A_39 = arith.constant 0 : i32
        %dma_wait3A_40 = tpu.memref_slice %arg8[%while3A_22, %dma_wait3A_39] : memref<96x128xi32, #tpu.memory_space<vmem>> -> memref<1x128xi32, #tpu.memory_space<vmem>>
        %dma_wait3A_41 = tpu.memref_squeeze %dma_wait3A_40 : memref<1x128xi32, #tpu.memory_space<vmem>> -> memref<128xi32, #tpu.memory_space<vmem>>
        %dma_wait3A_42 = arith.constant 0 : i32
        %dma_wait3A_43 = arith.constant 0 : i32
        %dma_wait3A_44 = tpu.memref_slice %arg10[%dma_wait3A_42, %dma_wait3A_43] : memref<10240x128xf32, #tpu.memory_space<vmem_shared>> -> memref<10240x128xf32, #tpu.memory_space<vmem_shared>>
        tpu.wait_indirect_dma semaphore(%run_scoped3A : memref<!tpu.dma_semaphore, #tpu.memory_space<semaphore_mem>>) src(%arg9 : memref<128x128xf32, #tpu.memory_space<vmem>>) dst(%dma_wait3A_44 : memref<10240x128xf32, #tpu.memory_space<vmem_shared>>)
        tpu.yield
      }) : () -> ()
    }
    %barrier3A_17 = arith.constant 0 : index
    tpu.barrier barrier_id(%barrier3A_17)
    %mul3A_18 = arith.constant 640 : i32
    %mul3A_19 = arith.muli %arg1, %mul3A_18 : i32
    %mul3A_20 = arith.constant 640 : i32
    %mul3A_21 = arith.muli %arg1, %mul3A_20 : i32
    "tpu.region"() ({
      %run_scoped3A = tpu.sem_alloc : memref<!tpu.dma_semaphore, #tpu.memory_space<semaphore_mem>>
      %dma_start3A = arith.constant 0 : i32
      %dma_start3A_22 = arith.constant 0 : i32
      %dma_start3A_23 = tpu.memref_slice %arg6[%arg0, %dma_start3A, %dma_start3A_22] : memref<2x10240x128xf32, #tpu.memory_space<hbm>> -> memref<1x10240x128xf32, #tpu.memory_space<hbm>>
      %dma_start3A_24 = tpu.memref_squeeze %dma_start3A_23 : memref<1x10240x128xf32, #tpu.memory_space<hbm>> -> memref<10240x128xf32, #tpu.memory_space<hbm>>
      %dma_start3A_25 = arith.constant 0 : i32
      %dma_start3A_26 = tpu.memref_slice %dma_start3A_24[%mul3A_21, %dma_start3A_25] : memref<10240x128xf32, #tpu.memory_space<hbm>> -> memref<640x128xf32, #tpu.memory_space<hbm>>
      %dma_start3A_27 = arith.constant 0 : i32
      %dma_start3A_28 = tpu.memref_slice %arg10[%mul3A_19, %dma_start3A_27] : memref<10240x128xf32, #tpu.memory_space<vmem_shared>> -> memref<640x128xf32, #tpu.memory_space<vmem_shared>>
      tpu.enqueue_dma source(%dma_start3A_28 : memref<640x128xf32, #tpu.memory_space<vmem_shared>>) target(%dma_start3A_26 : memref<640x128xf32, #tpu.memory_space<hbm>>) target_semaphore(%run_scoped3A : memref<!tpu.dma_semaphore, #tpu.memory_space<semaphore_mem>>)
      %dma_wait3A = arith.constant 0 : i32
      %dma_wait3A_29 = arith.constant 0 : i32
      %dma_wait3A_30 = tpu.memref_slice %arg6[%arg0, %dma_wait3A, %dma_wait3A_29] : memref<2x10240x128xf32, #tpu.memory_space<hbm>> -> memref<1x10240x128xf32, #tpu.memory_space<hbm>>
      %dma_wait3A_31 = tpu.memref_squeeze %dma_wait3A_30 : memref<1x10240x128xf32, #tpu.memory_space<hbm>> -> memref<10240x128xf32, #tpu.memory_space<hbm>>
      %dma_wait3A_32 = arith.constant 0 : i32
      %dma_wait3A_33 = tpu.memref_slice %dma_wait3A_31[%mul3A_21, %dma_wait3A_32] : memref<10240x128xf32, #tpu.memory_space<hbm>> -> memref<640x128xf32, #tpu.memory_space<hbm>>
      %dma_wait3A_34 = arith.constant 0 : i32
      %dma_wait3A_35 = tpu.memref_slice %arg10[%mul3A_19, %dma_wait3A_34] : memref<10240x128xf32, #tpu.memory_space<vmem_shared>> -> memref<640x128xf32, #tpu.memory_space<vmem_shared>>
      tpu.wait_dma2 semaphore(%run_scoped3A : memref<!tpu.dma_semaphore, #tpu.memory_space<semaphore_mem>>) src(%dma_wait3A_35 : memref<640x128xf32, #tpu.memory_space<vmem_shared>>) dst(%dma_wait3A_33 : memref<640x128xf32, #tpu.memory_space<hbm>>)
      tpu.yield
    }) : () -> ()
    return
  }
}

module attributes {stable_mosaic.version = 14 : i64} {
  func.func @_tcA_body(%arg0: i32, %arg1: memref<1024x1xf32, #tpu.memory_space<vmem>>, %arg2: memref<1024x1xf32, #tpu.memory_space<vmem>>, %arg3: memref<1024x128xf32, #tpu.memory_space<vmem>>, %arg4: memref<1024x1xi32, #tpu.memory_space<vmem>>, %arg5: memref<1024x128xf32, #tpu.memory_space<vmem>>, %arg6: memref<1024x1xf32, #tpu.memory_space<vmem>>, %arg7: memref<1024x1xi32, #tpu.memory_space<vmem>>) attributes {dimension_semantics = [#tpu.dimension_semantics<arbitrary>], iteration_bounds = array<i64: 10>, scalar_prefetch = 0 : i64, scratch_operands = 0 : i64, tpu.core_type = #tpu.core_type<tc>, window_params = [{transform_indices = @transform_0, window_bounds = array<i64: 1024, 1>}, {transform_indices = @transform_1, window_bounds = array<i64: 1024, 1>}, {transform_indices = @transform_2, window_bounds = array<i64: 1024, 128>}, {transform_indices = @transform_3, window_bounds = array<i64: 1024, 1>}, {transform_indices = @transform_4, window_bounds = array<i64: 1024, 128>}, {transform_indices = @transform_5, window_bounds = array<i64: 1024, 1>}, {transform_indices = @transform_6, window_bounds = array<i64: 1024, 1>}]} {
    %get3A = arith.constant 0 : index
    %get3A_0 = arith.constant 0 : index
    %get3A_1 = vector.load %arg1[%get3A, %get3A_0] : memref<1024x1xf32, #tpu.memory_space<vmem>>, vector<1024x1xf32>
    %get3A_2 = arith.constant 0 : index
    %get3A_3 = arith.constant 0 : index
    %get3A_4 = vector.load %arg2[%get3A_2, %get3A_3] : memref<1024x1xf32, #tpu.memory_space<vmem>>, vector<1024x1xf32>
    %add3A = arith.addf %get3A_1, %get3A_4 : vector<1024x1xf32>
    %add3A_5 = arith.constant 1.000000e+00 : f32
    %add3A_6 = vector.broadcast %add3A_5 : f32 to vector<1024x1xf32>
    %add3A_7 = arith.addf %add3A, %add3A_6 : vector<1024x1xf32>
    %rsqrt3A = math.rsqrt %add3A_7 : vector<1024x1xf32>
    %swap3A = arith.constant 0 : index
    %swap3A_8 = arith.constant 0 : index
    %swap3A_9 = vector.load %arg6[%swap3A, %swap3A_8] : memref<1024x1xf32, #tpu.memory_space<vmem>>, vector<1024x1xf32>
    tpu.vector_store %arg6[%swap3A, %swap3A_8], %rsqrt3A {strides = array<i32>} : memref<1024x1xf32, #tpu.memory_space<vmem>>, vector<1024x1xf32>,
    %get3A_10 = arith.constant 0 : index
    %get3A_11 = arith.constant 0 : index
    %get3A_12 = vector.load %arg3[%get3A_10, %get3A_11] : memref<1024x128xf32, #tpu.memory_space<vmem>>, vector<1024x128xf32>
    %mul3A = vector.broadcast %rsqrt3A : vector<1024x1xf32> to vector<1024x128xf32>
    %mul3A_13 = arith.mulf %get3A_12, %mul3A : vector<1024x128xf32>
    %swap3A_14 = arith.constant 0 : index
    %swap3A_15 = arith.constant 0 : index
    %swap3A_16 = vector.load %arg5[%swap3A_14, %swap3A_15] : memref<1024x128xf32, #tpu.memory_space<vmem>>, vector<1024x128xf32>
    tpu.vector_store %arg5[%swap3A_14, %swap3A_15], %mul3A_13 {strides = array<i32>} : memref<1024x128xf32, #tpu.memory_space<vmem>>, vector<1024x128xf32>,
    %convert_element_type3A = arith.fptosi %add3A : vector<1024x1xf32> to vector<1024x1xi32>
    %min3A = arith.constant 10 : i32
    %min3A_17 = vector.broadcast %min3A : i32 to vector<1024x1xi32>
    %min3A_18 = arith.minsi %convert_element_type3A, %min3A_17 : vector<1024x1xi32>
    %get3A_19 = arith.constant 0 : index
    %get3A_20 = arith.constant 0 : index
    %get3A_21 = vector.load %arg4[%get3A_19, %get3A_20] : memref<1024x1xi32, #tpu.memory_space<vmem>>, vector<1024x1xi32>
    %mul3A_22 = arith.constant 12 : i32
    %mul3A_23 = vector.broadcast %mul3A_22 : i32 to vector<1024x1xi32>
    %mul3A_24 = arith.muli %get3A_21, %mul3A_23 : vector<1024x1xi32>
    %add3A_25 = arith.addi %mul3A_24, %min3A_18 : vector<1024x1xi32>
    %swap3A_26 = arith.constant 0 : index
    %swap3A_27 = arith.constant 0 : index
    %swap3A_28 = vector.load %arg7[%swap3A_26, %swap3A_27] : memref<1024x1xi32, #tpu.memory_space<vmem>>, vector<1024x1xi32>
    tpu.vector_store %arg7[%swap3A_26, %swap3A_27], %add3A_25 {strides = array<i32>} : memref<1024x1xi32, #tpu.memory_space<vmem>>, vector<1024x1xi32>,
    return
  }
  func.func @transform_0(%arg0: i32) -> (i32, i32) {
    %c0_i32 = arith.constant 0 : i32
    %c0_i32_0 = arith.constant 0 : i32
    return %arg0, %c0_i32 : i32, i32
  }
  func.func @transform_1(%arg0: i32) -> (i32, i32) {
    %c0_i32 = arith.constant 0 : i32
    %c0_i32_0 = arith.constant 0 : i32
    return %arg0, %c0_i32 : i32, i32
  }
  func.func @transform_2(%arg0: i32) -> (i32, i32) {
    %c0_i32 = arith.constant 0 : i32
    %c0_i32_0 = arith.constant 0 : i32
    return %arg0, %c0_i32 : i32, i32
  }
  func.func @transform_3(%arg0: i32) -> (i32, i32) {
    %c0_i32 = arith.constant 0 : i32
    %c0_i32_0 = arith.constant 0 : i32
    return %arg0, %c0_i32 : i32, i32
  }
  func.func @transform_4(%arg0: i32) -> (i32, i32) {
    %c0_i32 = arith.constant 0 : i32
    %c0_i32_0 = arith.constant 0 : i32
    return %arg0, %c0_i32 : i32, i32
  }
  func.func @transform_5(%arg0: i32) -> (i32, i32) {
    %c0_i32 = arith.constant 0 : i32
    %c0_i32_0 = arith.constant 0 : i32
    return %arg0, %c0_i32 : i32, i32
  }
  func.func @transform_6(%arg0: i32) -> (i32, i32) {
    %c0_i32 = arith.constant 0 : i32
    %c0_i32_0 = arith.constant 0 : i32
    return %arg0, %c0_i32 : i32, i32
  }
}

module attributes {stable_mosaic.version = 14 : i64} {
  func.func @_tcBC_body(%arg0: i32, %arg1: memref<1x1024x128xf32, #tpu.memory_space<vmem>>, %arg2: memref<1x1024x128xf32, #tpu.memory_space<vmem>>, %arg3: memref<1024x128xf32, #tpu.memory_space<vmem>>, %arg4: memref<1024x1xf32, #tpu.memory_space<vmem>>, %arg5: memref<128x128xf32, #tpu.memory_space<vmem>>, %arg6: memref<8x128xf32, #tpu.memory_space<vmem>>, %arg7: memref<1024x128xf32, #tpu.memory_space<vmem>>, %arg8: memref<1024x128xf32, #tpu.memory_space<vmem>>) attributes {dimension_semantics = [#tpu.dimension_semantics<arbitrary>], iteration_bounds = array<i64: 10>, scalar_prefetch = 0 : i64, scratch_operands = 0 : i64, tpu.core_type = #tpu.core_type<tc>, window_params = [{transform_indices = @transform_0, window_bounds = array<i64: 1, 1024, 128>}, {transform_indices = @transform_1, window_bounds = array<i64: 1, 1024, 128>}, {transform_indices = @transform_2, window_bounds = array<i64: 1024, 128>}, {transform_indices = @transform_3, window_bounds = array<i64: 1024, 1>}, {pipeline_mode = #tpu.pipeline_mode<synchronous>, transform_indices = @transform_4, window_bounds = array<i64: 128, 128>}, {pipeline_mode = #tpu.pipeline_mode<synchronous>, transform_indices = @transform_5, window_bounds = array<i64: 8, 128>}, {transform_indices = @transform_6, window_bounds = array<i64: 1024, 128>}, {transform_indices = @transform_7, window_bounds = array<i64: 1024, 128>}]} {
    %get3A = arith.constant 0 : index
    %get3A_0 = arith.constant 0 : index
    %get3A_1 = vector.load %arg4[%get3A, %get3A_0] : memref<1024x1xf32, #tpu.memory_space<vmem>>, vector<1024x1xf32>
    %get3A_2 = arith.constant 0 : index
    %get3A_3 = arith.constant 0 : index
    %get3A_4 = arith.constant 0 : index
    %get3A_5 = vector.load %arg1[%get3A_2, %get3A_3, %get3A_4] : memref<1x1024x128xf32, #tpu.memory_space<vmem>>, vector<1x1024x128xf32>
    %get3A_6 = vector.shape_cast %get3A_5 : vector<1x1024x128xf32> to vector<1024x128xf32>
    %get3A_7 = arith.constant 0 : index
    %get3A_8 = arith.constant 0 : index
    %get3A_9 = arith.constant 0 : index
    %get3A_10 = vector.load %arg2[%get3A_7, %get3A_8, %get3A_9] : memref<1x1024x128xf32, #tpu.memory_space<vmem>>, vector<1x1024x128xf32>
    %get3A_11 = vector.shape_cast %get3A_10 : vector<1x1024x128xf32> to vector<1024x128xf32>
    %add3A = arith.addf %get3A_6, %get3A_11 : vector<1024x128xf32>
    %get3A_12 = arith.constant 0 : index
    %get3A_13 = arith.constant 0 : index
    %get3A_14 = vector.load %arg3[%get3A_12, %get3A_13] : memref<1024x128xf32, #tpu.memory_space<vmem>>, vector<1024x128xf32>
    %add3A_15 = arith.addf %add3A, %get3A_14 : vector<1024x128xf32>
    %mul3A = vector.broadcast %get3A_1 : vector<1024x1xf32> to vector<1024x128xf32>
    %mul3A_16 = arith.mulf %mul3A, %add3A_15 : vector<1024x128xf32>
    %get3A_17 = arith.constant 0 : index
    %get3A_18 = arith.constant 0 : index
    %get3A_19 = vector.load %arg5[%get3A_17, %get3A_18] : memref<128x128xf32, #tpu.memory_space<vmem>>, vector<128x128xf32>
    %dot_general3A = arith.constant dense<0.000000e+00> : vector<1024x128xf32>
    %dot_general3A_20 = tpu.matmul %mul3A_16, %get3A_19, %dot_general3A {dimension_numbers = #tpu.dot_dimension_numbers<[1], [0], [0], [1], [0, 0, 1, 1], [], []>, transpose_lhs_hint = false} : vector<1024x128xf32>, vector<128x128xf32>, vector<1024x128xf32> -> vector<1024x128xf32>
    %get3A_21 = arith.constant 0 : index
    %get3A_22 = arith.constant 0 : index
    %get3A_23 = vector.load %arg6[%get3A_21, %get3A_22] : memref<8x128xf32, #tpu.memory_space<vmem>>, vector<1x128xf32>
    %add3A_24 = vector.broadcast %get3A_23 : vector<1x128xf32> to vector<1024x128xf32>
    %add3A_25 = arith.addf %dot_general3A_20, %add3A_24 : vector<1024x128xf32>
    %swap3A = arith.constant 0 : index
    %swap3A_26 = arith.constant 0 : index
    %swap3A_27 = vector.load %arg7[%swap3A, %swap3A_26] : memref<1024x128xf32, #tpu.memory_space<vmem>>, vector<1024x128xf32>
    tpu.vector_store %arg7[%swap3A, %swap3A_26], %add3A_25 {strides = array<i32>} : memref<1024x128xf32, #tpu.memory_space<vmem>>, vector<1024x128xf32>,
    %get3A_28 = arith.constant 0 : index
    %get3A_29 = arith.constant 0 : index
    %get3A_30 = vector.load %arg4[%get3A_28, %get3A_29] : memref<1024x1xf32, #tpu.memory_space<vmem>>, vector<1024x1xf32>
    %mul3A_31 = vector.broadcast %get3A_30 : vector<1024x1xf32> to vector<1024x128xf32>
    %mul3A_32 = arith.mulf %mul3A_31, %add3A_25 : vector<1024x128xf32>
    %swap3A_33 = arith.constant 0 : index
    %swap3A_34 = arith.constant 0 : index
    %swap3A_35 = vector.load %arg8[%swap3A_33, %swap3A_34] : memref<1024x128xf32, #tpu.memory_space<vmem>>, vector<1024x128xf32>
    tpu.vector_store %arg8[%swap3A_33, %swap3A_34], %mul3A_32 {strides = array<i32>} : memref<1024x128xf32, #tpu.memory_space<vmem>>, vector<1024x128xf32>,
    return
  }
  func.func @transform_0(%arg0: i32) -> (i32, i32, i32) {
    %c0_i32 = arith.constant 0 : i32
    %c0_i32_0 = arith.constant 0 : i32
    %c0_i32_1 = arith.constant 0 : i32
    return %c0_i32, %arg0, %c0_i32_0 : i32, i32, i32
  }
  func.func @transform_1(%arg0: i32) -> (i32, i32, i32) {
    %c1_i32 = arith.constant 1 : i32
    %c0_i32 = arith.constant 0 : i32
    %c0_i32_0 = arith.constant 0 : i32
    return %c1_i32, %arg0, %c0_i32 : i32, i32, i32
  }
  func.func @transform_2(%arg0: i32) -> (i32, i32) {
    %c0_i32 = arith.constant 0 : i32
    %c0_i32_0 = arith.constant 0 : i32
    return %arg0, %c0_i32 : i32, i32
  }
  func.func @transform_3(%arg0: i32) -> (i32, i32) {
    %c0_i32 = arith.constant 0 : i32
    %c0_i32_0 = arith.constant 0 : i32
    return %arg0, %c0_i32 : i32, i32
  }
  func.func @transform_4(%arg0: i32) -> (i32, i32) {
    %c0_i32 = arith.constant 0 : i32
    %c0_i32_0 = arith.constant 0 : i32
    %c0_i32_1 = arith.constant 0 : i32
    return %c0_i32, %c0_i32_0 : i32, i32
  }
  func.func @transform_5(%arg0: i32) -> (i32, i32) {
    %c0_i32 = arith.constant 0 : i32
    %c0_i32_0 = arith.constant 0 : i32
    %c0_i32_1 = arith.constant 0 : i32
    return %c0_i32, %c0_i32_0 : i32, i32
  }
  func.func @transform_6(%arg0: i32) -> (i32, i32) {
    %c0_i32 = arith.constant 0 : i32
    %c0_i32_0 = arith.constant 0 : i32
    return %arg0, %c0_i32 : i32, i32
  }
  func.func @transform_7(%arg0: i32) -> (i32, i32) {
    %c0_i32 = arith.constant 0 : i32
    %c0_i32_0 = arith.constant 0 : i32
    return %arg0, %c0_i32 : i32, i32
  }
}

module attributes {stable_mosaic.version = 14 : i64} {
  func.func @_tcBC_body(%arg0: i32, %arg1: memref<1x1024x128xf32, #tpu.memory_space<vmem>>, %arg2: memref<1x1024x128xf32, #tpu.memory_space<vmem>>, %arg3: memref<1024x128xf32, #tpu.memory_space<vmem>>, %arg4: memref<1024x1xf32, #tpu.memory_space<vmem>>, %arg5: memref<128x128xf32, #tpu.memory_space<vmem>>, %arg6: memref<8x128xf32, #tpu.memory_space<vmem>>, %arg7: memref<1024x128xf32, #tpu.memory_space<vmem>>, %arg8: memref<1024x128xf32, #tpu.memory_space<vmem>>) attributes {dimension_semantics = [#tpu.dimension_semantics<arbitrary>], iteration_bounds = array<i64: 10>, scalar_prefetch = 0 : i64, scratch_operands = 0 : i64, tpu.core_type = #tpu.core_type<tc>, window_params = [{transform_indices = @transform_0, window_bounds = array<i64: 1, 1024, 128>}, {transform_indices = @transform_1, window_bounds = array<i64: 1, 1024, 128>}, {transform_indices = @transform_2, window_bounds = array<i64: 1024, 128>}, {transform_indices = @transform_3, window_bounds = array<i64: 1024, 1>}, {pipeline_mode = #tpu.pipeline_mode<synchronous>, transform_indices = @transform_4, window_bounds = array<i64: 128, 128>}, {pipeline_mode = #tpu.pipeline_mode<synchronous>, transform_indices = @transform_5, window_bounds = array<i64: 8, 128>}, {transform_indices = @transform_6, window_bounds = array<i64: 1024, 128>}, {transform_indices = @transform_7, window_bounds = array<i64: 1024, 128>}]} {
    %get3A = arith.constant 0 : index
    %get3A_0 = arith.constant 0 : index
    %get3A_1 = vector.load %arg4[%get3A, %get3A_0] : memref<1024x1xf32, #tpu.memory_space<vmem>>, vector<1024x1xf32>
    %get3A_2 = arith.constant 0 : index
    %get3A_3 = arith.constant 0 : index
    %get3A_4 = arith.constant 0 : index
    %get3A_5 = vector.load %arg1[%get3A_2, %get3A_3, %get3A_4] : memref<1x1024x128xf32, #tpu.memory_space<vmem>>, vector<1x1024x128xf32>
    %get3A_6 = vector.shape_cast %get3A_5 : vector<1x1024x128xf32> to vector<1024x128xf32>
    %get3A_7 = arith.constant 0 : index
    %get3A_8 = arith.constant 0 : index
    %get3A_9 = arith.constant 0 : index
    %get3A_10 = vector.load %arg2[%get3A_7, %get3A_8, %get3A_9] : memref<1x1024x128xf32, #tpu.memory_space<vmem>>, vector<1x1024x128xf32>
    %get3A_11 = vector.shape_cast %get3A_10 : vector<1x1024x128xf32> to vector<1024x128xf32>
    %add3A = arith.addf %get3A_6, %get3A_11 : vector<1024x128xf32>
    %get3A_12 = arith.constant 0 : index
    %get3A_13 = arith.constant 0 : index
    %get3A_14 = vector.load %arg3[%get3A_12, %get3A_13] : memref<1024x128xf32, #tpu.memory_space<vmem>>, vector<1024x128xf32>
    %add3A_15 = arith.addf %add3A, %get3A_14 : vector<1024x128xf32>
    %mul3A = vector.broadcast %get3A_1 : vector<1024x1xf32> to vector<1024x128xf32>
    %mul3A_16 = arith.mulf %mul3A, %add3A_15 : vector<1024x128xf32>
    %get3A_17 = arith.constant 0 : index
    %get3A_18 = arith.constant 0 : index
    %get3A_19 = vector.load %arg5[%get3A_17, %get3A_18] : memref<128x128xf32, #tpu.memory_space<vmem>>, vector<128x128xf32>
    %dot_general3A = arith.constant dense<0.000000e+00> : vector<1024x128xf32>
    %dot_general3A_20 = tpu.matmul %mul3A_16, %get3A_19, %dot_general3A {dimension_numbers = #tpu.dot_dimension_numbers<[1], [0], [0], [1], [0, 0, 1, 1], [], []>, transpose_lhs_hint = false} : vector<1024x128xf32>, vector<128x128xf32>, vector<1024x128xf32> -> vector<1024x128xf32>
    %get3A_21 = arith.constant 0 : index
    %get3A_22 = arith.constant 0 : index
    %get3A_23 = vector.load %arg6[%get3A_21, %get3A_22] : memref<8x128xf32, #tpu.memory_space<vmem>>, vector<1x128xf32>
    %add3A_24 = vector.broadcast %get3A_23 : vector<1x128xf32> to vector<1024x128xf32>
    %add3A_25 = arith.addf %dot_general3A_20, %add3A_24 : vector<1024x128xf32>
    %swap3A = arith.constant 0 : index
    %swap3A_26 = arith.constant 0 : index
    %swap3A_27 = vector.load %arg7[%swap3A, %swap3A_26] : memref<1024x128xf32, #tpu.memory_space<vmem>>, vector<1024x128xf32>
    tpu.vector_store %arg7[%swap3A, %swap3A_26], %add3A_25 {strides = array<i32>} : memref<1024x128xf32, #tpu.memory_space<vmem>>, vector<1024x128xf32>,
    %get3A_28 = arith.constant 0 : index
    %get3A_29 = arith.constant 0 : index
    %get3A_30 = vector.load %arg4[%get3A_28, %get3A_29] : memref<1024x1xf32, #tpu.memory_space<vmem>>, vector<1024x1xf32>
    %mul3A_31 = vector.broadcast %get3A_30 : vector<1024x1xf32> to vector<1024x128xf32>
    %mul3A_32 = arith.mulf %mul3A_31, %add3A_25 : vector<1024x128xf32>
    %swap3A_33 = arith.constant 0 : index
    %swap3A_34 = arith.constant 0 : index
    %swap3A_35 = vector.load %arg8[%swap3A_33, %swap3A_34] : memref<1024x128xf32, #tpu.memory_space<vmem>>, vector<1024x128xf32>
    tpu.vector_store %arg8[%swap3A_33, %swap3A_34], %mul3A_32 {strides = array<i32>} : memref<1024x128xf32, #tpu.memory_space<vmem>>, vector<1024x128xf32>,
    return
  }
  func.func @transform_0(%arg0: i32) -> (i32, i32, i32) {
    %c0_i32 = arith.constant 0 : i32
    %c0_i32_0 = arith.constant 0 : i32
    %c0_i32_1 = arith.constant 0 : i32
    return %c0_i32, %arg0, %c0_i32_0 : i32, i32, i32
  }
  func.func @transform_1(%arg0: i32) -> (i32, i32, i32) {
    %c1_i32 = arith.constant 1 : i32
    %c0_i32 = arith.constant 0 : i32
    %c0_i32_0 = arith.constant 0 : i32
    return %c1_i32, %arg0, %c0_i32 : i32, i32, i32
  }
  func.func @transform_2(%arg0: i32) -> (i32, i32) {
    %c0_i32 = arith.constant 0 : i32
    %c0_i32_0 = arith.constant 0 : i32
    return %arg0, %c0_i32 : i32, i32
  }
  func.func @transform_3(%arg0: i32) -> (i32, i32) {
    %c0_i32 = arith.constant 0 : i32
    %c0_i32_0 = arith.constant 0 : i32
    return %arg0, %c0_i32 : i32, i32
  }
  func.func @transform_4(%arg0: i32) -> (i32, i32) {
    %c0_i32 = arith.constant 0 : i32
    %c0_i32_0 = arith.constant 0 : i32
    %c0_i32_1 = arith.constant 0 : i32
    return %c0_i32, %c0_i32_0 : i32, i32
  }
  func.func @transform_5(%arg0: i32) -> (i32, i32) {
    %c0_i32 = arith.constant 0 : i32
    %c0_i32_0 = arith.constant 0 : i32
    %c0_i32_1 = arith.constant 0 : i32
    return %c0_i32, %c0_i32_0 : i32, i32
  }
  func.func @transform_6(%arg0: i32) -> (i32, i32) {
    %c0_i32 = arith.constant 0 : i32
    %c0_i32_0 = arith.constant 0 : i32
    return %arg0, %c0_i32 : i32, i32
  }
  func.func @transform_7(%arg0: i32) -> (i32, i32) {
    %c0_i32 = arith.constant 0 : i32
    %c0_i32_0 = arith.constant 0 : i32
    return %arg0, %c0_i32 : i32, i32
  }
}

module attributes {stable_mosaic.version = 14 : i64} {
  func.func @_tcD1_body(%arg0: i32, %arg1: memref<1x1024x128xf32, #tpu.memory_space<vmem>>, %arg2: memref<1x1024x128xf32, #tpu.memory_space<vmem>>, %arg3: memref<1024x128xf32, #tpu.memory_space<vmem>>, %arg4: memref<1x1024x128xf32, #tpu.memory_space<vmem>>, %arg5: memref<1x1024x128xf32, #tpu.memory_space<vmem>>, %arg6: memref<1024x128xf32, #tpu.memory_space<vmem>>, %arg7: memref<1024x1xf32, #tpu.memory_space<vmem>>, %arg8: memref<1024x1xi32, #tpu.memory_space<vmem>>, %arg9: memref<1024x1xi32, #tpu.memory_space<vmem>>, %arg10: memref<16x128xf32, #tpu.memory_space<vmem>>, %arg11: memref<208x128xf32, #tpu.memory_space<vmem>>, %arg12: memref<208x128xf32, #tpu.memory_space<vmem>>, %arg13: memref<208x1xf32, #tpu.memory_space<vmem>>) attributes {dimension_semantics = [#tpu.dimension_semantics<arbitrary>], iteration_bounds = array<i64: 10>, scalar_prefetch = 0 : i64, scratch_operands = 0 : i64, tpu.core_type = #tpu.core_type<tc>, window_params = [{transform_indices = @transform_0, window_bounds = array<i64: 1, 1024, 128>}, {transform_indices = @transform_1, window_bounds = array<i64: 1, 1024, 128>}, {transform_indices = @transform_2, window_bounds = array<i64: 1024, 128>}, {transform_indices = @transform_3, window_bounds = array<i64: 1, 1024, 128>}, {transform_indices = @transform_4, window_bounds = array<i64: 1, 1024, 128>}, {transform_indices = @transform_5, window_bounds = array<i64: 1024, 128>}, {transform_indices = @transform_6, window_bounds = array<i64: 1024, 1>}, {transform_indices = @transform_7, window_bounds = array<i64: 1024, 1>}, {transform_indices = @transform_8, window_bounds = array<i64: 1024, 1>}, {pipeline_mode = #tpu.pipeline_mode<synchronous>, transform_indices = @transform_9, window_bounds = array<i64: 16, 128>}, {pipeline_mode = #tpu.pipeline_mode<synchronous>, transform_indices = @transform_10, window_bounds = array<i64: 208, 128>}, {pipeline_mode = #tpu.pipeline_mode<synchronous>, transform_indices = @transform_11, window_bounds = array<i64: 208, 128>}, {pipeline_mode = #tpu.pipeline_mode<synchronous>, transform_indices = @transform_12, window_bounds = array<i64: 208, 1>}]} {
    %eq3A = arith.constant 0 : i32
    %eq3A_0 = arith.cmpi eq, %arg0, %eq3A : i32
    %convert_element_type3A = arith.extui %eq3A_0 : i1 to i32
    %cond3A = arith.constant 0 : i32
    %cond3A_1 = arith.cmpi ne, %convert_element_type3A, %cond3A : i32
    scf.if %cond3A_1 {
      %broadcast_in_dim3A_83 = arith.constant 0.000000e+00 : f32
      %broadcast_in_dim3A_84 = vector.broadcast %broadcast_in_dim3A_83 : f32 to vector<16x128xf32>
      %swap3A_85 = arith.constant 0 : index
      %swap3A_86 = arith.constant 0 : index
      %swap3A_87 = vector.load %arg10[%swap3A_85, %swap3A_86] : memref<16x128xf32, #tpu.memory_space<vmem>>, vector<16x128xf32>
      tpu.vector_store %arg10[%swap3A_85, %swap3A_86], %broadcast_in_dim3A_84 {strides = array<i32>} : memref<16x128xf32, #tpu.memory_space<vmem>>, vector<16x128xf32>,
      %broadcast_in_dim3A_88 = arith.constant 0.000000e+00 : f32
      %broadcast_in_dim3A_89 = vector.broadcast %broadcast_in_dim3A_88 : f32 to vector<208x128xf32>
      %swap3A_90 = arith.constant 0 : index
      %swap3A_91 = arith.constant 0 : index
      %swap3A_92 = vector.load %arg11[%swap3A_90, %swap3A_91] : memref<208x128xf32, #tpu.memory_space<vmem>>, vector<208x128xf32>
      tpu.vector_store %arg11[%swap3A_90, %swap3A_91], %broadcast_in_dim3A_89 {strides = array<i32>} : memref<208x128xf32, #tpu.memory_space<vmem>>, vector<208x128xf32>,
      %broadcast_in_dim3A_93 = arith.constant 0.000000e+00 : f32
      %broadcast_in_dim3A_94 = vector.broadcast %broadcast_in_dim3A_93 : f32 to vector<208x128xf32>
      %swap3A_95 = arith.constant 0 : index
      %swap3A_96 = arith.constant 0 : index
      %swap3A_97 = vector.load %arg12[%swap3A_95, %swap3A_96] : memref<208x128xf32, #tpu.memory_space<vmem>>, vector<208x128xf32>
      tpu.vector_store %arg12[%swap3A_95, %swap3A_96], %broadcast_in_dim3A_94 {strides = array<i32>} : memref<208x128xf32, #tpu.memory_space<vmem>>, vector<208x128xf32>,
      %broadcast_in_dim3A_98 = arith.constant 0.000000e+00 : f32
      %broadcast_in_dim3A_99 = vector.broadcast %broadcast_in_dim3A_98 : f32 to vector<208x1xf32>
      %swap3A_100 = arith.constant 0 : index
      %swap3A_101 = arith.constant 0 : index
      %swap3A_102 = vector.load %arg13[%swap3A_100, %swap3A_101] : memref<208x1xf32, #tpu.memory_space<vmem>>, vector<208x1xf32>
      tpu.vector_store %arg13[%swap3A_100, %swap3A_101], %broadcast_in_dim3A_99 {strides = array<i32>} : memref<208x1xf32, #tpu.memory_space<vmem>>, vector<208x1xf32>,
    } else {
    }
    %get3A = arith.constant 0 : index
    %get3A_2 = arith.constant 0 : index
    %get3A_3 = vector.load %arg7[%get3A, %get3A_2] : memref<1024x1xf32, #tpu.memory_space<vmem>>, vector<1024x1xf32>
    %get3A_4 = arith.constant 0 : index
    %get3A_5 = arith.constant 0 : index
    %get3A_6 = arith.constant 0 : index
    %get3A_7 = vector.load %arg1[%get3A_4, %get3A_5, %get3A_6] : memref<1x1024x128xf32, #tpu.memory_space<vmem>>, vector<1x1024x128xf32>
    %get3A_8 = vector.shape_cast %get3A_7 : vector<1x1024x128xf32> to vector<1024x128xf32>
    %get3A_9 = arith.constant 0 : index
    %get3A_10 = arith.constant 0 : index
    %get3A_11 = arith.constant 0 : index
    %get3A_12 = vector.load %arg2[%get3A_9, %get3A_10, %get3A_11] : memref<1x1024x128xf32, #tpu.memory_space<vmem>>, vector<1x1024x128xf32>
    %get3A_13 = vector.shape_cast %get3A_12 : vector<1x1024x128xf32> to vector<1024x128xf32>
    %add3A = arith.addf %get3A_8, %get3A_13 : vector<1024x128xf32>
    %get3A_14 = arith.constant 0 : index
    %get3A_15 = arith.constant 0 : index
    %get3A_16 = vector.load %arg3[%get3A_14, %get3A_15] : memref<1024x128xf32, #tpu.memory_space<vmem>>, vector<1024x128xf32>
    %add3A_17 = arith.addf %add3A, %get3A_16 : vector<1024x128xf32>
    %mul3A = vector.broadcast %get3A_3 : vector<1024x1xf32> to vector<1024x128xf32>
    %mul3A_18 = arith.mulf %mul3A, %add3A_17 : vector<1024x128xf32>
    %get3A_19 = arith.constant 0 : index
    %get3A_20 = arith.constant 0 : index
    %get3A_21 = arith.constant 0 : index
    %get3A_22 = vector.load %arg4[%get3A_19, %get3A_20, %get3A_21] : memref<1x1024x128xf32, #tpu.memory_space<vmem>>, vector<1x1024x128xf32>
    %get3A_23 = vector.shape_cast %get3A_22 : vector<1x1024x128xf32> to vector<1024x128xf32>
    %get3A_24 = arith.constant 0 : index
    %get3A_25 = arith.constant 0 : index
    %get3A_26 = arith.constant 0 : index
    %get3A_27 = vector.load %arg5[%get3A_24, %get3A_25, %get3A_26] : memref<1x1024x128xf32, #tpu.memory_space<vmem>>, vector<1x1024x128xf32>
    %get3A_28 = vector.shape_cast %get3A_27 : vector<1x1024x128xf32> to vector<1024x128xf32>
    %add3A_29 = arith.addf %get3A_23, %get3A_28 : vector<1024x128xf32>
    %get3A_30 = arith.constant 0 : index
    %get3A_31 = arith.constant 0 : index
    %get3A_32 = vector.load %arg8[%get3A_30, %get3A_31] : memref<1024x1xi32, #tpu.memory_space<vmem>>, vector<1024x1xi32>
    %iota3A = tpu.iota {dimensions = array<i32: 1>} : vector<1024x16xi32>
    %eq3A_33 = vector.broadcast %get3A_32 : vector<1024x1xi32> to vector<1024x16xi32>
    %eq3A_34 = arith.cmpi eq, %eq3A_33, %iota3A : vector<1024x16xi32>
    %convert_element_type3A_35 = arith.extui %eq3A_34 : vector<1024x16xi1> to vector<1024x16xi32>
    %convert_element_type3A_36 = arith.sitofp %convert_element_type3A_35 : vector<1024x16xi32> to vector<1024x16xf32>
    %get3A_37 = arith.constant 0 : index
    %get3A_38 = arith.constant 0 : index
    %get3A_39 = vector.load %arg9[%get3A_37, %get3A_38] : memref<1024x1xi32, #tpu.memory_space<vmem>>, vector<1024x1xi32>
    %iota3A_40 = tpu.iota {dimensions = array<i32: 1>} : vector<1024x208xi32>
    %eq3A_41 = vector.broadcast %get3A_39 : vector<1024x1xi32> to vector<1024x208xi32>
    %eq3A_42 = arith.cmpi eq, %eq3A_41, %iota3A_40 : vector<1024x208xi32>
    %convert_element_type3A_43 = arith.extui %eq3A_42 : vector<1024x208xi1> to vector<1024x208xi32>
    %convert_element_type3A_44 = arith.sitofp %convert_element_type3A_43 : vector<1024x208xi32> to vector<1024x208xf32>
    %get3A_45 = arith.constant 0 : index
    %get3A_46 = arith.constant 0 : index
    %get3A_47 = vector.load %arg10[%get3A_45, %get3A_46] : memref<16x128xf32, #tpu.memory_space<vmem>>, vector<16x128xf32>
    %dot_general3A = arith.constant dense<0.000000e+00> : vector<16x128xf32>
    %dot_general3A_48 = tpu.matmul %convert_element_type3A_36, %mul3A_18, %dot_general3A {dimension_numbers = #tpu.dot_dimension_numbers<[0], [0], [1], [1], [0, 1, 1, 1], [], []>, transpose_lhs_hint = false} : vector<1024x16xf32>, vector<1024x128xf32>, vector<16x128xf32> -> vector<16x128xf32>
    %add3A_49 = arith.addf %get3A_47, %dot_general3A_48 : vector<16x128xf32>
    %swap3A = arith.constant 0 : index
    %swap3A_50 = arith.constant 0 : index
    %swap3A_51 = vector.load %arg10[%swap3A, %swap3A_50] : memref<16x128xf32, #tpu.memory_space<vmem>>, vector<16x128xf32>
    tpu.vector_store %arg10[%swap3A, %swap3A_50], %add3A_49 {strides = array<i32>} : memref<16x128xf32, #tpu.memory_space<vmem>>, vector<16x128xf32>,
    %get3A_52 = arith.constant 0 : index
    %get3A_53 = arith.constant 0 : index
    %get3A_54 = vector.load %arg11[%get3A_52, %get3A_53] : memref<208x128xf32, #tpu.memory_space<vmem>>, vector<208x128xf32>
    %get3A_55 = arith.constant 0 : index
    %get3A_56 = arith.constant 0 : index
    %get3A_57 = vector.load %arg6[%get3A_55, %get3A_56] : memref<1024x128xf32, #tpu.memory_space<vmem>>, vector<1024x128xf32>
    %dot_general3A_58 = arith.constant dense<0.000000e+00> : vector<208x128xf32>
    %dot_general3A_59 = tpu.matmul %convert_element_type3A_44, %get3A_57, %dot_general3A_58 {dimension_numbers = #tpu.dot_dimension_numbers<[0], [0], [1], [1], [0, 1, 1, 1], [], []>, transpose_lhs_hint = false} : vector<1024x208xf32>, vector<1024x128xf32>, vector<208x128xf32> -> vector<208x128xf32>
    %add3A_60 = arith.addf %get3A_54, %dot_general3A_59 : vector<208x128xf32>
    %swap3A_61 = arith.constant 0 : index
    %swap3A_62 = arith.constant 0 : index
    %swap3A_63 = vector.load %arg11[%swap3A_61, %swap3A_62] : memref<208x128xf32, #tpu.memory_space<vmem>>, vector<208x128xf32>
    tpu.vector_store %arg11[%swap3A_61, %swap3A_62], %add3A_60 {strides = array<i32>} : memref<208x128xf32, #tpu.memory_space<vmem>>, vector<208x128xf32>,
    %get3A_64 = arith.constant 0 : index
    %get3A_65 = arith.constant 0 : index
    %get3A_66 = vector.load %arg12[%get3A_64, %get3A_65] : memref<208x128xf32, #tpu.memory_space<vmem>>, vector<208x128xf32>
    %dot_general3A_67 = arith.constant dense<0.000000e+00> : vector<208x128xf32>
    %dot_general3A_68 = tpu.matmul %convert_element_type3A_44, %add3A_29, %dot_general3A_67 {dimension_numbers = #tpu.dot_dimension_numbers<[0], [0], [1], [1], [0, 1, 1, 1], [], []>, transpose_lhs_hint = false} : vector<1024x208xf32>, vector<1024x128xf32>, vector<208x128xf32> -> vector<208x128xf32>
    %add3A_69 = arith.addf %get3A_66, %dot_general3A_68 : vector<208x128xf32>
    %swap3A_70 = arith.constant 0 : index
    %swap3A_71 = arith.constant 0 : index
    %swap3A_72 = vector.load %arg12[%swap3A_70, %swap3A_71] : memref<208x128xf32, #tpu.memory_space<vmem>>, vector<208x128xf32>
    tpu.vector_store %arg12[%swap3A_70, %swap3A_71], %add3A_69 {strides = array<i32>} : memref<208x128xf32, #tpu.memory_space<vmem>>, vector<208x128xf32>,
    %get3A_73 = arith.constant 0 : index
    %get3A_74 = arith.constant 0 : index
    %get3A_75 = vector.load %arg13[%get3A_73, %get3A_74] : memref<208x1xf32, #tpu.memory_space<vmem>>, vector<208x1xf32>
    %broadcast_in_dim3A = arith.constant 1.000000e+00 : f32
    %broadcast_in_dim3A_76 = vector.broadcast %broadcast_in_dim3A : f32 to vector<1024x1xf32>
    %dot_general3A_77 = arith.constant dense<0.000000e+00> : vector<208x1xf32>
    %dot_general3A_78 = tpu.matmul %convert_element_type3A_44, %broadcast_in_dim3A_76, %dot_general3A_77 {dimension_numbers = #tpu.dot_dimension_numbers<[0], [0], [1], [1], [0, 1, 1, 1], [], []>, transpose_lhs_hint = false} : vector<1024x208xf32>, vector<1024x1xf32>, vector<208x1xf32> -> vector<208x1xf32>
    %add3A_79 = arith.addf %get3A_75, %dot_general3A_78 : vector<208x1xf32>
    %swap3A_80 = arith.constant 0 : index
    %swap3A_81 = arith.constant 0 : index
    %swap3A_82 = vector.load %arg13[%swap3A_80, %swap3A_81] : memref<208x1xf32, #tpu.memory_space<vmem>>, vector<208x1xf32>
    tpu.vector_store %arg13[%swap3A_80, %swap3A_81], %add3A_79 {strides = array<i32>} : memref<208x1xf32, #tpu.memory_space<vmem>>, vector<208x1xf32>,
    return
  }
  func.func @transform_0(%arg0: i32) -> (i32, i32, i32) {
    %c0_i32 = arith.constant 0 : i32
    %c0_i32_0 = arith.constant 0 : i32
    %c0_i32_1 = arith.constant 0 : i32
    return %c0_i32, %arg0, %c0_i32_0 : i32, i32, i32
  }
  func.func @transform_1(%arg0: i32) -> (i32, i32, i32) {
    %c1_i32 = arith.constant 1 : i32
    %c0_i32 = arith.constant 0 : i32
    %c0_i32_0 = arith.constant 0 : i32
    return %c1_i32, %arg0, %c0_i32 : i32, i32, i32
  }
  func.func @transform_2(%arg0: i32) -> (i32, i32) {
    %c0_i32 = arith.constant 0 : i32
    %c0_i32_0 = arith.constant 0 : i32
    return %arg0, %c0_i32 : i32, i32
  }
  func.func @transform_3(%arg0: i32) -> (i32, i32, i32) {
    %c0_i32 = arith.constant 0 : i32
    %c0_i32_0 = arith.constant 0 : i32
    %c0_i32_1 = arith.constant 0 : i32
    return %c0_i32, %arg0, %c0_i32_0 : i32, i32, i32
  }
  func.func @transform_4(%arg0: i32) -> (i32, i32, i32) {
    %c1_i32 = arith.constant 1 : i32
    %c0_i32 = arith.constant 0 : i32
    %c0_i32_0 = arith.constant 0 : i32
    return %c1_i32, %arg0, %c0_i32 : i32, i32, i32
  }
  func.func @transform_5(%arg0: i32) -> (i32, i32) {
    %c0_i32 = arith.constant 0 : i32
    %c0_i32_0 = arith.constant 0 : i32
    return %arg0, %c0_i32 : i32, i32
  }
  func.func @transform_6(%arg0: i32) -> (i32, i32) {
    %c0_i32 = arith.constant 0 : i32
    %c0_i32_0 = arith.constant 0 : i32
    return %arg0, %c0_i32 : i32, i32
  }
  func.func @transform_7(%arg0: i32) -> (i32, i32) {
    %c0_i32 = arith.constant 0 : i32
    %c0_i32_0 = arith.constant 0 : i32
    return %arg0, %c0_i32 : i32, i32
  }
  func.func @transform_8(%arg0: i32) -> (i32, i32) {
    %c0_i32 = arith.constant 0 : i32
    %c0_i32_0 = arith.constant 0 : i32
    return %arg0, %c0_i32 : i32, i32
  }
  func.func @transform_9(%arg0: i32) -> (i32, i32) {
    %c0_i32 = arith.constant 0 : i32
    %c0_i32_0 = arith.constant 0 : i32
    %c0_i32_1 = arith.constant 0 : i32
    return %c0_i32, %c0_i32_0 : i32, i32
  }
  func.func @transform_10(%arg0: i32) -> (i32, i32) {
    %c0_i32 = arith.constant 0 : i32
    %c0_i32_0 = arith.constant 0 : i32
    %c0_i32_1 = arith.constant 0 : i32
    return %c0_i32, %c0_i32_0 : i32, i32
  }
  func.func @transform_11(%arg0: i32) -> (i32, i32) {
    %c0_i32 = arith.constant 0 : i32
    %c0_i32_0 = arith.constant 0 : i32
    %c0_i32_1 = arith.constant 0 : i32
    return %c0_i32, %c0_i32_0 : i32, i32
  }
  func.func @transform_12(%arg0: i32) -> (i32, i32) {
    %c0_i32 = arith.constant 0 : i32
    %c0_i32_0 = arith.constant 0 : i32
    %c0_i32_1 = arith.constant 0 : i32
    return %c0_i32, %c0_i32_0 : i32, i32
  }
}

module attributes {stable_mosaic.version = 14 : i64} {
  func.func @_tcD2_body(%arg0: memref<16x128xf32, #tpu.memory_space<vmem>>, %arg1: memref<208x128xf32, #tpu.memory_space<vmem>>, %arg2: memref<208x128xf32, #tpu.memory_space<vmem>>, %arg3: memref<208x1xf32, #tpu.memory_space<vmem>>, %arg4: memref<208x128xf32, #tpu.memory_space<vmem>>, %arg5: memref<208x128xf32, #tpu.memory_space<vmem>>, %arg6: memref<208x1xf32, #tpu.memory_space<vmem>>, %arg7: memref<16x208xf32, #tpu.memory_space<vmem>>, %arg8: memref<128x16xf32, #tpu.memory_space<vmem>>, %arg9: memref<8x16xf32, #tpu.memory_space<vmem>>, %arg10: memref<16x16xf32, #tpu.memory_space<vmem>>, %arg11: memref<16x1xf32, #tpu.memory_space<vmem>>) attributes {dimension_semantics = [], scalar_prefetch = 0 : i64, scratch_operands = 0 : i64, tpu.core_type = #tpu.core_type<tc>} {
    %get3A = arith.constant 0 : index
    %get3A_0 = arith.constant 0 : index
    %get3A_1 = vector.load %arg2[%get3A, %get3A_0] : memref<208x128xf32, #tpu.memory_space<vmem>>, vector<208x128xf32>
    %get3A_2 = arith.constant 0 : index
    %get3A_3 = arith.constant 0 : index
    %get3A_4 = vector.load %arg4[%get3A_2, %get3A_3] : memref<208x128xf32, #tpu.memory_space<vmem>>, vector<208x128xf32>
    %mul3A = arith.mulf %get3A_1, %get3A_4 : vector<208x128xf32>
    %get3A_5 = arith.constant 0 : index
    %get3A_6 = arith.constant 0 : index
    %get3A_7 = vector.load %arg1[%get3A_5, %get3A_6] : memref<208x128xf32, #tpu.memory_space<vmem>>, vector<208x128xf32>
    %get3A_8 = arith.constant 0 : index
    %get3A_9 = arith.constant 0 : index
    %get3A_10 = vector.load %arg5[%get3A_8, %get3A_9] : memref<208x128xf32, #tpu.memory_space<vmem>>, vector<208x128xf32>
    %mul3A_11 = arith.mulf %get3A_7, %get3A_10 : vector<208x128xf32>
    %add3A = arith.addf %mul3A, %mul3A_11 : vector<208x128xf32>
    %reduce_sum3A = arith.constant dense<0.000000e+00> : vector<208xf32>
    %reduce_sum3A_12 = vector.multi_reduction <add>, %add3A, %reduce_sum3A [1] : vector<208x128xf32> to vector<208xf32>
    %broadcast_in_dim3A = vector.shape_cast %reduce_sum3A_12 : vector<208xf32> to vector<208x1xf32>
    %get3A_13 = arith.constant 0 : index
    %get3A_14 = arith.constant 0 : index
    %get3A_15 = vector.load %arg3[%get3A_13, %get3A_14] : memref<208x1xf32, #tpu.memory_space<vmem>>, vector<208x1xf32>
    %get3A_16 = arith.constant 0 : index
    %get3A_17 = arith.constant 0 : index
    %get3A_18 = vector.load %arg6[%get3A_16, %get3A_17] : memref<208x1xf32, #tpu.memory_space<vmem>>, vector<208x1xf32>
    %mul3A_19 = arith.mulf %get3A_15, %get3A_18 : vector<208x1xf32>
    %add3A_20 = arith.addf %broadcast_in_dim3A, %mul3A_19 : vector<208x1xf32>
    %get3A_21 = arith.constant 0 : index
    %get3A_22 = arith.constant 0 : index
    %get3A_23 = vector.load %arg7[%get3A_21, %get3A_22] : memref<16x208xf32, #tpu.memory_space<vmem>>, vector<16x208xf32>
    %dot_general3A = arith.constant dense<0.000000e+00> : vector<16x1xf32>
    %dot_general3A_24 = tpu.matmul %get3A_23, %add3A_20, %dot_general3A {dimension_numbers = #tpu.dot_dimension_numbers<[1], [0], [0], [1], [0, 0, 1, 1], [], []>, transpose_lhs_hint = false} : vector<16x208xf32>, vector<208x1xf32>, vector<16x1xf32> -> vector<16x1xf32>
    %swap3A = arith.constant 0 : index
    %swap3A_25 = arith.constant 0 : index
    %swap3A_26 = vector.load %arg11[%swap3A, %swap3A_25] : memref<16x1xf32, #tpu.memory_space<vmem>>, vector<16x1xf32>
    tpu.vector_store %arg11[%swap3A, %swap3A_25], %dot_general3A_24 {strides = array<i32>} : memref<16x1xf32, #tpu.memory_space<vmem>>, vector<16x1xf32>,
    %get3A_27 = arith.constant 0 : index
    %get3A_28 = arith.constant 0 : index
    %get3A_29 = vector.load %arg7[%get3A_27, %get3A_28] : memref<16x208xf32, #tpu.memory_space<vmem>>, vector<16x208xf32>
    %get3A_30 = arith.constant 0 : index
    %get3A_31 = arith.constant 0 : index
    %get3A_32 = vector.load %arg3[%get3A_30, %get3A_31] : memref<208x1xf32, #tpu.memory_space<vmem>>, vector<208x1xf32>
    %dot_general3A_33 = arith.constant dense<0.000000e+00> : vector<16x1xf32>
    %dot_general3A_34 = tpu.matmul %get3A_29, %get3A_32, %dot_general3A_33 {dimension_numbers = #tpu.dot_dimension_numbers<[1], [0], [0], [1], [0, 0, 1, 1], [], []>, transpose_lhs_hint = false} : vector<16x208xf32>, vector<208x1xf32>, vector<16x1xf32> -> vector<16x1xf32>
    %get3A_35 = arith.constant 0 : index
    %get3A_36 = arith.constant 0 : index
    %get3A_37 = vector.load %arg0[%get3A_35, %get3A_36] : memref<16x128xf32, #tpu.memory_space<vmem>>, vector<16x128xf32>
    %get3A_38 = arith.constant 0 : index
    %get3A_39 = arith.constant 0 : index
    %get3A_40 = vector.load %arg8[%get3A_38, %get3A_39] : memref<128x16xf32, #tpu.memory_space<vmem>>, vector<128x16xf32>
    %dot_general3A_41 = arith.constant dense<0.000000e+00> : vector<16x16xf32>
    %dot_general3A_42 = tpu.matmul %get3A_37, %get3A_40, %dot_general3A_41 {dimension_numbers = #tpu.dot_dimension_numbers<[1], [0], [0], [1], [0, 0, 1, 1], [], []>, transpose_lhs_hint = false} : vector<16x128xf32>, vector<128x16xf32>, vector<16x16xf32> -> vector<16x16xf32>
    %max3A = arith.constant 1.000000e+00 : f32
    %max3A_43 = vector.broadcast %max3A : f32 to vector<16x1xf32>
    %max3A_44 = arith.maximumf %dot_general3A_34, %max3A_43 : vector<16x1xf32>
    %div3A = vector.broadcast %max3A_44 : vector<16x1xf32> to vector<16x16xf32>
    %div3A_45 = arith.divf %dot_general3A_42, %div3A : vector<16x16xf32>
    %get3A_46 = arith.constant 0 : index
    %get3A_47 = arith.constant 0 : index
    %get3A_48 = vector.load %arg9[%get3A_46, %get3A_47] : memref<8x16xf32, #tpu.memory_space<vmem>>, vector<1x16xf32>
    %add3A_49 = vector.broadcast %get3A_48 : vector<1x16xf32> to vector<16x16xf32>
    %add3A_50 = arith.addf %div3A_45, %add3A_49 : vector<16x16xf32>
    %swap3A_51 = arith.constant 0 : index
    %swap3A_52 = arith.constant 0 : index
    %swap3A_53 = vector.load %arg10[%swap3A_51, %swap3A_52] : memref<16x16xf32, #tpu.memory_space<vmem>>, vector<16x16xf32>
    tpu.vector_store %arg10[%swap3A_51, %swap3A_52], %add3A_50 {strides = array<i32>} : memref<16x16xf32, #tpu.memory_space<vmem>>, vector<16x16xf32>,
    return
  }
}

</mosaic_0001>

<sc_bundles>
// kernel: kernel.12.cloned.1.call-start
scs
__scs_entry_jumppad:
0x0: {  	(pc) =	sbr.rel $0x88, $3  }
0x1: {  	(tag) =	ssettag $0x0;
	lr =	simm.s32 $0x1  }
0x2: {  	[smem:$0x3F95] =	sst lr;
	_ =	strace $0xD0000000  }
0x3: {  	_ = 	snop  }
0x4: {  	_ = 	snop  }
0x5: {  	_ = 	snop  }
0x6: {  	_ = 	snop  }
0x7: {  	_ = 	snop  }
__scs_overlays_trampoline_lowered:
0x8: {  	[smem:$0x3FA4] =	sst s0  }
0x9: {  	[smem:$0x3FA5] =	sst s1  }
0xa: {  	[smem:$0x3FA6] =	sst s2  }
0xb: {  	[smem:$0x3FA7] =	sst s3  }
0xc: {  	[smem:$0x3FA8] =	sst s4  }
0xd: {  	[smem:$0x3FA9] =	sst s5  }
0xe: {  	[smem:$0x3FAA] =	sst s6  }
0xf: {  	[smem:$0x3FAB] =	sst s7  }
0x10: {  	[smem:$0x3FAC] =	sst s8  }
0x11: {  	[smem:$0x3FAD] =	sst s9;
	s0 =	simm.s32 @!p0 $0x0  }
0x12: {  	s1 =	sld [smem:$0x3F93];
	s0 =	simm.s32 @p0 $0x1  }
0x13: {  	[smem:$0x3FAE] =	sst s0;
	s0 =	simm.s32 @!p1 $0x0  }
0x14: {  	s2 =	sld [smem:$0x3F92];
	s0 =	simm.s32 @p1 $0x1  }
0x15: {  	[smem:$0x3FAF] =	sst s0;
	s0 =	simm.s32 @!p2 $0x0  }
0x16: {  	s3 =	sld [smem:$0x3FDB];
	s0 =	simm.s32 @p2 $0x1  }
0x17: {  	s4 =	simm.s32 $0x1BF5;
	[smem:$0x3FB1] =	sst s0  }
0x18: {  	s0 =	sld [smem:$0x3F94];
	_ =	swait.ge [sflag:s4], $0x0  }
0x19: {  	s7 =	sld [smem:$0x3F95]  }
0x1a: {  	s8 =	sadd.s32 $0xFFFFE003, lr  }
0x1b: {  	s9 =	sadd.s32 $0xFFFFFEF7, lr;
	s5 =	simm.s32 $0xFFFFFFFF;
	p2 =	slt.u32 s8, $0xFFFFF086  }
0x1c: {  	p1 =	slt.u32 s9, $0xF7A;
	s5 =	simm.s32 @!p2 $0x0  }
0x1d: {  	s5 =	simm.s32 @p1 $0x1;
	p0 =	seq.s32 s7, s2  }
0x1e: {  	s7 =	smul.u32 @!p0 $0xF7A, s2;
	p2 =	seq.s32 @!p0 s5, $0x0  }
0x1f: {  	s9 =	smul.u32 $0xF7A, s1;
	s8 =	simm.s32 @!p0 $0x1BF5;
	p2 =	por !p2, p0  }
0x20: {  	[sflag:s8] =	ssyncset.s32 @!p0 $0xFFFFF086;
	s6 =	sadd.s32 @!p0 s3, s7;
	s7 =	simm.s32 @!p0 $0x108  }
0x21: {  	s3 =	sadd.s32 s3, s9;
	s6 =	sadd.s32 @!p0 $0x88, s6;
	s7 =	simm.s32 @p2 $0x1082  }
0x22: {  	[simem:s7], [sflag:s8] =	dma.local @!p0 [hbm:s6], $0xF7A  }
0x23: {  	s9 =	sor.u32 $0xD0000000, s2;
	s6 =	simm.s32 $0x108;
	_ =	swait.ge @!p0 [sflag:s8], $0x0  }
0x24: {  	s3 =	sadd.s32 $0x88, s3;
	s6 =	simm.s32 @!p1 $0x1082;
	[sflag:s4] =	ssyncset.s32 $0xFFFFF086  }
0x25: {  	[simem:s6], [sflag:s4] =	dma.local [hbm:s3], $0xF7A  }
0x26: {  	[smem:$0x3F95] =	sst s1;
	(tag) =	ssettag s2;
	_ =	strace s9  }
0x27: {  	s1 =	sld [smem:$0x3FA5]  }
0x28: {  	s2 =	sld [smem:$0x3FA6]  }
0x29: {  	s4 =	sld [smem:$0x3FA8]  }
0x2a: {  	p0 =	seq.s32 s5, $0x0;
	s5 =	sld [smem:$0x3FA9]  }
0x2b: {  	s6 =	sld [smem:$0x3FAA]  }
0x2c: {  	s7 =	sld [smem:$0x3FAB]  }
0x2d: {  	s3 =	simm.s32 $0x108;
	s8 =	sld [smem:$0x3FAC]  }
0x2e: {  	s3 =	simm.s32 @!p0 $0x1082;
	s9 =	sld [smem:$0x3FAD]  }
0x2f: {  	lr =	sadd.s32 s0, s3;
	s0 =	sld [smem:$0x3FA4]  }
0x30: {  	s3 =	sld [smem:$0x3FA7]  }
0x31: {  	[smem:$0x3FB0] =	sst s10  }
0x32: {  	s10 =	sld [smem:$0x3FAE];
	_ =	sdelay $0x3  }
0x33: {  	p0 =	seq.s32 s10, $0x1;
	s10 =	sld [smem:$0x3FB0];
	_ =	sdelay $0x3  }
0x34: {  	[smem:$0x3FB0] =	sst s10  }
0x35: {  	s10 =	sld [smem:$0x3FAF];
	_ =	sdelay $0x3  }
0x36: {  	p1 =	seq.s32 s10, $0x1;
	s10 =	sld [smem:$0x3FB0];
	_ =	sdelay $0x3  }
0x37: {  	[smem:$0x3FB0] =	sst s10  }
0x38: {  	s10 =	sld [smem:$0x3FB1]  }
0x39: {  	_ = 	snop;
	(pc) =	sbr.ind lr, $3  }
0x3a: {  	_ = 	snop  }
0x3b: {  	_ = 	snop  }
0x3c: {  	p2 =	seq.s32 s10, $0x1;
	s10 =	sld [smem:$0x3FB0]  }
0x3d: {  	_ =	shalt  }
0x3e: {  	_ =	shalt  }
0x3f: {  	_ =	shalt  }
0x40: {  	_ =	shalt  }
0x41: {  	_ =	shalt  }
0x42: {  	_ =	shalt  }
0x43: {  	_ =	shalt  }
0x44: {  	_ =	shalt  }
0x45: {  	_ =	shalt  }
0x46: {  	_ =	shalt  }
0x47: {  	_ =	shalt  }
0x48: {  	_ =	shalt  }
0x49: {  	_ =	shalt  }
0x4a: {  	_ =	shalt  }
0x4b: {  	_ =	shalt  }
0x4c: {  	_ =	shalt  }
0x4d: {  	_ =	shalt  }
0x4e: {  	_ =	shalt  }
0x4f: {  	_ =	shalt  }
0x50: {  	_ =	shalt  }
0x51: {  	_ =	shalt  }
0x52: {  	_ =	shalt  }
0x53: {  	_ =	shalt  }
0x54: {  	_ =	shalt  }
0x55: {  	_ =	shalt  }
0x56: {  	_ =	shalt  }
0x57: {  	_ =	shalt  }
0x58: {  	_ =	shalt  }
0x59: {  	_ =	shalt  }
0x5a: {  	_ =	shalt  }
0x5b: {  	_ =	shalt  }
0x5c: {  	_ =	shalt  }
0x5d: {  	_ =	shalt  }
0x5e: {  	_ =	shalt  }
0x5f: {  	_ =	shalt  }
0x60: {  	_ =	shalt  }
0x61: {  	_ =	shalt  }
0x62: {  	_ =	shalt  }
0x63: {  	_ =	shalt  }
0x64: {  	_ =	shalt  }
0x65: {  	_ =	shalt  }
0x66: {  	_ =	shalt  }
0x67: {  	_ =	shalt  }
0x68: {  	_ =	shalt  }
0x69: {  	_ =	shalt  }
0x6a: {  	_ =	shalt  }
0x6b: {  	_ =	shalt  }
0x6c: {  	_ =	shalt  }
0x6d: {  	_ =	shalt  }
0x6e: {  	_ =	shalt  }
0x6f: {  	_ =	shalt  }
0x70: {  	_ =	shalt  }
0x71: {  	_ =	shalt  }
0x72: {  	_ =	shalt  }
0x73: {  	_ =	shalt  }
0x74: {  	_ =	shalt  }
0x75: {  	_ =	shalt  }
0x76: {  	_ =	shalt  }
0x77: {  	_ =	shalt  }
0x78: {  	_ =	shalt  }
0x79: {  	_ =	shalt  }
0x7a: {  	_ =	shalt  }
0x7b: {  	_ =	shalt  }
0x7c: {  	_ =	shalt  }
0x7d: {  	_ =	shalt  }
0x7e: {  	_ =	shalt  }
0x7f: {  	_ =	shalt  }
0x80: {  	_ =	shalt  }
0x81: {  	_ =	shalt  }
0x82: {  	_ =	shalt  }
0x83: {  	_ =	shalt  }
0x84: {  	_ =	shalt  }
0x85: {  	_ =	shalt  }
0x86: {  	_ =	shalt  }
0x87: {  	_ =	shalt  }
.Lfunc_end0:
.L_simem_size_0:
called_computation_lowered:
.L_overlay_start_0:
0x88: {  	s2 =	sld [smem:$0x3FD9]  }
0x89: {  	s3 =	sld [smem:$0x3FFE];
	_ =	sdelay $0x1  }
0x8a: {  	s1 =	srdreg.scid  }
0x8b: {  	s0 =	sand.u32 $0x1, s1  }
0x8c: {  	s14 =	sshll.u32 s0, $0xA;
	s2 =	sadd.s32 s3, s2  }
0x8d: {  	s2 =	sadd.s32 s2, s14  }
0x8e: {  	[smem:$0x3FBC] =	sst s2  }
0x8f: {  	_ = 	snop  }
0x90: {  	s2 =	sld [smem:$0x3FD0];
	_ =	sdelay $0x2  }
0x91: {  	s15 =	simm.s32 $0xB;
	s4 =	simm.s32 $0x10  }
0x92: {  	[smem:s4], [sflag:s15] =	dma.local [hbm:s2], $0x1  }
0x93: {  	_ =	swait.eq [sflag:s15], $0x1  }
0x94: {  	[sflag:s15] =	ssyncset.done $0x0  }
0x95: {  	[sflag:s15] =	ssyncadd.s32 $0xFFFFFFFF  }
0x96: {  	s16 =	sld [smem:$0x11];
	(tm) =	ssettm $0x1  }
0x97: {  	s17 =	sld [smem:$0x3FFB];
	_ =	sdelay $0x3  }
0x98: {  	_ =	strace s17  }
0x99: {  	s3 =	sld [smem:$0x3FFC];
	_ =	sdelay $0x3  }
0x9a: {  	_ =	strace s3  }
0x9b: {  	s3 =	sld [smem:$0x3FFD];
	_ =	sdelay $0x3  }
0x9c: {  	_ =	strace s3  }
0x9d: {  	_ =	strace $0x8FFFFFFF  }
0x9e: {  	s18 =	sld [smem:$0x3FDB];
	_ =	sdelay $0x1  }
0x9f: {  	s19 =	simm.s32 $_scs_section_size  }
0xa0: {  	s5 =	simm.s32 $_size__tile_overlayer_lowered;
	s6 =	simm.s32 $_tile_overlayer_lowered  }
0xa1: {  	s22 =	simm.s32 $0x1BFF;
	s21 =	sshll.u32 s6, $0x1;
	s3 =	sadd.s32 s19, s18  }
0xa2: {  	s7 =	simm.s32 $0x0;
	s20 =	sshll.u32 s5, $0x1;
	s5 =	sadd.s32 s21, s3  }
0xa3: {  	[timem:s7], [sflag:s22] =	dma.local [hbm:s5], s20  }
0xa4: {  	_ =	swait.ge [sflag:s22], s20  }
0xa5: {  	s4 =	ssub.s32 $0x0, s20;
	[sflag:s22] =	ssyncset.done $0x0  }
0xa6: {  	[sflag:s22] =	ssyncadd.s32 s4;
	_ =	sdelay $0x1  }
0xa7: {  	s23 =	simm.s32 $0x1B8B  }
0xa8: {  	_ =	swait.ge [sflag:s23], $0x1  }
0xa9: {  	[sflag:s23] =	ssyncset.done $0x0  }
0xaa: {  	s25 =	simm.s32 $0x1B8E;
	s24 =	sld [smem:$0x3FFE];
	[sflag:s23] =	ssyncadd.s32 $0xFFFFFFFF  }
0xab: {  	s26 =	simm.s32 $execute0_lowered;
	[smem:$0x3FD2] =	sst s25  }
0xac: {  	s5 =	sshll.u32 s26, $0x1;
	_ =	strace $0x80000046;
	[dreg:$0x1] =	wrdreg $0xFFFFFFFF  }
0xad: {  	s28 =	simm.s32 $_size_execute0_lowered;
	s3 =	sadd.s32 s3, s5;
	[dreg:$0x0] =	wrdreg $0x0  }
0xae: {  	s5 =	sshll.u32 s28, $0x1;
	[dreg:$0x2] =	wrdreg s3  }
0xaf: {  	[dreg:$0x3] =	wrdreg s5  }
0xb0: {  	[dreg:$0x4] =	wrdreg $0xC0  }
0xb1: {  	_ =	task [dreg:s7], $0x5FFFF  }
0xb2: {  	[dreg:$0x1] =	wrdreg $0xFFFFFFFF  }
0xb3: {  	[dreg:$0x0] =	wrdreg $0x60  }
0xb4: {  	[dreg:$0x2] =	wrdreg s24  }
0xb5: {  	[dreg:$0x3] =	wrdreg s16  }
0xb6: {  	[dreg:$0x4] =	wrdreg $0x80800  }
0xb7: {  	[dreg:$0x5] =	wrdreg $0x9  }
0xb8: {  	_ =	task.clear_ibuf [dreg:s7], $0x6FFFF;
	_ =	strace $0x90000046  }
0xb9: {  	s29 =	simm.s32 $0x9;
	_ =	strace $0x80000048  }
0xba: {  	_ =	swait.ge [sflag:s29], $0x1  }
0xbb: {  	[sflag:s29] =	ssyncadd.s32 $0xFFFFFFFF  }
0xbc: {  	_ =	strace $0x90000048  }
0xbd: {  	_ =	sfence  }
0xbe: {  	s30 =	sld [smem:$0x0];
	_ =	sdelay $0x2  }
0xbf: {  	s31 =	sshll.u32 s1, $0xD;
	s1 =	sshrl.u32 s1, $0x2  }
0xc0: {  	s3 =	sand.u32 $0x4000, s31;
	s1 =	sadd.s32 s1, s30  }
0xc1: {  	s0 =	sor.u32 s3, s0;
	s1 =	sshll.u32 s1, $0x11  }
0xc2: {  	s0 =	sor.u32 s1, s0  }
0xc3: {  	s0 =	sadd.s32 $0x8F2B, s0  }
0xc4: {  	[sflag:s0] =	ssyncadd.remote.s32 $0x1  }
0xc5: {  	_ =	sfence.sel $0xFFFF  }
0xc6: {  	[dreg:$0x0] =	wrdreg $0xFFFFFFFF;
	(pc) =	sbr.abs _section_cstart, $3  }
0xc7: {  	[dreg:$0x1] =	wrdreg $0xFFFFFFFF  }
0xc8: {  	_ =	task.clear_ibuf [dreg:s7], $0x2FFFF;
	_ =	strace $0x9FFFFFFF  }
0xc9: {  	(tm) =	ssettm $0x7FFFFFFF  }
tec
execute0_lowered:
.L_overlay_start_1:
0x0: {  	(tag) =	ssettag $0x1  }
0x1: {  	s0 =	srdreg.scid;
	s1 =	rddreg [dreg:$0x0]  }
0x2: {  	s7 =	stileid.u32;
	s3 =	rddreg [dreg:$0x2];
	s5 =	simm.s32 $0x0  }
0x3: {  	s0 =	sand.u32 $0x1, s0;
	[smem:$0x7FF] =	sst s5;
	s14 =	smul.u32 $0x1400, s7  }
0x4: {  	s6 =	sshrl.u32 s7, $0x3;
	s5 =	simm.s32 $0x60;
	p0 =	seq.s32 s0, $0x0  }
0x5: {  	s13 =	smul.u32 $0x50000, s6;
	s5 =	simm.s32 @!p0 $0x3D;
	s6 =	sadd.s32 s14, s3  }
0x6: {  	_ =	strace $0x80000047;
	[dreg:$0x5] =	wrdreg s5;
	s17 =	sadd.s32 $0x80, s6  }
0x7: {  	s18 =	sadd.s32 $0x100, s6;
	[dreg:$0x7] =	wrdreg s17  }
0x8: {  	s19 =	sadd.s32 $0x180, s6;
	[dreg:$0x8] =	wrdreg s18  }
0x9: {  	s20 =	sadd.s32 $0x200, s6;
	[dreg:$0x9] =	wrdreg s19  }
0xa: {  	s21 =	sadd.s32 $0x280, s6;
	[dreg:$0xa] =	wrdreg s20  }
0xb: {  	s22 =	sadd.s32 $0x300, s6;
	[dreg:$0xb] =	wrdreg s21  }
0xc: {  	s23 =	sadd.s32 $0x380, s6;
	[dreg:$0xc] =	wrdreg s22  }
0xd: {  	s24 =	sadd.s32 $0x14000, s6;
	[dreg:$0xd] =	wrdreg s23  }
0xe: {  	s25 =	sadd.s32 $0x14080, s6;
	[dreg:$0xe] =	wrdreg s24  }
0xf: {  	s26 =	sadd.s32 $0x14100, s6;
	[dreg:$0xf] =	wrdreg s25  }
0x10: {  	s8 =	sadd.s32 $0x14380, s6;
	[dreg:$0x10] =	wrdreg s26  }
0x11: {  	s9 =	sadd.s32 $0x400, s6;
	[dreg:$0x15] =	wrdreg s8  }
0x12: {  	s10 =	sadd.s32 $0x800, s6;
	[dreg:$0x18] =	wrdreg s9  }
0x13: {  	s15 =	sshll.u32 s7, $0x7;
	s14 =	sadd.s32 $0x880, s6;
	[dreg:$0x19] =	wrdreg s10  }
0x14: {  	s5 =	sand.u32 $0x380, s15;
	s15 =	sadd.s32 $0xC80, s6;
	[dreg:$0x1d] =	wrdreg s14  }
0x15: {  	[dreg:$0x1e] =	wrdreg s15;
	s17 =	sadd.s32 $0x500, s6  }
0x16: {  	s18 =	sadd.s32 $0x900, s6;
	[smem:$0x7DB] =	sst s17  }
0x17: {  	s19 =	sadd.s32 $0xD00, s6;
	[smem:$0x7DC] =	sst s18  }
0x18: {  	s20 =	sadd.s32 $0x1100, s6;
	[smem:$0x7DD] =	sst s19  }
0x19: {  	s21 =	sadd.s32 $0x580, s6;
	[smem:$0x7DE] =	sst s20  }
0x1a: {  	s22 =	sadd.s32 $0x980, s6;
	[smem:$0x7DF] =	sst s21  }
0x1b: {  	s23 =	sadd.s32 $0xD80, s6;
	[smem:$0x7E0] =	sst s22  }
0x1c: {  	s24 =	sadd.s32 $0x1180, s6;
	[smem:$0x7E1] =	sst s23  }
0x1d: {  	s2 =	sshll.u32 s0, $0x4;
	s25 =	sadd.s32 $0x600, s6;
	[smem:$0x7E2] =	sst s24  }
0x1e: {  	s11 =	ssub.s32 $0x2, s0;
	s26 =	sadd.s32 $0xA00, s6;
	[smem:$0x7E3] =	sst s25  }
0x1f: {  	s4 =	sor.u32 s7, s2;
	s8 =	sadd.s32 $0x700, s6;
	[smem:$0x7E4] =	sst s26  }
0x20: {  	s12 =	sshrl.u32 s11, $0x1;
	s9 =	sadd.s32 $0xB00, s6;
	[smem:$0x7EB] =	sst s8  }
0x21: {  	s4 =	smul.u32 $0x600, s4;
	s10 =	sadd.s32 $0xF00, s6;
	[smem:$0x7EC] =	sst s9  }
0x22: {  	s14 =	sadd.s32 $0xF80, s6;
	s15 =	sadd.s32 $0x1380, s6;
	[smem:$0x7ED] =	sst s10  }
0x23: {  	s4 =	sadd.s32 s4, s1;
	s1 =	sadd.s32 s2, s1;
	[smem:$0x7F1] =	sst s14  }
0x24: {  	s2 =	ssub.s32 s11, s12;
	s11 =	sadd.s32 $0xC00, s6;
	[smem:$0x7F2] =	sst s15  }
0x25: {  	s12 =	sadd.s32 $0x1000, s6;
	[dreg:$0x1a] =	wrdreg s11  }
0x26: {  	s17 =	sadd.s32 $0x14800, s6;
	[dreg:$0x1b] =	wrdreg s12  }
0x27: {  	s18 =	sadd.s32 $0x14C00, s6;
	[smem:$0x7F4] =	sst s17  }
0x28: {  	s19 =	sadd.s32 $0x15000, s6;
	[smem:$0x7F5] =	sst s18  }
0x29: {  	s31 =	simm.s32 $0x1;
	s20 =	sadd.s32 $0x14480, s6;
	[smem:$0x7F6] =	sst s19  }
0x2a: {  	s7 =	smul.u32 $0xA0, s7;
	s21 =	sadd.s32 $0x14880, s6;
	[smem:$0x7F7] =	sst s20  }
0x2b: {  	s28 =	sadd.s32 $0x14B80, s6;
	s22 =	sadd.s32 $0x14C80, s6;
	[smem:$0x7F8] =	sst s21  }
0x2c: {  	s29 =	sadd.s32 $0x14F80, s6;
	s23 =	sadd.s32 $0x15080, s6;
	[smem:$0x7F9] =	sst s22  }
0x2d: {  	s30 =	sadd.s32 $0x15380, s6;
	s24 =	sadd.s32 $0x14500, s6;
	[smem:$0x7FA] =	sst s23  }
0x2e: {  	s25 =	sadd.s32 $0x14900, s6;
	s26 =	sadd.s32 $0x14D00, s6;
	[smem:$0x7FB] =	sst s24  }
0x2f: {  	s9 =	sadd.s32 $0x15100, s6;
	s10 =	sadd.s32 $0x14580, s6;
	[smem:$0x7FC] =	sst s25  }
0x30: {  	s14 =	sadd.s32 $0x14600, s6;
	s4 =	sadd.s32 $0x6C00, s4;
	[smem:$0x7FD] =	sst s26  }
0x31: {  	s15 =	sadd.s32 $0x14A00, s6;
	s2 =	smax.u32 s2, $0x1;
	[dreg:$0x4] =	wrdreg s4  }
0x32: {  	s1 =	sadd.s32 $0x1EC00, s1;
	s11 =	sadd.s32 $0x1300, s6;
	[dreg:$0x16] =	wrdreg s2  }
0x33: {  	s12 =	sadd.s32 $0x780, s6;
	s17 =	sadd.s32 $0x15200, s6;
	[smem:$0x7EE] =	sst s11  }
0x34: {  	s18 =	sadd.s32 $0x14680, s6;
	s0 =	sadd.s32 s7, s1;
	[smem:$0x7EF] =	sst s12  }
0x35: {  	s4 =	sshrl.u32 s13, $0x2;
	s13 =	sadd.s32 $0x480, s6;
	[dreg:$0x17] =	wrdreg s0  }
0x36: {  	s19 =	sadd.s32 $0x14A80, s6;
	s1 =	sadd.s32 $0xE00, s6;
	[dreg:$0x1c] =	wrdreg s13  }
0x37: {  	s20 =	sadd.s32 $0x14E80, s6;
	s2 =	sadd.s32 $0x1200, s6;
	[smem:$0x7E5] =	sst s1  }
0x38: {  	s21 =	sadd.s32 $0x15280, s6;
	s7 =	sadd.s32 $0x1280, s6;
	[smem:$0x7E6] =	sst s2  }
0x39: {  	s4 =	sadd.s32 s4, s3;
	s3 =	sadd.s32 $0x14180, s6;
	[smem:$0x7EA] =	sst s7  }
0x3a: {  	s22 =	sadd.s32 $0x14700, s6;
	s13 =	sadd.s32 $0xB80, s6;
	[dreg:$0x11] =	wrdreg s3  }
0x3b: {  	s23 =	sadd.s32 $0x14B00, s6;
	s16 =	sadd.s32 s5, s4;
	[smem:$0x7F0] =	sst s13  }
0x3c: {  	s24 =	sadd.s32 $0x14F00, s6;
	s4 =	sadd.s32 $0x14200, s6;
	[dreg:$0x6] =	wrdreg s16  }
0x3d: {  	s25 =	sadd.s32 $0x15300, s6;
	s5 =	sadd.s32 $0x14280, s6;
	[dreg:$0x12] =	wrdreg s4  }
0x3e: {  	s26 =	sadd.s32 $0x14780, s6;
	s3 =	sadd.s32 $0x14300, s6;
	[dreg:$0x13] =	wrdreg s5  }
0x3f: {  	s11 =	sadd.s32 $0x14980, s6;
	[dreg:$0x14] =	wrdreg s3;
	s16 =	sadd.s32 $0x1080, s6  }
0x40: {  	s12 =	sadd.s32 $0x14D80, s6;
	s3 =	sadd.s32 $0x680, s6;
	[dreg:$0x1f] =	wrdreg s16  }
0x41: {  	s1 =	simm.s32 $0x3000;
	s4 =	sadd.s32 $0xA80, s6;
	[smem:$0x7E7] =	sst s3  }
0x42: {  	s0 =	simm.s32 $0x80;
	s5 =	sadd.s32 $0xE80, s6;
	[smem:$0x7E8] =	sst s4  }
0x43: {  	s2 =	simm.s32 $0x0;
	[smem:$0x7E9] =	sst s5;
	s16 =	sadd.s32 $0x14400, s6  }
0x44: {  	s13 =	sadd.s32 $0x15180, s6;
	[smem:$0x7F3] =	sst s16;
	s16 =	sadd.s32 $0x14E00, s6  }
.LBB2_1:
0x45: {  	s4 =	simm.s32 $0x0;
	s3 =	rddreg [dreg:$0x4]  }
0x46: {  	[tilespmem:s4], [sflag:$0x1] =	stream.linear.gather [hbm4b:s3+s4], $0x3000, $0x38;
	[tilespmem:$0xA880] =	vst v63  }
0x47: {  	_ =	swait.ge [sflag:s31], $0x3000  }
0x48: {  	[sflag:s31] =	ssyncset.done $0x0  }
0x49: {  	[sflag:s31] =	ssyncadd.s32 $0xFFFFD000  }
0x4a: {  	s5 =	simm.s32 $0x8000;
	s8 =	rddreg [dreg:$0x1]  }
0x4b: {  	[tilespmem:s5], [sflag:$0x1] =	stream.linear.gather [hbm4b:s8+s4], $0x80, $0x38;
	[tilespmem:$0xA880] =	vst v63  }
0x4c: {  	_ =	swait.ge [sflag:s31], $0x80  }
0x4d: {  	[sflag:s31] =	ssyncset.done $0x0  }
0x4e: {  	[sflag:s31] =	ssyncadd.s32 $0xFFFFFF80  }
0x4f: {  	v0 =	vld [tilespmem:$0x8000];
	_ =	sdelay $0x4  }
0x50: {  	s3 =	simm.s32 $0x0;
	v1 =	vsub.f32 v0, v0  }
.LBB2_2:
0x51: {  	p0 =	sne.s32 s3, $0x9FC0  }
.Ltmp0:
0x52: {  	_ = 	snop;
	(pc) =	sbr.rel @p0 .LBB2_2-.Ltmp0, $3  }
0x53: {  	_ =	sdelay $0x1  }
0x54: {  	s4 =	sshra.s32 s3, $0x2  }
0x55: {  	s3 =	sadd.s32 $0x40, s3;
	[tilespmem:s4+$0x3000] =	vst v1  }
0x56: {  	s3 =	simm.s32 $0x40;
	s4 =	rddreg [dreg:$0x5]  }
.LBB2_4:
0x57: {  	v1 =	vld [tilespmem:s3+$0xFFFFFFC0];
	_ =	sdelay $0x7  }
0x58: {  	[tilespmem:v1+s1+$0x0] =	vst.idx.add.f32.msk $0xffff, v0  }
0x59: {  	v1 =	vld [tilespmem:s3+$0xFFFFFFD0];
	_ =	sdelay $0x7  }
0x5a: {  	[tilespmem:v1+s1+$0x0] =	vst.idx.add.f32.msk $0xffff, v0  }
0x5b: {  	v1 =	vld [tilespmem:s3+$0xFFFFFFE0];
	_ =	sdelay $0x7  }
0x5c: {  	[tilespmem:v1+s1+$0x0] =	vst.idx.add.f32.msk $0xffff, v0  }
0x5d: {  	v1 =	vld [tilespmem:s3+$0xFFFFFFF0];
	_ =	sdelay $0x7  }
0x5e: {  	[tilespmem:v1+s1+$0x0] =	vst.idx.add.f32.msk $0xffff, v0  }
0x5f: {  	v1 =	vld [tilespmem:s3+$0x0];
	_ =	sdelay $0x7  }
0x60: {  	[tilespmem:v1+s1+$0x0] =	vst.idx.add.f32.msk $0xffff, v0  }
0x61: {  	v1 =	vld [tilespmem:s3+$0x10];
	_ =	sdelay $0x7  }
0x62: {  	[tilespmem:v1+s1+$0x0] =	vst.idx.add.f32.msk $0xffff, v0  }
0x63: {  	v1 =	vld [tilespmem:s3+$0x20];
	_ =	sdelay $0x7  }
0x64: {  	[tilespmem:v1+s1+$0x0] =	vst.idx.add.f32.msk $0xffff, v0  }
0x65: {  	v1 =	vld [tilespmem:s3+$0x30];
	_ =	sdelay $0x2  }
0x66: {  	p0 =	sne.s32 s4, $0x1  }
.Ltmp1:
0x67: {  	_ = 	snop;
	(pc) =	sbr.rel @p0 .LBB2_4-.Ltmp1, $2  }
0x68: {  	_ =	sdelay $0x2  }
0x69: {  	s4 =	sadd.s32 $0xFFFFFFFF, s4;
	s3 =	sadd.s32 $0x80, s3;
	[tilespmem:v1+s1+$0x0] =	vst.idx.add.f32.msk $0xffff, v0  }
0x6a: {  	s5 =	simm.s32 $0x3000;
	s3 =	rddreg [dreg:$0x6];
	s4 =	simm.s32 $0x400  }
0x6b: {  	[spmem:s3] =	stream.strided.scatter [tilespmem:s5], [sflag:$0x1], $0x2800, s4, s0, $0x38;
	[tilespmem:$0xA880] =	vst v63  }
0x6c: {  	_ =	swait.ge [sflag:s31], $0x2800  }
0x6d: {  	[sflag:s31] =	ssyncset.done $0x0  }
0x6e: {  	[sflag:s31] =	ssyncadd.s32 $0xFFFFD800  }
0x6f: {  	s4 =	simm.s32 $0x5800;
	[bflag:$0x0] =	sbarrier.arrive $0xFFFF  }
0x70: {  	[tilespmem:s4], [sflag:$0x1] =	stream.linear.gather [spmem:s6], $0x80, $0x38;
	[tilespmem:$0xA880] =	vst v63  }
0x71: {  	s8 =	simm.s32 $0x5C00;
	s7 =	rddreg [dreg:$0x18]  }
0x72: {  	[tilespmem:s8], [sflag:$0x1] =	stream.linear.gather [spmem:s7], $0x80, $0x38;
	[tilespmem:$0xA880] =	vst v63  }
0x73: {  	s7 =	rddreg [dreg:$0x19];
	s8 =	simm.s32 $0x6000  }
0x74: {  	[tilespmem:s8], [sflag:$0x1] =	stream.linear.gather [spmem:s7], $0x80, $0x38;
	[tilespmem:$0xA880] =	vst v63  }
0x75: {  	s7 =	rddreg [dreg:$0x1a];
	s8 =	simm.s32 $0x6400  }
0x76: {  	[tilespmem:s8], [sflag:$0x1] =	stream.linear.gather [spmem:s7], $0x80, $0x38;
	[tilespmem:$0xA880] =	vst v63  }
0x77: {  	s7 =	rddreg [dreg:$0x1b];
	s8 =	simm.s32 $0x6800  }
0x78: {  	[tilespmem:s8], [sflag:$0x1] =	stream.linear.gather [spmem:s7], $0x80, $0x38;
	[tilespmem:$0xA880] =	vst v63  }
0x79: {  	_ =	swait.ge [sflag:s31], $0x280  }
0x7a: {  	[sflag:s31] =	ssyncset.done $0x0  }
0x7b: {  	s8 =	simm.s32 $0x5880;
	s7 =	rddreg [dreg:$0x7];
	[sflag:s31] =	ssyncadd.s32 $0xFFFFFD80  }
0x7c: {  	[tilespmem:s8], [sflag:$0x1] =	stream.linear.gather [spmem:s7], $0x80, $0x38;
	[tilespmem:$0xA880] =	vst v63  }
0x7d: {  	s7 =	rddreg [dreg:$0x1c];
	s8 =	simm.s32 $0x5C80  }
0x7e: {  	[tilespmem:s8], [sflag:$0x1] =	stream.linear.gather [spmem:s7], $0x80, $0x38;
	[tilespmem:$0xA880] =	vst v63  }
0x7f: {  	s7 =	rddreg [dreg:$0x1d];
	s8 =	simm.s32 $0x6080  }
0x80: {  	[tilespmem:s8], [sflag:$0x1] =	stream.linear.gather [spmem:s7], $0x80, $0x38;
	[tilespmem:$0xA880] =	vst v63  }
0x81: {  	s7 =	rddreg [dreg:$0x1e];
	s8 =	simm.s32 $0x6480  }
0x82: {  	[tilespmem:s8], [sflag:$0x1] =	stream.linear.gather [spmem:s7], $0x80, $0x38;
	[tilespmem:$0xA880] =	vst v63  }
0x83: {  	s7 =	rddreg [dreg:$0x1f];
	s8 =	simm.s32 $0x6880  }
0x84: {  	[tilespmem:s8], [sflag:$0x1] =	stream.linear.gather [spmem:s7], $0x80, $0x38;
	[tilespmem:$0xA880] =	vst v63  }
0x85: {  	_ =	swait.ge [sflag:s31], $0x280  }
0x86: {  	[sflag:s31] =	ssyncset.done $0x0  }
0x87: {  	s8 =	simm.s32 $0x5900;
	s7 =	rddreg [dreg:$0x8];
	[sflag:s31] =	ssyncadd.s32 $0xFFFFFD80  }
0x88: {  	[tilespmem:s8], [sflag:$0x1] =	stream.linear.gather [spmem:s7], $0x80, $0x38;
	[tilespmem:$0xA880] =	vst v63  }
0x89: {  	s7 =	sld [smem:$0x7DB];
	_ =	sdelay $0x1  }
0x8a: {  	s8 =	simm.s32 $0x5D00  }
0x8b: {  	[tilespmem:s8], [sflag:$0x1] =	stream.linear.gather [spmem:s7], $0x80, $0x38;
	[tilespmem:$0xA880] =	vst v63  }
0x8c: {  	s7 =	sld [smem:$0x7DC];
	_ =	sdelay $0x1  }
0x8d: {  	s8 =	simm.s32 $0x6100  }
0x8e: {  	[tilespmem:s8], [sflag:$0x1] =	stream.linear.gather [spmem:s7], $0x80, $0x38;
	[tilespmem:$0xA880] =	vst v63  }
0x8f: {  	s7 =	sld [smem:$0x7DD];
	_ =	sdelay $0x1  }
0x90: {  	s8 =	simm.s32 $0x6500  }
0x91: {  	[tilespmem:s8], [sflag:$0x1] =	stream.linear.gather [spmem:s7], $0x80, $0x38;
	[tilespmem:$0xA880] =	vst v63  }
0x92: {  	s7 =	sld [smem:$0x7DE];
	_ =	sdelay $0x1  }
0x93: {  	s8 =	simm.s32 $0x6900  }
0x94: {  	[tilespmem:s8], [sflag:$0x1] =	stream.linear.gather [spmem:s7], $0x80, $0x38;
	[tilespmem:$0xA880] =	vst v63  }
0x95: {  	_ =	swait.ge [sflag:s31], $0x280  }
0x96: {  	[sflag:s31] =	ssyncset.done $0x0  }
0x97: {  	s8 =	simm.s32 $0x5980;
	s7 =	rddreg [dreg:$0x9];
	[sflag:s31] =	ssyncadd.s32 $0xFFFFFD80  }
0x98: {  	[tilespmem:s8], [sflag:$0x1] =	stream.linear.gather [spmem:s7], $0x80, $0x38;
	[tilespmem:$0xA880] =	vst v63  }
0x99: {  	s7 =	sld [smem:$0x7DF];
	_ =	sdelay $0x1  }
0x9a: {  	s8 =	simm.s32 $0x5D80  }
0x9b: {  	[tilespmem:s8], [sflag:$0x1] =	stream.linear.gather [spmem:s7], $0x80, $0x38;
	[tilespmem:$0xA880] =	vst v63  }
0x9c: {  	s7 =	sld [smem:$0x7E0];
	_ =	sdelay $0x1  }
0x9d: {  	s8 =	simm.s32 $0x6180  }
0x9e: {  	[tilespmem:s8], [sflag:$0x1] =	stream.linear.gather [spmem:s7], $0x80, $0x38;
	[tilespmem:$0xA880] =	vst v63  }
0x9f: {  	s7 =	sld [smem:$0x7E1];
	_ =	sdelay $0x1  }
0xa0: {  	s8 =	simm.s32 $0x6580  }
0xa1: {  	[tilespmem:s8], [sflag:$0x1] =	stream.linear.gather [spmem:s7], $0x80, $0x38;
	[tilespmem:$0xA880] =	vst v63  }
0xa2: {  	s7 =	sld [smem:$0x7E2];
	_ =	sdelay $0x1  }
0xa3: {  	s8 =	simm.s32 $0x6980  }
0xa4: {  	[tilespmem:s8], [sflag:$0x1] =	stream.linear.gather [spmem:s7], $0x80, $0x38;
	[tilespmem:$0xA880] =	vst v63  }
0xa5: {  	_ =	swait.ge [sflag:s31], $0x280  }
0xa6: {  	[sflag:s31] =	ssyncset.done $0x0  }
0xa7: {  	s8 =	simm.s32 $0x5A00;
	s7 =	rddreg [dreg:$0xa];
	[sflag:s31] =	ssyncadd.s32 $0xFFFFFD80  }
0xa8: {  	[tilespmem:s8], [sflag:$0x1] =	stream.linear.gather [spmem:s7], $0x80, $0x38;
	[tilespmem:$0xA880] =	vst v63  }
0xa9: {  	s7 =	sld [smem:$0x7E3];
	_ =	sdelay $0x1  }
0xaa: {  	s8 =	simm.s32 $0x5E00  }
0xab: {  	[tilespmem:s8], [sflag:$0x1] =	stream.linear.gather [spmem:s7], $0x80, $0x38;
	[tilespmem:$0xA880] =	vst v63  }
0xac: {  	s7 =	sld [smem:$0x7E4];
	_ =	sdelay $0x1  }
0xad: {  	s8 =	simm.s32 $0x6200  }
0xae: {  	[tilespmem:s8], [sflag:$0x1] =	stream.linear.gather [spmem:s7], $0x80, $0x38;
	[tilespmem:$0xA880] =	vst v63  }
0xaf: {  	s7 =	sld [smem:$0x7E5];
	_ =	sdelay $0x1  }
0xb0: {  	s8 =	simm.s32 $0x6600  }
0xb1: {  	[tilespmem:s8], [sflag:$0x1] =	stream.linear.gather [spmem:s7], $0x80, $0x38;
	[tilespmem:$0xA880] =	vst v63  }
0xb2: {  	s7 =	sld [smem:$0x7E6];
	_ =	sdelay $0x1  }
0xb3: {  	s8 =	simm.s32 $0x6A00  }
0xb4: {  	[tilespmem:s8], [sflag:$0x1] =	stream.linear.gather [spmem:s7], $0x80, $0x38;
	[tilespmem:$0xA880] =	vst v63  }
0xb5: {  	_ =	swait.ge [sflag:s31], $0x280  }
0xb6: {  	[sflag:s31] =	ssyncset.done $0x0  }
0xb7: {  	s8 =	simm.s32 $0x5A80;
	s7 =	rddreg [dreg:$0xb];
	[sflag:s31] =	ssyncadd.s32 $0xFFFFFD80  }
0xb8: {  	[tilespmem:s8], [sflag:$0x1] =	stream.linear.gather [spmem:s7], $0x80, $0x38;
	[tilespmem:$0xA880] =	vst v63  }
0xb9: {  	s7 =	sld [smem:$0x7E7];
	_ =	sdelay $0x1  }
0xba: {  	s8 =	simm.s32 $0x5E80  }
0xbb: {  	[tilespmem:s8], [sflag:$0x1] =	stream.linear.gather [spmem:s7], $0x80, $0x38;
	[tilespmem:$0xA880] =	vst v63  }
0xbc: {  	s7 =	sld [smem:$0x7E8];
	_ =	sdelay $0x1  }
0xbd: {  	s8 =	simm.s32 $0x6280  }
0xbe: {  	[tilespmem:s8], [sflag:$0x1] =	stream.linear.gather [spmem:s7], $0x80, $0x38;
	[tilespmem:$0xA880] =	vst v63  }
0xbf: {  	s7 =	sld [smem:$0x7E9];
	_ =	sdelay $0x1  }
0xc0: {  	s8 =	simm.s32 $0x6680  }
0xc1: {  	[tilespmem:s8], [sflag:$0x1] =	stream.linear.gather [spmem:s7], $0x80, $0x38;
	[tilespmem:$0xA880] =	vst v63  }
0xc2: {  	s7 =	sld [smem:$0x7EA];
	_ =	sdelay $0x1  }
0xc3: {  	s8 =	simm.s32 $0x6A80  }
0xc4: {  	[tilespmem:s8], [sflag:$0x1] =	stream.linear.gather [spmem:s7], $0x80, $0x38;
	[tilespmem:$0xA880] =	vst v63  }
0xc5: {  	_ =	swait.ge [sflag:s31], $0x280  }
0xc6: {  	[sflag:s31] =	ssyncset.done $0x0  }
0xc7: {  	s8 =	simm.s32 $0x5B00;
	s7 =	rddreg [dreg:$0xc];
	[sflag:s31] =	ssyncadd.s32 $0xFFFFFD80  }
0xc8: {  	[tilespmem:s8], [sflag:$0x1] =	stream.linear.gather [spmem:s7], $0x80, $0x38;
	[tilespmem:$0xA880] =	vst v63  }
0xc9: {  	s7 =	sld [smem:$0x7EB];
	_ =	sdelay $0x1  }
0xca: {  	s8 =	simm.s32 $0x5F00  }
0xcb: {  	[tilespmem:s8], [sflag:$0x1] =	stream.linear.gather [spmem:s7], $0x80, $0x38;
	[tilespmem:$0xA880] =	vst v63  }
0xcc: {  	s7 =	sld [smem:$0x7EC];
	_ =	sdelay $0x1  }
0xcd: {  	s8 =	simm.s32 $0x6300  }
0xce: {  	[tilespmem:s8], [sflag:$0x1] =	stream.linear.gather [spmem:s7], $0x80, $0x38;
	[tilespmem:$0xA880] =	vst v63  }
0xcf: {  	s7 =	sld [smem:$0x7ED];
	_ =	sdelay $0x1  }
0xd0: {  	s8 =	simm.s32 $0x6700  }
0xd1: {  	[tilespmem:s8], [sflag:$0x1] =	stream.linear.gather [spmem:s7], $0x80, $0x38;
	[tilespmem:$0xA880] =	vst v63  }
0xd2: {  	s7 =	sld [smem:$0x7EE];
	_ =	sdelay $0x1  }
0xd3: {  	s8 =	simm.s32 $0x6B00  }
0xd4: {  	[tilespmem:s8], [sflag:$0x1] =	stream.linear.gather [spmem:s7], $0x80, $0x38;
	[tilespmem:$0xA880] =	vst v63  }
0xd5: {  	_ =	swait.ge [sflag:s31], $0x280  }
0xd6: {  	[sflag:s31] =	ssyncset.done $0x0  }
0xd7: {  	s8 =	simm.s32 $0x5B80;
	s7 =	rddreg [dreg:$0xd];
	[sflag:s31] =	ssyncadd.s32 $0xFFFFFD80  }
0xd8: {  	[tilespmem:s8], [sflag:$0x1] =	stream.linear.gather [spmem:s7], $0x80, $0x38;
	[tilespmem:$0xA880] =	vst v63  }
0xd9: {  	s7 =	sld [smem:$0x7EF];
	_ =	sdelay $0x1  }
0xda: {  	s8 =	simm.s32 $0x5F80  }
0xdb: {  	[tilespmem:s8], [sflag:$0x1] =	stream.linear.gather [spmem:s7], $0x80, $0x38;
	[tilespmem:$0xA880] =	vst v63  }
0xdc: {  	s7 =	sld [smem:$0x7F0];
	_ =	sdelay $0x1  }
0xdd: {  	s8 =	simm.s32 $0x6380  }
0xde: {  	[tilespmem:s8], [sflag:$0x1] =	stream.linear.gather [spmem:s7], $0x80, $0x38;
	[tilespmem:$0xA880] =	vst v63  }
0xdf: {  	s7 =	sld [smem:$0x7F1];
	_ =	sdelay $0x1  }
0xe0: {  	s8 =	simm.s32 $0x6780  }
0xe1: {  	[tilespmem:s8], [sflag:$0x1] =	stream.linear.gather [spmem:s7], $0x80, $0x38;
	[tilespmem:$0xA880] =	vst v63  }
0xe2: {  	s7 =	sld [smem:$0x7F2];
	_ =	sdelay $0x1  }
0xe3: {  	s8 =	simm.s32 $0x6B80  }
0xe4: {  	[tilespmem:s8], [sflag:$0x1] =	stream.linear.gather [spmem:s7], $0x80, $0x38;
	[tilespmem:$0xA880] =	vst v63  }
0xe5: {  	_ =	swait.ge [sflag:s31], $0x280  }
0xe6: {  	[sflag:s31] =	ssyncset.done $0x0  }
0xe7: {  	s8 =	simm.s32 $0x6C00;
	s7 =	rddreg [dreg:$0xe];
	[sflag:s31] =	ssyncadd.s32 $0xFFFFFD80  }
0xe8: {  	[tilespmem:s8], [sflag:$0x1] =	stream.linear.gather [spmem:s7], $0x80, $0x38;
	[tilespmem:$0xA880] =	vst v63  }
0xe9: {  	s7 =	sld [smem:$0x7F3];
	_ =	sdelay $0x1  }
0xea: {  	s8 =	simm.s32 $0x7000  }
0xeb: {  	[tilespmem:s8], [sflag:$0x1] =	stream.linear.gather [spmem:s7], $0x80, $0x38;
	[tilespmem:$0xA880] =	vst v63  }
0xec: {  	s7 =	sld [smem:$0x7F4];
	_ =	sdelay $0x1  }
0xed: {  	s8 =	simm.s32 $0x7400  }
0xee: {  	[tilespmem:s8], [sflag:$0x1] =	stream.linear.gather [spmem:s7], $0x80, $0x38;
	[tilespmem:$0xA880] =	vst v63  }
0xef: {  	s7 =	sld [smem:$0x7F5];
	_ =	sdelay $0x1  }
0xf0: {  	s8 =	simm.s32 $0x7800  }
0xf1: {  	[tilespmem:s8], [sflag:$0x1] =	stream.linear.gather [spmem:s7], $0x80, $0x38;
	[tilespmem:$0xA880] =	vst v63  }
0xf2: {  	s7 =	sld [smem:$0x7F6];
	_ =	sdelay $0x1  }
0xf3: {  	s8 =	simm.s32 $0x7C00  }
0xf4: {  	[tilespmem:s8], [sflag:$0x1] =	stream.linear.gather [spmem:s7], $0x80, $0x38;
	[tilespmem:$0xA880] =	vst v63  }
0xf5: {  	_ =	swait.ge [sflag:s31], $0x280  }
0xf6: {  	[sflag:s31] =	ssyncset.done $0x0  }
0xf7: {  	s8 =	simm.s32 $0x6C80;
	s7 =	rddreg [dreg:$0xf];
	[sflag:s31] =	ssyncadd.s32 $0xFFFFFD80  }
0xf8: {  	[tilespmem:s8], [sflag:$0x1] =	stream.linear.gather [spmem:s7], $0x80, $0x38;
	[tilespmem:$0xA880] =	vst v63  }
0xf9: {  	s7 =	sld [smem:$0x7F7];
	_ =	sdelay $0x1  }
0xfa: {  	s8 =	simm.s32 $0x7080  }
0xfb: {  	[tilespmem:s8], [sflag:$0x1] =	stream.linear.gather [spmem:s7], $0x80, $0x38;
	[tilespmem:$0xA880] =	vst v63  }
0xfc: {  	s7 =	sld [smem:$0x7F8];
	_ =	sdelay $0x1  }
0xfd: {  	s8 =	simm.s32 $0x7480  }
0xfe: {  	[tilespmem:s8], [sflag:$0x1] =	stream.linear.gather [spmem:s7], $0x80, $0x38;
	[tilespmem:$0xA880] =	vst v63  }
0xff: {  	s7 =	sld [smem:$0x7F9];
	_ =	sdelay $0x1  }
0x100: {  	s8 =	simm.s32 $0x7880  }
0x101: {  	[tilespmem:s8], [sflag:$0x1] =	stream.linear.gather [spmem:s7], $0x80, $0x38;
	[tilespmem:$0xA880] =	vst v63  }
0x102: {  	s7 =	sld [smem:$0x7FA];
	_ =	sdelay $0x1  }
0x103: {  	s8 =	simm.s32 $0x7C80  }
0x104: {  	[tilespmem:s8], [sflag:$0x1] =	stream.linear.gather [spmem:s7], $0x80, $0x38;
	[tilespmem:$0xA880] =	vst v63  }
0x105: {  	_ =	swait.ge [sflag:s31], $0x280  }
0x106: {  	[sflag:s31] =	ssyncset.done $0x0  }
0x107: {  	s8 =	simm.s32 $0x6D00;
	s7 =	rddreg [dreg:$0x10];
	[sflag:s31] =	ssyncadd.s32 $0xFFFFFD80  }
0x108: {  	[tilespmem:s8], [sflag:$0x1] =	stream.linear.gather [spmem:s7], $0x80, $0x38;
	[tilespmem:$0xA880] =	vst v63  }
0x109: {  	s7 =	sld [smem:$0x7FB];
	_ =	sdelay $0x1  }
0x10a: {  	s8 =	simm.s32 $0x7100  }
0x10b: {  	[tilespmem:s8], [sflag:$0x1] =	stream.linear.gather [spmem:s7], $0x80, $0x38;
	[tilespmem:$0xA880] =	vst v63  }
0x10c: {  	s7 =	sld [smem:$0x7FC];
	_ =	sdelay $0x1  }
0x10d: {  	s4 =	sld [smem:$0x7FD];
	s8 =	simm.s32 $0x7500  }
0x10e: {  	[tilespmem:s8], [sflag:$0x1] =	stream.linear.gather [spmem:s7], $0x80, $0x38;
	[tilespmem:$0xA880] =	vst v63  }
0x10f: {  	s7 =	simm.s32 $0x7900  }
0x110: {  	[tilespmem:s7], [sflag:$0x1] =	stream.linear.gather [spmem:s4], $0x80, $0x38;
	[tilespmem:$0xA880] =	vst v63  }
0x111: {  	s8 =	simm.s32 $0x7D00  }
0x112: {  	[tilespmem:s8], [sflag:$0x1] =	stream.linear.gather [spmem:s9], $0x80, $0x38;
	[tilespmem:$0xA880] =	vst v63  }
0x113: {  	_ =	swait.ge [sflag:s31], $0x280  }
0x114: {  	[sflag:s31] =	ssyncset.done $0x0  }
0x115: {  	s7 =	simm.s32 $0x6D80;
	s4 =	rddreg [dreg:$0x11];
	[sflag:s31] =	ssyncadd.s32 $0xFFFFFD80  }
0x116: {  	[tilespmem:s7], [sflag:$0x1] =	stream.linear.gather [spmem:s4], $0x80, $0x38;
	[tilespmem:$0xA880] =	vst v63  }
0x117: {  	s8 =	simm.s32 $0x7180  }
0x118: {  	[tilespmem:s8], [sflag:$0x1] =	stream.linear.gather [spmem:s10], $0x80, $0x38;
	[tilespmem:$0xA880] =	vst v63  }
0x119: {  	s4 =	simm.s32 $0x7580  }
0x11a: {  	[tilespmem:s4], [sflag:$0x1] =	stream.linear.gather [spmem:s11], $0x80, $0x38;
	[tilespmem:$0xA880] =	vst v63  }
0x11b: {  	s7 =	simm.s32 $0x7980  }
0x11c: {  	[tilespmem:s7], [sflag:$0x1] =	stream.linear.gather [spmem:s12], $0x80, $0x38;
	[tilespmem:$0xA880] =	vst v63  }
0x11d: {  	s8 =	simm.s32 $0x7D80  }
0x11e: {  	[tilespmem:s8], [sflag:$0x1] =	stream.linear.gather [spmem:s13], $0x80, $0x38;
	[tilespmem:$0xA880] =	vst v63  }
0x11f: {  	_ =	swait.ge [sflag:s31], $0x280  }
0x120: {  	[sflag:s31] =	ssyncset.done $0x0  }
0x121: {  	s7 =	simm.s32 $0x6E00;
	s4 =	rddreg [dreg:$0x12];
	[sflag:s31] =	ssyncadd.s32 $0xFFFFFD80  }
0x122: {  	[tilespmem:s7], [sflag:$0x1] =	stream.linear.gather [spmem:s4], $0x80, $0x38;
	[tilespmem:$0xA880] =	vst v63  }
0x123: {  	s8 =	simm.s32 $0x7200  }
0x124: {  	[tilespmem:s8], [sflag:$0x1] =	stream.linear.gather [spmem:s14], $0x80, $0x38;
	[tilespmem:$0xA880] =	vst v63  }
0x125: {  	s4 =	simm.s32 $0x7600  }
0x126: {  	[tilespmem:s4], [sflag:$0x1] =	stream.linear.gather [spmem:s15], $0x80, $0x38;
	[tilespmem:$0xA880] =	vst v63  }
0x127: {  	s7 =	simm.s32 $0x7A00  }
0x128: {  	[tilespmem:s7], [sflag:$0x1] =	stream.linear.gather [spmem:s16], $0x80, $0x38;
	[tilespmem:$0xA880] =	vst v63  }
0x129: {  	s8 =	simm.s32 $0x7E00  }
0x12a: {  	[tilespmem:s8], [sflag:$0x1] =	stream.linear.gather [spmem:s17], $0x80, $0x38;
	[tilespmem:$0xA880] =	vst v63  }
0x12b: {  	_ =	swait.ge [sflag:s31], $0x280  }
0x12c: {  	[sflag:s31] =	ssyncset.done $0x0  }
0x12d: {  	s7 =	simm.s32 $0x6E80;
	s4 =	rddreg [dreg:$0x13];
	[sflag:s31] =	ssyncadd.s32 $0xFFFFFD80  }
0x12e: {  	[tilespmem:s7], [sflag:$0x1] =	stream.linear.gather [spmem:s4], $0x80, $0x38;
	[tilespmem:$0xA880] =	vst v63  }
0x12f: {  	s8 =	simm.s32 $0x7280  }
0x130: {  	[tilespmem:s8], [sflag:$0x1] =	stream.linear.gather [spmem:s18], $0x80, $0x38;
	[tilespmem:$0xA880] =	vst v63  }
0x131: {  	s4 =	simm.s32 $0x7680  }
0x132: {  	[tilespmem:s4], [sflag:$0x1] =	stream.linear.gather [spmem:s19], $0x80, $0x38;
	[tilespmem:$0xA880] =	vst v63  }
0x133: {  	s7 =	simm.s32 $0x7A80  }
0x134: {  	[tilespmem:s7], [sflag:$0x1] =	stream.linear.gather [spmem:s20], $0x80, $0x38;
	[tilespmem:$0xA880] =	vst v63  }
0x135: {  	s8 =	simm.s32 $0x7E80  }
0x136: {  	[tilespmem:s8], [sflag:$0x1] =	stream.linear.gather [spmem:s21], $0x80, $0x38;
	[tilespmem:$0xA880] =	vst v63  }
0x137: {  	_ =	swait.ge [sflag:s31], $0x280  }
0x138: {  	[sflag:s31] =	ssyncset.done $0x0  }
0x139: {  	s7 =	simm.s32 $0x6F00;
	s4 =	rddreg [dreg:$0x14];
	[sflag:s31] =	ssyncadd.s32 $0xFFFFFD80  }
0x13a: {  	[tilespmem:s7], [sflag:$0x1] =	stream.linear.gather [spmem:s4], $0x80, $0x38;
	[tilespmem:$0xA880] =	vst v63  }
0x13b: {  	s8 =	simm.s32 $0x7300  }
0x13c: {  	[tilespmem:s8], [sflag:$0x1] =	stream.linear.gather [spmem:s22], $0x80, $0x38;
	[tilespmem:$0xA880] =	vst v63  }
0x13d: {  	s4 =	simm.s32 $0x7700  }
0x13e: {  	[tilespmem:s4], [sflag:$0x1] =	stream.linear.gather [spmem:s23], $0x80, $0x38;
	[tilespmem:$0xA880] =	vst v63  }
0x13f: {  	s7 =	simm.s32 $0x7B00  }
0x140: {  	[tilespmem:s7], [sflag:$0x1] =	stream.linear.gather [spmem:s24], $0x80, $0x38;
	[tilespmem:$0xA880] =	vst v63  }
0x141: {  	s8 =	simm.s32 $0x7F00  }
0x142: {  	[tilespmem:s8], [sflag:$0x1] =	stream.linear.gather [spmem:s25], $0x80, $0x38;
	[tilespmem:$0xA880] =	vst v63  }
0x143: {  	_ =	swait.ge [sflag:s31], $0x280  }
0x144: {  	[sflag:s31] =	ssyncset.done $0x0  }
0x145: {  	s7 =	simm.s32 $0x6F80;
	s4 =	rddreg [dreg:$0x15];
	[sflag:s31] =	ssyncadd.s32 $0xFFFFFD80  }
0x146: {  	[tilespmem:s7], [sflag:$0x1] =	stream.linear.gather [spmem:s4], $0x80, $0x38;
	[tilespmem:$0xA880] =	vst v63  }
0x147: {  	s8 =	simm.s32 $0x7380  }
0x148: {  	[tilespmem:s8], [sflag:$0x1] =	stream.linear.gather [spmem:s26], $0x80, $0x38;
	[tilespmem:$0xA880] =	vst v63  }
0x149: {  	s4 =	simm.s32 $0x7780  }
0x14a: {  	[tilespmem:s4], [sflag:$0x1] =	stream.linear.gather [spmem:s28], $0x80, $0x38;
	[tilespmem:$0xA880] =	vst v63  }
0x14b: {  	s7 =	simm.s32 $0x7B80  }
0x14c: {  	[tilespmem:s7], [sflag:$0x1] =	stream.linear.gather [spmem:s29], $0x80, $0x38;
	[tilespmem:$0xA880] =	vst v63  }
0x14d: {  	s8 =	simm.s32 $0x7F80  }
0x14e: {  	[tilespmem:s8], [sflag:$0x1] =	stream.linear.gather [spmem:s30], $0x80, $0x38;
	[tilespmem:$0xA880] =	vst v63  }
0x14f: {  	s4 =	simm.s32 $0x0;
	_ =	swait.ge [sflag:s31], $0x280  }
0x150: {  	s3 =	sand.u32 $0x1C00, s4;
	s7 =	sand.u32 $0x70, s4;
	[sflag:s31] =	ssyncset.done $0x0  }
0x151: {  	s3 =	sor.u32 s7, s3;
	[sflag:s31] =	ssyncadd.s32 $0xFFFFFD80  }
0x152: {  	v0 =	vld [tilespmem:s3+$0x5880]  }
0x153: {  	v1 =	vld [tilespmem:s3+$0x5800];
	_ =	sdelay $0x1  }
0x154: {  	v2 =	vld [tilespmem:s3+$0x5900];
	_ =	sdelay $0x1  }
0x155: {  	v3 =	vld [tilespmem:s3+$0x5980]  }
0x156: {  	v0 =	vadd.f32 v0, v1  }
0x157: {  	v52 =	vld [tilespmem:s3+$0x5A00]  }
0x158: {  	v0 =	vadd.f32 v2, v0  }
0x159: {  	v53 =	vld [tilespmem:s3+$0x5A80]  }
0x15a: {  	v0 =	vadd.f32 v3, v0  }
0x15b: {  	v54 =	vld [tilespmem:s3+$0x5B00]  }
0x15c: {  	v0 =	vadd.f32 v52, v0  }
0x15d: {  	v55 =	vld [tilespmem:s3+$0x5B80]  }
0x15e: {  	v0 =	vadd.f32 v53, v0  }
0x15f: {  	v56 =	vld [tilespmem:s3+$0x6C00]  }
0x160: {  	v0 =	vadd.f32 v54, v0  }
0x161: {  	v57 =	vld [tilespmem:s3+$0x6C80]  }
0x162: {  	v0 =	vadd.f32 v55, v0  }
0x163: {  	v58 =	vld [tilespmem:s3+$0x6D00]  }
0x164: {  	v0 =	vadd.f32 v56, v0  }
0x165: {  	v59 =	vld [tilespmem:s3+$0x6D80]  }
0x166: {  	v0 =	vadd.f32 v57, v0  }
0x167: {  	v60 =	vld [tilespmem:s3+$0x6E00]  }
0x168: {  	v0 =	vadd.f32 v58, v0  }
0x169: {  	v61 =	vld [tilespmem:s3+$0x6E80]  }
0x16a: {  	v0 =	vadd.f32 v59, v0  }
0x16b: {  	v62 =	vld [tilespmem:s3+$0x6F00]  }
0x16c: {  	v0 =	vadd.f32 v60, v0  }
0x16d: {  	v63 =	vld [tilespmem:s3+$0x6F80]  }
0x16e: {  	v0 =	vadd.f32 v61, v0;
	_ =	sdelay $0x1  }
0x16f: {  	v0 =	vadd.f32 v62, v0;
	_ =	sdelay $0x1  }
0x170: {  	s4 =	simm.s32 $0x80;
	s8 =	simm.s32 $0x10;
	v0 =	vadd.f32 v63, v0  }
0x171: {  	s7 =	sand.u32 $0x1C00, s4;
	s3 =	sand.u32 $0x70, s8  }
0x172: {  	s3 =	sor.u32 s3, s7;
	s7 =	simm.s32 $0x20;
	[tilespmem:s5+$0x0] =	vst v0  }
.LBB2_6:
0x173: {  	p0 =	sne.s32 s7, $0x270;
	v0 =	vld [tilespmem:s3+$0x5880]  }
0x174: {  	v1 =	vld [tilespmem:s3+$0x5800];
	_ =	sdelay $0x1  }
0x175: {  	v2 =	vld [tilespmem:s3+$0x5900];
	_ =	sdelay $0x1  }
0x176: {  	v3 =	vld [tilespmem:s3+$0x5980]  }
0x177: {  	v0 =	vadd.f32 v0, v1  }
0x178: {  	v1 =	vld [tilespmem:s3+$0x5A00]  }
0x179: {  	v0 =	vadd.f32 v2, v0  }
0x17a: {  	v2 =	vld [tilespmem:s3+$0x5A80]  }
0x17b: {  	v0 =	vadd.f32 v3, v0  }
0x17c: {  	v3 =	vld [tilespmem:s3+$0x5B00]  }
0x17d: {  	v0 =	vadd.f32 v1, v0  }
0x17e: {  	v1 =	vld [tilespmem:s3+$0x5B80]  }
0x17f: {  	v0 =	vadd.f32 v2, v0  }
0x180: {  	v2 =	vld [tilespmem:s3+$0x6C00]  }
0x181: {  	v0 =	vadd.f32 v3, v0  }
0x182: {  	v3 =	vld [tilespmem:s3+$0x6C80]  }
0x183: {  	v0 =	vadd.f32 v1, v0  }
0x184: {  	v1 =	vld [tilespmem:s3+$0x6D00]  }
0x185: {  	v0 =	vadd.f32 v2, v0  }
0x186: {  	v2 =	vld [tilespmem:s3+$0x6D80]  }
0x187: {  	v0 =	vadd.f32 v3, v0  }
0x188: {  	v3 =	vld [tilespmem:s3+$0x6E00]  }
0x189: {  	v0 =	vadd.f32 v1, v0  }
0x18a: {  	v1 =	vld [tilespmem:s3+$0x6E80]  }
0x18b: {  	v0 =	vadd.f32 v2, v0  }
0x18c: {  	v2 =	vld [tilespmem:s3+$0x6F00]  }
0x18d: {  	v0 =	vadd.f32 v3, v0  }
0x18e: {  	v3 =	vld [tilespmem:s3+$0x6F80]  }
0x18f: {  	v0 =	vadd.f32 v1, v0;
	_ =	sdelay $0x1  }
.Ltmp2:
0x190: {  	v0 =	vadd.f32 v2, v0;
	(pc) =	sbr.rel @p0 .LBB2_6-.Ltmp2, $4  }
0x191: {  	_ = 	snop  }
0x192: {  	s4 =	sadd.s32 $0x80, s4;
	v0 =	vadd.f32 v3, v0  }
0x193: {  	s5 =	sadd.s32 $0x10, s5;
	s8 =	sand.u32 $0x1C00, s4;
	s3 =	sand.u32 $0x70, s7  }
0x194: {  	s7 =	sadd.s32 $0x10, s7;
	s3 =	sor.u32 s3, s8;
	[tilespmem:s5+$0x0] =	vst v0  }
0x195: {  	v0 =	vld [tilespmem:s3+$0x5880]  }
0x196: {  	v1 =	vld [tilespmem:s3+$0x5800];
	_ =	sdelay $0x1  }
0x197: {  	v2 =	vld [tilespmem:s3+$0x5900];
	_ =	sdelay $0x1  }
0x198: {  	v3 =	vld [tilespmem:s3+$0x5980]  }
0x199: {  	v0 =	vadd.f32 v0, v1  }
0x19a: {  	v52 =	vld [tilespmem:s3+$0x5A00]  }
0x19b: {  	v0 =	vadd.f32 v2, v0  }
0x19c: {  	v53 =	vld [tilespmem:s3+$0x5A80]  }
0x19d: {  	v0 =	vadd.f32 v3, v0  }
0x19e: {  	v54 =	vld [tilespmem:s3+$0x5B00]  }
0x19f: {  	v0 =	vadd.f32 v52, v0  }
0x1a0: {  	v55 =	vld [tilespmem:s3+$0x5B80]  }
0x1a1: {  	v0 =	vadd.f32 v53, v0  }
0x1a2: {  	v56 =	vld [tilespmem:s3+$0x6C00]  }
0x1a3: {  	v0 =	vadd.f32 v54, v0  }
0x1a4: {  	v57 =	vld [tilespmem:s3+$0x6C80]  }
0x1a5: {  	v0 =	vadd.f32 v55, v0  }
0x1a6: {  	v58 =	vld [tilespmem:s3+$0x6D00]  }
0x1a7: {  	v0 =	vadd.f32 v56, v0  }
0x1a8: {  	v59 =	vld [tilespmem:s3+$0x6D80]  }
0x1a9: {  	v0 =	vadd.f32 v57, v0  }
0x1aa: {  	v60 =	vld [tilespmem:s3+$0x6E00]  }
0x1ab: {  	v0 =	vadd.f32 v58, v0  }
0x1ac: {  	v61 =	vld [tilespmem:s3+$0x6E80]  }
0x1ad: {  	v0 =	vadd.f32 v59, v0  }
0x1ae: {  	v62 =	vld [tilespmem:s3+$0x6F00]  }
0x1af: {  	v0 =	vadd.f32 v60, v0  }
0x1b0: {  	v63 =	vld [tilespmem:s3+$0x6F80]  }
0x1b1: {  	v0 =	vadd.f32 v61, v0;
	_ =	sdelay $0x1  }
0x1b2: {  	v0 =	vadd.f32 v62, v0;
	_ =	sdelay $0x1  }
0x1b3: {  	v0 =	vadd.f32 v63, v0  }
0x1b4: {  	s5 =	sadd.s32 $0x10, s5  }
0x1b5: {  	s7 =	rddreg [dreg:$0x17];
	s4 =	simm.s32 $0x100;
	[tilespmem:s5+$0x0] =	vst v0  }
0x1b6: {  	[hbm4b:s7+s0] =	stream.strided.scatter [tilespmem:s1], [sflag:$0x1], $0x280, s4, s0, $0x38;
	[tilespmem:$0xA880] =	vst v63  }
0x1b7: {  	_ =	swait.ge [sflag:s31], $0x280  }
0x1b8: {  	s2 =	sadd.s32 $0x1, s2;
	s8 =	rddreg [dreg:$0x16]  }
0x1b9: {  	p0 =	sne.s32 s2, s8  }
.Ltmp3:
0x1ba: {  	_ = 	snop;
	(pc) =	sbr.rel @p0 .LBB2_1-.Ltmp3, $3  }
0x1bb: {  	_ =	sdelay $0x1  }
0x1bc: {  	[sflag:s31] =	ssyncset.done $0x0  }
0x1bd: {  	[sflag:s31] =	ssyncadd.s32 $0xFFFFFD80  }
0x1be: {  	_ =	sfence.sel $0x180000  }
0x1bf: {  	[bflag:$0x0] =	sbarrier.arrive $0xFFFF  }
0x1c0: {  	_ =	strace $0x90000047  }
0x1c1: {  	s0 =	stileid.u32;
	[bflag:$0x2] =	sbarrier.arrive $0xFFFF  }
0x1c2: {  	p0 =	sne.s32 s0, $0x0;
	s0 =	rddreg [dreg:$0x3]  }
0x1c3: {  	s0 =	sadd.s32 @!p0 $0x100000, s0  }
0x1c4: {  	[sflag:s0] =	ssyncadd.tile.s32 @!p0 $0x1;
	_ =	shalt  }
.Lfunc_end2:
_tile_overlayer_lowered:
.L_overlay_start_2:
0x1c5: {  	(tag) =	ssettag $0x2  }
0x1c6: {  	s0 =	rddreg [dreg:$0x0];
	s2 =	stileid.u32  }
0x1c7: {  	s1 =	rddreg [dreg:$0x1];
	p0 =	sne.s32 s2, $0x0  }
0x1c8: {  	s3 =	rddreg [dreg:$0x2];
	[bflag:$0x3] =	sbarrier.arrive $0xFFFF;
	s2 =	simm.s32 @!p0 $0x1C01  }
0x1c9: {  	[timem:s3], [sflag:s2] =	dma.local @!p0 [hbm:s0], s1  }
0x1ca: {  	s0 =	simm.s32 @!p0 $0x1  }
0x1cb: {  	_ =	swait.ge @!p0 [sflag:s0], s1  }
0x1cc: {  	s1 =	ssub.s32 @!p0 $0x0, s1;
	[sflag:s0] =	ssyncset.done @!p0 $0x0  }
0x1cd: {  	[sflag:s0] =	ssyncadd.s32 @!p0 s1  }
0x1ce: {  	[bflag:$0x3] =	sbarrier.arrive $0xFFFF  }
0x1cf: {  	_ =	shalt  }

// kernel: kernel.15.cloned.1.call-start
scs
__scs_entry_jumppad:
0x0: {  	(pc) =	sbr.rel $0x88, $3  }
0x1: {  	(tag) =	ssettag $0x0;
	lr =	simm.s32 $0x1  }
0x2: {  	[smem:$0x3F95] =	sst lr;
	_ =	strace $0xD0000000  }
0x3: {  	_ = 	snop  }
0x4: {  	_ = 	snop  }
0x5: {  	_ = 	snop  }
0x6: {  	_ = 	snop  }
0x7: {  	_ = 	snop  }
__scs_overlays_trampoline_lowered:
0x8: {  	[smem:$0x3FA4] =	sst s0  }
0x9: {  	[smem:$0x3FA5] =	sst s1  }
0xa: {  	[smem:$0x3FA6] =	sst s2  }
0xb: {  	[smem:$0x3FA7] =	sst s3  }
0xc: {  	[smem:$0x3FA8] =	sst s4  }
0xd: {  	[smem:$0x3FA9] =	sst s5  }
0xe: {  	[smem:$0x3FAA] =	sst s6  }
0xf: {  	[smem:$0x3FAB] =	sst s7  }
0x10: {  	[smem:$0x3FAC] =	sst s8  }
0x11: {  	[smem:$0x3FAD] =	sst s9;
	s0 =	simm.s32 @!p0 $0x0  }
0x12: {  	s1 =	sld [smem:$0x3F93];
	s0 =	simm.s32 @p0 $0x1  }
0x13: {  	[smem:$0x3FAE] =	sst s0;
	s0 =	simm.s32 @!p1 $0x0  }
0x14: {  	s2 =	sld [smem:$0x3F92];
	s0 =	simm.s32 @p1 $0x1  }
0x15: {  	[smem:$0x3FAF] =	sst s0;
	s0 =	simm.s32 @!p2 $0x0  }
0x16: {  	s3 =	sld [smem:$0x3FDB];
	s0 =	simm.s32 @p2 $0x1  }
0x17: {  	s4 =	simm.s32 $0x1BF5;
	[smem:$0x3FB1] =	sst s0  }
0x18: {  	s0 =	sld [smem:$0x3F94];
	_ =	swait.ge [sflag:s4], $0x0  }
0x19: {  	s7 =	sld [smem:$0x3F95]  }
0x1a: {  	s8 =	sadd.s32 $0xFFFFE003, lr  }
0x1b: {  	s9 =	sadd.s32 $0xFFFFFEF7, lr;
	s5 =	simm.s32 $0xFFFFFFFF;
	p2 =	slt.u32 s8, $0xFFFFF086  }
0x1c: {  	p1 =	slt.u32 s9, $0xF7A;
	s5 =	simm.s32 @!p2 $0x0  }
0x1d: {  	s5 =	simm.s32 @p1 $0x1;
	p0 =	seq.s32 s7, s2  }
0x1e: {  	s7 =	smul.u32 @!p0 $0xF7A, s2;
	p2 =	seq.s32 @!p0 s5, $0x0  }
0x1f: {  	s9 =	smul.u32 $0xF7A, s1;
	s8 =	simm.s32 @!p0 $0x1BF5;
	p2 =	por !p2, p0  }
0x20: {  	[sflag:s8] =	ssyncset.s32 @!p0 $0xFFFFF086;
	s6 =	sadd.s32 @!p0 s3, s7;
	s7 =	simm.s32 @!p0 $0x108  }
0x21: {  	s3 =	sadd.s32 s3, s9;
	s6 =	sadd.s32 @!p0 $0x88, s6;
	s7 =	simm.s32 @p2 $0x1082  }
0x22: {  	[simem:s7], [sflag:s8] =	dma.local @!p0 [hbm:s6], $0xF7A  }
0x23: {  	s9 =	sor.u32 $0xD0000000, s2;
	s6 =	simm.s32 $0x108;
	_ =	swait.ge @!p0 [sflag:s8], $0x0  }
0x24: {  	s3 =	sadd.s32 $0x88, s3;
	s6 =	simm.s32 @!p1 $0x1082;
	[sflag:s4] =	ssyncset.s32 $0xFFFFF086  }
0x25: {  	[simem:s6], [sflag:s4] =	dma.local [hbm:s3], $0xF7A  }
0x26: {  	[smem:$0x3F95] =	sst s1;
	(tag) =	ssettag s2;
	_ =	strace s9  }
0x27: {  	s1 =	sld [smem:$0x3FA5]  }
0x28: {  	s2 =	sld [smem:$0x3FA6]  }
0x29: {  	s4 =	sld [smem:$0x3FA8]  }
0x2a: {  	p0 =	seq.s32 s5, $0x0;
	s5 =	sld [smem:$0x3FA9]  }
0x2b: {  	s6 =	sld [smem:$0x3FAA]  }
0x2c: {  	s7 =	sld [smem:$0x3FAB]  }
0x2d: {  	s3 =	simm.s32 $0x108;
	s8 =	sld [smem:$0x3FAC]  }
0x2e: {  	s3 =	simm.s32 @!p0 $0x1082;
	s9 =	sld [smem:$0x3FAD]  }
0x2f: {  	lr =	sadd.s32 s0, s3;
	s0 =	sld [smem:$0x3FA4]  }
0x30: {  	s3 =	sld [smem:$0x3FA7]  }
0x31: {  	[smem:$0x3FB0] =	sst s10  }
0x32: {  	s10 =	sld [smem:$0x3FAE];
	_ =	sdelay $0x3  }
0x33: {  	p0 =	seq.s32 s10, $0x1;
	s10 =	sld [smem:$0x3FB0];
	_ =	sdelay $0x3  }
0x34: {  	[smem:$0x3FB0] =	sst s10  }
0x35: {  	s10 =	sld [smem:$0x3FAF];
	_ =	sdelay $0x3  }
0x36: {  	p1 =	seq.s32 s10, $0x1;
	s10 =	sld [smem:$0x3FB0];
	_ =	sdelay $0x3  }
0x37: {  	[smem:$0x3FB0] =	sst s10  }
0x38: {  	s10 =	sld [smem:$0x3FB1]  }
0x39: {  	_ = 	snop;
	(pc) =	sbr.ind lr, $3  }
0x3a: {  	_ = 	snop  }
0x3b: {  	_ = 	snop  }
0x3c: {  	p2 =	seq.s32 s10, $0x1;
	s10 =	sld [smem:$0x3FB0]  }
0x3d: {  	_ =	shalt  }
0x3e: {  	_ =	shalt  }
0x3f: {  	_ =	shalt  }
0x40: {  	_ =	shalt  }
0x41: {  	_ =	shalt  }
0x42: {  	_ =	shalt  }
0x43: {  	_ =	shalt  }
0x44: {  	_ =	shalt  }
0x45: {  	_ =	shalt  }
0x46: {  	_ =	shalt  }
0x47: {  	_ =	shalt  }
0x48: {  	_ =	shalt  }
0x49: {  	_ =	shalt  }
0x4a: {  	_ =	shalt  }
0x4b: {  	_ =	shalt  }
0x4c: {  	_ =	shalt  }
0x4d: {  	_ =	shalt  }
0x4e: {  	_ =	shalt  }
0x4f: {  	_ =	shalt  }
0x50: {  	_ =	shalt  }
0x51: {  	_ =	shalt  }
0x52: {  	_ =	shalt  }
0x53: {  	_ =	shalt  }
0x54: {  	_ =	shalt  }
0x55: {  	_ =	shalt  }
0x56: {  	_ =	shalt  }
0x57: {  	_ =	shalt  }
0x58: {  	_ =	shalt  }
0x59: {  	_ =	shalt  }
0x5a: {  	_ =	shalt  }
0x5b: {  	_ =	shalt  }
0x5c: {  	_ =	shalt  }
0x5d: {  	_ =	shalt  }
0x5e: {  	_ =	shalt  }
0x5f: {  	_ =	shalt  }
0x60: {  	_ =	shalt  }
0x61: {  	_ =	shalt  }
0x62: {  	_ =	shalt  }
0x63: {  	_ =	shalt  }
0x64: {  	_ =	shalt  }
0x65: {  	_ =	shalt  }
0x66: {  	_ =	shalt  }
0x67: {  	_ =	shalt  }
0x68: {  	_ =	shalt  }
0x69: {  	_ =	shalt  }
0x6a: {  	_ =	shalt  }
0x6b: {  	_ =	shalt  }
0x6c: {  	_ =	shalt  }
0x6d: {  	_ =	shalt  }
0x6e: {  	_ =	shalt  }
0x6f: {  	_ =	shalt  }
0x70: {  	_ =	shalt  }
0x71: {  	_ =	shalt  }
0x72: {  	_ =	shalt  }
0x73: {  	_ =	shalt  }
0x74: {  	_ =	shalt  }
0x75: {  	_ =	shalt  }
0x76: {  	_ =	shalt  }
0x77: {  	_ =	shalt  }
0x78: {  	_ =	shalt  }
0x79: {  	_ =	shalt  }
0x7a: {  	_ =	shalt  }
0x7b: {  	_ =	shalt  }
0x7c: {  	_ =	shalt  }
0x7d: {  	_ =	shalt  }
0x7e: {  	_ =	shalt  }
0x7f: {  	_ =	shalt  }
0x80: {  	_ =	shalt  }
0x81: {  	_ =	shalt  }
0x82: {  	_ =	shalt  }
0x83: {  	_ =	shalt  }
0x84: {  	_ =	shalt  }
0x85: {  	_ =	shalt  }
0x86: {  	_ =	shalt  }
0x87: {  	_ =	shalt  }
.Lfunc_end0:
.L_simem_size_0:
called_computation.1_lowered:
.L_overlay_start_0:
0x88: {  	s2 =	sld [smem:$0x3FD9]  }
0x89: {  	s3 =	sld [smem:$0x3FFE];
	_ =	sdelay $0x1  }
0x8a: {  	s1 =	srdreg.scid  }
0x8b: {  	s0 =	sand.u32 $0x1, s1  }
0x8c: {  	s16 =	sshll.u32 s0, $0xA;
	s2 =	sadd.s32 s3, s2  }
0x8d: {  	s2 =	sadd.s32 s2, s16  }
0x8e: {  	[smem:$0x3FBC] =	sst s2  }
0x8f: {  	_ = 	snop  }
0x90: {  	(tm) =	ssettm $0x1  }
0x91: {  	s17 =	sld [smem:$0x3FFB];
	_ =	sdelay $0x3  }
0x92: {  	_ =	strace s17  }
0x93: {  	s2 =	sld [smem:$0x3FFC];
	_ =	sdelay $0x3  }
0x94: {  	_ =	strace s2  }
0x95: {  	s2 =	sld [smem:$0x3FFD];
	_ =	sdelay $0x3  }
0x96: {  	_ =	strace s2  }
0x97: {  	_ =	strace $0x8FFFFFFF  }
0x98: {  	s18 =	sld [smem:$0x3FDB];
	_ =	sdelay $0x1  }
0x99: {  	s19 =	simm.s32 $_scs_section_size  }
0x9a: {  	s4 =	simm.s32 $_size__tile_overlayer_lowered;
	s5 =	simm.s32 $_tile_overlayer_lowered  }
0x9b: {  	s22 =	simm.s32 $0x1BFF;
	s21 =	sshll.u32 s5, $0x1;
	s2 =	sadd.s32 s19, s18  }
0x9c: {  	s6 =	simm.s32 $0x0;
	s20 =	sshll.u32 s4, $0x1;
	s4 =	sadd.s32 s21, s2  }
0x9d: {  	[timem:s6], [sflag:s22] =	dma.local [hbm:s4], s20  }
0x9e: {  	_ =	swait.ge [sflag:s22], s20  }
0x9f: {  	s3 =	ssub.s32 $0x0, s20;
	[sflag:s22] =	ssyncset.done $0x0  }
0xa0: {  	[sflag:s22] =	ssyncadd.s32 s3;
	_ =	sdelay $0x1  }
0xa1: {  	s23 =	simm.s32 $0x1B8B  }
0xa2: {  	_ =	swait.ge [sflag:s23], $0x1  }
0xa3: {  	[sflag:s23] =	ssyncset.done $0x0  }
0xa4: {  	s25 =	simm.s32 $0x1B8E;
	s24 =	sld [smem:$0x3FFE];
	[sflag:s23] =	ssyncadd.s32 $0xFFFFFFFF  }
0xa5: {  	s26 =	simm.s32 $execute0_lowered;
	[smem:$0x3FD2] =	sst s25  }
0xa6: {  	s4 =	sshll.u32 s26, $0x1;
	_ =	strace $0x80000049;
	[dreg:$0x1] =	wrdreg $0xFFFFFFFF  }
0xa7: {  	s28 =	simm.s32 $_size_execute0_lowered;
	s2 =	sadd.s32 s2, s4;
	[dreg:$0x0] =	wrdreg $0x0  }
0xa8: {  	s4 =	sshll.u32 s28, $0x1;
	[dreg:$0x2] =	wrdreg s2  }
0xa9: {  	[dreg:$0x3] =	wrdreg s4  }
0xaa: {  	[dreg:$0x4] =	wrdreg $0xC0  }
0xab: {  	_ =	task [dreg:s6], $0x5FFFF  }
0xac: {  	[dreg:$0x1] =	wrdreg $0xFFFFFFFF  }
0xad: {  	[dreg:$0x0] =	wrdreg $0x60  }
0xae: {  	[dreg:$0x2] =	wrdreg s24  }
0xaf: {  	[dreg:$0x3] =	wrdreg $0xA0000  }
0xb0: {  	[dreg:$0x4] =	wrdreg $0x9  }
0xb1: {  	_ =	task.clear_ibuf [dreg:s6], $0x5FFFF;
	_ =	strace $0x90000049  }
0xb2: {  	s29 =	simm.s32 $0x9;
	_ =	strace $0x8000004B  }
0xb3: {  	_ =	swait.ge [sflag:s29], $0x1  }
0xb4: {  	[sflag:s29] =	ssyncadd.s32 $0xFFFFFFFF  }
0xb5: {  	_ =	strace $0x9000004B  }
0xb6: {  	_ =	sfence  }
0xb7: {  	s30 =	sld [smem:$0x0];
	_ =	sdelay $0x2  }
0xb8: {  	s31 =	sshll.u32 s1, $0xD;
	s1 =	sshrl.u32 s1, $0x2  }
0xb9: {  	s3 =	sand.u32 $0x4000, s31;
	s1 =	sadd.s32 s1, s30  }
0xba: {  	s0 =	sor.u32 s3, s0;
	s1 =	sshll.u32 s1, $0x11  }
0xbb: {  	s0 =	sor.u32 s1, s0  }
0xbc: {  	s0 =	sadd.s32 $0x8F2B, s0  }
0xbd: {  	[sflag:s0] =	ssyncadd.remote.s32 $0x1  }
0xbe: {  	_ =	sfence.sel $0xFFFF  }
0xbf: {  	[dreg:$0x0] =	wrdreg $0xFFFFFFFF;
	(pc) =	sbr.abs _section_cstart, $3  }
0xc0: {  	[dreg:$0x1] =	wrdreg $0xFFFFFFFF  }
0xc1: {  	_ =	task.clear_ibuf [dreg:s6], $0x2FFFF;
	_ =	strace $0x9FFFFFFF  }
0xc2: {  	(tm) =	ssettm $0x7FFFFFFF  }
0xc3: {  	_ =	shalt  }
tec
execute0_lowered:
.L_overlay_start_1:
0x0: {  	(tag) =	ssettag $0x1  }
0x1: {  	s7 =	rddreg [dreg:$0x0]  }
0x2: {  	s0 =	srdreg.scid;
	s2 =	rddreg [dreg:$0x1]  }
0x3: {  	s1 =	stileid.u32;
	s3 =	simm.s32 $0x0;
	s14 =	simm.s32 $0x80  }
0x4: {  	s15 =	simm.s32 $0x6000;
	s6 =	sand.u32 $0x1, s0;
	s0 =	rddreg [dreg:$0x2]  }
0x5: {  	s16 =	simm.s32 $0x1;
	[smem:$0x7FF] =	sst s3;
	s12 =	smul.u32 $0x50000, s1  }
0x6: {  	s5 =	sadd.s32 $0x97600, s7;
	s18 =	smul.u32 $0x2800, s1;
	s31 =	sshll.u32 s1, $0x6  }
0x7: {  	s4 =	sshll.u32 s6, $0x4;
	_ =	strace $0x8000004A;
	s9 =	ssub.s32 $0x2, s6  }
0x8: {  	s10 =	smul.u32 $0x28000, s6;
	p0 =	seq.s32 s6, $0x0;
	s6 =	simm.s32 $0x60  }
0x9: {  	s4 =	sor.u32 s1, s4;
	s11 =	sshrl.u32 s9, $0x1;
	s6 =	simm.s32 @!p0 $0x3D  }
0xa: {  	s30 =	sshrl.u32 s12, $0x2;
	s4 =	smul.u32 $0x600, s4;
	s10 =	sadd.s32 s10, s7  }
0xb: {  	s9 =	ssub.s32 s9, s11;
	s12 =	sadd.s32 s30, s2;
	s11 =	sor.u32 $0x1C02, s31  }
0xc: {  	s17 =	sadd.s32 $0x98A00, s10;
	s9 =	smax.u32 s9, $0x1;
	s13 =	sadd.s32 $0xA000, s12  }
0xd: {  	s10 =	simm.s32 $0x2;
	s12 =	sshrl.u32 s12, $0x3;
	s8 =	sadd.s32 s4, s7  }
0xe: {  	s4 =	sadd.s32 $0x47600, s7;
	s13 =	sshrl.u32 s13, $0x3;
	s17 =	sadd.s32 s18, s17  }
0xf: {  	s18 =	simm.s32 $0x0;
	s7 =	sadd.s32 $0x12C00, s8;
	s8 =	sadd.s32 $0x6C00, s8  }
.LBB2_1:
0x10: {  	[tilespmem:s3], [sflag:$0x2] =	stream.linear.gather [hbm4b:s7+s3], $0x3000, $0x38;
	[tilespmem:$0x1E000] =	vst v63  }
0x11: {  	_ =	swait.ge [sflag:s10], $0x3000  }
0x12: {  	[sflag:s10] =	ssyncset.done $0x0  }
0x13: {  	s19 =	simm.s32 $0x3000;
	[sflag:s10] =	ssyncadd.s32 $0xFFFFD000  }
0x14: {  	[tilespmem:s19], [sflag:$0x2] =	stream.linear.gather [hbm4b:s8+s3], $0x3000, $0x38;
	[tilespmem:$0x1E000] =	vst v63  }
0x15: {  	_ =	swait.ge [sflag:s10], $0x3000  }
0x16: {  	[sflag:s10] =	ssyncset.done $0x0  }
0x17: {  	[sflag:s10] =	ssyncadd.s32 $0xFFFFD000  }
0x18: {  	[spmem:s12], [sflag:s11] =	dma.local [hbm:s5], $0x1400  }
0x19: {  	_ =	swait.ge [sflag:s10], $0x1400  }
0x1a: {  	[sflag:s10] =	ssyncset.done $0x0  }
0x1b: {  	[sflag:s10] =	ssyncadd.s32 $0xFFFFEC00  }
0x1c: {  	[spmem:s13], [sflag:s11] =	dma.local [hbm:s5], $0x1400  }
0x1d: {  	_ =	swait.ge [sflag:s10], $0x1400  }
0x1e: {  	[sflag:s10] =	ssyncset.done $0x0  }
0x1f: {  	[sflag:s10] =	ssyncadd.s32 $0xFFFFEC00  }
0x20: {  	[bflag:$0x0] =	sbarrier.arrive $0xFFFF  }
0x21: {  	[tilespmem:s15], [sflag:$0x1] =	stream.indirect.gather [hbm4b:s4+s14], $0x80, s3, s14, $0xb8;
	[tilespmem:$0x1E000] =	vst v63  }
0x22: {  	p0 =	sne.s32 s6, $0x1;
	_ =	swait.ge [sflag:s16], $0x4000  }
.Ltmp0:
0x23: {  	[sflag:s16] =	ssyncset.done $0x0;
	(pc) =	sbr.rel @!p0 .LBB2_3-.Ltmp0, $4  }
0x24: {  	[sflag:s16] =	ssyncadd.s32 $0xFFFFC000  }
0x25: {  	[spmem:s2] =	stream.indirect.scatter.add.f32 [tilespmem:s15], [sflag:$0x2], $0x80, s19, s14, $0xb8;
	[tilespmem:$0x1E000] =	vst v63  }
0x26: {  	_ =	swait.ge [sflag:s10], $0x4000  }
0x27: {  	s20 =	sadd.s32 $0xFFFFFFFF, s6;
	s21 =	simm.s32 $0x0;
	[sflag:s10] =	ssyncset.done $0x0  }
.LBB2_2:
0x28: {  	[sflag:s10] =	ssyncadd.s32 $0xFFFFC000;
	s21 =	sadd.s32 $0x80, s21;
	s19 =	sadd.s32 $0x80, s19  }
0x29: {  	[tilespmem:s15], [sflag:$0x1] =	stream.indirect.gather [hbm4b:s4+s14], $0x80, s21, s14, $0xb8;
	[tilespmem:$0x1E000] =	vst v63  }
0x2a: {  	p0 =	sne.s32 s20, $0x1;
	s20 =	sadd.s32 $0xFFFFFFFF, s20;
	_ =	swait.ge [sflag:s16], $0x4000  }
.Ltmp1:
0x2b: {  	[sflag:s16] =	ssyncset.done $0x0;
	(pc) =	sbr.rel @p0 .LBB2_2-.Ltmp1, $4  }
0x2c: {  	[sflag:s16] =	ssyncadd.s32 $0xFFFFC000  }
0x2d: {  	[spmem:s2] =	stream.indirect.scatter.add.f32 [tilespmem:s15], [sflag:$0x2], $0x80, s19, s14, $0xb8;
	[tilespmem:$0x1E000] =	vst v63  }
0x2e: {  	_ =	swait.ge [sflag:s10], $0x4000  }
0x2f: {  	[sflag:s10] =	ssyncset.done $0x0  }
.LBB2_3:
0x30: {  	s18 =	sadd.s32 $0x1, s18  }
0x31: {  	[sflag:s10] =	ssyncadd.s32 $0xFFFFC000;
	p0 =	sne.s32 s18, s9  }
.Ltmp2:
0x32: {  	[bflag:$0x0] =	sbarrier.arrive $0xFFFF;
	(pc) =	sbr.rel @p0 .LBB2_1-.Ltmp2, $4  }
0x33: {  	[hbm:s17], [sflag:s11] =	dma.local [spmem:s12], $0x2800  }
0x34: {  	_ =	swait.ge [sflag:s10], $0x2800  }
0x35: {  	[sflag:s10] =	ssyncset.done $0x0  }
0x36: {  	[sflag:s10] =	ssyncadd.s32 $0xFFFFD800  }
0x37: {  	_ =	sfence.sel $0x180000  }
0x38: {  	[bflag:$0x0] =	sbarrier.arrive $0xFFFF  }
0x39: {  	p0 =	sne.s32 s1, $0x0;
	_ =	strace $0x9000004A  }
0x3a: {  	s0 =	sadd.s32 @!p0 $0x100000, s0;
	[bflag:$0x2] =	sbarrier.arrive $0xFFFF  }
0x3b: {  	[sflag:s0] =	ssyncadd.tile.s32 @!p0 $0x1;
	_ =	shalt  }
.Lfunc_end2:
_tile_overlayer_lowered:
.L_overlay_start_2:
0x3c: {  	(tag) =	ssettag $0x2  }
0x3d: {  	s0 =	rddreg [dreg:$0x0];
	s2 =	stileid.u32  }
0x3e: {  	s1 =	rddreg [dreg:$0x1];
	p0 =	sne.s32 s2, $0x0  }
0x3f: {  	s3 =	rddreg [dreg:$0x2];
	[bflag:$0x3] =	sbarrier.arrive $0xFFFF;
	s2 =	simm.s32 @!p0 $0x1C02  }
0x40: {  	[timem:s3], [sflag:s2] =	dma.local @!p0 [hbm:s0], s1  }
0x41: {  	s0 =	simm.s32 @!p0 $0x2  }
0x42: {  	_ =	swait.ge @!p0 [sflag:s0], s1  }
0x43: {  	s1 =	ssub.s32 @!p0 $0x0, s1;
	[sflag:s0] =	ssyncset.done @!p0 $0x0  }
0x44: {  	[sflag:s0] =	ssyncadd.s32 @!p0 s1  }
0x45: {  	[bflag:$0x3] =	sbarrier.arrive $0xFFFF  }
0x46: {  	_ =	shalt  }

// kernel: kernel.18.cloned.1.call-start
scs
__scs_entry_jumppad:
0x0: {  	(pc) =	sbr.rel $0x88, $3  }
0x1: {  	(tag) =	ssettag $0x0;
	lr =	simm.s32 $0x1  }
0x2: {  	[smem:$0x3F95] =	sst lr;
	_ =	strace $0xD0000000  }
0x3: {  	_ = 	snop  }
0x4: {  	_ = 	snop  }
0x5: {  	_ = 	snop  }
0x6: {  	_ = 	snop  }
0x7: {  	_ = 	snop  }
__scs_overlays_trampoline_lowered:
0x8: {  	[smem:$0x3FA4] =	sst s0  }
0x9: {  	[smem:$0x3FA5] =	sst s1  }
0xa: {  	[smem:$0x3FA6] =	sst s2  }
0xb: {  	[smem:$0x3FA7] =	sst s3  }
0xc: {  	[smem:$0x3FA8] =	sst s4  }
0xd: {  	[smem:$0x3FA9] =	sst s5  }
0xe: {  	[smem:$0x3FAA] =	sst s6  }
0xf: {  	[smem:$0x3FAB] =	sst s7  }
0x10: {  	[smem:$0x3FAC] =	sst s8  }
0x11: {  	[smem:$0x3FAD] =	sst s9;
	s0 =	simm.s32 @!p0 $0x0  }
0x12: {  	s1 =	sld [smem:$0x3F93];
	s0 =	simm.s32 @p0 $0x1  }
0x13: {  	[smem:$0x3FAE] =	sst s0;
	s0 =	simm.s32 @!p1 $0x0  }
0x14: {  	s2 =	sld [smem:$0x3F92];
	s0 =	simm.s32 @p1 $0x1  }
0x15: {  	[smem:$0x3FAF] =	sst s0;
	s0 =	simm.s32 @!p2 $0x0  }
0x16: {  	s3 =	sld [smem:$0x3FDB];
	s0 =	simm.s32 @p2 $0x1  }
0x17: {  	s4 =	simm.s32 $0x1BF5;
	[smem:$0x3FB1] =	sst s0  }
0x18: {  	s0 =	sld [smem:$0x3F94];
	_ =	swait.ge [sflag:s4], $0x0  }
0x19: {  	s7 =	sld [smem:$0x3F95]  }
0x1a: {  	s8 =	sadd.s32 $0xFFFFE003, lr  }
0x1b: {  	s9 =	sadd.s32 $0xFFFFFEF7, lr;
	s5 =	simm.s32 $0xFFFFFFFF;
	p2 =	slt.u32 s8, $0xFFFFF086  }
0x1c: {  	p1 =	slt.u32 s9, $0xF7A;
	s5 =	simm.s32 @!p2 $0x0  }
0x1d: {  	s5 =	simm.s32 @p1 $0x1;
	p0 =	seq.s32 s7, s2  }
0x1e: {  	s7 =	smul.u32 @!p0 $0xF7A, s2;
	p2 =	seq.s32 @!p0 s5, $0x0  }
0x1f: {  	s9 =	smul.u32 $0xF7A, s1;
	s8 =	simm.s32 @!p0 $0x1BF5;
	p2 =	por !p2, p0  }
0x20: {  	[sflag:s8] =	ssyncset.s32 @!p0 $0xFFFFF086;
	s6 =	sadd.s32 @!p0 s3, s7;
	s7 =	simm.s32 @!p0 $0x108  }
0x21: {  	s3 =	sadd.s32 s3, s9;
	s6 =	sadd.s32 @!p0 $0x88, s6;
	s7 =	simm.s32 @p2 $0x1082  }
0x22: {  	[simem:s7], [sflag:s8] =	dma.local @!p0 [hbm:s6], $0xF7A  }
0x23: {  	s9 =	sor.u32 $0xD0000000, s2;
	s6 =	simm.s32 $0x108;
	_ =	swait.ge @!p0 [sflag:s8], $0x0  }
0x24: {  	s3 =	sadd.s32 $0x88, s3;
	s6 =	simm.s32 @!p1 $0x1082;
	[sflag:s4] =	ssyncset.s32 $0xFFFFF086  }
0x25: {  	[simem:s6], [sflag:s4] =	dma.local [hbm:s3], $0xF7A  }
0x26: {  	[smem:$0x3F95] =	sst s1;
	(tag) =	ssettag s2;
	_ =	strace s9  }
0x27: {  	s1 =	sld [smem:$0x3FA5]  }
0x28: {  	s2 =	sld [smem:$0x3FA6]  }
0x29: {  	s4 =	sld [smem:$0x3FA8]  }
0x2a: {  	p0 =	seq.s32 s5, $0x0;
	s5 =	sld [smem:$0x3FA9]  }
0x2b: {  	s6 =	sld [smem:$0x3FAA]  }
0x2c: {  	s7 =	sld [smem:$0x3FAB]  }
0x2d: {  	s3 =	simm.s32 $0x108;
	s8 =	sld [smem:$0x3FAC]  }
0x2e: {  	s3 =	simm.s32 @!p0 $0x1082;
	s9 =	sld [smem:$0x3FAD]  }
0x2f: {  	lr =	sadd.s32 s0, s3;
	s0 =	sld [smem:$0x3FA4]  }
0x30: {  	s3 =	sld [smem:$0x3FA7]  }
0x31: {  	[smem:$0x3FB0] =	sst s10  }
0x32: {  	s10 =	sld [smem:$0x3FAE];
	_ =	sdelay $0x3  }
0x33: {  	p0 =	seq.s32 s10, $0x1;
	s10 =	sld [smem:$0x3FB0];
	_ =	sdelay $0x3  }
0x34: {  	[smem:$0x3FB0] =	sst s10  }
0x35: {  	s10 =	sld [smem:$0x3FAF];
	_ =	sdelay $0x3  }
0x36: {  	p1 =	seq.s32 s10, $0x1;
	s10 =	sld [smem:$0x3FB0];
	_ =	sdelay $0x3  }
0x37: {  	[smem:$0x3FB0] =	sst s10  }
0x38: {  	s10 =	sld [smem:$0x3FB1]  }
0x39: {  	_ = 	snop;
	(pc) =	sbr.ind lr, $3  }
0x3a: {  	_ = 	snop  }
0x3b: {  	_ = 	snop  }
0x3c: {  	p2 =	seq.s32 s10, $0x1;
	s10 =	sld [smem:$0x3FB0]  }
0x3d: {  	_ =	shalt  }
0x3e: {  	_ =	shalt  }
0x3f: {  	_ =	shalt  }
0x40: {  	_ =	shalt  }
0x41: {  	_ =	shalt  }
0x42: {  	_ =	shalt  }
0x43: {  	_ =	shalt  }
0x44: {  	_ =	shalt  }
0x45: {  	_ =	shalt  }
0x46: {  	_ =	shalt  }
0x47: {  	_ =	shalt  }
0x48: {  	_ =	shalt  }
0x49: {  	_ =	shalt  }
0x4a: {  	_ =	shalt  }
0x4b: {  	_ =	shalt  }
0x4c: {  	_ =	shalt  }
0x4d: {  	_ =	shalt  }
0x4e: {  	_ =	shalt  }
0x4f: {  	_ =	shalt  }
0x50: {  	_ =	shalt  }
0x51: {  	_ =	shalt  }
0x52: {  	_ =	shalt  }
0x53: {  	_ =	shalt  }
0x54: {  	_ =	shalt  }
0x55: {  	_ =	shalt  }
0x56: {  	_ =	shalt  }
0x57: {  	_ =	shalt  }
0x58: {  	_ =	shalt  }
0x59: {  	_ =	shalt  }
0x5a: {  	_ =	shalt  }
0x5b: {  	_ =	shalt  }
0x5c: {  	_ =	shalt  }
0x5d: {  	_ =	shalt  }
0x5e: {  	_ =	shalt  }
0x5f: {  	_ =	shalt  }
0x60: {  	_ =	shalt  }
0x61: {  	_ =	shalt  }
0x62: {  	_ =	shalt  }
0x63: {  	_ =	shalt  }
0x64: {  	_ =	shalt  }
0x65: {  	_ =	shalt  }
0x66: {  	_ =	shalt  }
0x67: {  	_ =	shalt  }
0x68: {  	_ =	shalt  }
0x69: {  	_ =	shalt  }
0x6a: {  	_ =	shalt  }
0x6b: {  	_ =	shalt  }
0x6c: {  	_ =	shalt  }
0x6d: {  	_ =	shalt  }
0x6e: {  	_ =	shalt  }
0x6f: {  	_ =	shalt  }
0x70: {  	_ =	shalt  }
0x71: {  	_ =	shalt  }
0x72: {  	_ =	shalt  }
0x73: {  	_ =	shalt  }
0x74: {  	_ =	shalt  }
0x75: {  	_ =	shalt  }
0x76: {  	_ =	shalt  }
0x77: {  	_ =	shalt  }
0x78: {  	_ =	shalt  }
0x79: {  	_ =	shalt  }
0x7a: {  	_ =	shalt  }
0x7b: {  	_ =	shalt  }
0x7c: {  	_ =	shalt  }
0x7d: {  	_ =	shalt  }
0x7e: {  	_ =	shalt  }
0x7f: {  	_ =	shalt  }
0x80: {  	_ =	shalt  }
0x81: {  	_ =	shalt  }
0x82: {  	_ =	shalt  }
0x83: {  	_ =	shalt  }
0x84: {  	_ =	shalt  }
0x85: {  	_ =	shalt  }
0x86: {  	_ =	shalt  }
0x87: {  	_ =	shalt  }
.Lfunc_end0:
.L_simem_size_0:
called_computation.2_lowered:
.L_overlay_start_0:
0x88: {  	s2 =	sld [smem:$0x3FD9]  }
0x89: {  	s3 =	sld [smem:$0x3FFE];
	_ =	sdelay $0x1  }
0x8a: {  	s1 =	srdreg.scid  }
0x8b: {  	s0 =	sand.u32 $0x1, s1  }
0x8c: {  	s16 =	sshll.u32 s0, $0xA;
	s2 =	sadd.s32 s3, s2  }
0x8d: {  	s2 =	sadd.s32 s2, s16  }
0x8e: {  	[smem:$0x3FBC] =	sst s2  }
0x8f: {  	_ = 	snop  }
0x90: {  	(tm) =	ssettm $0x1  }
0x91: {  	s17 =	sld [smem:$0x3FFB];
	_ =	sdelay $0x3  }
0x92: {  	_ =	strace s17  }
0x93: {  	s2 =	sld [smem:$0x3FFC];
	_ =	sdelay $0x3  }
0x94: {  	_ =	strace s2  }
0x95: {  	s2 =	sld [smem:$0x3FFD];
	_ =	sdelay $0x3  }
0x96: {  	_ =	strace s2  }
0x97: {  	_ =	strace $0x8FFFFFFF  }
0x98: {  	s18 =	sld [smem:$0x3FDB];
	_ =	sdelay $0x1  }
0x99: {  	s19 =	simm.s32 $_scs_section_size  }
0x9a: {  	s4 =	simm.s32 $_size__tile_overlayer_lowered;
	s5 =	simm.s32 $_tile_overlayer_lowered  }
0x9b: {  	s22 =	simm.s32 $0x1BFF;
	s21 =	sshll.u32 s5, $0x1;
	s2 =	sadd.s32 s19, s18  }
0x9c: {  	s6 =	simm.s32 $0x0;
	s20 =	sshll.u32 s4, $0x1;
	s4 =	sadd.s32 s21, s2  }
0x9d: {  	[timem:s6], [sflag:s22] =	dma.local [hbm:s4], s20  }
0x9e: {  	_ =	swait.ge [sflag:s22], s20  }
0x9f: {  	s3 =	ssub.s32 $0x0, s20;
	[sflag:s22] =	ssyncset.done $0x0  }
0xa0: {  	[sflag:s22] =	ssyncadd.s32 s3;
	_ =	sdelay $0x1  }
0xa1: {  	s23 =	simm.s32 $0x1B8B  }
0xa2: {  	_ =	swait.ge [sflag:s23], $0x1  }
0xa3: {  	[sflag:s23] =	ssyncset.done $0x0  }
0xa4: {  	s25 =	simm.s32 $0x1B8E;
	s24 =	sld [smem:$0x3FFE];
	[sflag:s23] =	ssyncadd.s32 $0xFFFFFFFF  }
0xa5: {  	s26 =	simm.s32 $execute0_lowered;
	[smem:$0x3FD2] =	sst s25  }
0xa6: {  	s4 =	sshll.u32 s26, $0x1;
	_ =	strace $0x8000004C;
	[dreg:$0x1] =	wrdreg $0xFFFFFFFF  }
0xa7: {  	s28 =	simm.s32 $_size_execute0_lowered;
	s2 =	sadd.s32 s2, s4;
	[dreg:$0x0] =	wrdreg $0x0  }
0xa8: {  	s4 =	sshll.u32 s28, $0x1;
	[dreg:$0x2] =	wrdreg s2  }
0xa9: {  	[dreg:$0x3] =	wrdreg s4  }
0xaa: {  	[dreg:$0x4] =	wrdreg $0xC0  }
0xab: {  	_ =	task [dreg:s6], $0x5FFFF  }
0xac: {  	[dreg:$0x1] =	wrdreg $0xFFFFFFFF  }
0xad: {  	[dreg:$0x0] =	wrdreg $0x60  }
0xae: {  	[dreg:$0x2] =	wrdreg s24  }
0xaf: {  	[dreg:$0x3] =	wrdreg $0xA0000  }
0xb0: {  	[dreg:$0x4] =	wrdreg $0x9  }
0xb1: {  	_ =	task.clear_ibuf [dreg:s6], $0x5FFFF;
	_ =	strace $0x9000004C  }
0xb2: {  	s29 =	simm.s32 $0x9;
	_ =	strace $0x8000004E  }
0xb3: {  	_ =	swait.ge [sflag:s29], $0x1  }
0xb4: {  	[sflag:s29] =	ssyncadd.s32 $0xFFFFFFFF  }
0xb5: {  	_ =	strace $0x9000004E  }
0xb6: {  	_ =	sfence  }
0xb7: {  	s30 =	sld [smem:$0x0];
	_ =	sdelay $0x2  }
0xb8: {  	s31 =	sshll.u32 s1, $0xD;
	s1 =	sshrl.u32 s1, $0x2  }
0xb9: {  	s3 =	sand.u32 $0x4000, s31;
	s1 =	sadd.s32 s1, s30  }
0xba: {  	s0 =	sor.u32 s3, s0;
	s1 =	sshll.u32 s1, $0x11  }
0xbb: {  	s0 =	sor.u32 s1, s0  }
0xbc: {  	s0 =	sadd.s32 $0x8F2B, s0  }
0xbd: {  	[sflag:s0] =	ssyncadd.remote.s32 $0x1  }
0xbe: {  	_ =	sfence.sel $0xFFFF  }
0xbf: {  	[dreg:$0x0] =	wrdreg $0xFFFFFFFF;
	(pc) =	sbr.abs _section_cstart, $3  }
0xc0: {  	[dreg:$0x1] =	wrdreg $0xFFFFFFFF  }
0xc1: {  	_ =	task.clear_ibuf [dreg:s6], $0x2FFFF;
	_ =	strace $0x9FFFFFFF  }
0xc2: {  	(tm) =	ssettm $0x7FFFFFFF  }
0xc3: {  	_ =	shalt  }
tec
execute0_lowered:
.L_overlay_start_1:
0x0: {  	(tag) =	ssettag $0x1  }
0x1: {  	s7 =	rddreg [dreg:$0x0]  }
0x2: {  	s0 =	srdreg.scid;
	s2 =	rddreg [dreg:$0x1]  }
0x3: {  	s1 =	stileid.u32;
	s3 =	simm.s32 $0x0;
	s14 =	simm.s32 $0x80  }
0x4: {  	s15 =	simm.s32 $0x6000;
	s6 =	sand.u32 $0x1, s0;
	s0 =	rddreg [dreg:$0x2]  }
0x5: {  	s16 =	simm.s32 $0x1;
	[smem:$0x7FF] =	sst s3;
	s12 =	smul.u32 $0x50000, s1  }
0x6: {  	s5 =	sadd.s32 $0x97600, s7;
	s18 =	smul.u32 $0x2800, s1;
	s31 =	sshll.u32 s1, $0x6  }
0x7: {  	s4 =	sshll.u32 s6, $0x4;
	_ =	strace $0x8000004D;
	s9 =	ssub.s32 $0x2, s6  }
0x8: {  	s10 =	smul.u32 $0x28000, s6;
	p0 =	seq.s32 s6, $0x0;
	s6 =	simm.s32 $0x60  }
0x9: {  	s4 =	sor.u32 s1, s4;
	s11 =	sshrl.u32 s9, $0x1;
	s6 =	simm.s32 @!p0 $0x3D  }
0xa: {  	s30 =	sshrl.u32 s12, $0x2;
	s4 =	smul.u32 $0x600, s4;
	s10 =	sadd.s32 s10, s7  }
0xb: {  	s9 =	ssub.s32 s9, s11;
	s12 =	sadd.s32 s30, s2;
	s11 =	sor.u32 $0x1C02, s31  }
0xc: {  	s17 =	sadd.s32 $0x98A00, s10;
	s9 =	smax.u32 s9, $0x1;
	s13 =	sadd.s32 $0xA000, s12  }
0xd: {  	s10 =	simm.s32 $0x2;
	s12 =	sshrl.u32 s12, $0x3;
	s8 =	sadd.s32 s4, s7  }
0xe: {  	s4 =	sadd.s32 $0x47600, s7;
	s13 =	sshrl.u32 s13, $0x3;
	s17 =	sadd.s32 s18, s17  }
0xf: {  	s18 =	simm.s32 $0x0;
	s7 =	sadd.s32 $0x12C00, s8;
	s8 =	sadd.s32 $0x6C00, s8  }
.LBB2_1:
0x10: {  	[tilespmem:s3], [sflag:$0x2] =	stream.linear.gather [hbm4b:s7+s3], $0x3000, $0x38;
	[tilespmem:$0x1E000] =	vst v63  }
0x11: {  	_ =	swait.ge [sflag:s10], $0x3000  }
0x12: {  	[sflag:s10] =	ssyncset.done $0x0  }
0x13: {  	s19 =	simm.s32 $0x3000;
	[sflag:s10] =	ssyncadd.s32 $0xFFFFD000  }
0x14: {  	[tilespmem:s19], [sflag:$0x2] =	stream.linear.gather [hbm4b:s8+s3], $0x3000, $0x38;
	[tilespmem:$0x1E000] =	vst v63  }
0x15: {  	_ =	swait.ge [sflag:s10], $0x3000  }
0x16: {  	[sflag:s10] =	ssyncset.done $0x0  }
0x17: {  	[sflag:s10] =	ssyncadd.s32 $0xFFFFD000  }
0x18: {  	[spmem:s12], [sflag:s11] =	dma.local [hbm:s5], $0x1400  }
0x19: {  	_ =	swait.ge [sflag:s10], $0x1400  }
0x1a: {  	[sflag:s10] =	ssyncset.done $0x0  }
0x1b: {  	[sflag:s10] =	ssyncadd.s32 $0xFFFFEC00  }
0x1c: {  	[spmem:s13], [sflag:s11] =	dma.local [hbm:s5], $0x1400  }
0x1d: {  	_ =	swait.ge [sflag:s10], $0x1400  }
0x1e: {  	[sflag:s10] =	ssyncset.done $0x0  }
0x1f: {  	[sflag:s10] =	ssyncadd.s32 $0xFFFFEC00  }
0x20: {  	[bflag:$0x0] =	sbarrier.arrive $0xFFFF  }
0x21: {  	[tilespmem:s15], [sflag:$0x1] =	stream.indirect.gather [hbm4b:s4+s14], $0x80, s3, s14, $0xb8;
	[tilespmem:$0x1E000] =	vst v63  }
0x22: {  	p0 =	sne.s32 s6, $0x1;
	_ =	swait.ge [sflag:s16], $0x4000  }
.Ltmp0:
0x23: {  	[sflag:s16] =	ssyncset.done $0x0;
	(pc) =	sbr.rel @!p0 .LBB2_3-.Ltmp0, $4  }
0x24: {  	[sflag:s16] =	ssyncadd.s32 $0xFFFFC000  }
0x25: {  	[spmem:s2] =	stream.indirect.scatter.add.f32 [tilespmem:s15], [sflag:$0x2], $0x80, s19, s14, $0xb8;
	[tilespmem:$0x1E000] =	vst v63  }
0x26: {  	_ =	swait.ge [sflag:s10], $0x4000  }
0x27: {  	s20 =	sadd.s32 $0xFFFFFFFF, s6;
	s21 =	simm.s32 $0x0;
	[sflag:s10] =	ssyncset.done $0x0  }
.LBB2_2:
0x28: {  	[sflag:s10] =	ssyncadd.s32 $0xFFFFC000;
	s21 =	sadd.s32 $0x80, s21;
	s19 =	sadd.s32 $0x80, s19  }
0x29: {  	[tilespmem:s15], [sflag:$0x1] =	stream.indirect.gather [hbm4b:s4+s14], $0x80, s21, s14, $0xb8;
	[tilespmem:$0x1E000] =	vst v63  }
0x2a: {  	p0 =	sne.s32 s20, $0x1;
	s20 =	sadd.s32 $0xFFFFFFFF, s20;
	_ =	swait.ge [sflag:s16], $0x4000  }
.Ltmp1:
0x2b: {  	[sflag:s16] =	ssyncset.done $0x0;
	(pc) =	sbr.rel @p0 .LBB2_2-.Ltmp1, $4  }
0x2c: {  	[sflag:s16] =	ssyncadd.s32 $0xFFFFC000  }
0x2d: {  	[spmem:s2] =	stream.indirect.scatter.add.f32 [tilespmem:s15], [sflag:$0x2], $0x80, s19, s14, $0xb8;
	[tilespmem:$0x1E000] =	vst v63  }
0x2e: {  	_ =	swait.ge [sflag:s10], $0x4000  }
0x2f: {  	[sflag:s10] =	ssyncset.done $0x0  }
.LBB2_3:
0x30: {  	s18 =	sadd.s32 $0x1, s18  }
0x31: {  	[sflag:s10] =	ssyncadd.s32 $0xFFFFC000;
	p0 =	sne.s32 s18, s9  }
.Ltmp2:
0x32: {  	[bflag:$0x0] =	sbarrier.arrive $0xFFFF;
	(pc) =	sbr.rel @p0 .LBB2_1-.Ltmp2, $4  }
0x33: {  	[hbm:s17], [sflag:s11] =	dma.local [spmem:s12], $0x2800  }
0x34: {  	_ =	swait.ge [sflag:s10], $0x2800  }
0x35: {  	[sflag:s10] =	ssyncset.done $0x0  }
0x36: {  	[sflag:s10] =	ssyncadd.s32 $0xFFFFD800  }
0x37: {  	_ =	sfence.sel $0x180000  }
0x38: {  	[bflag:$0x0] =	sbarrier.arrive $0xFFFF  }
0x39: {  	p0 =	sne.s32 s1, $0x0;
	_ =	strace $0x9000004D  }
0x3a: {  	s0 =	sadd.s32 @!p0 $0x100000, s0;
	[bflag:$0x2] =	sbarrier.arrive $0xFFFF  }
0x3b: {  	[sflag:s0] =	ssyncadd.tile.s32 @!p0 $0x1;
	_ =	shalt  }
.Lfunc_end2:
_tile_overlayer_lowered:
.L_overlay_start_2:
0x3c: {  	(tag) =	ssettag $0x2  }
0x3d: {  	s0 =	rddreg [dreg:$0x0];
	s2 =	stileid.u32  }
0x3e: {  	s1 =	rddreg [dreg:$0x1];
	p0 =	sne.s32 s2, $0x0  }
0x3f: {  	s3 =	rddreg [dreg:$0x2];
	[bflag:$0x3] =	sbarrier.arrive $0xFFFF;
	s2 =	simm.s32 @!p0 $0x1C02  }
0x40: {  	[timem:s3], [sflag:s2] =	dma.local @!p0 [hbm:s0], s1  }
0x41: {  	s0 =	simm.s32 @!p0 $0x2  }
0x42: {  	_ =	swait.ge @!p0 [sflag:s0], s1  }
0x43: {  	s1 =	ssub.s32 @!p0 $0x0, s1;
	[sflag:s0] =	ssyncset.done @!p0 $0x0  }
0x44: {  	[sflag:s0] =	ssyncadd.s32 @!p0 s1  }
0x45: {  	[bflag:$0x3] =	sbarrier.arrive $0xFFFF  }
0x46: {  	_ =	shalt  }

// kernel: kernel.21.cloned.1.call-start
scs
__scs_entry_jumppad:
0x0: {  	(pc) =	sbr.rel $0x88, $3  }
0x1: {  	(tag) =	ssettag $0x0;
	lr =	simm.s32 $0x1  }
0x2: {  	[smem:$0x3F95] =	sst lr;
	_ =	strace $0xD0000000  }
0x3: {  	_ = 	snop  }
0x4: {  	_ = 	snop  }
0x5: {  	_ = 	snop  }
0x6: {  	_ = 	snop  }
0x7: {  	_ = 	snop  }
__scs_overlays_trampoline_lowered:
0x8: {  	[smem:$0x3FA4] =	sst s0  }
0x9: {  	[smem:$0x3FA5] =	sst s1  }
0xa: {  	[smem:$0x3FA6] =	sst s2  }
0xb: {  	[smem:$0x3FA7] =	sst s3  }
0xc: {  	[smem:$0x3FA8] =	sst s4  }
0xd: {  	[smem:$0x3FA9] =	sst s5  }
0xe: {  	[smem:$0x3FAA] =	sst s6  }
0xf: {  	[smem:$0x3FAB] =	sst s7  }
0x10: {  	[smem:$0x3FAC] =	sst s8  }
0x11: {  	[smem:$0x3FAD] =	sst s9;
	s0 =	simm.s32 @!p0 $0x0  }
0x12: {  	s1 =	sld [smem:$0x3F93];
	s0 =	simm.s32 @p0 $0x1  }
0x13: {  	[smem:$0x3FAE] =	sst s0;
	s0 =	simm.s32 @!p1 $0x0  }
0x14: {  	s2 =	sld [smem:$0x3F92];
	s0 =	simm.s32 @p1 $0x1  }
0x15: {  	[smem:$0x3FAF] =	sst s0;
	s0 =	simm.s32 @!p2 $0x0  }
0x16: {  	s3 =	sld [smem:$0x3FDB];
	s0 =	simm.s32 @p2 $0x1  }
0x17: {  	s4 =	simm.s32 $0x1BF5;
	[smem:$0x3FB1] =	sst s0  }
0x18: {  	s0 =	sld [smem:$0x3F94];
	_ =	swait.ge [sflag:s4], $0x0  }
0x19: {  	s7 =	sld [smem:$0x3F95]  }
0x1a: {  	s8 =	sadd.s32 $0xFFFFE003, lr  }
0x1b: {  	s9 =	sadd.s32 $0xFFFFFEF7, lr;
	s5 =	simm.s32 $0xFFFFFFFF;
	p2 =	slt.u32 s8, $0xFFFFF086  }
0x1c: {  	p1 =	slt.u32 s9, $0xF7A;
	s5 =	simm.s32 @!p2 $0x0  }
0x1d: {  	s5 =	simm.s32 @p1 $0x1;
	p0 =	seq.s32 s7, s2  }
0x1e: {  	s7 =	smul.u32 @!p0 $0xF7A, s2;
	p2 =	seq.s32 @!p0 s5, $0x0  }
0x1f: {  	s9 =	smul.u32 $0xF7A, s1;
	s8 =	simm.s32 @!p0 $0x1BF5;
	p2 =	por !p2, p0  }
0x20: {  	[sflag:s8] =	ssyncset.s32 @!p0 $0xFFFFF086;
	s6 =	sadd.s32 @!p0 s3, s7;
	s7 =	simm.s32 @!p0 $0x108  }
0x21: {  	s3 =	sadd.s32 s3, s9;
	s6 =	sadd.s32 @!p0 $0x88, s6;
	s7 =	simm.s32 @p2 $0x1082  }
0x22: {  	[simem:s7], [sflag:s8] =	dma.local @!p0 [hbm:s6], $0xF7A  }
0x23: {  	s9 =	sor.u32 $0xD0000000, s2;
	s6 =	simm.s32 $0x108;
	_ =	swait.ge @!p0 [sflag:s8], $0x0  }
0x24: {  	s3 =	sadd.s32 $0x88, s3;
	s6 =	simm.s32 @!p1 $0x1082;
	[sflag:s4] =	ssyncset.s32 $0xFFFFF086  }
0x25: {  	[simem:s6], [sflag:s4] =	dma.local [hbm:s3], $0xF7A  }
0x26: {  	[smem:$0x3F95] =	sst s1;
	(tag) =	ssettag s2;
	_ =	strace s9  }
0x27: {  	s1 =	sld [smem:$0x3FA5]  }
0x28: {  	s2 =	sld [smem:$0x3FA6]  }
0x29: {  	s4 =	sld [smem:$0x3FA8]  }
0x2a: {  	p0 =	seq.s32 s5, $0x0;
	s5 =	sld [smem:$0x3FA9]  }
0x2b: {  	s6 =	sld [smem:$0x3FAA]  }
0x2c: {  	s7 =	sld [smem:$0x3FAB]  }
0x2d: {  	s3 =	simm.s32 $0x108;
	s8 =	sld [smem:$0x3FAC]  }
0x2e: {  	s3 =	simm.s32 @!p0 $0x1082;
	s9 =	sld [smem:$0x3FAD]  }
0x2f: {  	lr =	sadd.s32 s0, s3;
	s0 =	sld [smem:$0x3FA4]  }
0x30: {  	s3 =	sld [smem:$0x3FA7]  }
0x31: {  	[smem:$0x3FB0] =	sst s10  }
0x32: {  	s10 =	sld [smem:$0x3FAE];
	_ =	sdelay $0x3  }
0x33: {  	p0 =	seq.s32 s10, $0x1;
	s10 =	sld [smem:$0x3FB0];
	_ =	sdelay $0x3  }
0x34: {  	[smem:$0x3FB0] =	sst s10  }
0x35: {  	s10 =	sld [smem:$0x3FAF];
	_ =	sdelay $0x3  }
0x36: {  	p1 =	seq.s32 s10, $0x1;
	s10 =	sld [smem:$0x3FB0];
	_ =	sdelay $0x3  }
0x37: {  	[smem:$0x3FB0] =	sst s10  }
0x38: {  	s10 =	sld [smem:$0x3FB1]  }
0x39: {  	_ = 	snop;
	(pc) =	sbr.ind lr, $3  }
0x3a: {  	_ = 	snop  }
0x3b: {  	_ = 	snop  }
0x3c: {  	p2 =	seq.s32 s10, $0x1;
	s10 =	sld [smem:$0x3FB0]  }
0x3d: {  	_ =	shalt  }
0x3e: {  	_ =	shalt  }
0x3f: {  	_ =	shalt  }
0x40: {  	_ =	shalt  }
0x41: {  	_ =	shalt  }
0x42: {  	_ =	shalt  }
0x43: {  	_ =	shalt  }
0x44: {  	_ =	shalt  }
0x45: {  	_ =	shalt  }
0x46: {  	_ =	shalt  }
0x47: {  	_ =	shalt  }
0x48: {  	_ =	shalt  }
0x49: {  	_ =	shalt  }
0x4a: {  	_ =	shalt  }
0x4b: {  	_ =	shalt  }
0x4c: {  	_ =	shalt  }
0x4d: {  	_ =	shalt  }
0x4e: {  	_ =	shalt  }
0x4f: {  	_ =	shalt  }
0x50: {  	_ =	shalt  }
0x51: {  	_ =	shalt  }
0x52: {  	_ =	shalt  }
0x53: {  	_ =	shalt  }
0x54: {  	_ =	shalt  }
0x55: {  	_ =	shalt  }
0x56: {  	_ =	shalt  }
0x57: {  	_ =	shalt  }
0x58: {  	_ =	shalt  }
0x59: {  	_ =	shalt  }
0x5a: {  	_ =	shalt  }
0x5b: {  	_ =	shalt  }
0x5c: {  	_ =	shalt  }
0x5d: {  	_ =	shalt  }
0x5e: {  	_ =	shalt  }
0x5f: {  	_ =	shalt  }
0x60: {  	_ =	shalt  }
0x61: {  	_ =	shalt  }
0x62: {  	_ =	shalt  }
0x63: {  	_ =	shalt  }
0x64: {  	_ =	shalt  }
0x65: {  	_ =	shalt  }
0x66: {  	_ =	shalt  }
0x67: {  	_ =	shalt  }
0x68: {  	_ =	shalt  }
0x69: {  	_ =	shalt  }
0x6a: {  	_ =	shalt  }
0x6b: {  	_ =	shalt  }
0x6c: {  	_ =	shalt  }
0x6d: {  	_ =	shalt  }
0x6e: {  	_ =	shalt  }
0x6f: {  	_ =	shalt  }
0x70: {  	_ =	shalt  }
0x71: {  	_ =	shalt  }
0x72: {  	_ =	shalt  }
0x73: {  	_ =	shalt  }
0x74: {  	_ =	shalt  }
0x75: {  	_ =	shalt  }
0x76: {  	_ =	shalt  }
0x77: {  	_ =	shalt  }
0x78: {  	_ =	shalt  }
0x79: {  	_ =	shalt  }
0x7a: {  	_ =	shalt  }
0x7b: {  	_ =	shalt  }
0x7c: {  	_ =	shalt  }
0x7d: {  	_ =	shalt  }
0x7e: {  	_ =	shalt  }
0x7f: {  	_ =	shalt  }
0x80: {  	_ =	shalt  }
0x81: {  	_ =	shalt  }
0x82: {  	_ =	shalt  }
0x83: {  	_ =	shalt  }
0x84: {  	_ =	shalt  }
0x85: {  	_ =	shalt  }
0x86: {  	_ =	shalt  }
0x87: {  	_ =	shalt  }
.Lfunc_end0:
.L_simem_size_0:
called_computation.3_lowered:
.L_overlay_start_0:
0x88: {  	s2 =	sld [smem:$0x3FD9]  }
0x89: {  	s3 =	sld [smem:$0x3FFE];
	_ =	sdelay $0x1  }
0x8a: {  	s1 =	srdreg.scid  }
0x8b: {  	s0 =	sand.u32 $0x1, s1  }
0x8c: {  	s17 =	sshll.u32 s0, $0xA;
	s2 =	sadd.s32 s3, s2  }
0x8d: {  	s2 =	sadd.s32 s2, s17  }
0x8e: {  	[smem:$0x3FBC] =	sst s2  }
0x8f: {  	_ = 	snop  }
0x90: {  	(tm) =	ssettm $0x1  }
0x91: {  	s18 =	sld [smem:$0x3FFB];
	_ =	sdelay $0x3  }
0x92: {  	_ =	strace s18  }
0x93: {  	s2 =	sld [smem:$0x3FFC];
	_ =	sdelay $0x3  }
0x94: {  	_ =	strace s2  }
0x95: {  	s2 =	sld [smem:$0x3FFD];
	_ =	sdelay $0x3  }
0x96: {  	_ =	strace s2  }
0x97: {  	_ =	strace $0x8FFFFFFF  }
0x98: {  	s19 =	sld [smem:$0x3FDB];
	_ =	sdelay $0x1  }
0x99: {  	s20 =	simm.s32 $_scs_section_size  }
0x9a: {  	s4 =	simm.s32 $_size__tile_overlayer_lowered;
	s5 =	simm.s32 $_tile_overlayer_lowered  }
0x9b: {  	s6 =	simm.s32 $0x1BFF;
	s21 =	sshll.u32 s5, $0x1;
	s3 =	sadd.s32 s20, s19  }
0x9c: {  	s22 =	simm.s32 $0x0;
	s4 =	sshll.u32 s4, $0x1;
	s5 =	sadd.s32 s21, s3  }
0x9d: {  	[timem:s22], [sflag:s6] =	dma.local [hbm:s5], s4  }
0x9e: {  	_ =	swait.ge [sflag:s6], s4  }
0x9f: {  	s4 =	ssub.s32 $0x0, s4;
	[sflag:s6] =	ssyncset.done $0x0  }
0xa0: {  	[sflag:s6] =	ssyncadd.s32 s4;
	_ =	sdelay $0x1  }
0xa1: {  	s23 =	simm.s32 $0x1B8B  }
0xa2: {  	_ =	swait.ge [sflag:s23], $0x1  }
0xa3: {  	[sflag:s23] =	ssyncset.done $0x0  }
0xa4: {  	[sflag:s23] =	ssyncadd.s32 $0xFFFFFFFF  }
0xa5: {  	s4 =	sld [smem:$0x0]  }
0xa6: {  	s5 =	sand.u32 $0xFFFFFFFE, s1  }
0xa7: {  	p0 =	sne.s32 s1, s5  }
0xa8: {  	s5 =	sshll.u32 @p0 s5, $0xE  }
0xa9: {  	s5 =	sadd.s32 @p0 $0x11B8D, s5;
	s6 =	sshll.u32 @p0 s4, $0x11  }
0xaa: {  	s5 =	sor.u32 @p0 s6, s5  }
0xab: {  	[sflag:s5] =	ssyncadd.remote.s32 @p0 $0x1;
	_ =	sdelay $0x1  }
0xac: {  	s5 =	simm.s32 @p0 $0x1B8D  }
0xad: {  	_ =	swait.eq @p0 [sflag:s5], $0x1  }
0xae: {  	[sflag:s5] =	ssyncadd.s32 @p0 $0xFFFFFFFF  }
0xaf: {  	s6 =	sshll.u32 @!p0 s1, $0xE  }
0xb0: {  	s6 =	sor.u32 @!p0 $0x4000, s6;
	s5 =	simm.s32 @!p0 $0x1B8D  }
0xb1: {  	s4 =	sshll.u32 @!p0 s4, $0x11;
	s6 =	sadd.s32 @!p0 $0x11B8D, s6;
	_ =	swait.eq @!p0 [sflag:s5], $0x1  }
0xb2: {  	s4 =	sor.u32 @!p0 s4, s6;
	[sflag:s5] =	ssyncadd.s32 @!p0 $0xFFFFFFFF  }
0xb3: {  	s25 =	simm.s32 $0x1B8E;
	s24 =	sld [smem:$0x3FFE];
	[sflag:s4] =	ssyncadd.remote.s32 @!p0 $0x1  }
0xb4: {  	s26 =	simm.s32 $execute0_lowered;
	[smem:$0x3FD2] =	sst s25  }
0xb5: {  	s5 =	sshll.u32 s26, $0x1;
	_ =	strace $0x80000052;
	[dreg:$0x1] =	wrdreg $0xFFFFFFFF  }
0xb6: {  	s28 =	simm.s32 $_size_execute0_lowered;
	s3 =	sadd.s32 s3, s5;
	[dreg:$0x0] =	wrdreg $0x0  }
0xb7: {  	s5 =	sshll.u32 s28, $0x1;
	[dreg:$0x2] =	wrdreg s3  }
0xb8: {  	[dreg:$0x3] =	wrdreg s5  }
0xb9: {  	[dreg:$0x4] =	wrdreg $0xC0  }
0xba: {  	_ =	task [dreg:s22], $0x5FFFF  }
0xbb: {  	[dreg:$0x1] =	wrdreg $0xFFFFFFFF  }
0xbc: {  	[dreg:$0x0] =	wrdreg $0x60  }
0xbd: {  	[dreg:$0x2] =	wrdreg s24  }
0xbe: {  	[dreg:$0x3] =	wrdreg $0xA0000  }
0xbf: {  	[dreg:$0x4] =	wrdreg $0x9  }
0xc0: {  	_ =	task.clear_ibuf [dreg:s22], $0x5FFFF;
	_ =	strace $0x90000052  }
0xc1: {  	s29 =	simm.s32 $0x9;
	_ =	strace $0x80000054  }
0xc2: {  	_ =	swait.ge [sflag:s29], $0x1  }
0xc3: {  	[sflag:s29] =	ssyncadd.s32 $0xFFFFFFFF  }
0xc4: {  	_ =	strace $0x90000054  }
0xc5: {  	_ =	sfence  }
0xc6: {  	s30 =	sld [smem:$0x0];
	_ =	sdelay $0x2  }
0xc7: {  	s31 =	sshll.u32 s1, $0xD;
	s1 =	sshrl.u32 s1, $0x2  }
0xc8: {  	s4 =	sand.u32 $0x4000, s31;
	s1 =	sadd.s32 s1, s30  }
0xc9: {  	s0 =	sor.u32 s4, s0;
	s1 =	sshll.u32 s1, $0x11  }
0xca: {  	s0 =	sor.u32 s1, s0  }
0xcb: {  	s0 =	sadd.s32 $0x8F2B, s0  }
0xcc: {  	[sflag:s0] =	ssyncadd.remote.s32 $0x1  }
0xcd: {  	_ =	sfence.sel $0xFFFF  }
0xce: {  	[dreg:$0x0] =	wrdreg $0xFFFFFFFF;
	(pc) =	sbr.abs _section_cstart, $3  }
0xcf: {  	[dreg:$0x1] =	wrdreg $0xFFFFFFFF  }
0xd0: {  	_ =	task.clear_ibuf [dreg:s22], $0x2FFFF;
	_ =	strace $0x9FFFFFFF  }
0xd1: {  	(tm) =	ssettm $0x7FFFFFFF  }
tec
execute0_lowered:
.L_overlay_start_1:
0x0: {  	(tag) =	ssettag $0x1  }
0x1: {  	s7 =	rddreg [dreg:$0x0]  }
0x2: {  	s0 =	srdreg.scid;
	s2 =	rddreg [dreg:$0x1]  }
0x3: {  	s1 =	stileid.u32;
	s3 =	simm.s32 $0x0;
	s14 =	simm.s32 $0x80  }
0x4: {  	s15 =	simm.s32 $0x6000;
	s6 =	sand.u32 $0x1, s0;
	s0 =	rddreg [dreg:$0x2]  }
0x5: {  	s16 =	simm.s32 $0x1;
	[smem:$0x7FF] =	sst s3;
	s12 =	smul.u32 $0x50000, s1  }
0x6: {  	s5 =	sadd.s32 $0x97600, s7;
	s18 =	smul.u32 $0x2800, s1;
	s31 =	sshll.u32 s1, $0x6  }
0x7: {  	s4 =	sshll.u32 s6, $0x4;
	_ =	strace $0x80000053;
	s9 =	ssub.s32 $0x2, s6  }
0x8: {  	s10 =	smul.u32 $0x28000, s6;
	p0 =	seq.s32 s6, $0x0;
	s6 =	simm.s32 $0x60  }
0x9: {  	s4 =	sor.u32 s1, s4;
	s11 =	sshrl.u32 s9, $0x1;
	s6 =	simm.s32 @!p0 $0x3D  }
0xa: {  	s30 =	sshrl.u32 s12, $0x2;
	s4 =	smul.u32 $0x600, s4;
	s10 =	sadd.s32 s10, s7  }
0xb: {  	s9 =	ssub.s32 s9, s11;
	s12 =	sadd.s32 s30, s2;
	s11 =	sor.u32 $0x1C02, s31  }
0xc: {  	s17 =	sadd.s32 $0x110A00, s10;
	s9 =	smax.u32 s9, $0x1;
	s13 =	sadd.s32 $0xA000, s12  }
0xd: {  	s10 =	simm.s32 $0x2;
	s12 =	sshrl.u32 s12, $0x3;
	s8 =	sadd.s32 s4, s7  }
0xe: {  	s4 =	sadd.s32 $0x98A00, s7;
	s13 =	sshrl.u32 s13, $0x3;
	s17 =	sadd.s32 s18, s17  }
0xf: {  	s18 =	simm.s32 $0x0;
	s7 =	sadd.s32 $0x12C00, s8;
	s8 =	sadd.s32 $0x6C00, s8  }
.LBB2_1:
0x10: {  	[tilespmem:s3], [sflag:$0x2] =	stream.linear.gather [hbm4b:s7+s3], $0x3000, $0x38;
	[tilespmem:$0x1E000] =	vst v63  }
0x11: {  	_ =	swait.ge [sflag:s10], $0x3000  }
0x12: {  	[sflag:s10] =	ssyncset.done $0x0  }
0x13: {  	s19 =	simm.s32 $0x3000;
	[sflag:s10] =	ssyncadd.s32 $0xFFFFD000  }
0x14: {  	[tilespmem:s19], [sflag:$0x2] =	stream.linear.gather [hbm4b:s8+s3], $0x3000, $0x38;
	[tilespmem:$0x1E000] =	vst v63  }
0x15: {  	_ =	swait.ge [sflag:s10], $0x3000  }
0x16: {  	[sflag:s10] =	ssyncset.done $0x0  }
0x17: {  	[sflag:s10] =	ssyncadd.s32 $0xFFFFD000  }
0x18: {  	[spmem:s12], [sflag:s11] =	dma.local [hbm:s5], $0x1400  }
0x19: {  	_ =	swait.ge [sflag:s10], $0x1400  }
0x1a: {  	[sflag:s10] =	ssyncset.done $0x0  }
0x1b: {  	[sflag:s10] =	ssyncadd.s32 $0xFFFFEC00  }
0x1c: {  	[spmem:s13], [sflag:s11] =	dma.local [hbm:s5], $0x1400  }
0x1d: {  	_ =	swait.ge [sflag:s10], $0x1400  }
0x1e: {  	[sflag:s10] =	ssyncset.done $0x0  }
0x1f: {  	[sflag:s10] =	ssyncadd.s32 $0xFFFFEC00  }
0x20: {  	[bflag:$0x0] =	sbarrier.arrive $0xFFFF  }
0x21: {  	[tilespmem:s15], [sflag:$0x1] =	stream.indirect.gather [hbm4b:s4+s14], $0x80, s3, s14, $0xb8;
	[tilespmem:$0x1E000] =	vst v63  }
0x22: {  	p0 =	sne.s32 s6, $0x1;
	_ =	swait.ge [sflag:s16], $0x4000  }
.Ltmp0:
0x23: {  	[sflag:s16] =	ssyncset.done $0x0;
	(pc) =	sbr.rel @!p0 .LBB2_3-.Ltmp0, $4  }
0x24: {  	[sflag:s16] =	ssyncadd.s32 $0xFFFFC000  }
0x25: {  	[spmem:s2] =	stream.indirect.scatter.add.f32 [tilespmem:s15], [sflag:$0x2], $0x80, s19, s14, $0xb8;
	[tilespmem:$0x1E000] =	vst v63  }
0x26: {  	_ =	swait.ge [sflag:s10], $0x4000  }
0x27: {  	s20 =	sadd.s32 $0xFFFFFFFF, s6;
	s21 =	simm.s32 $0x0;
	[sflag:s10] =	ssyncset.done $0x0  }
.LBB2_2:
0x28: {  	[sflag:s10] =	ssyncadd.s32 $0xFFFFC000;
	s21 =	sadd.s32 $0x80, s21;
	s19 =	sadd.s32 $0x80, s19  }
0x29: {  	[tilespmem:s15], [sflag:$0x1] =	stream.indirect.gather [hbm4b:s4+s14], $0x80, s21, s14, $0xb8;
	[tilespmem:$0x1E000] =	vst v63  }
0x2a: {  	p0 =	sne.s32 s20, $0x1;
	s20 =	sadd.s32 $0xFFFFFFFF, s20;
	_ =	swait.ge [sflag:s16], $0x4000  }
.Ltmp1:
0x2b: {  	[sflag:s16] =	ssyncset.done $0x0;
	(pc) =	sbr.rel @p0 .LBB2_2-.Ltmp1, $4  }
0x2c: {  	[sflag:s16] =	ssyncadd.s32 $0xFFFFC000  }
0x2d: {  	[spmem:s2] =	stream.indirect.scatter.add.f32 [tilespmem:s15], [sflag:$0x2], $0x80, s19, s14, $0xb8;
	[tilespmem:$0x1E000] =	vst v63  }
0x2e: {  	_ =	swait.ge [sflag:s10], $0x4000  }
0x2f: {  	[sflag:s10] =	ssyncset.done $0x0  }
.LBB2_3:
0x30: {  	s18 =	sadd.s32 $0x1, s18  }
0x31: {  	[sflag:s10] =	ssyncadd.s32 $0xFFFFC000;
	p0 =	sne.s32 s18, s9  }
.Ltmp2:
0x32: {  	[bflag:$0x0] =	sbarrier.arrive $0xFFFF;
	(pc) =	sbr.rel @p0 .LBB2_1-.Ltmp2, $4  }
0x33: {  	[hbm:s17], [sflag:s11] =	dma.local [spmem:s12], $0x2800  }
0x34: {  	_ =	swait.ge [sflag:s10], $0x2800  }
0x35: {  	[sflag:s10] =	ssyncset.done $0x0  }
0x36: {  	[sflag:s10] =	ssyncadd.s32 $0xFFFFD800  }
0x37: {  	_ =	sfence.sel $0x180000  }
0x38: {  	[bflag:$0x0] =	sbarrier.arrive $0xFFFF  }
0x39: {  	p0 =	sne.s32 s1, $0x0;
	_ =	strace $0x90000053  }
0x3a: {  	s0 =	sadd.s32 @!p0 $0x100000, s0;
	[bflag:$0x2] =	sbarrier.arrive $0xFFFF  }
0x3b: {  	[sflag:s0] =	ssyncadd.tile.s32 @!p0 $0x1;
	_ =	shalt  }
.Lfunc_end2:
_tile_overlayer_lowered:
.L_overlay_start_2:
0x3c: {  	(tag) =	ssettag $0x2  }
0x3d: {  	s0 =	rddreg [dreg:$0x0];
	s2 =	stileid.u32  }
0x3e: {  	s1 =	rddreg [dreg:$0x1];
	p0 =	sne.s32 s2, $0x0  }
0x3f: {  	s3 =	rddreg [dreg:$0x2];
	[bflag:$0x3] =	sbarrier.arrive $0xFFFF;
	s2 =	simm.s32 @!p0 $0x1C02  }
0x40: {  	[timem:s3], [sflag:s2] =	dma.local @!p0 [hbm:s0], s1  }
0x41: {  	s0 =	simm.s32 @!p0 $0x2  }
0x42: {  	_ =	swait.ge @!p0 [sflag:s0], s1  }
0x43: {  	s1 =	ssub.s32 @!p0 $0x0, s1;
	[sflag:s0] =	ssyncset.done @!p0 $0x0  }
0x44: {  	[sflag:s0] =	ssyncadd.s32 @!p0 s1  }
0x45: {  	[bflag:$0x3] =	sbarrier.arrive $0xFFFF  }
0x46: {  	_ =	shalt  }

// kernel: kernel.24.cloned.1.call-start
scs
__scs_entry_jumppad:
0x0: {  	(pc) =	sbr.rel $0x88, $3  }
0x1: {  	(tag) =	ssettag $0x0;
	lr =	simm.s32 $0x1  }
0x2: {  	[smem:$0x3F95] =	sst lr;
	_ =	strace $0xD0000000  }
0x3: {  	_ = 	snop  }
0x4: {  	_ = 	snop  }
0x5: {  	_ = 	snop  }
0x6: {  	_ = 	snop  }
0x7: {  	_ = 	snop  }
__scs_overlays_trampoline_lowered:
0x8: {  	[smem:$0x3FA4] =	sst s0  }
0x9: {  	[smem:$0x3FA5] =	sst s1  }
0xa: {  	[smem:$0x3FA6] =	sst s2  }
0xb: {  	[smem:$0x3FA7] =	sst s3  }
0xc: {  	[smem:$0x3FA8] =	sst s4  }
0xd: {  	[smem:$0x3FA9] =	sst s5  }
0xe: {  	[smem:$0x3FAA] =	sst s6  }
0xf: {  	[smem:$0x3FAB] =	sst s7  }
0x10: {  	[smem:$0x3FAC] =	sst s8  }
0x11: {  	[smem:$0x3FAD] =	sst s9;
	s0 =	simm.s32 @!p0 $0x0  }
0x12: {  	s1 =	sld [smem:$0x3F93];
	s0 =	simm.s32 @p0 $0x1  }
0x13: {  	[smem:$0x3FAE] =	sst s0;
	s0 =	simm.s32 @!p1 $0x0  }
0x14: {  	s2 =	sld [smem:$0x3F92];
	s0 =	simm.s32 @p1 $0x1  }
0x15: {  	[smem:$0x3FAF] =	sst s0;
	s0 =	simm.s32 @!p2 $0x0  }
0x16: {  	s3 =	sld [smem:$0x3FDB];
	s0 =	simm.s32 @p2 $0x1  }
0x17: {  	s4 =	simm.s32 $0x1BF5;
	[smem:$0x3FB1] =	sst s0  }
0x18: {  	s0 =	sld [smem:$0x3F94];
	_ =	swait.ge [sflag:s4], $0x0  }
0x19: {  	s7 =	sld [smem:$0x3F95]  }
0x1a: {  	s8 =	sadd.s32 $0xFFFFE003, lr  }
0x1b: {  	s9 =	sadd.s32 $0xFFFFFEF7, lr;
	s5 =	simm.s32 $0xFFFFFFFF;
	p2 =	slt.u32 s8, $0xFFFFF086  }
0x1c: {  	p1 =	slt.u32 s9, $0xF7A;
	s5 =	simm.s32 @!p2 $0x0  }
0x1d: {  	s5 =	simm.s32 @p1 $0x1;
	p0 =	seq.s32 s7, s2  }
0x1e: {  	s7 =	smul.u32 @!p0 $0xF7A, s2;
	p2 =	seq.s32 @!p0 s5, $0x0  }
0x1f: {  	s9 =	smul.u32 $0xF7A, s1;
	s8 =	simm.s32 @!p0 $0x1BF5;
	p2 =	por !p2, p0  }
0x20: {  	[sflag:s8] =	ssyncset.s32 @!p0 $0xFFFFF086;
	s6 =	sadd.s32 @!p0 s3, s7;
	s7 =	simm.s32 @!p0 $0x108  }
0x21: {  	s3 =	sadd.s32 s3, s9;
	s6 =	sadd.s32 @!p0 $0x88, s6;
	s7 =	simm.s32 @p2 $0x1082  }
0x22: {  	[simem:s7], [sflag:s8] =	dma.local @!p0 [hbm:s6], $0xF7A  }
0x23: {  	s9 =	sor.u32 $0xD0000000, s2;
	s6 =	simm.s32 $0x108;
	_ =	swait.ge @!p0 [sflag:s8], $0x0  }
0x24: {  	s3 =	sadd.s32 $0x88, s3;
	s6 =	simm.s32 @!p1 $0x1082;
	[sflag:s4] =	ssyncset.s32 $0xFFFFF086  }
0x25: {  	[simem:s6], [sflag:s4] =	dma.local [hbm:s3], $0xF7A  }
0x26: {  	[smem:$0x3F95] =	sst s1;
	(tag) =	ssettag s2;
	_ =	strace s9  }
0x27: {  	s1 =	sld [smem:$0x3FA5]  }
0x28: {  	s2 =	sld [smem:$0x3FA6]  }
0x29: {  	s4 =	sld [smem:$0x3FA8]  }
0x2a: {  	p0 =	seq.s32 s5, $0x0;
	s5 =	sld [smem:$0x3FA9]  }
0x2b: {  	s6 =	sld [smem:$0x3FAA]  }
0x2c: {  	s7 =	sld [smem:$0x3FAB]  }
0x2d: {  	s3 =	simm.s32 $0x108;
	s8 =	sld [smem:$0x3FAC]  }
0x2e: {  	s3 =	simm.s32 @!p0 $0x1082;
	s9 =	sld [smem:$0x3FAD]  }
0x2f: {  	lr =	sadd.s32 s0, s3;
	s0 =	sld [smem:$0x3FA4]  }
0x30: {  	s3 =	sld [smem:$0x3FA7]  }
0x31: {  	[smem:$0x3FB0] =	sst s10  }
0x32: {  	s10 =	sld [smem:$0x3FAE];
	_ =	sdelay $0x3  }
0x33: {  	p0 =	seq.s32 s10, $0x1;
	s10 =	sld [smem:$0x3FB0];
	_ =	sdelay $0x3  }
0x34: {  	[smem:$0x3FB0] =	sst s10  }
0x35: {  	s10 =	sld [smem:$0x3FAF];
	_ =	sdelay $0x3  }
0x36: {  	p1 =	seq.s32 s10, $0x1;
	s10 =	sld [smem:$0x3FB0];
	_ =	sdelay $0x3  }
0x37: {  	[smem:$0x3FB0] =	sst s10  }
0x38: {  	s10 =	sld [smem:$0x3FB1]  }
0x39: {  	_ = 	snop;
	(pc) =	sbr.ind lr, $3  }
0x3a: {  	_ = 	snop  }
0x3b: {  	_ = 	snop  }
0x3c: {  	p2 =	seq.s32 s10, $0x1;
	s10 =	sld [smem:$0x3FB0]  }
0x3d: {  	_ =	shalt  }
0x3e: {  	_ =	shalt  }
0x3f: {  	_ =	shalt  }
0x40: {  	_ =	shalt  }
0x41: {  	_ =	shalt  }
0x42: {  	_ =	shalt  }
0x43: {  	_ =	shalt  }
0x44: {  	_ =	shalt  }
0x45: {  	_ =	shalt  }
0x46: {  	_ =	shalt  }
0x47: {  	_ =	shalt  }
0x48: {  	_ =	shalt  }
0x49: {  	_ =	shalt  }
0x4a: {  	_ =	shalt  }
0x4b: {  	_ =	shalt  }
0x4c: {  	_ =	shalt  }
0x4d: {  	_ =	shalt  }
0x4e: {  	_ =	shalt  }
0x4f: {  	_ =	shalt  }
0x50: {  	_ =	shalt  }
0x51: {  	_ =	shalt  }
0x52: {  	_ =	shalt  }
0x53: {  	_ =	shalt  }
0x54: {  	_ =	shalt  }
0x55: {  	_ =	shalt  }
0x56: {  	_ =	shalt  }
0x57: {  	_ =	shalt  }
0x58: {  	_ =	shalt  }
0x59: {  	_ =	shalt  }
0x5a: {  	_ =	shalt  }
0x5b: {  	_ =	shalt  }
0x5c: {  	_ =	shalt  }
0x5d: {  	_ =	shalt  }
0x5e: {  	_ =	shalt  }
0x5f: {  	_ =	shalt  }
0x60: {  	_ =	shalt  }
0x61: {  	_ =	shalt  }
0x62: {  	_ =	shalt  }
0x63: {  	_ =	shalt  }
0x64: {  	_ =	shalt  }
0x65: {  	_ =	shalt  }
0x66: {  	_ =	shalt  }
0x67: {  	_ =	shalt  }
0x68: {  	_ =	shalt  }
0x69: {  	_ =	shalt  }
0x6a: {  	_ =	shalt  }
0x6b: {  	_ =	shalt  }
0x6c: {  	_ =	shalt  }
0x6d: {  	_ =	shalt  }
0x6e: {  	_ =	shalt  }
0x6f: {  	_ =	shalt  }
0x70: {  	_ =	shalt  }
0x71: {  	_ =	shalt  }
0x72: {  	_ =	shalt  }
0x73: {  	_ =	shalt  }
0x74: {  	_ =	shalt  }
0x75: {  	_ =	shalt  }
0x76: {  	_ =	shalt  }
0x77: {  	_ =	shalt  }
0x78: {  	_ =	shalt  }
0x79: {  	_ =	shalt  }
0x7a: {  	_ =	shalt  }
0x7b: {  	_ =	shalt  }
0x7c: {  	_ =	shalt  }
0x7d: {  	_ =	shalt  }
0x7e: {  	_ =	shalt  }
0x7f: {  	_ =	shalt  }
0x80: {  	_ =	shalt  }
0x81: {  	_ =	shalt  }
0x82: {  	_ =	shalt  }
0x83: {  	_ =	shalt  }
0x84: {  	_ =	shalt  }
0x85: {  	_ =	shalt  }
0x86: {  	_ =	shalt  }
0x87: {  	_ =	shalt  }
.Lfunc_end0:
.L_simem_size_0:
called_computation.4_lowered:
.L_overlay_start_0:
0x88: {  	s2 =	sld [smem:$0x3FD9]  }
0x89: {  	s3 =	sld [smem:$0x3FFE];
	_ =	sdelay $0x1  }
0x8a: {  	s1 =	srdreg.scid  }
0x8b: {  	s0 =	sand.u32 $0x1, s1  }
0x8c: {  	s16 =	sshll.u32 s0, $0xA;
	s2 =	sadd.s32 s3, s2  }
0x8d: {  	s2 =	sadd.s32 s2, s16  }
0x8e: {  	[smem:$0x3FBC] =	sst s2  }
0x8f: {  	_ = 	snop  }
0x90: {  	(tm) =	ssettm $0x1  }
0x91: {  	s17 =	sld [smem:$0x3FFB];
	_ =	sdelay $0x3  }
0x92: {  	_ =	strace s17  }
0x93: {  	s2 =	sld [smem:$0x3FFC];
	_ =	sdelay $0x3  }
0x94: {  	_ =	strace s2  }
0x95: {  	s2 =	sld [smem:$0x3FFD];
	_ =	sdelay $0x3  }
0x96: {  	_ =	strace s2  }
0x97: {  	_ =	strace $0x8FFFFFFF  }
0x98: {  	s18 =	sld [smem:$0x3FDB];
	_ =	sdelay $0x1  }
0x99: {  	s19 =	simm.s32 $_scs_section_size  }
0x9a: {  	s4 =	simm.s32 $_size__tile_overlayer_lowered;
	s5 =	simm.s32 $_tile_overlayer_lowered  }
0x9b: {  	s22 =	simm.s32 $0x1BFF;
	s21 =	sshll.u32 s5, $0x1;
	s2 =	sadd.s32 s19, s18  }
0x9c: {  	s6 =	simm.s32 $0x0;
	s20 =	sshll.u32 s4, $0x1;
	s4 =	sadd.s32 s21, s2  }
0x9d: {  	[timem:s6], [sflag:s22] =	dma.local [hbm:s4], s20  }
0x9e: {  	_ =	swait.ge [sflag:s22], s20  }
0x9f: {  	s3 =	ssub.s32 $0x0, s20;
	[sflag:s22] =	ssyncset.done $0x0  }
0xa0: {  	[sflag:s22] =	ssyncadd.s32 s3;
	_ =	sdelay $0x1  }
0xa1: {  	s23 =	simm.s32 $0x1B8B  }
0xa2: {  	_ =	swait.ge [sflag:s23], $0x1  }
0xa3: {  	[sflag:s23] =	ssyncset.done $0x0  }
0xa4: {  	s25 =	simm.s32 $0x1B8E;
	s24 =	sld [smem:$0x3FFE];
	[sflag:s23] =	ssyncadd.s32 $0xFFFFFFFF  }
0xa5: {  	s26 =	simm.s32 $execute0_lowered;
	[smem:$0x3FD2] =	sst s25  }
0xa6: {  	s4 =	sshll.u32 s26, $0x1;
	_ =	strace $0x8000004F;
	[dreg:$0x1] =	wrdreg $0xFFFFFFFF  }
0xa7: {  	s28 =	simm.s32 $_size_execute0_lowered;
	s2 =	sadd.s32 s2, s4;
	[dreg:$0x0] =	wrdreg $0x0  }
0xa8: {  	s4 =	sshll.u32 s28, $0x1;
	[dreg:$0x2] =	wrdreg s2  }
0xa9: {  	[dreg:$0x3] =	wrdreg s4  }
0xaa: {  	[dreg:$0x4] =	wrdreg $0xC0  }
0xab: {  	_ =	task [dreg:s6], $0x5FFFF  }
0xac: {  	[dreg:$0x1] =	wrdreg $0xFFFFFFFF  }
0xad: {  	[dreg:$0x0] =	wrdreg $0x60  }
0xae: {  	[dreg:$0x2] =	wrdreg s24  }
0xaf: {  	[dreg:$0x3] =	wrdreg $0xA0000  }
0xb0: {  	[dreg:$0x4] =	wrdreg $0xA  }
0xb1: {  	_ =	task.clear_ibuf [dreg:s6], $0x5FFFF;
	_ =	strace $0x9000004F  }
0xb2: {  	s29 =	simm.s32 $0xA;
	_ =	strace $0x80000051  }
0xb3: {  	_ =	swait.ge [sflag:s29], $0x1  }
0xb4: {  	[sflag:s29] =	ssyncadd.s32 $0xFFFFFFFF  }
0xb5: {  	_ =	strace $0x90000051  }
0xb6: {  	_ =	sfence  }
0xb7: {  	s30 =	sld [smem:$0x0];
	_ =	sdelay $0x2  }
0xb8: {  	s31 =	sshll.u32 s1, $0xD;
	s1 =	sshrl.u32 s1, $0x2  }
0xb9: {  	s3 =	sand.u32 $0x4000, s31;
	s1 =	sadd.s32 s1, s30  }
0xba: {  	s0 =	sor.u32 s3, s0;
	s1 =	sshll.u32 s1, $0x11  }
0xbb: {  	s0 =	sor.u32 s1, s0  }
0xbc: {  	s0 =	sadd.s32 $0x8F2B, s0  }
0xbd: {  	[sflag:s0] =	ssyncadd.remote.s32 $0x1  }
0xbe: {  	_ =	sfence.sel $0xFFFF  }
0xbf: {  	[dreg:$0x0] =	wrdreg $0xFFFFFFFF;
	(pc) =	sbr.abs _section_cstart, $3  }
0xc0: {  	[dreg:$0x1] =	wrdreg $0xFFFFFFFF  }
0xc1: {  	_ =	task.clear_ibuf [dreg:s6], $0x2FFFF;
	_ =	strace $0x9FFFFFFF  }
0xc2: {  	(tm) =	ssettm $0x7FFFFFFF  }
0xc3: {  	_ =	shalt  }
tec
execute0_lowered:
.L_overlay_start_1:
0x0: {  	(tag) =	ssettag $0x1  }
0x1: {  	s7 =	rddreg [dreg:$0x0]  }
0x2: {  	s0 =	srdreg.scid;
	s2 =	rddreg [dreg:$0x1]  }
0x3: {  	s1 =	stileid.u32;
	s3 =	simm.s32 $0x0;
	s14 =	simm.s32 $0x80  }
0x4: {  	s15 =	simm.s32 $0x6000;
	s6 =	sand.u32 $0x1, s0;
	s0 =	rddreg [dreg:$0x2]  }
0x5: {  	s16 =	simm.s32 $0x1;
	[smem:$0x7FF] =	sst s3;
	s12 =	smul.u32 $0x50000, s1  }
0x6: {  	s5 =	sadd.s32 $0x97600, s7;
	s18 =	smul.u32 $0x2800, s1;
	s31 =	sshll.u32 s1, $0x6  }
0x7: {  	s4 =	sshll.u32 s6, $0x4;
	_ =	strace $0x80000050;
	s9 =	ssub.s32 $0x2, s6  }
0x8: {  	s10 =	smul.u32 $0x28000, s6;
	p0 =	seq.s32 s6, $0x0;
	s6 =	simm.s32 $0x60  }
0x9: {  	s4 =	sor.u32 s1, s4;
	s11 =	sshrl.u32 s9, $0x1;
	s6 =	simm.s32 @!p0 $0x3D  }
0xa: {  	s30 =	sshrl.u32 s12, $0x2;
	s4 =	smul.u32 $0x600, s4;
	s10 =	sadd.s32 s10, s7  }
0xb: {  	s9 =	ssub.s32 s9, s11;
	s12 =	sadd.s32 s30, s2;
	s11 =	sor.u32 $0x1C02, s31  }
0xc: {  	s17 =	sadd.s32 $0xC0A00, s10;
	s9 =	smax.u32 s9, $0x1;
	s13 =	sadd.s32 $0xA000, s12  }
0xd: {  	s10 =	simm.s32 $0x2;
	s12 =	sshrl.u32 s12, $0x3;
	s8 =	sadd.s32 s4, s7  }
0xe: {  	s4 =	sadd.s32 $0x47600, s7;
	s13 =	sshrl.u32 s13, $0x3;
	s17 =	sadd.s32 s18, s17  }
0xf: {  	s18 =	simm.s32 $0x0;
	s7 =	sadd.s32 $0x12C00, s8;
	s8 =	sadd.s32 $0x6C00, s8  }
.LBB2_1:
0x10: {  	[tilespmem:s3], [sflag:$0x2] =	stream.linear.gather [hbm4b:s7+s3], $0x3000, $0x38;
	[tilespmem:$0x1E000] =	vst v63  }
0x11: {  	_ =	swait.ge [sflag:s10], $0x3000  }
0x12: {  	[sflag:s10] =	ssyncset.done $0x0  }
0x13: {  	s19 =	simm.s32 $0x3000;
	[sflag:s10] =	ssyncadd.s32 $0xFFFFD000  }
0x14: {  	[tilespmem:s19], [sflag:$0x2] =	stream.linear.gather [hbm4b:s8+s3], $0x3000, $0x38;
	[tilespmem:$0x1E000] =	vst v63  }
0x15: {  	_ =	swait.ge [sflag:s10], $0x3000  }
0x16: {  	[sflag:s10] =	ssyncset.done $0x0  }
0x17: {  	[sflag:s10] =	ssyncadd.s32 $0xFFFFD000  }
0x18: {  	[spmem:s12], [sflag:s11] =	dma.local [hbm:s5], $0x1400  }
0x19: {  	_ =	swait.ge [sflag:s10], $0x1400  }
0x1a: {  	[sflag:s10] =	ssyncset.done $0x0  }
0x1b: {  	[sflag:s10] =	ssyncadd.s32 $0xFFFFEC00  }
0x1c: {  	[spmem:s13], [sflag:s11] =	dma.local [hbm:s5], $0x1400  }
0x1d: {  	_ =	swait.ge [sflag:s10], $0x1400  }
0x1e: {  	[sflag:s10] =	ssyncset.done $0x0  }
0x1f: {  	[sflag:s10] =	ssyncadd.s32 $0xFFFFEC00  }
0x20: {  	[bflag:$0x0] =	sbarrier.arrive $0xFFFF  }
0x21: {  	[tilespmem:s15], [sflag:$0x1] =	stream.indirect.gather [hbm4b:s4+s14], $0x80, s3, s14, $0xb8;
	[tilespmem:$0x1E000] =	vst v63  }
0x22: {  	p0 =	sne.s32 s6, $0x1;
	_ =	swait.ge [sflag:s16], $0x4000  }
.Ltmp0:
0x23: {  	[sflag:s16] =	ssyncset.done $0x0;
	(pc) =	sbr.rel @!p0 .LBB2_3-.Ltmp0, $4  }
0x24: {  	[sflag:s16] =	ssyncadd.s32 $0xFFFFC000  }
0x25: {  	[spmem:s2] =	stream.indirect.scatter.add.f32 [tilespmem:s15], [sflag:$0x2], $0x80, s19, s14, $0xb8;
	[tilespmem:$0x1E000] =	vst v63  }
0x26: {  	_ =	swait.ge [sflag:s10], $0x4000  }
0x27: {  	s20 =	sadd.s32 $0xFFFFFFFF, s6;
	s21 =	simm.s32 $0x0;
	[sflag:s10] =	ssyncset.done $0x0  }
.LBB2_2:
0x28: {  	[sflag:s10] =	ssyncadd.s32 $0xFFFFC000;
	s21 =	sadd.s32 $0x80, s21;
	s19 =	sadd.s32 $0x80, s19  }
0x29: {  	[tilespmem:s15], [sflag:$0x1] =	stream.indirect.gather [hbm4b:s4+s14], $0x80, s21, s14, $0xb8;
	[tilespmem:$0x1E000] =	vst v63  }
0x2a: {  	p0 =	sne.s32 s20, $0x1;
	s20 =	sadd.s32 $0xFFFFFFFF, s20;
	_ =	swait.ge [sflag:s16], $0x4000  }
.Ltmp1:
0x2b: {  	[sflag:s16] =	ssyncset.done $0x0;
	(pc) =	sbr.rel @p0 .LBB2_2-.Ltmp1, $4  }
0x2c: {  	[sflag:s16] =	ssyncadd.s32 $0xFFFFC000  }
0x2d: {  	[spmem:s2] =	stream.indirect.scatter.add.f32 [tilespmem:s15], [sflag:$0x2], $0x80, s19, s14, $0xb8;
	[tilespmem:$0x1E000] =	vst v63  }
0x2e: {  	_ =	swait.ge [sflag:s10], $0x4000  }
0x2f: {  	[sflag:s10] =	ssyncset.done $0x0  }
.LBB2_3:
0x30: {  	s18 =	sadd.s32 $0x1, s18  }
0x31: {  	[sflag:s10] =	ssyncadd.s32 $0xFFFFC000;
	p0 =	sne.s32 s18, s9  }
.Ltmp2:
0x32: {  	[bflag:$0x0] =	sbarrier.arrive $0xFFFF;
	(pc) =	sbr.rel @p0 .LBB2_1-.Ltmp2, $4  }
0x33: {  	[hbm:s17], [sflag:s11] =	dma.local [spmem:s12], $0x2800  }
0x34: {  	_ =	swait.ge [sflag:s10], $0x2800  }
0x35: {  	[sflag:s10] =	ssyncset.done $0x0  }
0x36: {  	[sflag:s10] =	ssyncadd.s32 $0xFFFFD800  }
0x37: {  	_ =	sfence.sel $0x180000  }
0x38: {  	[bflag:$0x0] =	sbarrier.arrive $0xFFFF  }
0x39: {  	p0 =	sne.s32 s1, $0x0;
	_ =	strace $0x90000050  }
0x3a: {  	s0 =	sadd.s32 @!p0 $0x100000, s0;
	[bflag:$0x2] =	sbarrier.arrive $0xFFFF  }
0x3b: {  	[sflag:s0] =	ssyncadd.tile.s32 @!p0 $0x1;
	_ =	shalt  }
.Lfunc_end2:
_tile_overlayer_lowered:
.L_overlay_start_2:
0x3c: {  	(tag) =	ssettag $0x2  }
0x3d: {  	s0 =	rddreg [dreg:$0x0];
	s2 =	stileid.u32  }
0x3e: {  	s1 =	rddreg [dreg:$0x1];
	p0 =	sne.s32 s2, $0x0  }
0x3f: {  	s3 =	rddreg [dreg:$0x2];
	[bflag:$0x3] =	sbarrier.arrive $0xFFFF;
	s2 =	simm.s32 @!p0 $0x1C02  }
0x40: {  	[timem:s3], [sflag:s2] =	dma.local @!p0 [hbm:s0], s1  }
0x41: {  	s0 =	simm.s32 @!p0 $0x2  }
0x42: {  	_ =	swait.ge @!p0 [sflag:s0], s1  }
0x43: {  	s1 =	ssub.s32 @!p0 $0x0, s1;
	[sflag:s0] =	ssyncset.done @!p0 $0x0  }
0x44: {  	[sflag:s0] =	ssyncadd.s32 @!p0 s1  }
0x45: {  	[bflag:$0x3] =	sbarrier.arrive $0xFFFF  }
0x46: {  	_ =	shalt  }

</sc_bundles>
